<compile_context>
chip_gen: v7x
topology: tpu7x:2x2x1
jax: 0.10.2.dev20260603
libtpu: 0.0.44.dev20260713+nightly
codegen_flags: <defaults>
</compile_context>

<pallas_src>
import functools

import jax
import jax.numpy as jnp
from jax import lax
from jax.experimental import pallas as pl
from jax.experimental.pallas import tpu as pltpu
from jax.experimental.pallas import tpu_sc as plsc

N = 100000
D = 64
OUT_D = 3 * D + 1
CB = 80
K = 16
NUM_CHUNKS = N // CB
NC = 2
NS = 16
L = 16
NW = NC * NS
CPW = -(-NUM_CHUNKS // NW)
CPW3 = ((CPW + 3) // 3) * 3

_LN2 = 0.6931471805599453
_SQRT2 = 1.4142135623730951


def _log1p_16(x):
    y = jnp.maximum(x, 0.0) + 1.0
    yi = lax.bitcast_convert_type(y, jnp.int32)
    e = lax.shift_right_logical(yi, 23) - 127
    m = lax.bitcast_convert_type(
        (yi & 0x007FFFFF) | 0x3F800000, jnp.float32)
    big = m > _SQRT2
    m = jnp.where(big, m * 0.5, m)
    ef = (e + big.astype(jnp.int32)).astype(jnp.float32)
    s = (m - 1.0) / (m + 1.0)
    z = s * s
    p = 2.0 * s * (1.0 + z * (1.0 / 3.0 + z * (1.0 / 5.0 + z * (1.0 / 7.0 + z * (1.0 / 9.0)))))
    return ef * _LN2 + p


_mesh = plsc.VectorSubcoreMesh(core_axis_name="c", subcore_axis_name="s")


def _scratch_set():
    return [
        pltpu.VMEM((CB,), jnp.int32),
        pltpu.VMEM((CB,), jnp.int32),
        pltpu.VMEM((CB,), jnp.int32),
        pltpu.VMEM((CB,), jnp.float32),
        pltpu.VMEM((CB, D), jnp.float32),
        pltpu.VMEM((CB, 2 * D), jnp.float32),
        pltpu.VMEM((CB, OUT_D), jnp.float32),
        pltpu.SemaphoreType.DMA,
        pltpu.SemaphoreType.DMA,
        pltpu.SemaphoreType.DMA,
    ]


@functools.partial(
    pl.kernel,
    out_type=jax.ShapeDtypeStruct((N, OUT_D), jnp.float32),
    mesh=_mesh,
    scratch_types=_scratch_set() + _scratch_set() + _scratch_set(),
    compiler_params=pltpu.CompilerParams(needs_layout_passes=False),
)
def _embed(op_id_hbm, svc_id_hbm, st_id_hbm, lat_hbm,
           op_tab_hbm, combo_hbm, out_hbm, *bufs):
    sets = (bufs[:10], bufs[10:20], bufs[20:])
    wid = lax.axis_index("s") * NC + lax.axis_index("c")

    def fire_idx(cid, b):
        base = cid * CB
        pltpu.async_copy(op_id_hbm.at[pl.ds(base, CB)], b[0], b[7])
        pltpu.async_copy(svc_id_hbm.at[pl.ds(base, CB)], b[1], b[7])
        pltpu.async_copy(st_id_hbm.at[pl.ds(base, CB)], b[2], b[7])
        pltpu.async_copy(lat_hbm.at[pl.ds(base, CB)], b[3], b[7])

    def wait_idx(b):
        pltpu.make_async_copy(op_id_hbm.at[pl.ds(0, CB)], b[0], b[7]).wait()
        pltpu.make_async_copy(svc_id_hbm.at[pl.ds(0, CB)], b[1], b[7]).wait()
        pltpu.make_async_copy(st_id_hbm.at[pl.ds(0, CB)], b[2], b[7]).wait()
        pltpu.make_async_copy(lat_hbm.at[pl.ds(0, CB)], b[3], b[7]).wait()

    def fire_gathers(b):
        opid, svcid, stid = b[0], b[1], b[2]
        a_v, comb_v, semg = b[4], b[5], b[8]

        @pl.loop(0, CB // L)
        def _cidx(j):
            sl = pl.ds(j * L, L)
            stid[sl] = svcid[sl] * 16 + stid[sl]

        pltpu.async_copy(combo_hbm.at[stid], comb_v, semg)

        @pl.loop(0, CB // K)
        def _oprows(g):
            vec = opid[pl.ds(g * K, K)]
            for j in range(K):
                pltpu.async_copy(
                    op_tab_hbm.at[pl.ds(vec[j], 1)],
                    a_v.at[pl.ds(g * K + j, 1)], semg)

    def wait_gathers(b):
        pltpu.make_async_copy(combo_hbm.at[pl.ds(0, CB)], b[5], b[8]).wait()
        pltpu.make_async_copy(op_tab_hbm.at[pl.ds(0, CB)], b[4], b[8]).wait()

    def wait_out(b):
        pltpu.make_async_copy(b[6], out_hbm.at[pl.ds(0, CB)], b[9]).wait()

    def assemble_fire_out(cid, b):
        latv, a_v, comb_v, rows_v = b[3], b[4], b[5], b[6]

        @pl.loop(0, CB // L)
        def _lat(j):
            sl = pl.ds(j * L, L)
            latv[sl] = _log1p_16(latv[sl])

        @pl.loop(0, CB)
        def _row(r):
            for t in range(D // L):
                rows_v[r, pl.ds(t * L, L)] = a_v[r, pl.ds(t * L, L)]
            for t in range(2 * D // L):
                rows_v[r, pl.ds(D + t * L, L)] = comb_v[r, pl.ds(t * L, L)]

        @pl.loop(0, CB // L)
        def _latcol(j):
            f = latv[pl.ds(j * L, L)]
            ridx = lax.iota(jnp.int32, L) + j * L
            cidx = jnp.full((L,), 3 * D, jnp.int32)
            plsc.store_scatter(rows_v, [ridx, cidx], f)

        pltpu.async_copy(rows_v, out_hbm.at[pl.ds(cid * CB, CB)], b[9])

    def phase(i_expr, cur, nx1, nx2, past_start):
        cid_cur = wid + i_expr * NW
        cid_nx1 = cid_cur + NW
        cid_nx2 = cid_cur + 2 * NW

        @pl.when(cid_nx2 < NUM_CHUNKS)
        def _():
            fire_idx(cid_nx2, nx2)

        @pl.when(cid_nx1 < NUM_CHUNKS)
        def _():
            wait_idx(nx1)
            fire_gathers(nx1)

        @pl.when(cid_cur < NUM_CHUNKS)
        def _():
            wait_gathers(cur)

            @pl.when(past_start)
            def _():
                wait_out(cur)

            assemble_fire_out(cid_cur, cur)

    fire_idx(wid, sets[0])
    fire_idx(wid + NW, sets[1])
    wait_idx(sets[0])
    fire_gathers(sets[0])

    @pl.loop(0, CPW3 // 3)
    def _main(g3):
        i0 = 3 * g3
        phase(i0, sets[0], sets[1], sets[2], g3 >= 1)
        phase(i0 + 1, sets[1], sets[2], sets[0], i0 + 1 >= 3)
        phase(i0 + 2, sets[2], sets[0], sets[1], i0 + 2 >= 3)

    wait_out(sets[0])
    wait_out(sets[1])
    wait_out(sets[2])


def kernel(operation_id, service_id, status_id, latency, op_table, svc_table, status_table):
    combo = jnp.concatenate([
        jnp.broadcast_to(svc_table[:, None, :], (svc_table.shape[0], 16, D)),
        jnp.broadcast_to(status_table[None, :, :], (svc_table.shape[0], 16, D)),
    ], axis=-1).reshape(svc_table.shape[0] * 16, 2 * D)
    op_rm = lax.optimization_barrier(op_table.T).T
    out = _embed(operation_id.astype(jnp.int32), service_id.astype(jnp.int32),
                 status_id.astype(jnp.int32), latency,
                 op_rm, combo)
    return lax.optimization_barrier(out.T).T

# --- scband reference (transcript-rebuilt; emitter-appended) ---
"""Pipeline reference for scband-level-embedding-15393162789540 (READ-ONLY COPY).

The authoritative reference and input builder live on the scoring server;
editing this copy changes nothing except your own understanding.
"""

import jax, jax.numpy as jnp
import numpy as np

OPERATION_CNT = 1000000
SERVICE_CNT = 1000
STATUS_CNT = 16
EMBED = 64
N = 100000

def latency_to_feature(latency):
    # Approximation of the original latency_to_feature: log-compress raw latency
    # into a single normalized feature column (clip=False path).
    return jnp.log1p(jnp.maximum(latency, 0.0))[:, None]

def setup_inputs(seed: int = 0) -> dict:
    key = jax.random.key(seed)
    k1, k2, k3, k4, k5, k6, k7 = jax.random.split(key, 7)
    operation_id = jax.random.randint(k1, (N,), 0, OPERATION_CNT, dtype=jnp.int64)
    service_id = jax.random.randint(k2, (N,), 0, SERVICE_CNT, dtype=jnp.int64)
    status_id = jax.random.randint(k3, (N,), 0, STATUS_CNT, dtype=jnp.int64)
    latency = jax.random.uniform(k4, (N,), dtype=jnp.float32)
    op_table = jax.random.normal(k5, (OPERATION_CNT, EMBED), dtype=jnp.float32)
    svc_table = jax.random.normal(k6, (SERVICE_CNT, EMBED), dtype=jnp.float32)
    status_table = jax.random.normal(k7, (STATUS_CNT, EMBED), dtype=jnp.float32)
    return {"operation_id": operation_id, "service_id": service_id, "status_id": status_id,
            "latency": latency, "op_table": op_table, "svc_table": svc_table,
            "status_table": status_table}

def reference(operation_id, service_id, status_id, latency, op_table, svc_table, status_table):
    operation = jnp.take(op_table, operation_id, axis=0)
    service = jnp.take(svc_table, service_id, axis=0)
    status = jnp.take(status_table, status_id, axis=0)
    lat_feat = latency_to_feature(latency)
    features = jnp.concatenate([operation, service, status, lat_feat], axis=-1)
    return features

if __name__ == "__main__":
    import jax
    _d = setup_inputs()
    print(jax.jit(kernel)(*tuple(_d.values())))

</pallas_src>

<mosaic_0001>
#map = affine_map<(d0, d1) -> (0)>
#map1 = affine_map<(d0, d1) -> (0, 0)>
module attributes {stable_mosaic.version = 14 : i64} {
  func.func @_embed(%arg0: i32, %arg1: i32, %arg2: memref<100000xi32, #tpu.memory_space<hbm>>, %arg3: memref<100000xi32, #tpu.memory_space<hbm>>, %arg4: memref<100000xi32, #tpu.memory_space<hbm>>, %arg5: memref<100000xf32, #tpu.memory_space<hbm>>, %arg6: memref<1000000x64xf32, #tpu.memory_space<hbm>>, %arg7: memref<16000x128xf32, #tpu.memory_space<hbm>>, %arg8: memref<100000x193xf32, #tpu.memory_space<hbm>>, %arg9: memref<80xi32, #tpu.memory_space<vmem>>, %arg10: memref<80xi32, #tpu.memory_space<vmem>>, %arg11: memref<80xi32, #tpu.memory_space<vmem>>, %arg12: memref<80xf32, #tpu.memory_space<vmem>>, %arg13: memref<80x64xf32, #tpu.memory_space<vmem>>, %arg14: memref<80x128xf32, #tpu.memory_space<vmem>>, %arg15: memref<80x193xf32, #tpu.memory_space<vmem>>, %arg16: memref<!tpu.dma_semaphore, #tpu.memory_space<semaphore_mem>>, %arg17: memref<!tpu.dma_semaphore, #tpu.memory_space<semaphore_mem>>, %arg18: memref<!tpu.dma_semaphore, #tpu.memory_space<semaphore_mem>>, %arg19: memref<80xi32, #tpu.memory_space<vmem>>, %arg20: memref<80xi32, #tpu.memory_space<vmem>>, %arg21: memref<80xi32, #tpu.memory_space<vmem>>, %arg22: memref<80xf32, #tpu.memory_space<vmem>>, %arg23: memref<80x64xf32, #tpu.memory_space<vmem>>, %arg24: memref<80x128xf32, #tpu.memory_space<vmem>>, %arg25: memref<80x193xf32, #tpu.memory_space<vmem>>, %arg26: memref<!tpu.dma_semaphore, #tpu.memory_space<semaphore_mem>>, %arg27: memref<!tpu.dma_semaphore, #tpu.memory_space<semaphore_mem>>, %arg28: memref<!tpu.dma_semaphore, #tpu.memory_space<semaphore_mem>>, %arg29: memref<80xi32, #tpu.memory_space<vmem>>, %arg30: memref<80xi32, #tpu.memory_space<vmem>>, %arg31: memref<80xi32, #tpu.memory_space<vmem>>, %arg32: memref<80xf32, #tpu.memory_space<vmem>>, %arg33: memref<80x64xf32, #tpu.memory_space<vmem>>, %arg34: memref<80x128xf32, #tpu.memory_space<vmem>>, %arg35: memref<80x193xf32, #tpu.memory_space<vmem>>, %arg36: memref<!tpu.dma_semaphore, #tpu.memory_space<semaphore_mem>>, %arg37: memref<!tpu.dma_semaphore, #tpu.memory_space<semaphore_mem>>, %arg38: memref<!tpu.dma_semaphore, #tpu.memory_space<semaphore_mem>>) attributes {dimension_semantics = [#tpu.dimension_semantics<core_parallel>, #tpu.dimension_semantics<subcore_parallel>], iteration_bounds = array<i64: 2, 16>, scalar_prefetch = 0 : i64, scratch_operands = 30 : i64, tpu.core_type = #tpu.core_type<sc_vector_subcore>, window_params = [{transform_indices = #map}, {transform_indices = #map}, {transform_indices = #map}, {transform_indices = #map}, {transform_indices = #map1}, {transform_indices = #map1}, {transform_indices = #map1}]} {
    %mul3A = arith.constant 2 : i32
    %mul3A_0 = arith.muli %arg1, %mul3A : i32
    %add3A = arith.addi %mul3A_0, %arg0 : i32
    %mul3A_1 = arith.constant 80 : i32
    %mul3A_2 = arith.muli %add3A, %mul3A_1 : i32
    %dma_start3A = tpu.memref_slice %arg2[%mul3A_2] : memref<100000xi32, #tpu.memory_space<hbm>> -> memref<80xi32, #tpu.memory_space<hbm>>
    %dma_start3A_3 = tpu.memref_slice %arg2[%mul3A_2] : memref<100000xi32, #tpu.memory_space<hbm>> -> memref<80xi32, #tpu.memory_space<hbm>>
    tpu.enqueue_dma source(%dma_start3A_3 : memref<80xi32, #tpu.memory_space<hbm>>) target(%arg9 : memref<80xi32, #tpu.memory_space<vmem>>) target_semaphore(%arg16 : memref<!tpu.dma_semaphore, #tpu.memory_space<semaphore_mem>>)
    %dma_start3A_4 = tpu.memref_slice %arg3[%mul3A_2] : memref<100000xi32, #tpu.memory_space<hbm>> -> memref<80xi32, #tpu.memory_space<hbm>>
    %dma_start3A_5 = tpu.memref_slice %arg3[%mul3A_2] : memref<100000xi32, #tpu.memory_space<hbm>> -> memref<80xi32, #tpu.memory_space<hbm>>
    tpu.enqueue_dma source(%dma_start3A_5 : memref<80xi32, #tpu.memory_space<hbm>>) target(%arg10 : memref<80xi32, #tpu.memory_space<vmem>>) target_semaphore(%arg16 : memref<!tpu.dma_semaphore, #tpu.memory_space<semaphore_mem>>)
    %dma_start3A_6 = tpu.memref_slice %arg4[%mul3A_2] : memref<100000xi32, #tpu.memory_space<hbm>> -> memref<80xi32, #tpu.memory_space<hbm>>
    %dma_start3A_7 = tpu.memref_slice %arg4[%mul3A_2] : memref<100000xi32, #tpu.memory_space<hbm>> -> memref<80xi32, #tpu.memory_space<hbm>>
    tpu.enqueue_dma source(%dma_start3A_7 : memref<80xi32, #tpu.memory_space<hbm>>) target(%arg11 : memref<80xi32, #tpu.memory_space<vmem>>) target_semaphore(%arg16 : memref<!tpu.dma_semaphore, #tpu.memory_space<semaphore_mem>>)
    %dma_start3A_8 = tpu.memref_slice %arg5[%mul3A_2] : memref<100000xf32, #tpu.memory_space<hbm>> -> memref<80xf32, #tpu.memory_space<hbm>>
    %dma_start3A_9 = tpu.memref_slice %arg5[%mul3A_2] : memref<100000xf32, #tpu.memory_space<hbm>> -> memref<80xf32, #tpu.memory_space<hbm>>
    tpu.enqueue_dma source(%dma_start3A_9 : memref<80xf32, #tpu.memory_space<hbm>>) target(%arg12 : memref<80xf32, #tpu.memory_space<vmem>>) target_semaphore(%arg16 : memref<!tpu.dma_semaphore, #tpu.memory_space<semaphore_mem>>)
    %add3A_10 = arith.constant 32 : i32
    %add3A_11 = arith.addi %add3A, %add3A_10 : i32
    %mul3A_12 = arith.constant 80 : i32
    %mul3A_13 = arith.muli %add3A_11, %mul3A_12 : i32
    %dma_start3A_14 = tpu.memref_slice %arg2[%mul3A_13] : memref<100000xi32, #tpu.memory_space<hbm>> -> memref<80xi32, #tpu.memory_space<hbm>>
    %dma_start3A_15 = tpu.memref_slice %arg2[%mul3A_13] : memref<100000xi32, #tpu.memory_space<hbm>> -> memref<80xi32, #tpu.memory_space<hbm>>
    tpu.enqueue_dma source(%dma_start3A_15 : memref<80xi32, #tpu.memory_space<hbm>>) target(%arg19 : memref<80xi32, #tpu.memory_space<vmem>>) target_semaphore(%arg26 : memref<!tpu.dma_semaphore, #tpu.memory_space<semaphore_mem>>)
    %dma_start3A_16 = tpu.memref_slice %arg3[%mul3A_13] : memref<100000xi32, #tpu.memory_space<hbm>> -> memref<80xi32, #tpu.memory_space<hbm>>
    %dma_start3A_17 = tpu.memref_slice %arg3[%mul3A_13] : memref<100000xi32, #tpu.memory_space<hbm>> -> memref<80xi32, #tpu.memory_space<hbm>>
    tpu.enqueue_dma source(%dma_start3A_17 : memref<80xi32, #tpu.memory_space<hbm>>) target(%arg20 : memref<80xi32, #tpu.memory_space<vmem>>) target_semaphore(%arg26 : memref<!tpu.dma_semaphore, #tpu.memory_space<semaphore_mem>>)
    %dma_start3A_18 = tpu.memref_slice %arg4[%mul3A_13] : memref<100000xi32, #tpu.memory_space<hbm>> -> memref<80xi32, #tpu.memory_space<hbm>>
    %dma_start3A_19 = tpu.memref_slice %arg4[%mul3A_13] : memref<100000xi32, #tpu.memory_space<hbm>> -> memref<80xi32, #tpu.memory_space<hbm>>
    tpu.enqueue_dma source(%dma_start3A_19 : memref<80xi32, #tpu.memory_space<hbm>>) target(%arg21 : memref<80xi32, #tpu.memory_space<vmem>>) target_semaphore(%arg26 : memref<!tpu.dma_semaphore, #tpu.memory_space<semaphore_mem>>)
    %dma_start3A_20 = tpu.memref_slice %arg5[%mul3A_13] : memref<100000xf32, #tpu.memory_space<hbm>> -> memref<80xf32, #tpu.memory_space<hbm>>
    %dma_start3A_21 = tpu.memref_slice %arg5[%mul3A_13] : memref<100000xf32, #tpu.memory_space<hbm>> -> memref<80xf32, #tpu.memory_space<hbm>>
    tpu.enqueue_dma source(%dma_start3A_21 : memref<80xf32, #tpu.memory_space<hbm>>) target(%arg22 : memref<80xf32, #tpu.memory_space<vmem>>) target_semaphore(%arg26 : memref<!tpu.dma_semaphore, #tpu.memory_space<semaphore_mem>>)
    %dma_wait3A = arith.constant 0 : i32
    %dma_wait3A_22 = tpu.memref_slice %arg2[%dma_wait3A] : memref<100000xi32, #tpu.memory_space<hbm>> -> memref<80xi32, #tpu.memory_space<hbm>>
    %dma_wait3A_23 = arith.constant 0 : i32
    %dma_wait3A_24 = tpu.memref_slice %arg2[%dma_wait3A_23] : memref<100000xi32, #tpu.memory_space<hbm>> -> memref<80xi32, #tpu.memory_space<hbm>>
    tpu.wait_dma2 semaphore(%arg16 : memref<!tpu.dma_semaphore, #tpu.memory_space<semaphore_mem>>) src(%dma_wait3A_24 : memref<80xi32, #tpu.memory_space<hbm>>) dst(%arg9 : memref<80xi32, #tpu.memory_space<vmem>>)
    %dma_wait3A_25 = arith.constant 0 : i32
    %dma_wait3A_26 = tpu.memref_slice %arg3[%dma_wait3A_25] : memref<100000xi32, #tpu.memory_space<hbm>> -> memref<80xi32, #tpu.memory_space<hbm>>
    %dma_wait3A_27 = arith.constant 0 : i32
    %dma_wait3A_28 = tpu.memref_slice %arg3[%dma_wait3A_27] : memref<100000xi32, #tpu.memory_space<hbm>> -> memref<80xi32, #tpu.memory_space<hbm>>
    tpu.wait_dma2 semaphore(%arg16 : memref<!tpu.dma_semaphore, #tpu.memory_space<semaphore_mem>>) src(%dma_wait3A_28 : memref<80xi32, #tpu.memory_space<hbm>>) dst(%arg10 : memref<80xi32, #tpu.memory_space<vmem>>)
    %dma_wait3A_29 = arith.constant 0 : i32
    %dma_wait3A_30 = tpu.memref_slice %arg4[%dma_wait3A_29] : memref<100000xi32, #tpu.memory_space<hbm>> -> memref<80xi32, #tpu.memory_space<hbm>>
    %dma_wait3A_31 = arith.constant 0 : i32
    %dma_wait3A_32 = tpu.memref_slice %arg4[%dma_wait3A_31] : memref<100000xi32, #tpu.memory_space<hbm>> -> memref<80xi32, #tpu.memory_space<hbm>>
    tpu.wait_dma2 semaphore(%arg16 : memref<!tpu.dma_semaphore, #tpu.memory_space<semaphore_mem>>) src(%dma_wait3A_32 : memref<80xi32, #tpu.memory_space<hbm>>) dst(%arg11 : memref<80xi32, #tpu.memory_space<vmem>>)
    %dma_wait3A_33 = arith.constant 0 : i32
    %dma_wait3A_34 = tpu.memref_slice %arg5[%dma_wait3A_33] : memref<100000xf32, #tpu.memory_space<hbm>> -> memref<80xf32, #tpu.memory_space<hbm>>
    %dma_wait3A_35 = arith.constant 0 : i32
    %dma_wait3A_36 = tpu.memref_slice %arg5[%dma_wait3A_35] : memref<100000xf32, #tpu.memory_space<hbm>> -> memref<80xf32, #tpu.memory_space<hbm>>
    tpu.wait_dma2 semaphore(%arg16 : memref<!tpu.dma_semaphore, #tpu.memory_space<semaphore_mem>>) src(%dma_wait3A_36 : memref<80xf32, #tpu.memory_space<hbm>>) dst(%arg12 : memref<80xf32, #tpu.memory_space<vmem>>)
    %scan3A = arith.constant 0 : i32
    %scan3A_37 = arith.constant 5 : i32
    %scan3A_38 = arith.addi %scan3A, %scan3A_37 : i32
    %scan3A_39 = arith.constant 1 : i32
    scf.for %scan3A_72 = %scan3A to %scan3A_38 step %scan3A_39  : i32 {
      %mul3A_73 = arith.constant 1 : i32
      %mul3A_74 = arith.muli %scan3A_72, %mul3A_73 : i32
      %add3A_75 = arith.constant 0 : i32
      %add3A_76 = arith.addi %add3A_75, %mul3A_74 : i32
      %mul3A_77 = arith.constant 16 : i32
      %mul3A_78 = arith.muli %add3A_76, %mul3A_77 : i32
      %get3A = arith.index_cast %mul3A_78 : i32 to index
      %get3A_79 = tpu.vector_load %arg10[%get3A] {strides = array<i32>} : memref<80xi32, #tpu.memory_space<vmem>>, vector<16xi32>,
      %mul3A_80 = arith.constant 16 : i32
      %mul3A_81 = vector.broadcast %mul3A_80 : i32 to vector<16xi32>
      %mul3A_82 = arith.muli %get3A_79, %mul3A_81 : vector<16xi32>
      %get3A_83 = arith.index_cast %mul3A_78 : i32 to index
      %get3A_84 = tpu.vector_load %arg11[%get3A_83] {strides = array<i32>} : memref<80xi32, #tpu.memory_space<vmem>>, vector<16xi32>,
      %add3A_85 = arith.addi %mul3A_82, %get3A_84 : vector<16xi32>
      %swap3A = arith.index_cast %mul3A_78 : i32 to index
      %swap3A_86 = tpu.vector_load %arg11[%swap3A] {strides = array<i32>} : memref<80xi32, #tpu.memory_space<vmem>>, vector<16xi32>,
      tpu.vector_store %arg11[%swap3A], %add3A_85 {strides = array<i32>} : memref<80xi32, #tpu.memory_space<vmem>>, vector<16xi32>,
    }
    %scan3A_40 = arith.constant 5 : i32
    %dma_start3A_41 = arith.constant 0 : i32
    %dma_start3A_42 = arith.constant 0 : i32
    %dma_start3A_43 = tpu.memref_slice %arg7[%dma_start3A_41, %dma_start3A_42] : memref<16000x128xf32, #tpu.memory_space<hbm>> -> memref<16000x128xf32, #tpu.memory_space<hbm>>
    tpu.enqueue_indirect_dma source(%dma_start3A_43 : memref<16000x128xf32, #tpu.memory_space<hbm>>) target(%arg14 : memref<80x128xf32, #tpu.memory_space<vmem>>) offsets(%arg11 : memref<80xi32, #tpu.memory_space<vmem>>) semaphore(%arg17 : memref<!tpu.dma_semaphore, #tpu.memory_space<semaphore_mem>>)
    %scan3A_44 = arith.constant 0 : i32
    %scan3A_45 = arith.constant 5 : i32
    %scan3A_46 = arith.addi %scan3A_44, %scan3A_45 : i32
    %scan3A_47 = arith.constant 1 : i32
    scf.for %scan3A_72 = %scan3A_44 to %scan3A_46 step %scan3A_47  : i32 {
      %mul3A_73 = arith.constant 1 : i32
      %mul3A_74 = arith.muli %scan3A_72, %mul3A_73 : i32
      %add3A_75 = arith.constant 0 : i32
      %add3A_76 = arith.addi %add3A_75, %mul3A_74 : i32
      %mul3A_77 = arith.constant 16 : i32
      %mul3A_78 = arith.muli %add3A_76, %mul3A_77 : i32
      %get3A = arith.index_cast %mul3A_78 : i32 to index
      %get3A_79 = tpu.vector_load %arg9[%get3A] {strides = array<i32>} : memref<80xi32, #tpu.memory_space<vmem>>, vector<16xi32>,
      %slice3A = vector.extract_strided_slice %get3A_79 {offsets = [0], sizes = [1], strides = [1]} : vector<16xi32> to vector<1xi32>
      %squeeze3A = vector.extract %slice3A[0] : i32 from vector<1xi32>
      %mul3A_80 = arith.constant 16 : i32
      %mul3A_81 = arith.muli %add3A_76, %mul3A_80 : i32
      %add3A_82 = arith.constant 0 : i32
      %add3A_83 = arith.addi %mul3A_81, %add3A_82 : i32
      %dma_start3A_84 = arith.constant 0 : i32
      %dma_start3A_85 = tpu.memref_slice %arg13[%add3A_83, %dma_start3A_84] : memref<80x64xf32, #tpu.memory_space<vmem>> -> memref<1x64xf32, #tpu.memory_space<vmem>>
      %dma_start3A_86 = arith.constant 0 : i32
      %dma_start3A_87 = tpu.memref_slice %arg6[%squeeze3A, %dma_start3A_86] : memref<1000000x64xf32, #tpu.memory_space<hbm>> -> memref<1x64xf32, #tpu.memory_space<hbm>>
      %dma_start3A_88 = arith.constant 0 : i32
      %dma_start3A_89 = tpu.memref_slice %arg13[%add3A_83, %dma_start3A_88] : memref<80x64xf32, #tpu.memory_space<vmem>> -> memref<1x64xf32, #tpu.memory_space<vmem>>
      %dma_start3A_90 = arith.constant 0 : i32
      %dma_start3A_91 = tpu.memref_slice %arg6[%squeeze3A, %dma_start3A_90] : memref<1000000x64xf32, #tpu.memory_space<hbm>> -> memref<1x64xf32, #tpu.memory_space<hbm>>
      tpu.enqueue_dma source(%dma_start3A_91 : memref<1x64xf32, #tpu.memory_space<hbm>>) target(%dma_start3A_89 : memref<1x64xf32, #tpu.memory_space<vmem>>) target_semaphore(%arg17 : memref<!tpu.dma_semaphore, #tpu.memory_space<semaphore_mem>>)
      %slice3A_92 = vector.extract_strided_slice %get3A_79 {offsets = [1], sizes = [1], strides = [1]} : vector<16xi32> to vector<1xi32>
      %squeeze3A_93 = vector.extract %slice3A_92[0] : i32 from vector<1xi32>
      %mul3A_94 = arith.constant 16 : i32
      %mul3A_95 = arith.muli %add3A_76, %mul3A_94 : i32
      %add3A_96 = arith.constant 1 : i32
      %add3A_97 = arith.addi %mul3A_95, %add3A_96 : i32
      %dma_start3A_98 = arith.constant 0 : i32
      %dma_start3A_99 = tpu.memref_slice %arg13[%add3A_97, %dma_start3A_98] : memref<80x64xf32, #tpu.memory_space<vmem>> -> memref<1x64xf32, #tpu.memory_space<vmem>>
      %dma_start3A_100 = arith.constant 0 : i32
      %dma_start3A_101 = tpu.memref_slice %arg6[%squeeze3A_93, %dma_start3A_100] : memref<1000000x64xf32, #tpu.memory_space<hbm>> -> memref<1x64xf32, #tpu.memory_space<hbm>>
      %dma_start3A_102 = arith.constant 0 : i32
      %dma_start3A_103 = tpu.memref_slice %arg13[%add3A_97, %dma_start3A_102] : memref<80x64xf32, #tpu.memory_space<vmem>> -> memref<1x64xf32, #tpu.memory_space<vmem>>
      %dma_start3A_104 = arith.constant 0 : i32
      %dma_start3A_105 = tpu.memref_slice %arg6[%squeeze3A_93, %dma_start3A_104] : memref<1000000x64xf32, #tpu.memory_space<hbm>> -> memref<1x64xf32, #tpu.memory_space<hbm>>
      tpu.enqueue_dma source(%dma_start3A_105 : memref<1x64xf32, #tpu.memory_space<hbm>>) target(%dma_start3A_103 : memref<1x64xf32, #tpu.memory_space<vmem>>) target_semaphore(%arg17 : memref<!tpu.dma_semaphore, #tpu.memory_space<semaphore_mem>>)
      %slice3A_106 = vector.extract_strided_slice %get3A_79 {offsets = [2], sizes = [1], strides = [1]} : vector<16xi32> to vector<1xi32>
      %squeeze3A_107 = vector.extract %slice3A_106[0] : i32 from vector<1xi32>
      %mul3A_108 = arith.constant 16 : i32
      %mul3A_109 = arith.muli %add3A_76, %mul3A_108 : i32
      %add3A_110 = arith.constant 2 : i32
      %add3A_111 = arith.addi %mul3A_109, %add3A_110 : i32
      %dma_start3A_112 = arith.constant 0 : i32
      %dma_start3A_113 = tpu.memref_slice %arg13[%add3A_111, %dma_start3A_112] : memref<80x64xf32, #tpu.memory_space<vmem>> -> memref<1x64xf32, #tpu.memory_space<vmem>>
      %dma_start3A_114 = arith.constant 0 : i32
      %dma_start3A_115 = tpu.memref_slice %arg6[%squeeze3A_107, %dma_start3A_114] : memref<1000000x64xf32, #tpu.memory_space<hbm>> -> memref<1x64xf32, #tpu.memory_space<hbm>>
      %dma_start3A_116 = arith.constant 0 : i32
      %dma_start3A_117 = tpu.memref_slice %arg13[%add3A_111, %dma_start3A_116] : memref<80x64xf32, #tpu.memory_space<vmem>> -> memref<1x64xf32, #tpu.memory_space<vmem>>
      %dma_start3A_118 = arith.constant 0 : i32
      %dma_start3A_119 = tpu.memref_slice %arg6[%squeeze3A_107, %dma_start3A_118] : memref<1000000x64xf32, #tpu.memory_space<hbm>> -> memref<1x64xf32, #tpu.memory_space<hbm>>
      tpu.enqueue_dma source(%dma_start3A_119 : memref<1x64xf32, #tpu.memory_space<hbm>>) target(%dma_start3A_117 : memref<1x64xf32, #tpu.memory_space<vmem>>) target_semaphore(%arg17 : memref<!tpu.dma_semaphore, #tpu.memory_space<semaphore_mem>>)
      %slice3A_120 = vector.extract_strided_slice %get3A_79 {offsets = [3], sizes = [1], strides = [1]} : vector<16xi32> to vector<1xi32>
      %squeeze3A_121 = vector.extract %slice3A_120[0] : i32 from vector<1xi32>
      %mul3A_122 = arith.constant 16 : i32
      %mul3A_123 = arith.muli %add3A_76, %mul3A_122 : i32
      %add3A_124 = arith.constant 3 : i32
      %add3A_125 = arith.addi %mul3A_123, %add3A_124 : i32
      %dma_start3A_126 = arith.constant 0 : i32
      %dma_start3A_127 = tpu.memref_slice %arg13[%add3A_125, %dma_start3A_126] : memref<80x64xf32, #tpu.memory_space<vmem>> -> memref<1x64xf32, #tpu.memory_space<vmem>>
      %dma_start3A_128 = arith.constant 0 : i32
      %dma_start3A_129 = tpu.memref_slice %arg6[%squeeze3A_121, %dma_start3A_128] : memref<1000000x64xf32, #tpu.memory_space<hbm>> -> memref<1x64xf32, #tpu.memory_space<hbm>>
      %dma_start3A_130 = arith.constant 0 : i32
      %dma_start3A_131 = tpu.memref_slice %arg13[%add3A_125, %dma_start3A_130] : memref<80x64xf32, #tpu.memory_space<vmem>> -> memref<1x64xf32, #tpu.memory_space<vmem>>
      %dma_start3A_132 = arith.constant 0 : i32
      %dma_start3A_133 = tpu.memref_slice %arg6[%squeeze3A_121, %dma_start3A_132] : memref<1000000x64xf32, #tpu.memory_space<hbm>> -> memref<1x64xf32, #tpu.memory_space<hbm>>
      tpu.enqueue_dma source(%dma_start3A_133 : memref<1x64xf32, #tpu.memory_space<hbm>>) target(%dma_start3A_131 : memref<1x64xf32, #tpu.memory_space<vmem>>) target_semaphore(%arg17 : memref<!tpu.dma_semaphore, #tpu.memory_space<semaphore_mem>>)
      %slice3A_134 = vector.extract_strided_slice %get3A_79 {offsets = [4], sizes = [1], strides = [1]} : vector<16xi32> to vector<1xi32>
      %squeeze3A_135 = vector.extract %slice3A_134[0] : i32 from vector<1xi32>
      %mul3A_136 = arith.constant 16 : i32
      %mul3A_137 = arith.muli %add3A_76, %mul3A_136 : i32
      %add3A_138 = arith.constant 4 : i32
      %add3A_139 = arith.addi %mul3A_137, %add3A_138 : i32
      %dma_start3A_140 = arith.constant 0 : i32
      %dma_start3A_141 = tpu.memref_slice %arg13[%add3A_139, %dma_start3A_140] : memref<80x64xf32, #tpu.memory_space<vmem>> -> memref<1x64xf32, #tpu.memory_space<vmem>>
      %dma_start3A_142 = arith.constant 0 : i32
      %dma_start3A_143 = tpu.memref_slice %arg6[%squeeze3A_135, %dma_start3A_142] : memref<1000000x64xf32, #tpu.memory_space<hbm>> -> memref<1x64xf32, #tpu.memory_space<hbm>>
      %dma_start3A_144 = arith.constant 0 : i32
      %dma_start3A_145 = tpu.memref_slice %arg13[%add3A_139, %dma_start3A_144] : memref<80x64xf32, #tpu.memory_space<vmem>> -> memref<1x64xf32, #tpu.memory_space<vmem>>
      %dma_start3A_146 = arith.constant 0 : i32
      %dma_start3A_147 = tpu.memref_slice %arg6[%squeeze3A_135, %dma_start3A_146] : memref<1000000x64xf32, #tpu.memory_space<hbm>> -> memref<1x64xf32, #tpu.memory_space<hbm>>
      tpu.enqueue_dma source(%dma_start3A_147 : memref<1x64xf32, #tpu.memory_space<hbm>>) target(%dma_start3A_145 : memref<1x64xf32, #tpu.memory_space<vmem>>) target_semaphore(%arg17 : memref<!tpu.dma_semaphore, #tpu.memory_space<semaphore_mem>>)
      %slice3A_148 = vector.extract_strided_slice %get3A_79 {offsets = [5], sizes = [1], strides = [1]} : vector<16xi32> to vector<1xi32>
      %squeeze3A_149 = vector.extract %slice3A_148[0] : i32 from vector<1xi32>
      %mul3A_150 = arith.constant 16 : i32
      %mul3A_151 = arith.muli %add3A_76, %mul3A_150 : i32
      %add3A_152 = arith.constant 5 : i32
      %add3A_153 = arith.addi %mul3A_151, %add3A_152 : i32
      %dma_start3A_154 = arith.constant 0 : i32
      %dma_start3A_155 = tpu.memref_slice %arg13[%add3A_153, %dma_start3A_154] : memref<80x64xf32, #tpu.memory_space<vmem>> -> memref<1x64xf32, #tpu.memory_space<vmem>>
      %dma_start3A_156 = arith.constant 0 : i32
      %dma_start3A_157 = tpu.memref_slice %arg6[%squeeze3A_149, %dma_start3A_156] : memref<1000000x64xf32, #tpu.memory_space<hbm>> -> memref<1x64xf32, #tpu.memory_space<hbm>>
      %dma_start3A_158 = arith.constant 0 : i32
      %dma_start3A_159 = tpu.memref_slice %arg13[%add3A_153, %dma_start3A_158] : memref<80x64xf32, #tpu.memory_space<vmem>> -> memref<1x64xf32, #tpu.memory_space<vmem>>
      %dma_start3A_160 = arith.constant 0 : i32
      %dma_start3A_161 = tpu.memref_slice %arg6[%squeeze3A_149, %dma_start3A_160] : memref<1000000x64xf32, #tpu.memory_space<hbm>> -> memref<1x64xf32, #tpu.memory_space<hbm>>
      tpu.enqueue_dma source(%dma_start3A_161 : memref<1x64xf32, #tpu.memory_space<hbm>>) target(%dma_start3A_159 : memref<1x64xf32, #tpu.memory_space<vmem>>) target_semaphore(%arg17 : memref<!tpu.dma_semaphore, #tpu.memory_space<semaphore_mem>>)
      %slice3A_162 = vector.extract_strided_slice %get3A_79 {offsets = [6], sizes = [1], strides = [1]} : vector<16xi32> to vector<1xi32>
      %squeeze3A_163 = vector.extract %slice3A_162[0] : i32 from vector<1xi32>
      %mul3A_164 = arith.constant 16 : i32
      %mul3A_165 = arith.muli %add3A_76, %mul3A_164 : i32
      %add3A_166 = arith.constant 6 : i32
      %add3A_167 = arith.addi %mul3A_165, %add3A_166 : i32
      %dma_start3A_168 = arith.constant 0 : i32
      %dma_start3A_169 = tpu.memref_slice %arg13[%add3A_167, %dma_start3A_168] : memref<80x64xf32, #tpu.memory_space<vmem>> -> memref<1x64xf32, #tpu.memory_space<vmem>>
      %dma_start3A_170 = arith.constant 0 : i32
      %dma_start3A_171 = tpu.memref_slice %arg6[%squeeze3A_163, %dma_start3A_170] : memref<1000000x64xf32, #tpu.memory_space<hbm>> -> memref<1x64xf32, #tpu.memory_space<hbm>>
      %dma_start3A_172 = arith.constant 0 : i32
      %dma_start3A_173 = tpu.memref_slice %arg13[%add3A_167, %dma_start3A_172] : memref<80x64xf32, #tpu.memory_space<vmem>> -> memref<1x64xf32, #tpu.memory_space<vmem>>
      %dma_start3A_174 = arith.constant 0 : i32
      %dma_start3A_175 = tpu.memref_slice %arg6[%squeeze3A_163, %dma_start3A_174] : memref<1000000x64xf32, #tpu.memory_space<hbm>> -> memref<1x64xf32, #tpu.memory_space<hbm>>
      tpu.enqueue_dma source(%dma_start3A_175 : memref<1x64xf32, #tpu.memory_space<hbm>>) target(%dma_start3A_173 : memref<1x64xf32, #tpu.memory_space<vmem>>) target_semaphore(%arg17 : memref<!tpu.dma_semaphore, #tpu.memory_space<semaphore_mem>>)
      %slice3A_176 = vector.extract_strided_slice %get3A_79 {offsets = [7], sizes = [1], strides = [1]} : vector<16xi32> to vector<1xi32>
      %squeeze3A_177 = vector.extract %slice3A_176[0] : i32 from vector<1xi32>
      %mul3A_178 = arith.constant 16 : i32
      %mul3A_179 = arith.muli %add3A_76, %mul3A_178 : i32
      %add3A_180 = arith.constant 7 : i32
      %add3A_181 = arith.addi %mul3A_179, %add3A_180 : i32
      %dma_start3A_182 = arith.constant 0 : i32
      %dma_start3A_183 = tpu.memref_slice %arg13[%add3A_181, %dma_start3A_182] : memref<80x64xf32, #tpu.memory_space<vmem>> -> memref<1x64xf32, #tpu.memory_space<vmem>>
      %dma_start3A_184 = arith.constant 0 : i32
      %dma_start3A_185 = tpu.memref_slice %arg6[%squeeze3A_177, %dma_start3A_184] : memref<1000000x64xf32, #tpu.memory_space<hbm>> -> memref<1x64xf32, #tpu.memory_space<hbm>>
      %dma_start3A_186 = arith.constant 0 : i32
      %dma_start3A_187 = tpu.memref_slice %arg13[%add3A_181, %dma_start3A_186] : memref<80x64xf32, #tpu.memory_space<vmem>> -> memref<1x64xf32, #tpu.memory_space<vmem>>
      %dma_start3A_188 = arith.constant 0 : i32
      %dma_start3A_189 = tpu.memref_slice %arg6[%squeeze3A_177, %dma_start3A_188] : memref<1000000x64xf32, #tpu.memory_space<hbm>> -> memref<1x64xf32, #tpu.memory_space<hbm>>
      tpu.enqueue_dma source(%dma_start3A_189 : memref<1x64xf32, #tpu.memory_space<hbm>>) target(%dma_start3A_187 : memref<1x64xf32, #tpu.memory_space<vmem>>) target_semaphore(%arg17 : memref<!tpu.dma_semaphore, #tpu.memory_space<semaphore_mem>>)
      %slice3A_190 = vector.extract_strided_slice %get3A_79 {offsets = [8], sizes = [1], strides = [1]} : vector<16xi32> to vector<1xi32>
      %squeeze3A_191 = vector.extract %slice3A_190[0] : i32 from vector<1xi32>
      %mul3A_192 = arith.constant 16 : i32
      %mul3A_193 = arith.muli %add3A_76, %mul3A_192 : i32
      %add3A_194 = arith.constant 8 : i32
      %add3A_195 = arith.addi %mul3A_193, %add3A_194 : i32
      %dma_start3A_196 = arith.constant 0 : i32
      %dma_start3A_197 = tpu.memref_slice %arg13[%add3A_195, %dma_start3A_196] : memref<80x64xf32, #tpu.memory_space<vmem>> -> memref<1x64xf32, #tpu.memory_space<vmem>>
      %dma_start3A_198 = arith.constant 0 : i32
      %dma_start3A_199 = tpu.memref_slice %arg6[%squeeze3A_191, %dma_start3A_198] : memref<1000000x64xf32, #tpu.memory_space<hbm>> -> memref<1x64xf32, #tpu.memory_space<hbm>>
      %dma_start3A_200 = arith.constant 0 : i32
      %dma_start3A_201 = tpu.memref_slice %arg13[%add3A_195, %dma_start3A_200] : memref<80x64xf32, #tpu.memory_space<vmem>> -> memref<1x64xf32, #tpu.memory_space<vmem>>
      %dma_start3A_202 = arith.constant 0 : i32
      %dma_start3A_203 = tpu.memref_slice %arg6[%squeeze3A_191, %dma_start3A_202] : memref<1000000x64xf32, #tpu.memory_space<hbm>> -> memref<1x64xf32, #tpu.memory_space<hbm>>
      tpu.enqueue_dma source(%dma_start3A_203 : memref<1x64xf32, #tpu.memory_space<hbm>>) target(%dma_start3A_201 : memref<1x64xf32, #tpu.memory_space<vmem>>) target_semaphore(%arg17 : memref<!tpu.dma_semaphore, #tpu.memory_space<semaphore_mem>>)
      %slice3A_204 = vector.extract_strided_slice %get3A_79 {offsets = [9], sizes = [1], strides = [1]} : vector<16xi32> to vector<1xi32>
      %squeeze3A_205 = vector.extract %slice3A_204[0] : i32 from vector<1xi32>
      %mul3A_206 = arith.constant 16 : i32
      %mul3A_207 = arith.muli %add3A_76, %mul3A_206 : i32
      %add3A_208 = arith.constant 9 : i32
      %add3A_209 = arith.addi %mul3A_207, %add3A_208 : i32
      %dma_start3A_210 = arith.constant 0 : i32
      %dma_start3A_211 = tpu.memref_slice %arg13[%add3A_209, %dma_start3A_210] : memref<80x64xf32, #tpu.memory_space<vmem>> -> memref<1x64xf32, #tpu.memory_space<vmem>>
      %dma_start3A_212 = arith.constant 0 : i32
      %dma_start3A_213 = tpu.memref_slice %arg6[%squeeze3A_205, %dma_start3A_212] : memref<1000000x64xf32, #tpu.memory_space<hbm>> -> memref<1x64xf32, #tpu.memory_space<hbm>>
      %dma_start3A_214 = arith.constant 0 : i32
      %dma_start3A_215 = tpu.memref_slice %arg13[%add3A_209, %dma_start3A_214] : memref<80x64xf32, #tpu.memory_space<vmem>> -> memref<1x64xf32, #tpu.memory_space<vmem>>
      %dma_start3A_216 = arith.constant 0 : i32
      %dma_start3A_217 = tpu.memref_slice %arg6[%squeeze3A_205, %dma_start3A_216] : memref<1000000x64xf32, #tpu.memory_space<hbm>> -> memref<1x64xf32, #tpu.memory_space<hbm>>
      tpu.enqueue_dma source(%dma_start3A_217 : memref<1x64xf32, #tpu.memory_space<hbm>>) target(%dma_start3A_215 : memref<1x64xf32, #tpu.memory_space<vmem>>) target_semaphore(%arg17 : memref<!tpu.dma_semaphore, #tpu.memory_space<semaphore_mem>>)
      %slice3A_218 = vector.extract_strided_slice %get3A_79 {offsets = [10], sizes = [1], strides = [1]} : vector<16xi32> to vector<1xi32>
      %squeeze3A_219 = vector.extract %slice3A_218[0] : i32 from vector<1xi32>
      %mul3A_220 = arith.constant 16 : i32
      %mul3A_221 = arith.muli %add3A_76, %mul3A_220 : i32
      %add3A_222 = arith.constant 10 : i32
      %add3A_223 = arith.addi %mul3A_221, %add3A_222 : i32
      %dma_start3A_224 = arith.constant 0 : i32
      %dma_start3A_225 = tpu.memref_slice %arg13[%add3A_223, %dma_start3A_224] : memref<80x64xf32, #tpu.memory_space<vmem>> -> memref<1x64xf32, #tpu.memory_space<vmem>>
      %dma_start3A_226 = arith.constant 0 : i32
      %dma_start3A_227 = tpu.memref_slice %arg6[%squeeze3A_219, %dma_start3A_226] : memref<1000000x64xf32, #tpu.memory_space<hbm>> -> memref<1x64xf32, #tpu.memory_space<hbm>>
      %dma_start3A_228 = arith.constant 0 : i32
      %dma_start3A_229 = tpu.memref_slice %arg13[%add3A_223, %dma_start3A_228] : memref<80x64xf32, #tpu.memory_space<vmem>> -> memref<1x64xf32, #tpu.memory_space<vmem>>
      %dma_start3A_230 = arith.constant 0 : i32
      %dma_start3A_231 = tpu.memref_slice %arg6[%squeeze3A_219, %dma_start3A_230] : memref<1000000x64xf32, #tpu.memory_space<hbm>> -> memref<1x64xf32, #tpu.memory_space<hbm>>
      tpu.enqueue_dma source(%dma_start3A_231 : memref<1x64xf32, #tpu.memory_space<hbm>>) target(%dma_start3A_229 : memref<1x64xf32, #tpu.memory_space<vmem>>) target_semaphore(%arg17 : memref<!tpu.dma_semaphore, #tpu.memory_space<semaphore_mem>>)
      %slice3A_232 = vector.extract_strided_slice %get3A_79 {offsets = [11], sizes = [1], strides = [1]} : vector<16xi32> to vector<1xi32>
      %squeeze3A_233 = vector.extract %slice3A_232[0] : i32 from vector<1xi32>
      %mul3A_234 = arith.constant 16 : i32
      %mul3A_235 = arith.muli %add3A_76, %mul3A_234 : i32
      %add3A_236 = arith.constant 11 : i32
      %add3A_237 = arith.addi %mul3A_235, %add3A_236 : i32
      %dma_start3A_238 = arith.constant 0 : i32
      %dma_start3A_239 = tpu.memref_slice %arg13[%add3A_237, %dma_start3A_238] : memref<80x64xf32, #tpu.memory_space<vmem>> -> memref<1x64xf32, #tpu.memory_space<vmem>>
      %dma_start3A_240 = arith.constant 0 : i32
      %dma_start3A_241 = tpu.memref_slice %arg6[%squeeze3A_233, %dma_start3A_240] : memref<1000000x64xf32, #tpu.memory_space<hbm>> -> memref<1x64xf32, #tpu.memory_space<hbm>>
      %dma_start3A_242 = arith.constant 0 : i32
      %dma_start3A_243 = tpu.memref_slice %arg13[%add3A_237, %dma_start3A_242] : memref<80x64xf32, #tpu.memory_space<vmem>> -> memref<1x64xf32, #tpu.memory_space<vmem>>
      %dma_start3A_244 = arith.constant 0 : i32
      %dma_start3A_245 = tpu.memref_slice %arg6[%squeeze3A_233, %dma_start3A_244] : memref<1000000x64xf32, #tpu.memory_space<hbm>> -> memref<1x64xf32, #tpu.memory_space<hbm>>
      tpu.enqueue_dma source(%dma_start3A_245 : memref<1x64xf32, #tpu.memory_space<hbm>>) target(%dma_start3A_243 : memref<1x64xf32, #tpu.memory_space<vmem>>) target_semaphore(%arg17 : memref<!tpu.dma_semaphore, #tpu.memory_space<semaphore_mem>>)
      %slice3A_246 = vector.extract_strided_slice %get3A_79 {offsets = [12], sizes = [1], strides = [1]} : vector<16xi32> to vector<1xi32>
      %squeeze3A_247 = vector.extract %slice3A_246[0] : i32 from vector<1xi32>
      %mul3A_248 = arith.constant 16 : i32
      %mul3A_249 = arith.muli %add3A_76, %mul3A_248 : i32
      %add3A_250 = arith.constant 12 : i32
      %add3A_251 = arith.addi %mul3A_249, %add3A_250 : i32
      %dma_start3A_252 = arith.constant 0 : i32
      %dma_start3A_253 = tpu.memref_slice %arg13[%add3A_251, %dma_start3A_252] : memref<80x64xf32, #tpu.memory_space<vmem>> -> memref<1x64xf32, #tpu.memory_space<vmem>>
      %dma_start3A_254 = arith.constant 0 : i32
      %dma_start3A_255 = tpu.memref_slice %arg6[%squeeze3A_247, %dma_start3A_254] : memref<1000000x64xf32, #tpu.memory_space<hbm>> -> memref<1x64xf32, #tpu.memory_space<hbm>>
      %dma_start3A_256 = arith.constant 0 : i32
      %dma_start3A_257 = tpu.memref_slice %arg13[%add3A_251, %dma_start3A_256] : memref<80x64xf32, #tpu.memory_space<vmem>> -> memref<1x64xf32, #tpu.memory_space<vmem>>
      %dma_start3A_258 = arith.constant 0 : i32
      %dma_start3A_259 = tpu.memref_slice %arg6[%squeeze3A_247, %dma_start3A_258] : memref<1000000x64xf32, #tpu.memory_space<hbm>> -> memref<1x64xf32, #tpu.memory_space<hbm>>
      tpu.enqueue_dma source(%dma_start3A_259 : memref<1x64xf32, #tpu.memory_space<hbm>>) target(%dma_start3A_257 : memref<1x64xf32, #tpu.memory_space<vmem>>) target_semaphore(%arg17 : memref<!tpu.dma_semaphore, #tpu.memory_space<semaphore_mem>>)
      %slice3A_260 = vector.extract_strided_slice %get3A_79 {offsets = [13], sizes = [1], strides = [1]} : vector<16xi32> to vector<1xi32>
      %squeeze3A_261 = vector.extract %slice3A_260[0] : i32 from vector<1xi32>
      %mul3A_262 = arith.constant 16 : i32
      %mul3A_263 = arith.muli %add3A_76, %mul3A_262 : i32
      %add3A_264 = arith.constant 13 : i32
      %add3A_265 = arith.addi %mul3A_263, %add3A_264 : i32
      %dma_start3A_266 = arith.constant 0 : i32
      %dma_start3A_267 = tpu.memref_slice %arg13[%add3A_265, %dma_start3A_266] : memref<80x64xf32, #tpu.memory_space<vmem>> -> memref<1x64xf32, #tpu.memory_space<vmem>>
      %dma_start3A_268 = arith.constant 0 : i32
      %dma_start3A_269 = tpu.memref_slice %arg6[%squeeze3A_261, %dma_start3A_268] : memref<1000000x64xf32, #tpu.memory_space<hbm>> -> memref<1x64xf32, #tpu.memory_space<hbm>>
      %dma_start3A_270 = arith.constant 0 : i32
      %dma_start3A_271 = tpu.memref_slice %arg13[%add3A_265, %dma_start3A_270] : memref<80x64xf32, #tpu.memory_space<vmem>> -> memref<1x64xf32, #tpu.memory_space<vmem>>
      %dma_start3A_272 = arith.constant 0 : i32
      %dma_start3A_273 = tpu.memref_slice %arg6[%squeeze3A_261, %dma_start3A_272] : memref<1000000x64xf32, #tpu.memory_space<hbm>> -> memref<1x64xf32, #tpu.memory_space<hbm>>
      tpu.enqueue_dma source(%dma_start3A_273 : memref<1x64xf32, #tpu.memory_space<hbm>>) target(%dma_start3A_271 : memref<1x64xf32, #tpu.memory_space<vmem>>) target_semaphore(%arg17 : memref<!tpu.dma_semaphore, #tpu.memory_space<semaphore_mem>>)
      %slice3A_274 = vector.extract_strided_slice %get3A_79 {offsets = [14], sizes = [1], strides = [1]} : vector<16xi32> to vector<1xi32>
      %squeeze3A_275 = vector.extract %slice3A_274[0] : i32 from vector<1xi32>
      %mul3A_276 = arith.constant 16 : i32
      %mul3A_277 = arith.muli %add3A_76, %mul3A_276 : i32
      %add3A_278 = arith.constant 14 : i32
      %add3A_279 = arith.addi %mul3A_277, %add3A_278 : i32
      %dma_start3A_280 = arith.constant 0 : i32
      %dma_start3A_281 = tpu.memref_slice %arg13[%add3A_279, %dma_start3A_280] : memref<80x64xf32, #tpu.memory_space<vmem>> -> memref<1x64xf32, #tpu.memory_space<vmem>>
      %dma_start3A_282 = arith.constant 0 : i32
      %dma_start3A_283 = tpu.memref_slice %arg6[%squeeze3A_275, %dma_start3A_282] : memref<1000000x64xf32, #tpu.memory_space<hbm>> -> memref<1x64xf32, #tpu.memory_space<hbm>>
      %dma_start3A_284 = arith.constant 0 : i32
      %dma_start3A_285 = tpu.memref_slice %arg13[%add3A_279, %dma_start3A_284] : memref<80x64xf32, #tpu.memory_space<vmem>> -> memref<1x64xf32, #tpu.memory_space<vmem>>
      %dma_start3A_286 = arith.constant 0 : i32
      %dma_start3A_287 = tpu.memref_slice %arg6[%squeeze3A_275, %dma_start3A_286] : memref<1000000x64xf32, #tpu.memory_space<hbm>> -> memref<1x64xf32, #tpu.memory_space<hbm>>
      tpu.enqueue_dma source(%dma_start3A_287 : memref<1x64xf32, #tpu.memory_space<hbm>>) target(%dma_start3A_285 : memref<1x64xf32, #tpu.memory_space<vmem>>) target_semaphore(%arg17 : memref<!tpu.dma_semaphore, #tpu.memory_space<semaphore_mem>>)
      %slice3A_288 = vector.extract_strided_slice %get3A_79 {offsets = [15], sizes = [1], strides = [1]} : vector<16xi32> to vector<1xi32>
      %squeeze3A_289 = vector.extract %slice3A_288[0] : i32 from vector<1xi32>
      %mul3A_290 = arith.constant 16 : i32
      %mul3A_291 = arith.muli %add3A_76, %mul3A_290 : i32
      %add3A_292 = arith.constant 15 : i32
      %add3A_293 = arith.addi %mul3A_291, %add3A_292 : i32
      %dma_start3A_294 = arith.constant 0 : i32
      %dma_start3A_295 = tpu.memref_slice %arg13[%add3A_293, %dma_start3A_294] : memref<80x64xf32, #tpu.memory_space<vmem>> -> memref<1x64xf32, #tpu.memory_space<vmem>>
      %dma_start3A_296 = arith.constant 0 : i32
      %dma_start3A_297 = tpu.memref_slice %arg6[%squeeze3A_289, %dma_start3A_296] : memref<1000000x64xf32, #tpu.memory_space<hbm>> -> memref<1x64xf32, #tpu.memory_space<hbm>>
      %dma_start3A_298 = arith.constant 0 : i32
      %dma_start3A_299 = tpu.memref_slice %arg13[%add3A_293, %dma_start3A_298] : memref<80x64xf32, #tpu.memory_space<vmem>> -> memref<1x64xf32, #tpu.memory_space<vmem>>
      %dma_start3A_300 = arith.constant 0 : i32
      %dma_start3A_301 = tpu.memref_slice %arg6[%squeeze3A_289, %dma_start3A_300] : memref<1000000x64xf32, #tpu.memory_space<hbm>> -> memref<1x64xf32, #tpu.memory_space<hbm>>
      tpu.enqueue_dma source(%dma_start3A_301 : memref<1x64xf32, #tpu.memory_space<hbm>>) target(%dma_start3A_299 : memref<1x64xf32, #tpu.memory_space<vmem>>) target_semaphore(%arg17 : memref<!tpu.dma_semaphore, #tpu.memory_space<semaphore_mem>>)
    }
    %scan3A_48 = arith.constant 5 : i32
    %scan3A_49 = arith.constant 0 : i32
    %scan3A_50 = arith.constant 14 : i32
    %scan3A_51 = arith.addi %scan3A_49, %scan3A_50 : i32
    %scan3A_52 = arith.constant 1 : i32
    scf.for %scan3A_72 = %scan3A_49 to %scan3A_51 step %scan3A_52  : i32 {
      %mul3A_73 = arith.constant 1 : i32
      %mul3A_74 = arith.muli %scan3A_72, %mul3A_73 : i32
      %add3A_75 = arith.constant 0 : i32
      %add3A_76 = arith.addi %add3A_75, %mul3A_74 : i32
      %mul3A_77 = arith.constant 3 : i32
      %mul3A_78 = arith.muli %mul3A_77, %add3A_76 : i32
      %ge3A = arith.constant 1 : i32
      %ge3A_79 = arith.cmpi sge, %add3A_76, %ge3A : i32
      %mul3A_80 = arith.constant 32 : i32
      %mul3A_81 = arith.muli %mul3A_78, %mul3A_80 : i32
      %add3A_82 = arith.addi %add3A, %mul3A_81 : i32
      %add3A_83 = arith.constant 32 : i32
      %add3A_84 = arith.addi %add3A_82, %add3A_83 : i32
      %add3A_85 = arith.constant 64 : i32
      %add3A_86 = arith.addi %add3A_82, %add3A_85 : i32
      %lt3A = arith.constant 1250 : i32
      %lt3A_87 = arith.cmpi slt, %add3A_86, %lt3A : i32
      %convert_element_type3A = arith.extui %lt3A_87 : i1 to i32
      %cond3A = arith.constant 0 : i32
      %cond3A_88 = arith.cmpi ne, %convert_element_type3A, %cond3A : i32
      scf.if %cond3A_88 {
        %mul3A_155 = arith.constant 80 : i32
        %mul3A_156 = arith.muli %add3A_86, %mul3A_155 : i32
        %dma_start3A_157 = tpu.memref_slice %arg2[%mul3A_156] : memref<100000xi32, #tpu.memory_space<hbm>> -> memref<80xi32, #tpu.memory_space<hbm>>
        %dma_start3A_158 = tpu.memref_slice %arg2[%mul3A_156] : memref<100000xi32, #tpu.memory_space<hbm>> -> memref<80xi32, #tpu.memory_space<hbm>>
        tpu.enqueue_dma source(%dma_start3A_158 : memref<80xi32, #tpu.memory_space<hbm>>) target(%arg29 : memref<80xi32, #tpu.memory_space<vmem>>) target_semaphore(%arg36 : memref<!tpu.dma_semaphore, #tpu.memory_space<semaphore_mem>>)
        %dma_start3A_159 = tpu.memref_slice %arg3[%mul3A_156] : memref<100000xi32, #tpu.memory_space<hbm>> -> memref<80xi32, #tpu.memory_space<hbm>>
        %dma_start3A_160 = tpu.memref_slice %arg3[%mul3A_156] : memref<100000xi32, #tpu.memory_space<hbm>> -> memref<80xi32, #tpu.memory_space<hbm>>
        tpu.enqueue_dma source(%dma_start3A_160 : memref<80xi32, #tpu.memory_space<hbm>>) target(%arg30 : memref<80xi32, #tpu.memory_space<vmem>>) target_semaphore(%arg36 : memref<!tpu.dma_semaphore, #tpu.memory_space<semaphore_mem>>)
        %dma_start3A_161 = tpu.memref_slice %arg4[%mul3A_156] : memref<100000xi32, #tpu.memory_space<hbm>> -> memref<80xi32, #tpu.memory_space<hbm>>
        %dma_start3A_162 = tpu.memref_slice %arg4[%mul3A_156] : memref<100000xi32, #tpu.memory_space<hbm>> -> memref<80xi32, #tpu.memory_space<hbm>>
        tpu.enqueue_dma source(%dma_start3A_162 : memref<80xi32, #tpu.memory_space<hbm>>) target(%arg31 : memref<80xi32, #tpu.memory_space<vmem>>) target_semaphore(%arg36 : memref<!tpu.dma_semaphore, #tpu.memory_space<semaphore_mem>>)
        %dma_start3A_163 = tpu.memref_slice %arg5[%mul3A_156] : memref<100000xf32, #tpu.memory_space<hbm>> -> memref<80xf32, #tpu.memory_space<hbm>>
        %dma_start3A_164 = tpu.memref_slice %arg5[%mul3A_156] : memref<100000xf32, #tpu.memory_space<hbm>> -> memref<80xf32, #tpu.memory_space<hbm>>
        tpu.enqueue_dma source(%dma_start3A_164 : memref<80xf32, #tpu.memory_space<hbm>>) target(%arg32 : memref<80xf32, #tpu.memory_space<vmem>>) target_semaphore(%arg36 : memref<!tpu.dma_semaphore, #tpu.memory_space<semaphore_mem>>)
      } else {
      }
      %lt3A_89 = arith.constant 1250 : i32
      %lt3A_90 = arith.cmpi slt, %add3A_84, %lt3A_89 : i32
      %convert_element_type3A_91 = arith.extui %lt3A_90 : i1 to i32
      %cond3A_92 = arith.constant 0 : i32
      %cond3A_93 = arith.cmpi ne, %convert_element_type3A_91, %cond3A_92 : i32
      scf.if %cond3A_93 {
        %dma_wait3A_155 = arith.constant 0 : i32
        %dma_wait3A_156 = tpu.memref_slice %arg2[%dma_wait3A_155] : memref<100000xi32, #tpu.memory_space<hbm>> -> memref<80xi32, #tpu.memory_space<hbm>>
        %dma_wait3A_157 = arith.constant 0 : i32
        %dma_wait3A_158 = tpu.memref_slice %arg2[%dma_wait3A_157] : memref<100000xi32, #tpu.memory_space<hbm>> -> memref<80xi32, #tpu.memory_space<hbm>>
        tpu.wait_dma2 semaphore(%arg26 : memref<!tpu.dma_semaphore, #tpu.memory_space<semaphore_mem>>) src(%dma_wait3A_158 : memref<80xi32, #tpu.memory_space<hbm>>) dst(%arg19 : memref<80xi32, #tpu.memory_space<vmem>>)
        %dma_wait3A_159 = arith.constant 0 : i32
        %dma_wait3A_160 = tpu.memref_slice %arg3[%dma_wait3A_159] : memref<100000xi32, #tpu.memory_space<hbm>> -> memref<80xi32, #tpu.memory_space<hbm>>
        %dma_wait3A_161 = arith.constant 0 : i32
        %dma_wait3A_162 = tpu.memref_slice %arg3[%dma_wait3A_161] : memref<100000xi32, #tpu.memory_space<hbm>> -> memref<80xi32, #tpu.memory_space<hbm>>
        tpu.wait_dma2 semaphore(%arg26 : memref<!tpu.dma_semaphore, #tpu.memory_space<semaphore_mem>>) src(%dma_wait3A_162 : memref<80xi32, #tpu.memory_space<hbm>>) dst(%arg20 : memref<80xi32, #tpu.memory_space<vmem>>)
        %dma_wait3A_163 = arith.constant 0 : i32
        %dma_wait3A_164 = tpu.memref_slice %arg4[%dma_wait3A_163] : memref<100000xi32, #tpu.memory_space<hbm>> -> memref<80xi32, #tpu.memory_space<hbm>>
        %dma_wait3A_165 = arith.constant 0 : i32
        %dma_wait3A_166 = tpu.memref_slice %arg4[%dma_wait3A_165] : memref<100000xi32, #tpu.memory_space<hbm>> -> memref<80xi32, #tpu.memory_space<hbm>>
        tpu.wait_dma2 semaphore(%arg26 : memref<!tpu.dma_semaphore, #tpu.memory_space<semaphore_mem>>) src(%dma_wait3A_166 : memref<80xi32, #tpu.memory_space<hbm>>) dst(%arg21 : memref<80xi32, #tpu.memory_space<vmem>>)
        %dma_wait3A_167 = arith.constant 0 : i32
        %dma_wait3A_168 = tpu.memref_slice %arg5[%dma_wait3A_167] : memref<100000xf32, #tpu.memory_space<hbm>> -> memref<80xf32, #tpu.memory_space<hbm>>
        %dma_wait3A_169 = arith.constant 0 : i32
        %dma_wait3A_170 = tpu.memref_slice %arg5[%dma_wait3A_169] : memref<100000xf32, #tpu.memory_space<hbm>> -> memref<80xf32, #tpu.memory_space<hbm>>
        tpu.wait_dma2 semaphore(%arg26 : memref<!tpu.dma_semaphore, #tpu.memory_space<semaphore_mem>>) src(%dma_wait3A_170 : memref<80xf32, #tpu.memory_space<hbm>>) dst(%arg22 : memref<80xf32, #tpu.memory_space<vmem>>)
        %scan3A_171 = arith.constant 0 : i32
        %scan3A_172 = arith.constant 5 : i32
        %scan3A_173 = arith.addi %scan3A_171, %scan3A_172 : i32
        %scan3A_174 = arith.constant 1 : i32
        scf.for %scan3A_184 = %scan3A_171 to %scan3A_173 step %scan3A_174  : i32 {
          %mul3A_185 = arith.constant 1 : i32
          %mul3A_186 = arith.muli %scan3A_184, %mul3A_185 : i32
          %add3A_187 = arith.constant 0 : i32
          %add3A_188 = arith.addi %add3A_187, %mul3A_186 : i32
          %mul3A_189 = arith.constant 16 : i32
          %mul3A_190 = arith.muli %add3A_188, %mul3A_189 : i32
          %get3A = arith.index_cast %mul3A_190 : i32 to index
          %get3A_191 = tpu.vector_load %arg20[%get3A] {strides = array<i32>} : memref<80xi32, #tpu.memory_space<vmem>>, vector<16xi32>,
          %mul3A_192 = arith.constant 16 : i32
          %mul3A_193 = vector.broadcast %mul3A_192 : i32 to vector<16xi32>
          %mul3A_194 = arith.muli %get3A_191, %mul3A_193 : vector<16xi32>
          %get3A_195 = arith.index_cast %mul3A_190 : i32 to index
          %get3A_196 = tpu.vector_load %arg21[%get3A_195] {strides = array<i32>} : memref<80xi32, #tpu.memory_space<vmem>>, vector<16xi32>,
          %add3A_197 = arith.addi %mul3A_194, %get3A_196 : vector<16xi32>
          %swap3A = arith.index_cast %mul3A_190 : i32 to index
          %swap3A_198 = tpu.vector_load %arg21[%swap3A] {strides = array<i32>} : memref<80xi32, #tpu.memory_space<vmem>>, vector<16xi32>,
          tpu.vector_store %arg21[%swap3A], %add3A_197 {strides = array<i32>} : memref<80xi32, #tpu.memory_space<vmem>>, vector<16xi32>,
        }
        %scan3A_175 = arith.constant 5 : i32
        %dma_start3A_176 = arith.constant 0 : i32
        %dma_start3A_177 = arith.constant 0 : i32
        %dma_start3A_178 = tpu.memref_slice %arg7[%dma_start3A_176, %dma_start3A_177] : memref<16000x128xf32, #tpu.memory_space<hbm>> -> memref<16000x128xf32, #tpu.memory_space<hbm>>
        tpu.enqueue_indirect_dma source(%dma_start3A_178 : memref<16000x128xf32, #tpu.memory_space<hbm>>) target(%arg24 : memref<80x128xf32, #tpu.memory_space<vmem>>) offsets(%arg21 : memref<80xi32, #tpu.memory_space<vmem>>) semaphore(%arg27 : memref<!tpu.dma_semaphore, #tpu.memory_space<semaphore_mem>>)
        %scan3A_179 = arith.constant 0 : i32
        %scan3A_180 = arith.constant 5 : i32
        %scan3A_181 = arith.addi %scan3A_179, %scan3A_180 : i32
        %scan3A_182 = arith.constant 1 : i32
        scf.for %scan3A_184 = %scan3A_179 to %scan3A_181 step %scan3A_182  : i32 {
          %mul3A_185 = arith.constant 1 : i32
          %mul3A_186 = arith.muli %scan3A_184, %mul3A_185 : i32
          %add3A_187 = arith.constant 0 : i32
          %add3A_188 = arith.addi %add3A_187, %mul3A_186 : i32
          %mul3A_189 = arith.constant 16 : i32
          %mul3A_190 = arith.muli %add3A_188, %mul3A_189 : i32
          %get3A = arith.index_cast %mul3A_190 : i32 to index
          %get3A_191 = tpu.vector_load %arg19[%get3A] {strides = array<i32>} : memref<80xi32, #tpu.memory_space<vmem>>, vector<16xi32>,
          %slice3A = vector.extract_strided_slice %get3A_191 {offsets = [0], sizes = [1], strides = [1]} : vector<16xi32> to vector<1xi32>
          %squeeze3A = vector.extract %slice3A[0] : i32 from vector<1xi32>
          %mul3A_192 = arith.constant 16 : i32
          %mul3A_193 = arith.muli %add3A_188, %mul3A_192 : i32
          %add3A_194 = arith.constant 0 : i32
          %add3A_195 = arith.addi %mul3A_193, %add3A_194 : i32
          %dma_start3A_196 = arith.constant 0 : i32
          %dma_start3A_197 = tpu.memref_slice %arg23[%add3A_195, %dma_start3A_196] : memref<80x64xf32, #tpu.memory_space<vmem>> -> memref<1x64xf32, #tpu.memory_space<vmem>>
          %dma_start3A_198 = arith.constant 0 : i32
          %dma_start3A_199 = tpu.memref_slice %arg6[%squeeze3A, %dma_start3A_198] : memref<1000000x64xf32, #tpu.memory_space<hbm>> -> memref<1x64xf32, #tpu.memory_space<hbm>>
          %dma_start3A_200 = arith.constant 0 : i32
          %dma_start3A_201 = tpu.memref_slice %arg23[%add3A_195, %dma_start3A_200] : memref<80x64xf32, #tpu.memory_space<vmem>> -> memref<1x64xf32, #tpu.memory_space<vmem>>
          %dma_start3A_202 = arith.constant 0 : i32
          %dma_start3A_203 = tpu.memref_slice %arg6[%squeeze3A, %dma_start3A_202] : memref<1000000x64xf32, #tpu.memory_space<hbm>> -> memref<1x64xf32, #tpu.memory_space<hbm>>
          tpu.enqueue_dma source(%dma_start3A_203 : memref<1x64xf32, #tpu.memory_space<hbm>>) target(%dma_start3A_201 : memref<1x64xf32, #tpu.memory_space<vmem>>) target_semaphore(%arg27 : memref<!tpu.dma_semaphore, #tpu.memory_space<semaphore_mem>>)
          %slice3A_204 = vector.extract_strided_slice %get3A_191 {offsets = [1], sizes = [1], strides = [1]} : vector<16xi32> to vector<1xi32>
          %squeeze3A_205 = vector.extract %slice3A_204[0] : i32 from vector<1xi32>
          %mul3A_206 = arith.constant 16 : i32
          %mul3A_207 = arith.muli %add3A_188, %mul3A_206 : i32
          %add3A_208 = arith.constant 1 : i32
          %add3A_209 = arith.addi %mul3A_207, %add3A_208 : i32
          %dma_start3A_210 = arith.constant 0 : i32
          %dma_start3A_211 = tpu.memref_slice %arg23[%add3A_209, %dma_start3A_210] : memref<80x64xf32, #tpu.memory_space<vmem>> -> memref<1x64xf32, #tpu.memory_space<vmem>>
          %dma_start3A_212 = arith.constant 0 : i32
          %dma_start3A_213 = tpu.memref_slice %arg6[%squeeze3A_205, %dma_start3A_212] : memref<1000000x64xf32, #tpu.memory_space<hbm>> -> memref<1x64xf32, #tpu.memory_space<hbm>>
          %dma_start3A_214 = arith.constant 0 : i32
          %dma_start3A_215 = tpu.memref_slice %arg23[%add3A_209, %dma_start3A_214] : memref<80x64xf32, #tpu.memory_space<vmem>> -> memref<1x64xf32, #tpu.memory_space<vmem>>
          %dma_start3A_216 = arith.constant 0 : i32
          %dma_start3A_217 = tpu.memref_slice %arg6[%squeeze3A_205, %dma_start3A_216] : memref<1000000x64xf32, #tpu.memory_space<hbm>> -> memref<1x64xf32, #tpu.memory_space<hbm>>
          tpu.enqueue_dma source(%dma_start3A_217 : memref<1x64xf32, #tpu.memory_space<hbm>>) target(%dma_start3A_215 : memref<1x64xf32, #tpu.memory_space<vmem>>) target_semaphore(%arg27 : memref<!tpu.dma_semaphore, #tpu.memory_space<semaphore_mem>>)
          %slice3A_218 = vector.extract_strided_slice %get3A_191 {offsets = [2], sizes = [1], strides = [1]} : vector<16xi32> to vector<1xi32>
          %squeeze3A_219 = vector.extract %slice3A_218[0] : i32 from vector<1xi32>
          %mul3A_220 = arith.constant 16 : i32
          %mul3A_221 = arith.muli %add3A_188, %mul3A_220 : i32
          %add3A_222 = arith.constant 2 : i32
          %add3A_223 = arith.addi %mul3A_221, %add3A_222 : i32
          %dma_start3A_224 = arith.constant 0 : i32
          %dma_start3A_225 = tpu.memref_slice %arg23[%add3A_223, %dma_start3A_224] : memref<80x64xf32, #tpu.memory_space<vmem>> -> memref<1x64xf32, #tpu.memory_space<vmem>>
          %dma_start3A_226 = arith.constant 0 : i32
          %dma_start3A_227 = tpu.memref_slice %arg6[%squeeze3A_219, %dma_start3A_226] : memref<1000000x64xf32, #tpu.memory_space<hbm>> -> memref<1x64xf32, #tpu.memory_space<hbm>>
          %dma_start3A_228 = arith.constant 0 : i32
          %dma_start3A_229 = tpu.memref_slice %arg23[%add3A_223, %dma_start3A_228] : memref<80x64xf32, #tpu.memory_space<vmem>> -> memref<1x64xf32, #tpu.memory_space<vmem>>
          %dma_start3A_230 = arith.constant 0 : i32
          %dma_start3A_231 = tpu.memref_slice %arg6[%squeeze3A_219, %dma_start3A_230] : memref<1000000x64xf32, #tpu.memory_space<hbm>> -> memref<1x64xf32, #tpu.memory_space<hbm>>
          tpu.enqueue_dma source(%dma_start3A_231 : memref<1x64xf32, #tpu.memory_space<hbm>>) target(%dma_start3A_229 : memref<1x64xf32, #tpu.memory_space<vmem>>) target_semaphore(%arg27 : memref<!tpu.dma_semaphore, #tpu.memory_space<semaphore_mem>>)
          %slice3A_232 = vector.extract_strided_slice %get3A_191 {offsets = [3], sizes = [1], strides = [1]} : vector<16xi32> to vector<1xi32>
          %squeeze3A_233 = vector.extract %slice3A_232[0] : i32 from vector<1xi32>
          %mul3A_234 = arith.constant 16 : i32
          %mul3A_235 = arith.muli %add3A_188, %mul3A_234 : i32
          %add3A_236 = arith.constant 3 : i32
          %add3A_237 = arith.addi %mul3A_235, %add3A_236 : i32
          %dma_start3A_238 = arith.constant 0 : i32
          %dma_start3A_239 = tpu.memref_slice %arg23[%add3A_237, %dma_start3A_238] : memref<80x64xf32, #tpu.memory_space<vmem>> -> memref<1x64xf32, #tpu.memory_space<vmem>>
          %dma_start3A_240 = arith.constant 0 : i32
          %dma_start3A_241 = tpu.memref_slice %arg6[%squeeze3A_233, %dma_start3A_240] : memref<1000000x64xf32, #tpu.memory_space<hbm>> -> memref<1x64xf32, #tpu.memory_space<hbm>>
          %dma_start3A_242 = arith.constant 0 : i32
          %dma_start3A_243 = tpu.memref_slice %arg23[%add3A_237, %dma_start3A_242] : memref<80x64xf32, #tpu.memory_space<vmem>> -> memref<1x64xf32, #tpu.memory_space<vmem>>
          %dma_start3A_244 = arith.constant 0 : i32
          %dma_start3A_245 = tpu.memref_slice %arg6[%squeeze3A_233, %dma_start3A_244] : memref<1000000x64xf32, #tpu.memory_space<hbm>> -> memref<1x64xf32, #tpu.memory_space<hbm>>
          tpu.enqueue_dma source(%dma_start3A_245 : memref<1x64xf32, #tpu.memory_space<hbm>>) target(%dma_start3A_243 : memref<1x64xf32, #tpu.memory_space<vmem>>) target_semaphore(%arg27 : memref<!tpu.dma_semaphore, #tpu.memory_space<semaphore_mem>>)
          %slice3A_246 = vector.extract_strided_slice %get3A_191 {offsets = [4], sizes = [1], strides = [1]} : vector<16xi32> to vector<1xi32>
          %squeeze3A_247 = vector.extract %slice3A_246[0] : i32 from vector<1xi32>
          %mul3A_248 = arith.constant 16 : i32
          %mul3A_249 = arith.muli %add3A_188, %mul3A_248 : i32
          %add3A_250 = arith.constant 4 : i32
          %add3A_251 = arith.addi %mul3A_249, %add3A_250 : i32
          %dma_start3A_252 = arith.constant 0 : i32
          %dma_start3A_253 = tpu.memref_slice %arg23[%add3A_251, %dma_start3A_252] : memref<80x64xf32, #tpu.memory_space<vmem>> -> memref<1x64xf32, #tpu.memory_space<vmem>>
          %dma_start3A_254 = arith.constant 0 : i32
          %dma_start3A_255 = tpu.memref_slice %arg6[%squeeze3A_247, %dma_start3A_254] : memref<1000000x64xf32, #tpu.memory_space<hbm>> -> memref<1x64xf32, #tpu.memory_space<hbm>>
          %dma_start3A_256 = arith.constant 0 : i32
          %dma_start3A_257 = tpu.memref_slice %arg23[%add3A_251, %dma_start3A_256] : memref<80x64xf32, #tpu.memory_space<vmem>> -> memref<1x64xf32, #tpu.memory_space<vmem>>
          %dma_start3A_258 = arith.constant 0 : i32
          %dma_start3A_259 = tpu.memref_slice %arg6[%squeeze3A_247, %dma_start3A_258] : memref<1000000x64xf32, #tpu.memory_space<hbm>> -> memref<1x64xf32, #tpu.memory_space<hbm>>
          tpu.enqueue_dma source(%dma_start3A_259 : memref<1x64xf32, #tpu.memory_space<hbm>>) target(%dma_start3A_257 : memref<1x64xf32, #tpu.memory_space<vmem>>) target_semaphore(%arg27 : memref<!tpu.dma_semaphore, #tpu.memory_space<semaphore_mem>>)
          %slice3A_260 = vector.extract_strided_slice %get3A_191 {offsets = [5], sizes = [1], strides = [1]} : vector<16xi32> to vector<1xi32>
          %squeeze3A_261 = vector.extract %slice3A_260[0] : i32 from vector<1xi32>
          %mul3A_262 = arith.constant 16 : i32
          %mul3A_263 = arith.muli %add3A_188, %mul3A_262 : i32
          %add3A_264 = arith.constant 5 : i32
          %add3A_265 = arith.addi %mul3A_263, %add3A_264 : i32
          %dma_start3A_266 = arith.constant 0 : i32
          %dma_start3A_267 = tpu.memref_slice %arg23[%add3A_265, %dma_start3A_266] : memref<80x64xf32, #tpu.memory_space<vmem>> -> memref<1x64xf32, #tpu.memory_space<vmem>>
          %dma_start3A_268 = arith.constant 0 : i32
          %dma_start3A_269 = tpu.memref_slice %arg6[%squeeze3A_261, %dma_start3A_268] : memref<1000000x64xf32, #tpu.memory_space<hbm>> -> memref<1x64xf32, #tpu.memory_space<hbm>>
          %dma_start3A_270 = arith.constant 0 : i32
          %dma_start3A_271 = tpu.memref_slice %arg23[%add3A_265, %dma_start3A_270] : memref<80x64xf32, #tpu.memory_space<vmem>> -> memref<1x64xf32, #tpu.memory_space<vmem>>
          %dma_start3A_272 = arith.constant 0 : i32
          %dma_start3A_273 = tpu.memref_slice %arg6[%squeeze3A_261, %dma_start3A_272] : memref<1000000x64xf32, #tpu.memory_space<hbm>> -> memref<1x64xf32, #tpu.memory_space<hbm>>
          tpu.enqueue_dma source(%dma_start3A_273 : memref<1x64xf32, #tpu.memory_space<hbm>>) target(%dma_start3A_271 : memref<1x64xf32, #tpu.memory_space<vmem>>) target_semaphore(%arg27 : memref<!tpu.dma_semaphore, #tpu.memory_space<semaphore_mem>>)
          %slice3A_274 = vector.extract_strided_slice %get3A_191 {offsets = [6], sizes = [1], strides = [1]} : vector<16xi32> to vector<1xi32>
          %squeeze3A_275 = vector.extract %slice3A_274[0] : i32 from vector<1xi32>
          %mul3A_276 = arith.constant 16 : i32
          %mul3A_277 = arith.muli %add3A_188, %mul3A_276 : i32
          %add3A_278 = arith.constant 6 : i32
          %add3A_279 = arith.addi %mul3A_277, %add3A_278 : i32
          %dma_start3A_280 = arith.constant 0 : i32
          %dma_start3A_281 = tpu.memref_slice %arg23[%add3A_279, %dma_start3A_280] : memref<80x64xf32, #tpu.memory_space<vmem>> -> memref<1x64xf32, #tpu.memory_space<vmem>>
          %dma_start3A_282 = arith.constant 0 : i32
          %dma_start3A_283 = tpu.memref_slice %arg6[%squeeze3A_275, %dma_start3A_282] : memref<1000000x64xf32, #tpu.memory_space<hbm>> -> memref<1x64xf32, #tpu.memory_space<hbm>>
          %dma_start3A_284 = arith.constant 0 : i32
          %dma_start3A_285 = tpu.memref_slice %arg23[%add3A_279, %dma_start3A_284] : memref<80x64xf32, #tpu.memory_space<vmem>> -> memref<1x64xf32, #tpu.memory_space<vmem>>
          %dma_start3A_286 = arith.constant 0 : i32
          %dma_start3A_287 = tpu.memref_slice %arg6[%squeeze3A_275, %dma_start3A_286] : memref<1000000x64xf32, #tpu.memory_space<hbm>> -> memref<1x64xf32, #tpu.memory_space<hbm>>
          tpu.enqueue_dma source(%dma_start3A_287 : memref<1x64xf32, #tpu.memory_space<hbm>>) target(%dma_start3A_285 : memref<1x64xf32, #tpu.memory_space<vmem>>) target_semaphore(%arg27 : memref<!tpu.dma_semaphore, #tpu.memory_space<semaphore_mem>>)
          %slice3A_288 = vector.extract_strided_slice %get3A_191 {offsets = [7], sizes = [1], strides = [1]} : vector<16xi32> to vector<1xi32>
          %squeeze3A_289 = vector.extract %slice3A_288[0] : i32 from vector<1xi32>
          %mul3A_290 = arith.constant 16 : i32
          %mul3A_291 = arith.muli %add3A_188, %mul3A_290 : i32
          %add3A_292 = arith.constant 7 : i32
          %add3A_293 = arith.addi %mul3A_291, %add3A_292 : i32
          %dma_start3A_294 = arith.constant 0 : i32
          %dma_start3A_295 = tpu.memref_slice %arg23[%add3A_293, %dma_start3A_294] : memref<80x64xf32, #tpu.memory_space<vmem>> -> memref<1x64xf32, #tpu.memory_space<vmem>>
          %dma_start3A_296 = arith.constant 0 : i32
          %dma_start3A_297 = tpu.memref_slice %arg6[%squeeze3A_289, %dma_start3A_296] : memref<1000000x64xf32, #tpu.memory_space<hbm>> -> memref<1x64xf32, #tpu.memory_space<hbm>>
          %dma_start3A_298 = arith.constant 0 : i32
          %dma_start3A_299 = tpu.memref_slice %arg23[%add3A_293, %dma_start3A_298] : memref<80x64xf32, #tpu.memory_space<vmem>> -> memref<1x64xf32, #tpu.memory_space<vmem>>
          %dma_start3A_300 = arith.constant 0 : i32
          %dma_start3A_301 = tpu.memref_slice %arg6[%squeeze3A_289, %dma_start3A_300] : memref<1000000x64xf32, #tpu.memory_space<hbm>> -> memref<1x64xf32, #tpu.memory_space<hbm>>
          tpu.enqueue_dma source(%dma_start3A_301 : memref<1x64xf32, #tpu.memory_space<hbm>>) target(%dma_start3A_299 : memref<1x64xf32, #tpu.memory_space<vmem>>) target_semaphore(%arg27 : memref<!tpu.dma_semaphore, #tpu.memory_space<semaphore_mem>>)
          %slice3A_302 = vector.extract_strided_slice %get3A_191 {offsets = [8], sizes = [1], strides = [1]} : vector<16xi32> to vector<1xi32>
          %squeeze3A_303 = vector.extract %slice3A_302[0] : i32 from vector<1xi32>
          %mul3A_304 = arith.constant 16 : i32
          %mul3A_305 = arith.muli %add3A_188, %mul3A_304 : i32
          %add3A_306 = arith.constant 8 : i32
          %add3A_307 = arith.addi %mul3A_305, %add3A_306 : i32
          %dma_start3A_308 = arith.constant 0 : i32
          %dma_start3A_309 = tpu.memref_slice %arg23[%add3A_307, %dma_start3A_308] : memref<80x64xf32, #tpu.memory_space<vmem>> -> memref<1x64xf32, #tpu.memory_space<vmem>>
          %dma_start3A_310 = arith.constant 0 : i32
          %dma_start3A_311 = tpu.memref_slice %arg6[%squeeze3A_303, %dma_start3A_310] : memref<1000000x64xf32, #tpu.memory_space<hbm>> -> memref<1x64xf32, #tpu.memory_space<hbm>>
          %dma_start3A_312 = arith.constant 0 : i32
          %dma_start3A_313 = tpu.memref_slice %arg23[%add3A_307, %dma_start3A_312] : memref<80x64xf32, #tpu.memory_space<vmem>> -> memref<1x64xf32, #tpu.memory_space<vmem>>
          %dma_start3A_314 = arith.constant 0 : i32
          %dma_start3A_315 = tpu.memref_slice %arg6[%squeeze3A_303, %dma_start3A_314] : memref<1000000x64xf32, #tpu.memory_space<hbm>> -> memref<1x64xf32, #tpu.memory_space<hbm>>
          tpu.enqueue_dma source(%dma_start3A_315 : memref<1x64xf32, #tpu.memory_space<hbm>>) target(%dma_start3A_313 : memref<1x64xf32, #tpu.memory_space<vmem>>) target_semaphore(%arg27 : memref<!tpu.dma_semaphore, #tpu.memory_space<semaphore_mem>>)
          %slice3A_316 = vector.extract_strided_slice %get3A_191 {offsets = [9], sizes = [1], strides = [1]} : vector<16xi32> to vector<1xi32>
          %squeeze3A_317 = vector.extract %slice3A_316[0] : i32 from vector<1xi32>
          %mul3A_318 = arith.constant 16 : i32
          %mul3A_319 = arith.muli %add3A_188, %mul3A_318 : i32
          %add3A_320 = arith.constant 9 : i32
          %add3A_321 = arith.addi %mul3A_319, %add3A_320 : i32
          %dma_start3A_322 = arith.constant 0 : i32
          %dma_start3A_323 = tpu.memref_slice %arg23[%add3A_321, %dma_start3A_322] : memref<80x64xf32, #tpu.memory_space<vmem>> -> memref<1x64xf32, #tpu.memory_space<vmem>>
          %dma_start3A_324 = arith.constant 0 : i32
          %dma_start3A_325 = tpu.memref_slice %arg6[%squeeze3A_317, %dma_start3A_324] : memref<1000000x64xf32, #tpu.memory_space<hbm>> -> memref<1x64xf32, #tpu.memory_space<hbm>>
          %dma_start3A_326 = arith.constant 0 : i32
          %dma_start3A_327 = tpu.memref_slice %arg23[%add3A_321, %dma_start3A_326] : memref<80x64xf32, #tpu.memory_space<vmem>> -> memref<1x64xf32, #tpu.memory_space<vmem>>
          %dma_start3A_328 = arith.constant 0 : i32
          %dma_start3A_329 = tpu.memref_slice %arg6[%squeeze3A_317, %dma_start3A_328] : memref<1000000x64xf32, #tpu.memory_space<hbm>> -> memref<1x64xf32, #tpu.memory_space<hbm>>
          tpu.enqueue_dma source(%dma_start3A_329 : memref<1x64xf32, #tpu.memory_space<hbm>>) target(%dma_start3A_327 : memref<1x64xf32, #tpu.memory_space<vmem>>) target_semaphore(%arg27 : memref<!tpu.dma_semaphore, #tpu.memory_space<semaphore_mem>>)
          %slice3A_330 = vector.extract_strided_slice %get3A_191 {offsets = [10], sizes = [1], strides = [1]} : vector<16xi32> to vector<1xi32>
          %squeeze3A_331 = vector.extract %slice3A_330[0] : i32 from vector<1xi32>
          %mul3A_332 = arith.constant 16 : i32
          %mul3A_333 = arith.muli %add3A_188, %mul3A_332 : i32
          %add3A_334 = arith.constant 10 : i32
          %add3A_335 = arith.addi %mul3A_333, %add3A_334 : i32
          %dma_start3A_336 = arith.constant 0 : i32
          %dma_start3A_337 = tpu.memref_slice %arg23[%add3A_335, %dma_start3A_336] : memref<80x64xf32, #tpu.memory_space<vmem>> -> memref<1x64xf32, #tpu.memory_space<vmem>>
          %dma_start3A_338 = arith.constant 0 : i32
          %dma_start3A_339 = tpu.memref_slice %arg6[%squeeze3A_331, %dma_start3A_338] : memref<1000000x64xf32, #tpu.memory_space<hbm>> -> memref<1x64xf32, #tpu.memory_space<hbm>>
          %dma_start3A_340 = arith.constant 0 : i32
          %dma_start3A_341 = tpu.memref_slice %arg23[%add3A_335, %dma_start3A_340] : memref<80x64xf32, #tpu.memory_space<vmem>> -> memref<1x64xf32, #tpu.memory_space<vmem>>
          %dma_start3A_342 = arith.constant 0 : i32
          %dma_start3A_343 = tpu.memref_slice %arg6[%squeeze3A_331, %dma_start3A_342] : memref<1000000x64xf32, #tpu.memory_space<hbm>> -> memref<1x64xf32, #tpu.memory_space<hbm>>
          tpu.enqueue_dma source(%dma_start3A_343 : memref<1x64xf32, #tpu.memory_space<hbm>>) target(%dma_start3A_341 : memref<1x64xf32, #tpu.memory_space<vmem>>) target_semaphore(%arg27 : memref<!tpu.dma_semaphore, #tpu.memory_space<semaphore_mem>>)
          %slice3A_344 = vector.extract_strided_slice %get3A_191 {offsets = [11], sizes = [1], strides = [1]} : vector<16xi32> to vector<1xi32>
          %squeeze3A_345 = vector.extract %slice3A_344[0] : i32 from vector<1xi32>
          %mul3A_346 = arith.constant 16 : i32
          %mul3A_347 = arith.muli %add3A_188, %mul3A_346 : i32
          %add3A_348 = arith.constant 11 : i32
          %add3A_349 = arith.addi %mul3A_347, %add3A_348 : i32
          %dma_start3A_350 = arith.constant 0 : i32
          %dma_start3A_351 = tpu.memref_slice %arg23[%add3A_349, %dma_start3A_350] : memref<80x64xf32, #tpu.memory_space<vmem>> -> memref<1x64xf32, #tpu.memory_space<vmem>>
          %dma_start3A_352 = arith.constant 0 : i32
          %dma_start3A_353 = tpu.memref_slice %arg6[%squeeze3A_345, %dma_start3A_352] : memref<1000000x64xf32, #tpu.memory_space<hbm>> -> memref<1x64xf32, #tpu.memory_space<hbm>>
          %dma_start3A_354 = arith.constant 0 : i32
          %dma_start3A_355 = tpu.memref_slice %arg23[%add3A_349, %dma_start3A_354] : memref<80x64xf32, #tpu.memory_space<vmem>> -> memref<1x64xf32, #tpu.memory_space<vmem>>
          %dma_start3A_356 = arith.constant 0 : i32
          %dma_start3A_357 = tpu.memref_slice %arg6[%squeeze3A_345, %dma_start3A_356] : memref<1000000x64xf32, #tpu.memory_space<hbm>> -> memref<1x64xf32, #tpu.memory_space<hbm>>
          tpu.enqueue_dma source(%dma_start3A_357 : memref<1x64xf32, #tpu.memory_space<hbm>>) target(%dma_start3A_355 : memref<1x64xf32, #tpu.memory_space<vmem>>) target_semaphore(%arg27 : memref<!tpu.dma_semaphore, #tpu.memory_space<semaphore_mem>>)
          %slice3A_358 = vector.extract_strided_slice %get3A_191 {offsets = [12], sizes = [1], strides = [1]} : vector<16xi32> to vector<1xi32>
          %squeeze3A_359 = vector.extract %slice3A_358[0] : i32 from vector<1xi32>
          %mul3A_360 = arith.constant 16 : i32
          %mul3A_361 = arith.muli %add3A_188, %mul3A_360 : i32
          %add3A_362 = arith.constant 12 : i32
          %add3A_363 = arith.addi %mul3A_361, %add3A_362 : i32
          %dma_start3A_364 = arith.constant 0 : i32
          %dma_start3A_365 = tpu.memref_slice %arg23[%add3A_363, %dma_start3A_364] : memref<80x64xf32, #tpu.memory_space<vmem>> -> memref<1x64xf32, #tpu.memory_space<vmem>>
          %dma_start3A_366 = arith.constant 0 : i32
          %dma_start3A_367 = tpu.memref_slice %arg6[%squeeze3A_359, %dma_start3A_366] : memref<1000000x64xf32, #tpu.memory_space<hbm>> -> memref<1x64xf32, #tpu.memory_space<hbm>>
          %dma_start3A_368 = arith.constant 0 : i32
          %dma_start3A_369 = tpu.memref_slice %arg23[%add3A_363, %dma_start3A_368] : memref<80x64xf32, #tpu.memory_space<vmem>> -> memref<1x64xf32, #tpu.memory_space<vmem>>
          %dma_start3A_370 = arith.constant 0 : i32
          %dma_start3A_371 = tpu.memref_slice %arg6[%squeeze3A_359, %dma_start3A_370] : memref<1000000x64xf32, #tpu.memory_space<hbm>> -> memref<1x64xf32, #tpu.memory_space<hbm>>
          tpu.enqueue_dma source(%dma_start3A_371 : memref<1x64xf32, #tpu.memory_space<hbm>>) target(%dma_start3A_369 : memref<1x64xf32, #tpu.memory_space<vmem>>) target_semaphore(%arg27 : memref<!tpu.dma_semaphore, #tpu.memory_space<semaphore_mem>>)
          %slice3A_372 = vector.extract_strided_slice %get3A_191 {offsets = [13], sizes = [1], strides = [1]} : vector<16xi32> to vector<1xi32>
          %squeeze3A_373 = vector.extract %slice3A_372[0] : i32 from vector<1xi32>
          %mul3A_374 = arith.constant 16 : i32
          %mul3A_375 = arith.muli %add3A_188, %mul3A_374 : i32
          %add3A_376 = arith.constant 13 : i32
          %add3A_377 = arith.addi %mul3A_375, %add3A_376 : i32
          %dma_start3A_378 = arith.constant 0 : i32
          %dma_start3A_379 = tpu.memref_slice %arg23[%add3A_377, %dma_start3A_378] : memref<80x64xf32, #tpu.memory_space<vmem>> -> memref<1x64xf32, #tpu.memory_space<vmem>>
          %dma_start3A_380 = arith.constant 0 : i32
          %dma_start3A_381 = tpu.memref_slice %arg6[%squeeze3A_373, %dma_start3A_380] : memref<1000000x64xf32, #tpu.memory_space<hbm>> -> memref<1x64xf32, #tpu.memory_space<hbm>>
          %dma_start3A_382 = arith.constant 0 : i32
          %dma_start3A_383 = tpu.memref_slice %arg23[%add3A_377, %dma_start3A_382] : memref<80x64xf32, #tpu.memory_space<vmem>> -> memref<1x64xf32, #tpu.memory_space<vmem>>
          %dma_start3A_384 = arith.constant 0 : i32
          %dma_start3A_385 = tpu.memref_slice %arg6[%squeeze3A_373, %dma_start3A_384] : memref<1000000x64xf32, #tpu.memory_space<hbm>> -> memref<1x64xf32, #tpu.memory_space<hbm>>
          tpu.enqueue_dma source(%dma_start3A_385 : memref<1x64xf32, #tpu.memory_space<hbm>>) target(%dma_start3A_383 : memref<1x64xf32, #tpu.memory_space<vmem>>) target_semaphore(%arg27 : memref<!tpu.dma_semaphore, #tpu.memory_space<semaphore_mem>>)
          %slice3A_386 = vector.extract_strided_slice %get3A_191 {offsets = [14], sizes = [1], strides = [1]} : vector<16xi32> to vector<1xi32>
          %squeeze3A_387 = vector.extract %slice3A_386[0] : i32 from vector<1xi32>
          %mul3A_388 = arith.constant 16 : i32
          %mul3A_389 = arith.muli %add3A_188, %mul3A_388 : i32
          %add3A_390 = arith.constant 14 : i32
          %add3A_391 = arith.addi %mul3A_389, %add3A_390 : i32
          %dma_start3A_392 = arith.constant 0 : i32
          %dma_start3A_393 = tpu.memref_slice %arg23[%add3A_391, %dma_start3A_392] : memref<80x64xf32, #tpu.memory_space<vmem>> -> memref<1x64xf32, #tpu.memory_space<vmem>>
          %dma_start3A_394 = arith.constant 0 : i32
          %dma_start3A_395 = tpu.memref_slice %arg6[%squeeze3A_387, %dma_start3A_394] : memref<1000000x64xf32, #tpu.memory_space<hbm>> -> memref<1x64xf32, #tpu.memory_space<hbm>>
          %dma_start3A_396 = arith.constant 0 : i32
          %dma_start3A_397 = tpu.memref_slice %arg23[%add3A_391, %dma_start3A_396] : memref<80x64xf32, #tpu.memory_space<vmem>> -> memref<1x64xf32, #tpu.memory_space<vmem>>
          %dma_start3A_398 = arith.constant 0 : i32
          %dma_start3A_399 = tpu.memref_slice %arg6[%squeeze3A_387, %dma_start3A_398] : memref<1000000x64xf32, #tpu.memory_space<hbm>> -> memref<1x64xf32, #tpu.memory_space<hbm>>
          tpu.enqueue_dma source(%dma_start3A_399 : memref<1x64xf32, #tpu.memory_space<hbm>>) target(%dma_start3A_397 : memref<1x64xf32, #tpu.memory_space<vmem>>) target_semaphore(%arg27 : memref<!tpu.dma_semaphore, #tpu.memory_space<semaphore_mem>>)
          %slice3A_400 = vector.extract_strided_slice %get3A_191 {offsets = [15], sizes = [1], strides = [1]} : vector<16xi32> to vector<1xi32>
          %squeeze3A_401 = vector.extract %slice3A_400[0] : i32 from vector<1xi32>
          %mul3A_402 = arith.constant 16 : i32
          %mul3A_403 = arith.muli %add3A_188, %mul3A_402 : i32
          %add3A_404 = arith.constant 15 : i32
          %add3A_405 = arith.addi %mul3A_403, %add3A_404 : i32
          %dma_start3A_406 = arith.constant 0 : i32
          %dma_start3A_407 = tpu.memref_slice %arg23[%add3A_405, %dma_start3A_406] : memref<80x64xf32, #tpu.memory_space<vmem>> -> memref<1x64xf32, #tpu.memory_space<vmem>>
          %dma_start3A_408 = arith.constant 0 : i32
          %dma_start3A_409 = tpu.memref_slice %arg6[%squeeze3A_401, %dma_start3A_408] : memref<1000000x64xf32, #tpu.memory_space<hbm>> -> memref<1x64xf32, #tpu.memory_space<hbm>>
          %dma_start3A_410 = arith.constant 0 : i32
          %dma_start3A_411 = tpu.memref_slice %arg23[%add3A_405, %dma_start3A_410] : memref<80x64xf32, #tpu.memory_space<vmem>> -> memref<1x64xf32, #tpu.memory_space<vmem>>
          %dma_start3A_412 = arith.constant 0 : i32
          %dma_start3A_413 = tpu.memref_slice %arg6[%squeeze3A_401, %dma_start3A_412] : memref<1000000x64xf32, #tpu.memory_space<hbm>> -> memref<1x64xf32, #tpu.memory_space<hbm>>
          tpu.enqueue_dma source(%dma_start3A_413 : memref<1x64xf32, #tpu.memory_space<hbm>>) target(%dma_start3A_411 : memref<1x64xf32, #tpu.memory_space<vmem>>) target_semaphore(%arg27 : memref<!tpu.dma_semaphore, #tpu.memory_space<semaphore_mem>>)
        }
        %scan3A_183 = arith.constant 5 : i32
      } else {
      }
      %lt3A_94 = arith.constant 1250 : i32
      %lt3A_95 = arith.cmpi slt, %add3A_82, %lt3A_94 : i32
      %convert_element_type3A_96 = arith.extui %lt3A_95 : i1 to i32
      %cond3A_97 = arith.constant 0 : i32
      %cond3A_98 = arith.cmpi ne, %convert_element_type3A_96, %cond3A_97 : i32
      scf.if %cond3A_98 {
        %dma_wait3A_155 = arith.constant 0 : i32
        %dma_wait3A_156 = arith.constant 0 : i32
        %dma_wait3A_157 = tpu.memref_slice %arg7[%dma_wait3A_155, %dma_wait3A_156] : memref<16000x128xf32, #tpu.memory_space<hbm>> -> memref<80x128xf32, #tpu.memory_space<hbm>>
        %dma_wait3A_158 = arith.constant 0 : i32
        %dma_wait3A_159 = arith.constant 0 : i32
        %dma_wait3A_160 = tpu.memref_slice %arg7[%dma_wait3A_158, %dma_wait3A_159] : memref<16000x128xf32, #tpu.memory_space<hbm>> -> memref<80x128xf32, #tpu.memory_space<hbm>>
        tpu.wait_dma2 semaphore(%arg17 : memref<!tpu.dma_semaphore, #tpu.memory_space<semaphore_mem>>) src(%dma_wait3A_160 : memref<80x128xf32, #tpu.memory_space<hbm>>) dst(%arg14 : memref<80x128xf32, #tpu.memory_space<vmem>>)
        %dma_wait3A_161 = arith.constant 0 : i32
        %dma_wait3A_162 = arith.constant 0 : i32
        %dma_wait3A_163 = tpu.memref_slice %arg6[%dma_wait3A_161, %dma_wait3A_162] : memref<1000000x64xf32, #tpu.memory_space<hbm>> -> memref<80x64xf32, #tpu.memory_space<hbm>>
        %dma_wait3A_164 = arith.constant 0 : i32
        %dma_wait3A_165 = arith.constant 0 : i32
        %dma_wait3A_166 = tpu.memref_slice %arg6[%dma_wait3A_164, %dma_wait3A_165] : memref<1000000x64xf32, #tpu.memory_space<hbm>> -> memref<80x64xf32, #tpu.memory_space<hbm>>
        tpu.wait_dma2 semaphore(%arg17 : memref<!tpu.dma_semaphore, #tpu.memory_space<semaphore_mem>>) src(%dma_wait3A_166 : memref<80x64xf32, #tpu.memory_space<hbm>>) dst(%arg13 : memref<80x64xf32, #tpu.memory_space<vmem>>)
        %convert_element_type3A_167 = arith.extui %ge3A_79 : i1 to i32
        %cond3A_168 = arith.constant 0 : i32
        %cond3A_169 = arith.cmpi ne, %convert_element_type3A_167, %cond3A_168 : i32
        scf.if %cond3A_169 {
          %dma_wait3A_191 = arith.constant 0 : i32
          %dma_wait3A_192 = arith.constant 0 : i32
          %dma_wait3A_193 = tpu.memref_slice %arg8[%dma_wait3A_191, %dma_wait3A_192] : memref<100000x193xf32, #tpu.memory_space<hbm>> -> memref<80x193xf32, #tpu.memory_space<hbm>>
          %dma_wait3A_194 = arith.constant 0 : i32
          %dma_wait3A_195 = arith.constant 0 : i32
          %dma_wait3A_196 = tpu.memref_slice %arg8[%dma_wait3A_194, %dma_wait3A_195] : memref<100000x193xf32, #tpu.memory_space<hbm>> -> memref<80x193xf32, #tpu.memory_space<hbm>>
          tpu.wait_dma2 semaphore(%arg18 : memref<!tpu.dma_semaphore, #tpu.memory_space<semaphore_mem>>) src(%arg15 : memref<80x193xf32, #tpu.memory_space<vmem>>) dst(%dma_wait3A_196 : memref<80x193xf32, #tpu.memory_space<hbm>>)
        } else {
        }
        %scan3A_170 = arith.constant 0 : i32
        %scan3A_171 = arith.constant 5 : i32
        %scan3A_172 = arith.addi %scan3A_170, %scan3A_171 : i32
        %scan3A_173 = arith.constant 1 : i32
        scf.for %scan3A_191 = %scan3A_170 to %scan3A_172 step %scan3A_173  : i32 {
          %mul3A_192 = arith.constant 1 : i32
          %mul3A_193 = arith.muli %scan3A_191, %mul3A_192 : i32
          %add3A_194 = arith.constant 0 : i32
          %add3A_195 = arith.addi %add3A_194, %mul3A_193 : i32
          %mul3A_196 = arith.constant 16 : i32
          %mul3A_197 = arith.muli %add3A_195, %mul3A_196 : i32
          %get3A = arith.index_cast %mul3A_197 : i32 to index
          %get3A_198 = tpu.vector_load %arg12[%get3A] {strides = array<i32>} : memref<80xf32, #tpu.memory_space<vmem>>, vector<16xf32>,
          %max3A = arith.constant 0.000000e+00 : f32
          %max3A_199 = vector.broadcast %max3A : f32 to vector<16xf32>
          %max3A_200 = arith.maximumf %get3A_198, %max3A_199 : vector<16xf32>
          %add3A_201 = arith.constant 1.000000e+00 : f32
          %add3A_202 = vector.broadcast %add3A_201 : f32 to vector<16xf32>
          %add3A_203 = arith.addf %max3A_200, %add3A_202 : vector<16xf32>
          %bitcast_convert_type3A = tpu.bitcast %add3A_203 : vector<16xf32> -> vector<16xi32>
          %shift_right_logical3A = arith.constant 23 : i32
          %shift_right_logical3A_204 = vector.broadcast %shift_right_logical3A : i32 to vector<16xi32>
          %shift_right_logical3A_205 = arith.shrui %bitcast_convert_type3A, %shift_right_logical3A_204 : vector<16xi32>
          %sub3A = arith.constant 127 : i32
          %sub3A_206 = vector.broadcast %sub3A : i32 to vector<16xi32>
          %sub3A_207 = arith.subi %shift_right_logical3A_205, %sub3A_206 : vector<16xi32>
          %and3A = arith.constant 8388607 : i32
          %and3A_208 = vector.broadcast %and3A : i32 to vector<16xi32>
          %and3A_209 = arith.andi %bitcast_convert_type3A, %and3A_208 : vector<16xi32>
          %or3A = arith.constant 1065353216 : i32
          %or3A_210 = vector.broadcast %or3A : i32 to vector<16xi32>
          %or3A_211 = arith.ori %and3A_209, %or3A_210 : vector<16xi32>
          %bitcast_convert_type3A_212 = tpu.bitcast %or3A_211 : vector<16xi32> -> vector<16xf32>
          %gt3A = arith.constant 1.41421354 : f32
          %gt3A_213 = vector.broadcast %gt3A : f32 to vector<16xf32>
          %gt3A_214 = arith.cmpf ogt, %bitcast_convert_type3A_212, %gt3A_213 : vector<16xf32>
          %mul3A_215 = arith.constant 5.000000e-01 : f32
          %mul3A_216 = vector.broadcast %mul3A_215 : f32 to vector<16xf32>
          %mul3A_217 = arith.mulf %bitcast_convert_type3A_212, %mul3A_216 : vector<16xf32>
          %select_n3A = arith.select %gt3A_214, %mul3A_217, %bitcast_convert_type3A_212 : vector<16xi1>, vector<16xf32>
          %convert_element_type3A_218 = arith.extui %gt3A_214 : vector<16xi1> to vector<16xi32>
          %add3A_219 = arith.addi %sub3A_207, %convert_element_type3A_218 : vector<16xi32>
          %convert_element_type3A_220 = arith.sitofp %add3A_219 : vector<16xi32> to vector<16xf32>
          %sub3A_221 = arith.constant 1.000000e+00 : f32
          %sub3A_222 = vector.broadcast %sub3A_221 : f32 to vector<16xf32>
          %sub3A_223 = arith.subf %select_n3A, %sub3A_222 : vector<16xf32>
          %add3A_224 = arith.constant 1.000000e+00 : f32
          %add3A_225 = vector.broadcast %add3A_224 : f32 to vector<16xf32>
          %add3A_226 = arith.addf %select_n3A, %add3A_225 : vector<16xf32>
          %div3A = arith.divf %sub3A_223, %add3A_226 : vector<16xf32>
          %mul3A_227 = arith.mulf %div3A, %div3A : vector<16xf32>
          %mul3A_228 = arith.constant 2.000000e+00 : f32
          %mul3A_229 = vector.broadcast %mul3A_228 : f32 to vector<16xf32>
          %mul3A_230 = arith.mulf %mul3A_229, %div3A : vector<16xf32>
          %mul3A_231 = arith.constant 0.111111112 : f32
          %mul3A_232 = vector.broadcast %mul3A_231 : f32 to vector<16xf32>
          %mul3A_233 = arith.mulf %mul3A_227, %mul3A_232 : vector<16xf32>
          %add3A_234 = arith.constant 0.142857149 : f32
          %add3A_235 = vector.broadcast %add3A_234 : f32 to vector<16xf32>
          %add3A_236 = arith.addf %add3A_235, %mul3A_233 : vector<16xf32>
          %mul3A_237 = arith.mulf %mul3A_227, %add3A_236 : vector<16xf32>
          %add3A_238 = arith.constant 2.000000e-01 : f32
          %add3A_239 = vector.broadcast %add3A_238 : f32 to vector<16xf32>
          %add3A_240 = arith.addf %add3A_239, %mul3A_237 : vector<16xf32>
          %mul3A_241 = arith.mulf %mul3A_227, %add3A_240 : vector<16xf32>
          %add3A_242 = arith.constant 0.333333343 : f32
          %add3A_243 = vector.broadcast %add3A_242 : f32 to vector<16xf32>
          %add3A_244 = arith.addf %add3A_243, %mul3A_241 : vector<16xf32>
          %mul3A_245 = arith.mulf %mul3A_227, %add3A_244 : vector<16xf32>
          %add3A_246 = arith.constant 1.000000e+00 : f32
          %add3A_247 = vector.broadcast %add3A_246 : f32 to vector<16xf32>
          %add3A_248 = arith.addf %add3A_247, %mul3A_245 : vector<16xf32>
          %mul3A_249 = arith.mulf %mul3A_230, %add3A_248 : vector<16xf32>
          %mul3A_250 = arith.constant 0.693147182 : f32
          %mul3A_251 = vector.broadcast %mul3A_250 : f32 to vector<16xf32>
          %mul3A_252 = arith.mulf %convert_element_type3A_220, %mul3A_251 : vector<16xf32>
          %add3A_253 = arith.addf %mul3A_252, %mul3A_249 : vector<16xf32>
          %swap3A = arith.index_cast %mul3A_197 : i32 to index
          %swap3A_254 = tpu.vector_load %arg12[%swap3A] {strides = array<i32>} : memref<80xf32, #tpu.memory_space<vmem>>, vector<16xf32>,
          tpu.vector_store %arg12[%swap3A], %add3A_253 {strides = array<i32>} : memref<80xf32, #tpu.memory_space<vmem>>, vector<16xf32>,
        }
        %scan3A_174 = arith.constant 5 : i32
        %scan3A_175 = arith.constant 0 : i32
        %scan3A_176 = arith.constant 80 : i32
        %scan3A_177 = arith.addi %scan3A_175, %scan3A_176 : i32
        %scan3A_178 = arith.constant 1 : i32
        scf.for %scan3A_191 = %scan3A_175 to %scan3A_177 step %scan3A_178  : i32 {
          %mul3A_192 = arith.constant 1 : i32
          %mul3A_193 = arith.muli %scan3A_191, %mul3A_192 : i32
          %add3A_194 = arith.constant 0 : i32
          %add3A_195 = arith.addi %add3A_194, %mul3A_193 : i32
          %get3A = arith.index_cast %add3A_195 : i32 to index
          %get3A_196 = arith.constant 0 : index
          %get3A_197 = tpu.vector_load %arg13[%get3A, %get3A_196] {strides = array<i32>} : memref<80x64xf32, #tpu.memory_space<vmem>>, vector<16xf32>,
          %swap3A = arith.index_cast %add3A_195 : i32 to index
          %swap3A_198 = arith.constant 0 : index
          %swap3A_199 = tpu.vector_load %arg15[%swap3A, %swap3A_198] {strides = array<i32>} : memref<80x193xf32, #tpu.memory_space<vmem>>, vector<16xf32>,
          tpu.vector_store %arg15[%swap3A, %swap3A_198], %get3A_197 {strides = array<i32>} : memref<80x193xf32, #tpu.memory_space<vmem>>, vector<16xf32>,
          %get3A_200 = arith.index_cast %add3A_195 : i32 to index
          %get3A_201 = arith.constant 16 : index
          %get3A_202 = tpu.vector_load %arg13[%get3A_200, %get3A_201] {strides = array<i32>} : memref<80x64xf32, #tpu.memory_space<vmem>>, vector<16xf32>,
          %swap3A_203 = arith.index_cast %add3A_195 : i32 to index
          %swap3A_204 = arith.constant 16 : index
          %swap3A_205 = tpu.vector_load %arg15[%swap3A_203, %swap3A_204] {strides = array<i32>} : memref<80x193xf32, #tpu.memory_space<vmem>>, vector<16xf32>,
          tpu.vector_store %arg15[%swap3A_203, %swap3A_204], %get3A_202 {strides = array<i32>} : memref<80x193xf32, #tpu.memory_space<vmem>>, vector<16xf32>,
          %get3A_206 = arith.index_cast %add3A_195 : i32 to index
          %get3A_207 = arith.constant 32 : index
          %get3A_208 = tpu.vector_load %arg13[%get3A_206, %get3A_207] {strides = array<i32>} : memref<80x64xf32, #tpu.memory_space<vmem>>, vector<16xf32>,
          %swap3A_209 = arith.index_cast %add3A_195 : i32 to index
          %swap3A_210 = arith.constant 32 : index
          %swap3A_211 = tpu.vector_load %arg15[%swap3A_209, %swap3A_210] {strides = array<i32>} : memref<80x193xf32, #tpu.memory_space<vmem>>, vector<16xf32>,
          tpu.vector_store %arg15[%swap3A_209, %swap3A_210], %get3A_208 {strides = array<i32>} : memref<80x193xf32, #tpu.memory_space<vmem>>, vector<16xf32>,
          %get3A_212 = arith.index_cast %add3A_195 : i32 to index
          %get3A_213 = arith.constant 48 : index
          %get3A_214 = tpu.vector_load %arg13[%get3A_212, %get3A_213] {strides = array<i32>} : memref<80x64xf32, #tpu.memory_space<vmem>>, vector<16xf32>,
          %swap3A_215 = arith.index_cast %add3A_195 : i32 to index
          %swap3A_216 = arith.constant 48 : index
          %swap3A_217 = tpu.vector_load %arg15[%swap3A_215, %swap3A_216] {strides = array<i32>} : memref<80x193xf32, #tpu.memory_space<vmem>>, vector<16xf32>,
          tpu.vector_store %arg15[%swap3A_215, %swap3A_216], %get3A_214 {strides = array<i32>} : memref<80x193xf32, #tpu.memory_space<vmem>>, vector<16xf32>,
          %get3A_218 = arith.index_cast %add3A_195 : i32 to index
          %get3A_219 = arith.constant 0 : index
          %get3A_220 = tpu.vector_load %arg14[%get3A_218, %get3A_219] {strides = array<i32>} : memref<80x128xf32, #tpu.memory_space<vmem>>, vector<16xf32>,
          %swap3A_221 = arith.index_cast %add3A_195 : i32 to index
          %swap3A_222 = arith.constant 64 : index
          %swap3A_223 = tpu.vector_load %arg15[%swap3A_221, %swap3A_222] {strides = array<i32>} : memref<80x193xf32, #tpu.memory_space<vmem>>, vector<16xf32>,
          tpu.vector_store %arg15[%swap3A_221, %swap3A_222], %get3A_220 {strides = array<i32>} : memref<80x193xf32, #tpu.memory_space<vmem>>, vector<16xf32>,
          %get3A_224 = arith.index_cast %add3A_195 : i32 to index
          %get3A_225 = arith.constant 16 : index
          %get3A_226 = tpu.vector_load %arg14[%get3A_224, %get3A_225] {strides = array<i32>} : memref<80x128xf32, #tpu.memory_space<vmem>>, vector<16xf32>,
          %swap3A_227 = arith.index_cast %add3A_195 : i32 to index
          %swap3A_228 = arith.constant 80 : index
          %swap3A_229 = tpu.vector_load %arg15[%swap3A_227, %swap3A_228] {strides = array<i32>} : memref<80x193xf32, #tpu.memory_space<vmem>>, vector<16xf32>,
          tpu.vector_store %arg15[%swap3A_227, %swap3A_228], %get3A_226 {strides = array<i32>} : memref<80x193xf32, #tpu.memory_space<vmem>>, vector<16xf32>,
          %get3A_230 = arith.index_cast %add3A_195 : i32 to index
          %get3A_231 = arith.constant 32 : index
          %get3A_232 = tpu.vector_load %arg14[%get3A_230, %get3A_231] {strides = array<i32>} : memref<80x128xf32, #tpu.memory_space<vmem>>, vector<16xf32>,
          %swap3A_233 = arith.index_cast %add3A_195 : i32 to index
          %swap3A_234 = arith.constant 96 : index
          %swap3A_235 = tpu.vector_load %arg15[%swap3A_233, %swap3A_234] {strides = array<i32>} : memref<80x193xf32, #tpu.memory_space<vmem>>, vector<16xf32>,
          tpu.vector_store %arg15[%swap3A_233, %swap3A_234], %get3A_232 {strides = array<i32>} : memref<80x193xf32, #tpu.memory_space<vmem>>, vector<16xf32>,
          %get3A_236 = arith.index_cast %add3A_195 : i32 to index
          %get3A_237 = arith.constant 48 : index
          %get3A_238 = tpu.vector_load %arg14[%get3A_236, %get3A_237] {strides = array<i32>} : memref<80x128xf32, #tpu.memory_space<vmem>>, vector<16xf32>,
          %swap3A_239 = arith.index_cast %add3A_195 : i32 to index
          %swap3A_240 = arith.constant 112 : index
          %swap3A_241 = tpu.vector_load %arg15[%swap3A_239, %swap3A_240] {strides = array<i32>} : memref<80x193xf32, #tpu.memory_space<vmem>>, vector<16xf32>,
          tpu.vector_store %arg15[%swap3A_239, %swap3A_240], %get3A_238 {strides = array<i32>} : memref<80x193xf32, #tpu.memory_space<vmem>>, vector<16xf32>,
          %get3A_242 = arith.index_cast %add3A_195 : i32 to index
          %get3A_243 = arith.constant 64 : index
          %get3A_244 = tpu.vector_load %arg14[%get3A_242, %get3A_243] {strides = array<i32>} : memref<80x128xf32, #tpu.memory_space<vmem>>, vector<16xf32>,
          %swap3A_245 = arith.index_cast %add3A_195 : i32 to index
          %swap3A_246 = arith.constant 128 : index
          %swap3A_247 = tpu.vector_load %arg15[%swap3A_245, %swap3A_246] {strides = array<i32>} : memref<80x193xf32, #tpu.memory_space<vmem>>, vector<16xf32>,
          tpu.vector_store %arg15[%swap3A_245, %swap3A_246], %get3A_244 {strides = array<i32>} : memref<80x193xf32, #tpu.memory_space<vmem>>, vector<16xf32>,
          %get3A_248 = arith.index_cast %add3A_195 : i32 to index
          %get3A_249 = arith.constant 80 : index
          %get3A_250 = tpu.vector_load %arg14[%get3A_248, %get3A_249] {strides = array<i32>} : memref<80x128xf32, #tpu.memory_space<vmem>>, vector<16xf32>,
          %swap3A_251 = arith.index_cast %add3A_195 : i32 to index
          %swap3A_252 = arith.constant 144 : index
          %swap3A_253 = tpu.vector_load %arg15[%swap3A_251, %swap3A_252] {strides = array<i32>} : memref<80x193xf32, #tpu.memory_space<vmem>>, vector<16xf32>,
          tpu.vector_store %arg15[%swap3A_251, %swap3A_252], %get3A_250 {strides = array<i32>} : memref<80x193xf32, #tpu.memory_space<vmem>>, vector<16xf32>,
          %get3A_254 = arith.index_cast %add3A_195 : i32 to index
          %get3A_255 = arith.constant 96 : index
          %get3A_256 = tpu.vector_load %arg14[%get3A_254, %get3A_255] {strides = array<i32>} : memref<80x128xf32, #tpu.memory_space<vmem>>, vector<16xf32>,
          %swap3A_257 = arith.index_cast %add3A_195 : i32 to index
          %swap3A_258 = arith.constant 160 : index
          %swap3A_259 = tpu.vector_load %arg15[%swap3A_257, %swap3A_258] {strides = array<i32>} : memref<80x193xf32, #tpu.memory_space<vmem>>, vector<16xf32>,
          tpu.vector_store %arg15[%swap3A_257, %swap3A_258], %get3A_256 {strides = array<i32>} : memref<80x193xf32, #tpu.memory_space<vmem>>, vector<16xf32>,
          %get3A_260 = arith.index_cast %add3A_195 : i32 to index
          %get3A_261 = arith.constant 112 : index
          %get3A_262 = tpu.vector_load %arg14[%get3A_260, %get3A_261] {strides = array<i32>} : memref<80x128xf32, #tpu.memory_space<vmem>>, vector<16xf32>,
          %swap3A_263 = arith.index_cast %add3A_195 : i32 to index
          %swap3A_264 = arith.constant 176 : index
          %swap3A_265 = tpu.vector_load %arg15[%swap3A_263, %swap3A_264] {strides = array<i32>} : memref<80x193xf32, #tpu.memory_space<vmem>>, vector<16xf32>,
          tpu.vector_store %arg15[%swap3A_263, %swap3A_264], %get3A_262 {strides = array<i32>} : memref<80x193xf32, #tpu.memory_space<vmem>>, vector<16xf32>,
        }
        %scan3A_179 = arith.constant 80 : i32
        %scan3A_180 = arith.constant 0 : i32
        %scan3A_181 = arith.constant 5 : i32
        %scan3A_182 = arith.addi %scan3A_180, %scan3A_181 : i32
        %scan3A_183 = arith.constant 1 : i32
        scf.for %scan3A_191 = %scan3A_180 to %scan3A_182 step %scan3A_183  : i32 {
          %mul3A_192 = arith.constant 1 : i32
          %mul3A_193 = arith.muli %scan3A_191, %mul3A_192 : i32
          %add3A_194 = arith.constant 0 : i32
          %add3A_195 = arith.addi %add3A_194, %mul3A_193 : i32
          %mul3A_196 = arith.constant 16 : i32
          %mul3A_197 = arith.muli %add3A_195, %mul3A_196 : i32
          %get3A = arith.index_cast %mul3A_197 : i32 to index
          %get3A_198 = tpu.vector_load %arg12[%get3A] {strides = array<i32>} : memref<80xf32, #tpu.memory_space<vmem>>, vector<16xf32>,
          %iota3A = tpu.iota {dimensions = array<i32: 0>} : vector<16xi32>
          %mul3A_199 = arith.constant 16 : i32
          %mul3A_200 = arith.muli %add3A_195, %mul3A_199 : i32
          %add3A_201 = vector.broadcast %mul3A_200 : i32 to vector<16xi32>
          %add3A_202 = arith.addi %iota3A, %add3A_201 : vector<16xi32>
          %broadcast_in_dim3A = arith.constant 192 : i32
          %broadcast_in_dim3A_203 = vector.broadcast %broadcast_in_dim3A : i32 to vector<16xi32>
          tpu.vector_store_idx %arg15[%add3A_202, %broadcast_in_dim3A_203], %get3A_198 : memref<80x193xf32, #tpu.memory_space<vmem>>[vector<16xi32>, vector<16xi32>], vector<16xf32>,
        }
        %scan3A_184 = arith.constant 5 : i32
        %mul3A_185 = arith.constant 80 : i32
        %mul3A_186 = arith.muli %add3A_82, %mul3A_185 : i32
        %dma_start3A_187 = arith.constant 0 : i32
        %dma_start3A_188 = tpu.memref_slice %arg8[%mul3A_186, %dma_start3A_187] : memref<100000x193xf32, #tpu.memory_space<hbm>> -> memref<80x193xf32, #tpu.memory_space<hbm>>
        %dma_start3A_189 = arith.constant 0 : i32
        %dma_start3A_190 = tpu.memref_slice %arg8[%mul3A_186, %dma_start3A_189] : memref<100000x193xf32, #tpu.memory_space<hbm>> -> memref<80x193xf32, #tpu.memory_space<hbm>>
        tpu.enqueue_dma source(%arg15 : memref<80x193xf32, #tpu.memory_space<vmem>>) target(%dma_start3A_190 : memref<80x193xf32, #tpu.memory_space<hbm>>) target_semaphore(%arg18 : memref<!tpu.dma_semaphore, #tpu.memory_space<semaphore_mem>>)
      } else {
      }
      %add3A_99 = arith.constant 1 : i32
      %add3A_100 = arith.addi %mul3A_78, %add3A_99 : i32
      %add3A_101 = arith.constant 1 : i32
      %add3A_102 = arith.addi %mul3A_78, %add3A_101 : i32
      %ge3A_103 = arith.constant 3 : i32
      %ge3A_104 = arith.cmpi sge, %add3A_102, %ge3A_103 : i32
      %mul3A_105 = arith.constant 32 : i32
      %mul3A_106 = arith.muli %add3A_100, %mul3A_105 : i32
      %add3A_107 = arith.addi %add3A, %mul3A_106 : i32
      %add3A_108 = arith.constant 32 : i32
      %add3A_109 = arith.addi %add3A_107, %add3A_108 : i32
      %add3A_110 = arith.constant 64 : i32
      %add3A_111 = arith.addi %add3A_107, %add3A_110 : i32
      %lt3A_112 = arith.constant 1250 : i32
      %lt3A_113 = arith.cmpi slt, %add3A_111, %lt3A_112 : i32
      %convert_element_type3A_114 = arith.extui %lt3A_113 : i1 to i32
      %cond3A_115 = arith.constant 0 : i32
      %cond3A_116 = arith.cmpi ne, %convert_element_type3A_114, %cond3A_115 : i32
      scf.if %cond3A_116 {
        %mul3A_155 = arith.constant 80 : i32
        %mul3A_156 = arith.muli %add3A_111, %mul3A_155 : i32
        %dma_start3A_157 = tpu.memref_slice %arg2[%mul3A_156] : memref<100000xi32, #tpu.memory_space<hbm>> -> memref<80xi32, #tpu.memory_space<hbm>>
        %dma_start3A_158 = tpu.memref_slice %arg2[%mul3A_156] : memref<100000xi32, #tpu.memory_space<hbm>> -> memref<80xi32, #tpu.memory_space<hbm>>
        tpu.enqueue_dma source(%dma_start3A_158 : memref<80xi32, #tpu.memory_space<hbm>>) target(%arg9 : memref<80xi32, #tpu.memory_space<vmem>>) target_semaphore(%arg16 : memref<!tpu.dma_semaphore, #tpu.memory_space<semaphore_mem>>)
        %dma_start3A_159 = tpu.memref_slice %arg3[%mul3A_156] : memref<100000xi32, #tpu.memory_space<hbm>> -> memref<80xi32, #tpu.memory_space<hbm>>
        %dma_start3A_160 = tpu.memref_slice %arg3[%mul3A_156] : memref<100000xi32, #tpu.memory_space<hbm>> -> memref<80xi32, #tpu.memory_space<hbm>>
        tpu.enqueue_dma source(%dma_start3A_160 : memref<80xi32, #tpu.memory_space<hbm>>) target(%arg10 : memref<80xi32, #tpu.memory_space<vmem>>) target_semaphore(%arg16 : memref<!tpu.dma_semaphore, #tpu.memory_space<semaphore_mem>>)
        %dma_start3A_161 = tpu.memref_slice %arg4[%mul3A_156] : memref<100000xi32, #tpu.memory_space<hbm>> -> memref<80xi32, #tpu.memory_space<hbm>>
        %dma_start3A_162 = tpu.memref_slice %arg4[%mul3A_156] : memref<100000xi32, #tpu.memory_space<hbm>> -> memref<80xi32, #tpu.memory_space<hbm>>
        tpu.enqueue_dma source(%dma_start3A_162 : memref<80xi32, #tpu.memory_space<hbm>>) target(%arg11 : memref<80xi32, #tpu.memory_space<vmem>>) target_semaphore(%arg16 : memref<!tpu.dma_semaphore, #tpu.memory_space<semaphore_mem>>)
        %dma_start3A_163 = tpu.memref_slice %arg5[%mul3A_156] : memref<100000xf32, #tpu.memory_space<hbm>> -> memref<80xf32, #tpu.memory_space<hbm>>
        %dma_start3A_164 = tpu.memref_slice %arg5[%mul3A_156] : memref<100000xf32, #tpu.memory_space<hbm>> -> memref<80xf32, #tpu.memory_space<hbm>>
        tpu.enqueue_dma source(%dma_start3A_164 : memref<80xf32, #tpu.memory_space<hbm>>) target(%arg12 : memref<80xf32, #tpu.memory_space<vmem>>) target_semaphore(%arg16 : memref<!tpu.dma_semaphore, #tpu.memory_space<semaphore_mem>>)
      } else {
      }
      %lt3A_117 = arith.constant 1250 : i32
      %lt3A_118 = arith.cmpi slt, %add3A_109, %lt3A_117 : i32
      %convert_element_type3A_119 = arith.extui %lt3A_118 : i1 to i32
      %cond3A_120 = arith.constant 0 : i32
      %cond3A_121 = arith.cmpi ne, %convert_element_type3A_119, %cond3A_120 : i32
      scf.if %cond3A_121 {
        %dma_wait3A_155 = arith.constant 0 : i32
        %dma_wait3A_156 = tpu.memref_slice %arg2[%dma_wait3A_155] : memref<100000xi32, #tpu.memory_space<hbm>> -> memref<80xi32, #tpu.memory_space<hbm>>
        %dma_wait3A_157 = arith.constant 0 : i32
        %dma_wait3A_158 = tpu.memref_slice %arg2[%dma_wait3A_157] : memref<100000xi32, #tpu.memory_space<hbm>> -> memref<80xi32, #tpu.memory_space<hbm>>
        tpu.wait_dma2 semaphore(%arg36 : memref<!tpu.dma_semaphore, #tpu.memory_space<semaphore_mem>>) src(%dma_wait3A_158 : memref<80xi32, #tpu.memory_space<hbm>>) dst(%arg29 : memref<80xi32, #tpu.memory_space<vmem>>)
        %dma_wait3A_159 = arith.constant 0 : i32
        %dma_wait3A_160 = tpu.memref_slice %arg3[%dma_wait3A_159] : memref<100000xi32, #tpu.memory_space<hbm>> -> memref<80xi32, #tpu.memory_space<hbm>>
        %dma_wait3A_161 = arith.constant 0 : i32
        %dma_wait3A_162 = tpu.memref_slice %arg3[%dma_wait3A_161] : memref<100000xi32, #tpu.memory_space<hbm>> -> memref<80xi32, #tpu.memory_space<hbm>>
        tpu.wait_dma2 semaphore(%arg36 : memref<!tpu.dma_semaphore, #tpu.memory_space<semaphore_mem>>) src(%dma_wait3A_162 : memref<80xi32, #tpu.memory_space<hbm>>) dst(%arg30 : memref<80xi32, #tpu.memory_space<vmem>>)
        %dma_wait3A_163 = arith.constant 0 : i32
        %dma_wait3A_164 = tpu.memref_slice %arg4[%dma_wait3A_163] : memref<100000xi32, #tpu.memory_space<hbm>> -> memref<80xi32, #tpu.memory_space<hbm>>
        %dma_wait3A_165 = arith.constant 0 : i32
        %dma_wait3A_166 = tpu.memref_slice %arg4[%dma_wait3A_165] : memref<100000xi32, #tpu.memory_space<hbm>> -> memref<80xi32, #tpu.memory_space<hbm>>
        tpu.wait_dma2 semaphore(%arg36 : memref<!tpu.dma_semaphore, #tpu.memory_space<semaphore_mem>>) src(%dma_wait3A_166 : memref<80xi32, #tpu.memory_space<hbm>>) dst(%arg31 : memref<80xi32, #tpu.memory_space<vmem>>)
        %dma_wait3A_167 = arith.constant 0 : i32
        %dma_wait3A_168 = tpu.memref_slice %arg5[%dma_wait3A_167] : memref<100000xf32, #tpu.memory_space<hbm>> -> memref<80xf32, #tpu.memory_space<hbm>>
        %dma_wait3A_169 = arith.constant 0 : i32
        %dma_wait3A_170 = tpu.memref_slice %arg5[%dma_wait3A_169] : memref<100000xf32, #tpu.memory_space<hbm>> -> memref<80xf32, #tpu.memory_space<hbm>>
        tpu.wait_dma2 semaphore(%arg36 : memref<!tpu.dma_semaphore, #tpu.memory_space<semaphore_mem>>) src(%dma_wait3A_170 : memref<80xf32, #tpu.memory_space<hbm>>) dst(%arg32 : memref<80xf32, #tpu.memory_space<vmem>>)
        %scan3A_171 = arith.constant 0 : i32
        %scan3A_172 = arith.constant 5 : i32
        %scan3A_173 = arith.addi %scan3A_171, %scan3A_172 : i32
        %scan3A_174 = arith.constant 1 : i32
        scf.for %scan3A_184 = %scan3A_171 to %scan3A_173 step %scan3A_174  : i32 {
          %mul3A_185 = arith.constant 1 : i32
          %mul3A_186 = arith.muli %scan3A_184, %mul3A_185 : i32
          %add3A_187 = arith.constant 0 : i32
          %add3A_188 = arith.addi %add3A_187, %mul3A_186 : i32
          %mul3A_189 = arith.constant 16 : i32
          %mul3A_190 = arith.muli %add3A_188, %mul3A_189 : i32
          %get3A = arith.index_cast %mul3A_190 : i32 to index
          %get3A_191 = tpu.vector_load %arg30[%get3A] {strides = array<i32>} : memref<80xi32, #tpu.memory_space<vmem>>, vector<16xi32>,
          %mul3A_192 = arith.constant 16 : i32
          %mul3A_193 = vector.broadcast %mul3A_192 : i32 to vector<16xi32>
          %mul3A_194 = arith.muli %get3A_191, %mul3A_193 : vector<16xi32>
          %get3A_195 = arith.index_cast %mul3A_190 : i32 to index
          %get3A_196 = tpu.vector_load %arg31[%get3A_195] {strides = array<i32>} : memref<80xi32, #tpu.memory_space<vmem>>, vector<16xi32>,
          %add3A_197 = arith.addi %mul3A_194, %get3A_196 : vector<16xi32>
          %swap3A = arith.index_cast %mul3A_190 : i32 to index
          %swap3A_198 = tpu.vector_load %arg31[%swap3A] {strides = array<i32>} : memref<80xi32, #tpu.memory_space<vmem>>, vector<16xi32>,
          tpu.vector_store %arg31[%swap3A], %add3A_197 {strides = array<i32>} : memref<80xi32, #tpu.memory_space<vmem>>, vector<16xi32>,
        }
        %scan3A_175 = arith.constant 5 : i32
        %dma_start3A_176 = arith.constant 0 : i32
        %dma_start3A_177 = arith.constant 0 : i32
        %dma_start3A_178 = tpu.memref_slice %arg7[%dma_start3A_176, %dma_start3A_177] : memref<16000x128xf32, #tpu.memory_space<hbm>> -> memref<16000x128xf32, #tpu.memory_space<hbm>>
        tpu.enqueue_indirect_dma source(%dma_start3A_178 : memref<16000x128xf32, #tpu.memory_space<hbm>>) target(%arg34 : memref<80x128xf32, #tpu.memory_space<vmem>>) offsets(%arg31 : memref<80xi32, #tpu.memory_space<vmem>>) semaphore(%arg37 : memref<!tpu.dma_semaphore, #tpu.memory_space<semaphore_mem>>)
        %scan3A_179 = arith.constant 0 : i32
        %scan3A_180 = arith.constant 5 : i32
        %scan3A_181 = arith.addi %scan3A_179, %scan3A_180 : i32
        %scan3A_182 = arith.constant 1 : i32
        scf.for %scan3A_184 = %scan3A_179 to %scan3A_181 step %scan3A_182  : i32 {
          %mul3A_185 = arith.constant 1 : i32
          %mul3A_186 = arith.muli %scan3A_184, %mul3A_185 : i32
          %add3A_187 = arith.constant 0 : i32
          %add3A_188 = arith.addi %add3A_187, %mul3A_186 : i32
          %mul3A_189 = arith.constant 16 : i32
          %mul3A_190 = arith.muli %add3A_188, %mul3A_189 : i32
          %get3A = arith.index_cast %mul3A_190 : i32 to index
          %get3A_191 = tpu.vector_load %arg29[%get3A] {strides = array<i32>} : memref<80xi32, #tpu.memory_space<vmem>>, vector<16xi32>,
          %slice3A = vector.extract_strided_slice %get3A_191 {offsets = [0], sizes = [1], strides = [1]} : vector<16xi32> to vector<1xi32>
          %squeeze3A = vector.extract %slice3A[0] : i32 from vector<1xi32>
          %mul3A_192 = arith.constant 16 : i32
          %mul3A_193 = arith.muli %add3A_188, %mul3A_192 : i32
          %add3A_194 = arith.constant 0 : i32
          %add3A_195 = arith.addi %mul3A_193, %add3A_194 : i32
          %dma_start3A_196 = arith.constant 0 : i32
          %dma_start3A_197 = tpu.memref_slice %arg33[%add3A_195, %dma_start3A_196] : memref<80x64xf32, #tpu.memory_space<vmem>> -> memref<1x64xf32, #tpu.memory_space<vmem>>
          %dma_start3A_198 = arith.constant 0 : i32
          %dma_start3A_199 = tpu.memref_slice %arg6[%squeeze3A, %dma_start3A_198] : memref<1000000x64xf32, #tpu.memory_space<hbm>> -> memref<1x64xf32, #tpu.memory_space<hbm>>
          %dma_start3A_200 = arith.constant 0 : i32
          %dma_start3A_201 = tpu.memref_slice %arg33[%add3A_195, %dma_start3A_200] : memref<80x64xf32, #tpu.memory_space<vmem>> -> memref<1x64xf32, #tpu.memory_space<vmem>>
          %dma_start3A_202 = arith.constant 0 : i32
          %dma_start3A_203 = tpu.memref_slice %arg6[%squeeze3A, %dma_start3A_202] : memref<1000000x64xf32, #tpu.memory_space<hbm>> -> memref<1x64xf32, #tpu.memory_space<hbm>>
          tpu.enqueue_dma source(%dma_start3A_203 : memref<1x64xf32, #tpu.memory_space<hbm>>) target(%dma_start3A_201 : memref<1x64xf32, #tpu.memory_space<vmem>>) target_semaphore(%arg37 : memref<!tpu.dma_semaphore, #tpu.memory_space<semaphore_mem>>)
          %slice3A_204 = vector.extract_strided_slice %get3A_191 {offsets = [1], sizes = [1], strides = [1]} : vector<16xi32> to vector<1xi32>
          %squeeze3A_205 = vector.extract %slice3A_204[0] : i32 from vector<1xi32>
          %mul3A_206 = arith.constant 16 : i32
          %mul3A_207 = arith.muli %add3A_188, %mul3A_206 : i32
          %add3A_208 = arith.constant 1 : i32
          %add3A_209 = arith.addi %mul3A_207, %add3A_208 : i32
          %dma_start3A_210 = arith.constant 0 : i32
          %dma_start3A_211 = tpu.memref_slice %arg33[%add3A_209, %dma_start3A_210] : memref<80x64xf32, #tpu.memory_space<vmem>> -> memref<1x64xf32, #tpu.memory_space<vmem>>
          %dma_start3A_212 = arith.constant 0 : i32
          %dma_start3A_213 = tpu.memref_slice %arg6[%squeeze3A_205, %dma_start3A_212] : memref<1000000x64xf32, #tpu.memory_space<hbm>> -> memref<1x64xf32, #tpu.memory_space<hbm>>
          %dma_start3A_214 = arith.constant 0 : i32
          %dma_start3A_215 = tpu.memref_slice %arg33[%add3A_209, %dma_start3A_214] : memref<80x64xf32, #tpu.memory_space<vmem>> -> memref<1x64xf32, #tpu.memory_space<vmem>>
          %dma_start3A_216 = arith.constant 0 : i32
          %dma_start3A_217 = tpu.memref_slice %arg6[%squeeze3A_205, %dma_start3A_216] : memref<1000000x64xf32, #tpu.memory_space<hbm>> -> memref<1x64xf32, #tpu.memory_space<hbm>>
          tpu.enqueue_dma source(%dma_start3A_217 : memref<1x64xf32, #tpu.memory_space<hbm>>) target(%dma_start3A_215 : memref<1x64xf32, #tpu.memory_space<vmem>>) target_semaphore(%arg37 : memref<!tpu.dma_semaphore, #tpu.memory_space<semaphore_mem>>)
          %slice3A_218 = vector.extract_strided_slice %get3A_191 {offsets = [2], sizes = [1], strides = [1]} : vector<16xi32> to vector<1xi32>
          %squeeze3A_219 = vector.extract %slice3A_218[0] : i32 from vector<1xi32>
          %mul3A_220 = arith.constant 16 : i32
          %mul3A_221 = arith.muli %add3A_188, %mul3A_220 : i32
          %add3A_222 = arith.constant 2 : i32
          %add3A_223 = arith.addi %mul3A_221, %add3A_222 : i32
          %dma_start3A_224 = arith.constant 0 : i32
          %dma_start3A_225 = tpu.memref_slice %arg33[%add3A_223, %dma_start3A_224] : memref<80x64xf32, #tpu.memory_space<vmem>> -> memref<1x64xf32, #tpu.memory_space<vmem>>
          %dma_start3A_226 = arith.constant 0 : i32
          %dma_start3A_227 = tpu.memref_slice %arg6[%squeeze3A_219, %dma_start3A_226] : memref<1000000x64xf32, #tpu.memory_space<hbm>> -> memref<1x64xf32, #tpu.memory_space<hbm>>
          %dma_start3A_228 = arith.constant 0 : i32
          %dma_start3A_229 = tpu.memref_slice %arg33[%add3A_223, %dma_start3A_228] : memref<80x64xf32, #tpu.memory_space<vmem>> -> memref<1x64xf32, #tpu.memory_space<vmem>>
          %dma_start3A_230 = arith.constant 0 : i32
          %dma_start3A_231 = tpu.memref_slice %arg6[%squeeze3A_219, %dma_start3A_230] : memref<1000000x64xf32, #tpu.memory_space<hbm>> -> memref<1x64xf32, #tpu.memory_space<hbm>>
          tpu.enqueue_dma source(%dma_start3A_231 : memref<1x64xf32, #tpu.memory_space<hbm>>) target(%dma_start3A_229 : memref<1x64xf32, #tpu.memory_space<vmem>>) target_semaphore(%arg37 : memref<!tpu.dma_semaphore, #tpu.memory_space<semaphore_mem>>)
          %slice3A_232 = vector.extract_strided_slice %get3A_191 {offsets = [3], sizes = [1], strides = [1]} : vector<16xi32> to vector<1xi32>
          %squeeze3A_233 = vector.extract %slice3A_232[0] : i32 from vector<1xi32>
          %mul3A_234 = arith.constant 16 : i32
          %mul3A_235 = arith.muli %add3A_188, %mul3A_234 : i32
          %add3A_236 = arith.constant 3 : i32
          %add3A_237 = arith.addi %mul3A_235, %add3A_236 : i32
          %dma_start3A_238 = arith.constant 0 : i32
          %dma_start3A_239 = tpu.memref_slice %arg33[%add3A_237, %dma_start3A_238] : memref<80x64xf32, #tpu.memory_space<vmem>> -> memref<1x64xf32, #tpu.memory_space<vmem>>
          %dma_start3A_240 = arith.constant 0 : i32
          %dma_start3A_241 = tpu.memref_slice %arg6[%squeeze3A_233, %dma_start3A_240] : memref<1000000x64xf32, #tpu.memory_space<hbm>> -> memref<1x64xf32, #tpu.memory_space<hbm>>
          %dma_start3A_242 = arith.constant 0 : i32
          %dma_start3A_243 = tpu.memref_slice %arg33[%add3A_237, %dma_start3A_242] : memref<80x64xf32, #tpu.memory_space<vmem>> -> memref<1x64xf32, #tpu.memory_space<vmem>>
          %dma_start3A_244 = arith.constant 0 : i32
          %dma_start3A_245 = tpu.memref_slice %arg6[%squeeze3A_233, %dma_start3A_244] : memref<1000000x64xf32, #tpu.memory_space<hbm>> -> memref<1x64xf32, #tpu.memory_space<hbm>>
          tpu.enqueue_dma source(%dma_start3A_245 : memref<1x64xf32, #tpu.memory_space<hbm>>) target(%dma_start3A_243 : memref<1x64xf32, #tpu.memory_space<vmem>>) target_semaphore(%arg37 : memref<!tpu.dma_semaphore, #tpu.memory_space<semaphore_mem>>)
          %slice3A_246 = vector.extract_strided_slice %get3A_191 {offsets = [4], sizes = [1], strides = [1]} : vector<16xi32> to vector<1xi32>
          %squeeze3A_247 = vector.extract %slice3A_246[0] : i32 from vector<1xi32>
          %mul3A_248 = arith.constant 16 : i32
          %mul3A_249 = arith.muli %add3A_188, %mul3A_248 : i32
          %add3A_250 = arith.constant 4 : i32
          %add3A_251 = arith.addi %mul3A_249, %add3A_250 : i32
          %dma_start3A_252 = arith.constant 0 : i32
          %dma_start3A_253 = tpu.memref_slice %arg33[%add3A_251, %dma_start3A_252] : memref<80x64xf32, #tpu.memory_space<vmem>> -> memref<1x64xf32, #tpu.memory_space<vmem>>
          %dma_start3A_254 = arith.constant 0 : i32
          %dma_start3A_255 = tpu.memref_slice %arg6[%squeeze3A_247, %dma_start3A_254] : memref<1000000x64xf32, #tpu.memory_space<hbm>> -> memref<1x64xf32, #tpu.memory_space<hbm>>
          %dma_start3A_256 = arith.constant 0 : i32
          %dma_start3A_257 = tpu.memref_slice %arg33[%add3A_251, %dma_start3A_256] : memref<80x64xf32, #tpu.memory_space<vmem>> -> memref<1x64xf32, #tpu.memory_space<vmem>>
          %dma_start3A_258 = arith.constant 0 : i32
          %dma_start3A_259 = tpu.memref_slice %arg6[%squeeze3A_247, %dma_start3A_258] : memref<1000000x64xf32, #tpu.memory_space<hbm>> -> memref<1x64xf32, #tpu.memory_space<hbm>>
          tpu.enqueue_dma source(%dma_start3A_259 : memref<1x64xf32, #tpu.memory_space<hbm>>) target(%dma_start3A_257 : memref<1x64xf32, #tpu.memory_space<vmem>>) target_semaphore(%arg37 : memref<!tpu.dma_semaphore, #tpu.memory_space<semaphore_mem>>)
          %slice3A_260 = vector.extract_strided_slice %get3A_191 {offsets = [5], sizes = [1], strides = [1]} : vector<16xi32> to vector<1xi32>
          %squeeze3A_261 = vector.extract %slice3A_260[0] : i32 from vector<1xi32>
          %mul3A_262 = arith.constant 16 : i32
          %mul3A_263 = arith.muli %add3A_188, %mul3A_262 : i32
          %add3A_264 = arith.constant 5 : i32
          %add3A_265 = arith.addi %mul3A_263, %add3A_264 : i32
          %dma_start3A_266 = arith.constant 0 : i32
          %dma_start3A_267 = tpu.memref_slice %arg33[%add3A_265, %dma_start3A_266] : memref<80x64xf32, #tpu.memory_space<vmem>> -> memref<1x64xf32, #tpu.memory_space<vmem>>
          %dma_start3A_268 = arith.constant 0 : i32
          %dma_start3A_269 = tpu.memref_slice %arg6[%squeeze3A_261, %dma_start3A_268] : memref<1000000x64xf32, #tpu.memory_space<hbm>> -> memref<1x64xf32, #tpu.memory_space<hbm>>
          %dma_start3A_270 = arith.constant 0 : i32
          %dma_start3A_271 = tpu.memref_slice %arg33[%add3A_265, %dma_start3A_270] : memref<80x64xf32, #tpu.memory_space<vmem>> -> memref<1x64xf32, #tpu.memory_space<vmem>>
          %dma_start3A_272 = arith.constant 0 : i32
          %dma_start3A_273 = tpu.memref_slice %arg6[%squeeze3A_261, %dma_start3A_272] : memref<1000000x64xf32, #tpu.memory_space<hbm>> -> memref<1x64xf32, #tpu.memory_space<hbm>>
          tpu.enqueue_dma source(%dma_start3A_273 : memref<1x64xf32, #tpu.memory_space<hbm>>) target(%dma_start3A_271 : memref<1x64xf32, #tpu.memory_space<vmem>>) target_semaphore(%arg37 : memref<!tpu.dma_semaphore, #tpu.memory_space<semaphore_mem>>)
          %slice3A_274 = vector.extract_strided_slice %get3A_191 {offsets = [6], sizes = [1], strides = [1]} : vector<16xi32> to vector<1xi32>
          %squeeze3A_275 = vector.extract %slice3A_274[0] : i32 from vector<1xi32>
          %mul3A_276 = arith.constant 16 : i32
          %mul3A_277 = arith.muli %add3A_188, %mul3A_276 : i32
          %add3A_278 = arith.constant 6 : i32
          %add3A_279 = arith.addi %mul3A_277, %add3A_278 : i32
          %dma_start3A_280 = arith.constant 0 : i32
          %dma_start3A_281 = tpu.memref_slice %arg33[%add3A_279, %dma_start3A_280] : memref<80x64xf32, #tpu.memory_space<vmem>> -> memref<1x64xf32, #tpu.memory_space<vmem>>
          %dma_start3A_282 = arith.constant 0 : i32
          %dma_start3A_283 = tpu.memref_slice %arg6[%squeeze3A_275, %dma_start3A_282] : memref<1000000x64xf32, #tpu.memory_space<hbm>> -> memref<1x64xf32, #tpu.memory_space<hbm>>
          %dma_start3A_284 = arith.constant 0 : i32
          %dma_start3A_285 = tpu.memref_slice %arg33[%add3A_279, %dma_start3A_284] : memref<80x64xf32, #tpu.memory_space<vmem>> -> memref<1x64xf32, #tpu.memory_space<vmem>>
          %dma_start3A_286 = arith.constant 0 : i32
          %dma_start3A_287 = tpu.memref_slice %arg6[%squeeze3A_275, %dma_start3A_286] : memref<1000000x64xf32, #tpu.memory_space<hbm>> -> memref<1x64xf32, #tpu.memory_space<hbm>>
          tpu.enqueue_dma source(%dma_start3A_287 : memref<1x64xf32, #tpu.memory_space<hbm>>) target(%dma_start3A_285 : memref<1x64xf32, #tpu.memory_space<vmem>>) target_semaphore(%arg37 : memref<!tpu.dma_semaphore, #tpu.memory_space<semaphore_mem>>)
          %slice3A_288 = vector.extract_strided_slice %get3A_191 {offsets = [7], sizes = [1], strides = [1]} : vector<16xi32> to vector<1xi32>
          %squeeze3A_289 = vector.extract %slice3A_288[0] : i32 from vector<1xi32>
          %mul3A_290 = arith.constant 16 : i32
          %mul3A_291 = arith.muli %add3A_188, %mul3A_290 : i32
          %add3A_292 = arith.constant 7 : i32
          %add3A_293 = arith.addi %mul3A_291, %add3A_292 : i32
          %dma_start3A_294 = arith.constant 0 : i32
          %dma_start3A_295 = tpu.memref_slice %arg33[%add3A_293, %dma_start3A_294] : memref<80x64xf32, #tpu.memory_space<vmem>> -> memref<1x64xf32, #tpu.memory_space<vmem>>
          %dma_start3A_296 = arith.constant 0 : i32
          %dma_start3A_297 = tpu.memref_slice %arg6[%squeeze3A_289, %dma_start3A_296] : memref<1000000x64xf32, #tpu.memory_space<hbm>> -> memref<1x64xf32, #tpu.memory_space<hbm>>
          %dma_start3A_298 = arith.constant 0 : i32
          %dma_start3A_299 = tpu.memref_slice %arg33[%add3A_293, %dma_start3A_298] : memref<80x64xf32, #tpu.memory_space<vmem>> -> memref<1x64xf32, #tpu.memory_space<vmem>>
          %dma_start3A_300 = arith.constant 0 : i32
          %dma_start3A_301 = tpu.memref_slice %arg6[%squeeze3A_289, %dma_start3A_300] : memref<1000000x64xf32, #tpu.memory_space<hbm>> -> memref<1x64xf32, #tpu.memory_space<hbm>>
          tpu.enqueue_dma source(%dma_start3A_301 : memref<1x64xf32, #tpu.memory_space<hbm>>) target(%dma_start3A_299 : memref<1x64xf32, #tpu.memory_space<vmem>>) target_semaphore(%arg37 : memref<!tpu.dma_semaphore, #tpu.memory_space<semaphore_mem>>)
          %slice3A_302 = vector.extract_strided_slice %get3A_191 {offsets = [8], sizes = [1], strides = [1]} : vector<16xi32> to vector<1xi32>
          %squeeze3A_303 = vector.extract %slice3A_302[0] : i32 from vector<1xi32>
          %mul3A_304 = arith.constant 16 : i32
          %mul3A_305 = arith.muli %add3A_188, %mul3A_304 : i32
          %add3A_306 = arith.constant 8 : i32
          %add3A_307 = arith.addi %mul3A_305, %add3A_306 : i32
          %dma_start3A_308 = arith.constant 0 : i32
          %dma_start3A_309 = tpu.memref_slice %arg33[%add3A_307, %dma_start3A_308] : memref<80x64xf32, #tpu.memory_space<vmem>> -> memref<1x64xf32, #tpu.memory_space<vmem>>
          %dma_start3A_310 = arith.constant 0 : i32
          %dma_start3A_311 = tpu.memref_slice %arg6[%squeeze3A_303, %dma_start3A_310] : memref<1000000x64xf32, #tpu.memory_space<hbm>> -> memref<1x64xf32, #tpu.memory_space<hbm>>
          %dma_start3A_312 = arith.constant 0 : i32
          %dma_start3A_313 = tpu.memref_slice %arg33[%add3A_307, %dma_start3A_312] : memref<80x64xf32, #tpu.memory_space<vmem>> -> memref<1x64xf32, #tpu.memory_space<vmem>>
          %dma_start3A_314 = arith.constant 0 : i32
          %dma_start3A_315 = tpu.memref_slice %arg6[%squeeze3A_303, %dma_start3A_314] : memref<1000000x64xf32, #tpu.memory_space<hbm>> -> memref<1x64xf32, #tpu.memory_space<hbm>>
          tpu.enqueue_dma source(%dma_start3A_315 : memref<1x64xf32, #tpu.memory_space<hbm>>) target(%dma_start3A_313 : memref<1x64xf32, #tpu.memory_space<vmem>>) target_semaphore(%arg37 : memref<!tpu.dma_semaphore, #tpu.memory_space<semaphore_mem>>)
          %slice3A_316 = vector.extract_strided_slice %get3A_191 {offsets = [9], sizes = [1], strides = [1]} : vector<16xi32> to vector<1xi32>
          %squeeze3A_317 = vector.extract %slice3A_316[0] : i32 from vector<1xi32>
          %mul3A_318 = arith.constant 16 : i32
          %mul3A_319 = arith.muli %add3A_188, %mul3A_318 : i32
          %add3A_320 = arith.constant 9 : i32
          %add3A_321 = arith.addi %mul3A_319, %add3A_320 : i32
          %dma_start3A_322 = arith.constant 0 : i32
          %dma_start3A_323 = tpu.memref_slice %arg33[%add3A_321, %dma_start3A_322] : memref<80x64xf32, #tpu.memory_space<vmem>> -> memref<1x64xf32, #tpu.memory_space<vmem>>
          %dma_start3A_324 = arith.constant 0 : i32
          %dma_start3A_325 = tpu.memref_slice %arg6[%squeeze3A_317, %dma_start3A_324] : memref<1000000x64xf32, #tpu.memory_space<hbm>> -> memref<1x64xf32, #tpu.memory_space<hbm>>
          %dma_start3A_326 = arith.constant 0 : i32
          %dma_start3A_327 = tpu.memref_slice %arg33[%add3A_321, %dma_start3A_326] : memref<80x64xf32, #tpu.memory_space<vmem>> -> memref<1x64xf32, #tpu.memory_space<vmem>>
          %dma_start3A_328 = arith.constant 0 : i32
          %dma_start3A_329 = tpu.memref_slice %arg6[%squeeze3A_317, %dma_start3A_328] : memref<1000000x64xf32, #tpu.memory_space<hbm>> -> memref<1x64xf32, #tpu.memory_space<hbm>>
          tpu.enqueue_dma source(%dma_start3A_329 : memref<1x64xf32, #tpu.memory_space<hbm>>) target(%dma_start3A_327 : memref<1x64xf32, #tpu.memory_space<vmem>>) target_semaphore(%arg37 : memref<!tpu.dma_semaphore, #tpu.memory_space<semaphore_mem>>)
          %slice3A_330 = vector.extract_strided_slice %get3A_191 {offsets = [10], sizes = [1], strides = [1]} : vector<16xi32> to vector<1xi32>
          %squeeze3A_331 = vector.extract %slice3A_330[0] : i32 from vector<1xi32>
          %mul3A_332 = arith.constant 16 : i32
          %mul3A_333 = arith.muli %add3A_188, %mul3A_332 : i32
          %add3A_334 = arith.constant 10 : i32
          %add3A_335 = arith.addi %mul3A_333, %add3A_334 : i32
          %dma_start3A_336 = arith.constant 0 : i32
          %dma_start3A_337 = tpu.memref_slice %arg33[%add3A_335, %dma_start3A_336] : memref<80x64xf32, #tpu.memory_space<vmem>> -> memref<1x64xf32, #tpu.memory_space<vmem>>
          %dma_start3A_338 = arith.constant 0 : i32
          %dma_start3A_339 = tpu.memref_slice %arg6[%squeeze3A_331, %dma_start3A_338] : memref<1000000x64xf32, #tpu.memory_space<hbm>> -> memref<1x64xf32, #tpu.memory_space<hbm>>
          %dma_start3A_340 = arith.constant 0 : i32
          %dma_start3A_341 = tpu.memref_slice %arg33[%add3A_335, %dma_start3A_340] : memref<80x64xf32, #tpu.memory_space<vmem>> -> memref<1x64xf32, #tpu.memory_space<vmem>>
          %dma_start3A_342 = arith.constant 0 : i32
          %dma_start3A_343 = tpu.memref_slice %arg6[%squeeze3A_331, %dma_start3A_342] : memref<1000000x64xf32, #tpu.memory_space<hbm>> -> memref<1x64xf32, #tpu.memory_space<hbm>>
          tpu.enqueue_dma source(%dma_start3A_343 : memref<1x64xf32, #tpu.memory_space<hbm>>) target(%dma_start3A_341 : memref<1x64xf32, #tpu.memory_space<vmem>>) target_semaphore(%arg37 : memref<!tpu.dma_semaphore, #tpu.memory_space<semaphore_mem>>)
          %slice3A_344 = vector.extract_strided_slice %get3A_191 {offsets = [11], sizes = [1], strides = [1]} : vector<16xi32> to vector<1xi32>
          %squeeze3A_345 = vector.extract %slice3A_344[0] : i32 from vector<1xi32>
          %mul3A_346 = arith.constant 16 : i32
          %mul3A_347 = arith.muli %add3A_188, %mul3A_346 : i32
          %add3A_348 = arith.constant 11 : i32
          %add3A_349 = arith.addi %mul3A_347, %add3A_348 : i32
          %dma_start3A_350 = arith.constant 0 : i32
          %dma_start3A_351 = tpu.memref_slice %arg33[%add3A_349, %dma_start3A_350] : memref<80x64xf32, #tpu.memory_space<vmem>> -> memref<1x64xf32, #tpu.memory_space<vmem>>
          %dma_start3A_352 = arith.constant 0 : i32
          %dma_start3A_353 = tpu.memref_slice %arg6[%squeeze3A_345, %dma_start3A_352] : memref<1000000x64xf32, #tpu.memory_space<hbm>> -> memref<1x64xf32, #tpu.memory_space<hbm>>
          %dma_start3A_354 = arith.constant 0 : i32
          %dma_start3A_355 = tpu.memref_slice %arg33[%add3A_349, %dma_start3A_354] : memref<80x64xf32, #tpu.memory_space<vmem>> -> memref<1x64xf32, #tpu.memory_space<vmem>>
          %dma_start3A_356 = arith.constant 0 : i32
          %dma_start3A_357 = tpu.memref_slice %arg6[%squeeze3A_345, %dma_start3A_356] : memref<1000000x64xf32, #tpu.memory_space<hbm>> -> memref<1x64xf32, #tpu.memory_space<hbm>>
          tpu.enqueue_dma source(%dma_start3A_357 : memref<1x64xf32, #tpu.memory_space<hbm>>) target(%dma_start3A_355 : memref<1x64xf32, #tpu.memory_space<vmem>>) target_semaphore(%arg37 : memref<!tpu.dma_semaphore, #tpu.memory_space<semaphore_mem>>)
          %slice3A_358 = vector.extract_strided_slice %get3A_191 {offsets = [12], sizes = [1], strides = [1]} : vector<16xi32> to vector<1xi32>
          %squeeze3A_359 = vector.extract %slice3A_358[0] : i32 from vector<1xi32>
          %mul3A_360 = arith.constant 16 : i32
          %mul3A_361 = arith.muli %add3A_188, %mul3A_360 : i32
          %add3A_362 = arith.constant 12 : i32
          %add3A_363 = arith.addi %mul3A_361, %add3A_362 : i32
          %dma_start3A_364 = arith.constant 0 : i32
          %dma_start3A_365 = tpu.memref_slice %arg33[%add3A_363, %dma_start3A_364] : memref<80x64xf32, #tpu.memory_space<vmem>> -> memref<1x64xf32, #tpu.memory_space<vmem>>
          %dma_start3A_366 = arith.constant 0 : i32
          %dma_start3A_367 = tpu.memref_slice %arg6[%squeeze3A_359, %dma_start3A_366] : memref<1000000x64xf32, #tpu.memory_space<hbm>> -> memref<1x64xf32, #tpu.memory_space<hbm>>
          %dma_start3A_368 = arith.constant 0 : i32
          %dma_start3A_369 = tpu.memref_slice %arg33[%add3A_363, %dma_start3A_368] : memref<80x64xf32, #tpu.memory_space<vmem>> -> memref<1x64xf32, #tpu.memory_space<vmem>>
          %dma_start3A_370 = arith.constant 0 : i32
          %dma_start3A_371 = tpu.memref_slice %arg6[%squeeze3A_359, %dma_start3A_370] : memref<1000000x64xf32, #tpu.memory_space<hbm>> -> memref<1x64xf32, #tpu.memory_space<hbm>>
          tpu.enqueue_dma source(%dma_start3A_371 : memref<1x64xf32, #tpu.memory_space<hbm>>) target(%dma_start3A_369 : memref<1x64xf32, #tpu.memory_space<vmem>>) target_semaphore(%arg37 : memref<!tpu.dma_semaphore, #tpu.memory_space<semaphore_mem>>)
          %slice3A_372 = vector.extract_strided_slice %get3A_191 {offsets = [13], sizes = [1], strides = [1]} : vector<16xi32> to vector<1xi32>
          %squeeze3A_373 = vector.extract %slice3A_372[0] : i32 from vector<1xi32>
          %mul3A_374 = arith.constant 16 : i32
          %mul3A_375 = arith.muli %add3A_188, %mul3A_374 : i32
          %add3A_376 = arith.constant 13 : i32
          %add3A_377 = arith.addi %mul3A_375, %add3A_376 : i32
          %dma_start3A_378 = arith.constant 0 : i32
          %dma_start3A_379 = tpu.memref_slice %arg33[%add3A_377, %dma_start3A_378] : memref<80x64xf32, #tpu.memory_space<vmem>> -> memref<1x64xf32, #tpu.memory_space<vmem>>
          %dma_start3A_380 = arith.constant 0 : i32
          %dma_start3A_381 = tpu.memref_slice %arg6[%squeeze3A_373, %dma_start3A_380] : memref<1000000x64xf32, #tpu.memory_space<hbm>> -> memref<1x64xf32, #tpu.memory_space<hbm>>
          %dma_start3A_382 = arith.constant 0 : i32
          %dma_start3A_383 = tpu.memref_slice %arg33[%add3A_377, %dma_start3A_382] : memref<80x64xf32, #tpu.memory_space<vmem>> -> memref<1x64xf32, #tpu.memory_space<vmem>>
          %dma_start3A_384 = arith.constant 0 : i32
          %dma_start3A_385 = tpu.memref_slice %arg6[%squeeze3A_373, %dma_start3A_384] : memref<1000000x64xf32, #tpu.memory_space<hbm>> -> memref<1x64xf32, #tpu.memory_space<hbm>>
          tpu.enqueue_dma source(%dma_start3A_385 : memref<1x64xf32, #tpu.memory_space<hbm>>) target(%dma_start3A_383 : memref<1x64xf32, #tpu.memory_space<vmem>>) target_semaphore(%arg37 : memref<!tpu.dma_semaphore, #tpu.memory_space<semaphore_mem>>)
          %slice3A_386 = vector.extract_strided_slice %get3A_191 {offsets = [14], sizes = [1], strides = [1]} : vector<16xi32> to vector<1xi32>
          %squeeze3A_387 = vector.extract %slice3A_386[0] : i32 from vector<1xi32>
          %mul3A_388 = arith.constant 16 : i32
          %mul3A_389 = arith.muli %add3A_188, %mul3A_388 : i32
          %add3A_390 = arith.constant 14 : i32
          %add3A_391 = arith.addi %mul3A_389, %add3A_390 : i32
          %dma_start3A_392 = arith.constant 0 : i32
          %dma_start3A_393 = tpu.memref_slice %arg33[%add3A_391, %dma_start3A_392] : memref<80x64xf32, #tpu.memory_space<vmem>> -> memref<1x64xf32, #tpu.memory_space<vmem>>
          %dma_start3A_394 = arith.constant 0 : i32
          %dma_start3A_395 = tpu.memref_slice %arg6[%squeeze3A_387, %dma_start3A_394] : memref<1000000x64xf32, #tpu.memory_space<hbm>> -> memref<1x64xf32, #tpu.memory_space<hbm>>
          %dma_start3A_396 = arith.constant 0 : i32
          %dma_start3A_397 = tpu.memref_slice %arg33[%add3A_391, %dma_start3A_396] : memref<80x64xf32, #tpu.memory_space<vmem>> -> memref<1x64xf32, #tpu.memory_space<vmem>>
          %dma_start3A_398 = arith.constant 0 : i32
          %dma_start3A_399 = tpu.memref_slice %arg6[%squeeze3A_387, %dma_start3A_398] : memref<1000000x64xf32, #tpu.memory_space<hbm>> -> memref<1x64xf32, #tpu.memory_space<hbm>>
          tpu.enqueue_dma source(%dma_start3A_399 : memref<1x64xf32, #tpu.memory_space<hbm>>) target(%dma_start3A_397 : memref<1x64xf32, #tpu.memory_space<vmem>>) target_semaphore(%arg37 : memref<!tpu.dma_semaphore, #tpu.memory_space<semaphore_mem>>)
          %slice3A_400 = vector.extract_strided_slice %get3A_191 {offsets = [15], sizes = [1], strides = [1]} : vector<16xi32> to vector<1xi32>
          %squeeze3A_401 = vector.extract %slice3A_400[0] : i32 from vector<1xi32>
          %mul3A_402 = arith.constant 16 : i32
          %mul3A_403 = arith.muli %add3A_188, %mul3A_402 : i32
          %add3A_404 = arith.constant 15 : i32
          %add3A_405 = arith.addi %mul3A_403, %add3A_404 : i32
          %dma_start3A_406 = arith.constant 0 : i32
          %dma_start3A_407 = tpu.memref_slice %arg33[%add3A_405, %dma_start3A_406] : memref<80x64xf32, #tpu.memory_space<vmem>> -> memref<1x64xf32, #tpu.memory_space<vmem>>
          %dma_start3A_408 = arith.constant 0 : i32
          %dma_start3A_409 = tpu.memref_slice %arg6[%squeeze3A_401, %dma_start3A_408] : memref<1000000x64xf32, #tpu.memory_space<hbm>> -> memref<1x64xf32, #tpu.memory_space<hbm>>
          %dma_start3A_410 = arith.constant 0 : i32
          %dma_start3A_411 = tpu.memref_slice %arg33[%add3A_405, %dma_start3A_410] : memref<80x64xf32, #tpu.memory_space<vmem>> -> memref<1x64xf32, #tpu.memory_space<vmem>>
          %dma_start3A_412 = arith.constant 0 : i32
          %dma_start3A_413 = tpu.memref_slice %arg6[%squeeze3A_401, %dma_start3A_412] : memref<1000000x64xf32, #tpu.memory_space<hbm>> -> memref<1x64xf32, #tpu.memory_space<hbm>>
          tpu.enqueue_dma source(%dma_start3A_413 : memref<1x64xf32, #tpu.memory_space<hbm>>) target(%dma_start3A_411 : memref<1x64xf32, #tpu.memory_space<vmem>>) target_semaphore(%arg37 : memref<!tpu.dma_semaphore, #tpu.memory_space<semaphore_mem>>)
        }
        %scan3A_183 = arith.constant 5 : i32
      } else {
      }
      %lt3A_122 = arith.constant 1250 : i32
      %lt3A_123 = arith.cmpi slt, %add3A_107, %lt3A_122 : i32
      %convert_element_type3A_124 = arith.extui %lt3A_123 : i1 to i32
      %cond3A_125 = arith.constant 0 : i32
      %cond3A_126 = arith.cmpi ne, %convert_element_type3A_124, %cond3A_125 : i32
      scf.if %cond3A_126 {
        %dma_wait3A_155 = arith.constant 0 : i32
        %dma_wait3A_156 = arith.constant 0 : i32
        %dma_wait3A_157 = tpu.memref_slice %arg7[%dma_wait3A_155, %dma_wait3A_156] : memref<16000x128xf32, #tpu.memory_space<hbm>> -> memref<80x128xf32, #tpu.memory_space<hbm>>
        %dma_wait3A_158 = arith.constant 0 : i32
        %dma_wait3A_159 = arith.constant 0 : i32
        %dma_wait3A_160 = tpu.memref_slice %arg7[%dma_wait3A_158, %dma_wait3A_159] : memref<16000x128xf32, #tpu.memory_space<hbm>> -> memref<80x128xf32, #tpu.memory_space<hbm>>
        tpu.wait_dma2 semaphore(%arg27 : memref<!tpu.dma_semaphore, #tpu.memory_space<semaphore_mem>>) src(%dma_wait3A_160 : memref<80x128xf32, #tpu.memory_space<hbm>>) dst(%arg24 : memref<80x128xf32, #tpu.memory_space<vmem>>)
        %dma_wait3A_161 = arith.constant 0 : i32
        %dma_wait3A_162 = arith.constant 0 : i32
        %dma_wait3A_163 = tpu.memref_slice %arg6[%dma_wait3A_161, %dma_wait3A_162] : memref<1000000x64xf32, #tpu.memory_space<hbm>> -> memref<80x64xf32, #tpu.memory_space<hbm>>
        %dma_wait3A_164 = arith.constant 0 : i32
        %dma_wait3A_165 = arith.constant 0 : i32
        %dma_wait3A_166 = tpu.memref_slice %arg6[%dma_wait3A_164, %dma_wait3A_165] : memref<1000000x64xf32, #tpu.memory_space<hbm>> -> memref<80x64xf32, #tpu.memory_space<hbm>>
        tpu.wait_dma2 semaphore(%arg27 : memref<!tpu.dma_semaphore, #tpu.memory_space<semaphore_mem>>) src(%dma_wait3A_166 : memref<80x64xf32, #tpu.memory_space<hbm>>) dst(%arg23 : memref<80x64xf32, #tpu.memory_space<vmem>>)
        %convert_element_type3A_167 = arith.extui %ge3A_104 : i1 to i32
        %cond3A_168 = arith.constant 0 : i32
        %cond3A_169 = arith.cmpi ne, %convert_element_type3A_167, %cond3A_168 : i32
        scf.if %cond3A_169 {
          %dma_wait3A_191 = arith.constant 0 : i32
          %dma_wait3A_192 = arith.constant 0 : i32
          %dma_wait3A_193 = tpu.memref_slice %arg8[%dma_wait3A_191, %dma_wait3A_192] : memref<100000x193xf32, #tpu.memory_space<hbm>> -> memref<80x193xf32, #tpu.memory_space<hbm>>
          %dma_wait3A_194 = arith.constant 0 : i32
          %dma_wait3A_195 = arith.constant 0 : i32
          %dma_wait3A_196 = tpu.memref_slice %arg8[%dma_wait3A_194, %dma_wait3A_195] : memref<100000x193xf32, #tpu.memory_space<hbm>> -> memref<80x193xf32, #tpu.memory_space<hbm>>
          tpu.wait_dma2 semaphore(%arg28 : memref<!tpu.dma_semaphore, #tpu.memory_space<semaphore_mem>>) src(%arg25 : memref<80x193xf32, #tpu.memory_space<vmem>>) dst(%dma_wait3A_196 : memref<80x193xf32, #tpu.memory_space<hbm>>)
        } else {
        }
        %scan3A_170 = arith.constant 0 : i32
        %scan3A_171 = arith.constant 5 : i32
        %scan3A_172 = arith.addi %scan3A_170, %scan3A_171 : i32
        %scan3A_173 = arith.constant 1 : i32
        scf.for %scan3A_191 = %scan3A_170 to %scan3A_172 step %scan3A_173  : i32 {
          %mul3A_192 = arith.constant 1 : i32
          %mul3A_193 = arith.muli %scan3A_191, %mul3A_192 : i32
          %add3A_194 = arith.constant 0 : i32
          %add3A_195 = arith.addi %add3A_194, %mul3A_193 : i32
          %mul3A_196 = arith.constant 16 : i32
          %mul3A_197 = arith.muli %add3A_195, %mul3A_196 : i32
          %get3A = arith.index_cast %mul3A_197 : i32 to index
          %get3A_198 = tpu.vector_load %arg22[%get3A] {strides = array<i32>} : memref<80xf32, #tpu.memory_space<vmem>>, vector<16xf32>,
          %max3A = arith.constant 0.000000e+00 : f32
          %max3A_199 = vector.broadcast %max3A : f32 to vector<16xf32>
          %max3A_200 = arith.maximumf %get3A_198, %max3A_199 : vector<16xf32>
          %add3A_201 = arith.constant 1.000000e+00 : f32
          %add3A_202 = vector.broadcast %add3A_201 : f32 to vector<16xf32>
          %add3A_203 = arith.addf %max3A_200, %add3A_202 : vector<16xf32>
          %bitcast_convert_type3A = tpu.bitcast %add3A_203 : vector<16xf32> -> vector<16xi32>
          %shift_right_logical3A = arith.constant 23 : i32
          %shift_right_logical3A_204 = vector.broadcast %shift_right_logical3A : i32 to vector<16xi32>
          %shift_right_logical3A_205 = arith.shrui %bitcast_convert_type3A, %shift_right_logical3A_204 : vector<16xi32>
          %sub3A = arith.constant 127 : i32
          %sub3A_206 = vector.broadcast %sub3A : i32 to vector<16xi32>
          %sub3A_207 = arith.subi %shift_right_logical3A_205, %sub3A_206 : vector<16xi32>
          %and3A = arith.constant 8388607 : i32
          %and3A_208 = vector.broadcast %and3A : i32 to vector<16xi32>
          %and3A_209 = arith.andi %bitcast_convert_type3A, %and3A_208 : vector<16xi32>
          %or3A = arith.constant 1065353216 : i32
          %or3A_210 = vector.broadcast %or3A : i32 to vector<16xi32>
          %or3A_211 = arith.ori %and3A_209, %or3A_210 : vector<16xi32>
          %bitcast_convert_type3A_212 = tpu.bitcast %or3A_211 : vector<16xi32> -> vector<16xf32>
          %gt3A = arith.constant 1.41421354 : f32
          %gt3A_213 = vector.broadcast %gt3A : f32 to vector<16xf32>
          %gt3A_214 = arith.cmpf ogt, %bitcast_convert_type3A_212, %gt3A_213 : vector<16xf32>
          %mul3A_215 = arith.constant 5.000000e-01 : f32
          %mul3A_216 = vector.broadcast %mul3A_215 : f32 to vector<16xf32>
          %mul3A_217 = arith.mulf %bitcast_convert_type3A_212, %mul3A_216 : vector<16xf32>
          %select_n3A = arith.select %gt3A_214, %mul3A_217, %bitcast_convert_type3A_212 : vector<16xi1>, vector<16xf32>
          %convert_element_type3A_218 = arith.extui %gt3A_214 : vector<16xi1> to vector<16xi32>
          %add3A_219 = arith.addi %sub3A_207, %convert_element_type3A_218 : vector<16xi32>
          %convert_element_type3A_220 = arith.sitofp %add3A_219 : vector<16xi32> to vector<16xf32>
          %sub3A_221 = arith.constant 1.000000e+00 : f32
          %sub3A_222 = vector.broadcast %sub3A_221 : f32 to vector<16xf32>
          %sub3A_223 = arith.subf %select_n3A, %sub3A_222 : vector<16xf32>
          %add3A_224 = arith.constant 1.000000e+00 : f32
          %add3A_225 = vector.broadcast %add3A_224 : f32 to vector<16xf32>
          %add3A_226 = arith.addf %select_n3A, %add3A_225 : vector<16xf32>
          %div3A = arith.divf %sub3A_223, %add3A_226 : vector<16xf32>
          %mul3A_227 = arith.mulf %div3A, %div3A : vector<16xf32>
          %mul3A_228 = arith.constant 2.000000e+00 : f32
          %mul3A_229 = vector.broadcast %mul3A_228 : f32 to vector<16xf32>
          %mul3A_230 = arith.mulf %mul3A_229, %div3A : vector<16xf32>
          %mul3A_231 = arith.constant 0.111111112 : f32
          %mul3A_232 = vector.broadcast %mul3A_231 : f32 to vector<16xf32>
          %mul3A_233 = arith.mulf %mul3A_227, %mul3A_232 : vector<16xf32>
          %add3A_234 = arith.constant 0.142857149 : f32
          %add3A_235 = vector.broadcast %add3A_234 : f32 to vector<16xf32>
          %add3A_236 = arith.addf %add3A_235, %mul3A_233 : vector<16xf32>
          %mul3A_237 = arith.mulf %mul3A_227, %add3A_236 : vector<16xf32>
          %add3A_238 = arith.constant 2.000000e-01 : f32
          %add3A_239 = vector.broadcast %add3A_238 : f32 to vector<16xf32>
          %add3A_240 = arith.addf %add3A_239, %mul3A_237 : vector<16xf32>
          %mul3A_241 = arith.mulf %mul3A_227, %add3A_240 : vector<16xf32>
          %add3A_242 = arith.constant 0.333333343 : f32
          %add3A_243 = vector.broadcast %add3A_242 : f32 to vector<16xf32>
          %add3A_244 = arith.addf %add3A_243, %mul3A_241 : vector<16xf32>
          %mul3A_245 = arith.mulf %mul3A_227, %add3A_244 : vector<16xf32>
          %add3A_246 = arith.constant 1.000000e+00 : f32
          %add3A_247 = vector.broadcast %add3A_246 : f32 to vector<16xf32>
          %add3A_248 = arith.addf %add3A_247, %mul3A_245 : vector<16xf32>
          %mul3A_249 = arith.mulf %mul3A_230, %add3A_248 : vector<16xf32>
          %mul3A_250 = arith.constant 0.693147182 : f32
          %mul3A_251 = vector.broadcast %mul3A_250 : f32 to vector<16xf32>
          %mul3A_252 = arith.mulf %convert_element_type3A_220, %mul3A_251 : vector<16xf32>
          %add3A_253 = arith.addf %mul3A_252, %mul3A_249 : vector<16xf32>
          %swap3A = arith.index_cast %mul3A_197 : i32 to index
          %swap3A_254 = tpu.vector_load %arg22[%swap3A] {strides = array<i32>} : memref<80xf32, #tpu.memory_space<vmem>>, vector<16xf32>,
          tpu.vector_store %arg22[%swap3A], %add3A_253 {strides = array<i32>} : memref<80xf32, #tpu.memory_space<vmem>>, vector<16xf32>,
        }
        %scan3A_174 = arith.constant 5 : i32
        %scan3A_175 = arith.constant 0 : i32
        %scan3A_176 = arith.constant 80 : i32
        %scan3A_177 = arith.addi %scan3A_175, %scan3A_176 : i32
        %scan3A_178 = arith.constant 1 : i32
        scf.for %scan3A_191 = %scan3A_175 to %scan3A_177 step %scan3A_178  : i32 {
          %mul3A_192 = arith.constant 1 : i32
          %mul3A_193 = arith.muli %scan3A_191, %mul3A_192 : i32
          %add3A_194 = arith.constant 0 : i32
          %add3A_195 = arith.addi %add3A_194, %mul3A_193 : i32
          %get3A = arith.index_cast %add3A_195 : i32 to index
          %get3A_196 = arith.constant 0 : index
          %get3A_197 = tpu.vector_load %arg23[%get3A, %get3A_196] {strides = array<i32>} : memref<80x64xf32, #tpu.memory_space<vmem>>, vector<16xf32>,
          %swap3A = arith.index_cast %add3A_195 : i32 to index
          %swap3A_198 = arith.constant 0 : index
          %swap3A_199 = tpu.vector_load %arg25[%swap3A, %swap3A_198] {strides = array<i32>} : memref<80x193xf32, #tpu.memory_space<vmem>>, vector<16xf32>,
          tpu.vector_store %arg25[%swap3A, %swap3A_198], %get3A_197 {strides = array<i32>} : memref<80x193xf32, #tpu.memory_space<vmem>>, vector<16xf32>,
          %get3A_200 = arith.index_cast %add3A_195 : i32 to index
          %get3A_201 = arith.constant 16 : index
          %get3A_202 = tpu.vector_load %arg23[%get3A_200, %get3A_201] {strides = array<i32>} : memref<80x64xf32, #tpu.memory_space<vmem>>, vector<16xf32>,
          %swap3A_203 = arith.index_cast %add3A_195 : i32 to index
          %swap3A_204 = arith.constant 16 : index
          %swap3A_205 = tpu.vector_load %arg25[%swap3A_203, %swap3A_204] {strides = array<i32>} : memref<80x193xf32, #tpu.memory_space<vmem>>, vector<16xf32>,
          tpu.vector_store %arg25[%swap3A_203, %swap3A_204], %get3A_202 {strides = array<i32>} : memref<80x193xf32, #tpu.memory_space<vmem>>, vector<16xf32>,
          %get3A_206 = arith.index_cast %add3A_195 : i32 to index
          %get3A_207 = arith.constant 32 : index
          %get3A_208 = tpu.vector_load %arg23[%get3A_206, %get3A_207] {strides = array<i32>} : memref<80x64xf32, #tpu.memory_space<vmem>>, vector<16xf32>,
          %swap3A_209 = arith.index_cast %add3A_195 : i32 to index
          %swap3A_210 = arith.constant 32 : index
          %swap3A_211 = tpu.vector_load %arg25[%swap3A_209, %swap3A_210] {strides = array<i32>} : memref<80x193xf32, #tpu.memory_space<vmem>>, vector<16xf32>,
          tpu.vector_store %arg25[%swap3A_209, %swap3A_210], %get3A_208 {strides = array<i32>} : memref<80x193xf32, #tpu.memory_space<vmem>>, vector<16xf32>,
          %get3A_212 = arith.index_cast %add3A_195 : i32 to index
          %get3A_213 = arith.constant 48 : index
          %get3A_214 = tpu.vector_load %arg23[%get3A_212, %get3A_213] {strides = array<i32>} : memref<80x64xf32, #tpu.memory_space<vmem>>, vector<16xf32>,
          %swap3A_215 = arith.index_cast %add3A_195 : i32 to index
          %swap3A_216 = arith.constant 48 : index
          %swap3A_217 = tpu.vector_load %arg25[%swap3A_215, %swap3A_216] {strides = array<i32>} : memref<80x193xf32, #tpu.memory_space<vmem>>, vector<16xf32>,
          tpu.vector_store %arg25[%swap3A_215, %swap3A_216], %get3A_214 {strides = array<i32>} : memref<80x193xf32, #tpu.memory_space<vmem>>, vector<16xf32>,
          %get3A_218 = arith.index_cast %add3A_195 : i32 to index
          %get3A_219 = arith.constant 0 : index
          %get3A_220 = tpu.vector_load %arg24[%get3A_218, %get3A_219] {strides = array<i32>} : memref<80x128xf32, #tpu.memory_space<vmem>>, vector<16xf32>,
          %swap3A_221 = arith.index_cast %add3A_195 : i32 to index
          %swap3A_222 = arith.constant 64 : index
          %swap3A_223 = tpu.vector_load %arg25[%swap3A_221, %swap3A_222] {strides = array<i32>} : memref<80x193xf32, #tpu.memory_space<vmem>>, vector<16xf32>,
          tpu.vector_store %arg25[%swap3A_221, %swap3A_222], %get3A_220 {strides = array<i32>} : memref<80x193xf32, #tpu.memory_space<vmem>>, vector<16xf32>,
          %get3A_224 = arith.index_cast %add3A_195 : i32 to index
          %get3A_225 = arith.constant 16 : index
          %get3A_226 = tpu.vector_load %arg24[%get3A_224, %get3A_225] {strides = array<i32>} : memref<80x128xf32, #tpu.memory_space<vmem>>, vector<16xf32>,
          %swap3A_227 = arith.index_cast %add3A_195 : i32 to index
          %swap3A_228 = arith.constant 80 : index
          %swap3A_229 = tpu.vector_load %arg25[%swap3A_227, %swap3A_228] {strides = array<i32>} : memref<80x193xf32, #tpu.memory_space<vmem>>, vector<16xf32>,
          tpu.vector_store %arg25[%swap3A_227, %swap3A_228], %get3A_226 {strides = array<i32>} : memref<80x193xf32, #tpu.memory_space<vmem>>, vector<16xf32>,
          %get3A_230 = arith.index_cast %add3A_195 : i32 to index
          %get3A_231 = arith.constant 32 : index
          %get3A_232 = tpu.vector_load %arg24[%get3A_230, %get3A_231] {strides = array<i32>} : memref<80x128xf32, #tpu.memory_space<vmem>>, vector<16xf32>,
          %swap3A_233 = arith.index_cast %add3A_195 : i32 to index
          %swap3A_234 = arith.constant 96 : index
          %swap3A_235 = tpu.vector_load %arg25[%swap3A_233, %swap3A_234] {strides = array<i32>} : memref<80x193xf32, #tpu.memory_space<vmem>>, vector<16xf32>,
          tpu.vector_store %arg25[%swap3A_233, %swap3A_234], %get3A_232 {strides = array<i32>} : memref<80x193xf32, #tpu.memory_space<vmem>>, vector<16xf32>,
          %get3A_236 = arith.index_cast %add3A_195 : i32 to index
          %get3A_237 = arith.constant 48 : index
          %get3A_238 = tpu.vector_load %arg24[%get3A_236, %get3A_237] {strides = array<i32>} : memref<80x128xf32, #tpu.memory_space<vmem>>, vector<16xf32>,
          %swap3A_239 = arith.index_cast %add3A_195 : i32 to index
          %swap3A_240 = arith.constant 112 : index
          %swap3A_241 = tpu.vector_load %arg25[%swap3A_239, %swap3A_240] {strides = array<i32>} : memref<80x193xf32, #tpu.memory_space<vmem>>, vector<16xf32>,
          tpu.vector_store %arg25[%swap3A_239, %swap3A_240], %get3A_238 {strides = array<i32>} : memref<80x193xf32, #tpu.memory_space<vmem>>, vector<16xf32>,
          %get3A_242 = arith.index_cast %add3A_195 : i32 to index
          %get3A_243 = arith.constant 64 : index
          %get3A_244 = tpu.vector_load %arg24[%get3A_242, %get3A_243] {strides = array<i32>} : memref<80x128xf32, #tpu.memory_space<vmem>>, vector<16xf32>,
          %swap3A_245 = arith.index_cast %add3A_195 : i32 to index
          %swap3A_246 = arith.constant 128 : index
          %swap3A_247 = tpu.vector_load %arg25[%swap3A_245, %swap3A_246] {strides = array<i32>} : memref<80x193xf32, #tpu.memory_space<vmem>>, vector<16xf32>,
          tpu.vector_store %arg25[%swap3A_245, %swap3A_246], %get3A_244 {strides = array<i32>} : memref<80x193xf32, #tpu.memory_space<vmem>>, vector<16xf32>,
          %get3A_248 = arith.index_cast %add3A_195 : i32 to index
          %get3A_249 = arith.constant 80 : index
          %get3A_250 = tpu.vector_load %arg24[%get3A_248, %get3A_249] {strides = array<i32>} : memref<80x128xf32, #tpu.memory_space<vmem>>, vector<16xf32>,
          %swap3A_251 = arith.index_cast %add3A_195 : i32 to index
          %swap3A_252 = arith.constant 144 : index
          %swap3A_253 = tpu.vector_load %arg25[%swap3A_251, %swap3A_252] {strides = array<i32>} : memref<80x193xf32, #tpu.memory_space<vmem>>, vector<16xf32>,
          tpu.vector_store %arg25[%swap3A_251, %swap3A_252], %get3A_250 {strides = array<i32>} : memref<80x193xf32, #tpu.memory_space<vmem>>, vector<16xf32>,
          %get3A_254 = arith.index_cast %add3A_195 : i32 to index
          %get3A_255 = arith.constant 96 : index
          %get3A_256 = tpu.vector_load %arg24[%get3A_254, %get3A_255] {strides = array<i32>} : memref<80x128xf32, #tpu.memory_space<vmem>>, vector<16xf32>,
          %swap3A_257 = arith.index_cast %add3A_195 : i32 to index
          %swap3A_258 = arith.constant 160 : index
          %swap3A_259 = tpu.vector_load %arg25[%swap3A_257, %swap3A_258] {strides = array<i32>} : memref<80x193xf32, #tpu.memory_space<vmem>>, vector<16xf32>,
          tpu.vector_store %arg25[%swap3A_257, %swap3A_258], %get3A_256 {strides = array<i32>} : memref<80x193xf32, #tpu.memory_space<vmem>>, vector<16xf32>,
          %get3A_260 = arith.index_cast %add3A_195 : i32 to index
          %get3A_261 = arith.constant 112 : index
          %get3A_262 = tpu.vector_load %arg24[%get3A_260, %get3A_261] {strides = array<i32>} : memref<80x128xf32, #tpu.memory_space<vmem>>, vector<16xf32>,
          %swap3A_263 = arith.index_cast %add3A_195 : i32 to index
          %swap3A_264 = arith.constant 176 : index
          %swap3A_265 = tpu.vector_load %arg25[%swap3A_263, %swap3A_264] {strides = array<i32>} : memref<80x193xf32, #tpu.memory_space<vmem>>, vector<16xf32>,
          tpu.vector_store %arg25[%swap3A_263, %swap3A_264], %get3A_262 {strides = array<i32>} : memref<80x193xf32, #tpu.memory_space<vmem>>, vector<16xf32>,
        }
        %scan3A_179 = arith.constant 80 : i32
        %scan3A_180 = arith.constant 0 : i32
        %scan3A_181 = arith.constant 5 : i32
        %scan3A_182 = arith.addi %scan3A_180, %scan3A_181 : i32
        %scan3A_183 = arith.constant 1 : i32
        scf.for %scan3A_191 = %scan3A_180 to %scan3A_182 step %scan3A_183  : i32 {
          %mul3A_192 = arith.constant 1 : i32
          %mul3A_193 = arith.muli %scan3A_191, %mul3A_192 : i32
          %add3A_194 = arith.constant 0 : i32
          %add3A_195 = arith.addi %add3A_194, %mul3A_193 : i32
          %mul3A_196 = arith.constant 16 : i32
          %mul3A_197 = arith.muli %add3A_195, %mul3A_196 : i32
          %get3A = arith.index_cast %mul3A_197 : i32 to index
          %get3A_198 = tpu.vector_load %arg22[%get3A] {strides = array<i32>} : memref<80xf32, #tpu.memory_space<vmem>>, vector<16xf32>,
          %iota3A = tpu.iota {dimensions = array<i32: 0>} : vector<16xi32>
          %mul3A_199 = arith.constant 16 : i32
          %mul3A_200 = arith.muli %add3A_195, %mul3A_199 : i32
          %add3A_201 = vector.broadcast %mul3A_200 : i32 to vector<16xi32>
          %add3A_202 = arith.addi %iota3A, %add3A_201 : vector<16xi32>
          %broadcast_in_dim3A = arith.constant 192 : i32
          %broadcast_in_dim3A_203 = vector.broadcast %broadcast_in_dim3A : i32 to vector<16xi32>
          tpu.vector_store_idx %arg25[%add3A_202, %broadcast_in_dim3A_203], %get3A_198 : memref<80x193xf32, #tpu.memory_space<vmem>>[vector<16xi32>, vector<16xi32>], vector<16xf32>,
        }
        %scan3A_184 = arith.constant 5 : i32
        %mul3A_185 = arith.constant 80 : i32
        %mul3A_186 = arith.muli %add3A_107, %mul3A_185 : i32
        %dma_start3A_187 = arith.constant 0 : i32
        %dma_start3A_188 = tpu.memref_slice %arg8[%mul3A_186, %dma_start3A_187] : memref<100000x193xf32, #tpu.memory_space<hbm>> -> memref<80x193xf32, #tpu.memory_space<hbm>>
        %dma_start3A_189 = arith.constant 0 : i32
        %dma_start3A_190 = tpu.memref_slice %arg8[%mul3A_186, %dma_start3A_189] : memref<100000x193xf32, #tpu.memory_space<hbm>> -> memref<80x193xf32, #tpu.memory_space<hbm>>
        tpu.enqueue_dma source(%arg25 : memref<80x193xf32, #tpu.memory_space<vmem>>) target(%dma_start3A_190 : memref<80x193xf32, #tpu.memory_space<hbm>>) target_semaphore(%arg28 : memref<!tpu.dma_semaphore, #tpu.memory_space<semaphore_mem>>)
      } else {
      }
      %add3A_127 = arith.constant 2 : i32
      %add3A_128 = arith.addi %mul3A_78, %add3A_127 : i32
      %add3A_129 = arith.constant 2 : i32
      %add3A_130 = arith.addi %mul3A_78, %add3A_129 : i32
      %ge3A_131 = arith.constant 3 : i32
      %ge3A_132 = arith.cmpi sge, %add3A_130, %ge3A_131 : i32
      %mul3A_133 = arith.constant 32 : i32
      %mul3A_134 = arith.muli %add3A_128, %mul3A_133 : i32
      %add3A_135 = arith.addi %add3A, %mul3A_134 : i32
      %add3A_136 = arith.constant 32 : i32
      %add3A_137 = arith.addi %add3A_135, %add3A_136 : i32
      %add3A_138 = arith.constant 64 : i32
      %add3A_139 = arith.addi %add3A_135, %add3A_138 : i32
      %lt3A_140 = arith.constant 1250 : i32
      %lt3A_141 = arith.cmpi slt, %add3A_139, %lt3A_140 : i32
      %convert_element_type3A_142 = arith.extui %lt3A_141 : i1 to i32
      %cond3A_143 = arith.constant 0 : i32
      %cond3A_144 = arith.cmpi ne, %convert_element_type3A_142, %cond3A_143 : i32
      scf.if %cond3A_144 {
        %mul3A_155 = arith.constant 80 : i32
        %mul3A_156 = arith.muli %add3A_139, %mul3A_155 : i32
        %dma_start3A_157 = tpu.memref_slice %arg2[%mul3A_156] : memref<100000xi32, #tpu.memory_space<hbm>> -> memref<80xi32, #tpu.memory_space<hbm>>
        %dma_start3A_158 = tpu.memref_slice %arg2[%mul3A_156] : memref<100000xi32, #tpu.memory_space<hbm>> -> memref<80xi32, #tpu.memory_space<hbm>>
        tpu.enqueue_dma source(%dma_start3A_158 : memref<80xi32, #tpu.memory_space<hbm>>) target(%arg19 : memref<80xi32, #tpu.memory_space<vmem>>) target_semaphore(%arg26 : memref<!tpu.dma_semaphore, #tpu.memory_space<semaphore_mem>>)
        %dma_start3A_159 = tpu.memref_slice %arg3[%mul3A_156] : memref<100000xi32, #tpu.memory_space<hbm>> -> memref<80xi32, #tpu.memory_space<hbm>>
        %dma_start3A_160 = tpu.memref_slice %arg3[%mul3A_156] : memref<100000xi32, #tpu.memory_space<hbm>> -> memref<80xi32, #tpu.memory_space<hbm>>
        tpu.enqueue_dma source(%dma_start3A_160 : memref<80xi32, #tpu.memory_space<hbm>>) target(%arg20 : memref<80xi32, #tpu.memory_space<vmem>>) target_semaphore(%arg26 : memref<!tpu.dma_semaphore, #tpu.memory_space<semaphore_mem>>)
        %dma_start3A_161 = tpu.memref_slice %arg4[%mul3A_156] : memref<100000xi32, #tpu.memory_space<hbm>> -> memref<80xi32, #tpu.memory_space<hbm>>
        %dma_start3A_162 = tpu.memref_slice %arg4[%mul3A_156] : memref<100000xi32, #tpu.memory_space<hbm>> -> memref<80xi32, #tpu.memory_space<hbm>>
        tpu.enqueue_dma source(%dma_start3A_162 : memref<80xi32, #tpu.memory_space<hbm>>) target(%arg21 : memref<80xi32, #tpu.memory_space<vmem>>) target_semaphore(%arg26 : memref<!tpu.dma_semaphore, #tpu.memory_space<semaphore_mem>>)
        %dma_start3A_163 = tpu.memref_slice %arg5[%mul3A_156] : memref<100000xf32, #tpu.memory_space<hbm>> -> memref<80xf32, #tpu.memory_space<hbm>>
        %dma_start3A_164 = tpu.memref_slice %arg5[%mul3A_156] : memref<100000xf32, #tpu.memory_space<hbm>> -> memref<80xf32, #tpu.memory_space<hbm>>
        tpu.enqueue_dma source(%dma_start3A_164 : memref<80xf32, #tpu.memory_space<hbm>>) target(%arg22 : memref<80xf32, #tpu.memory_space<vmem>>) target_semaphore(%arg26 : memref<!tpu.dma_semaphore, #tpu.memory_space<semaphore_mem>>)
      } else {
      }
      %lt3A_145 = arith.constant 1250 : i32
      %lt3A_146 = arith.cmpi slt, %add3A_137, %lt3A_145 : i32
      %convert_element_type3A_147 = arith.extui %lt3A_146 : i1 to i32
      %cond3A_148 = arith.constant 0 : i32
      %cond3A_149 = arith.cmpi ne, %convert_element_type3A_147, %cond3A_148 : i32
      scf.if %cond3A_149 {
        %dma_wait3A_155 = arith.constant 0 : i32
        %dma_wait3A_156 = tpu.memref_slice %arg2[%dma_wait3A_155] : memref<100000xi32, #tpu.memory_space<hbm>> -> memref<80xi32, #tpu.memory_space<hbm>>
        %dma_wait3A_157 = arith.constant 0 : i32
        %dma_wait3A_158 = tpu.memref_slice %arg2[%dma_wait3A_157] : memref<100000xi32, #tpu.memory_space<hbm>> -> memref<80xi32, #tpu.memory_space<hbm>>
        tpu.wait_dma2 semaphore(%arg16 : memref<!tpu.dma_semaphore, #tpu.memory_space<semaphore_mem>>) src(%dma_wait3A_158 : memref<80xi32, #tpu.memory_space<hbm>>) dst(%arg9 : memref<80xi32, #tpu.memory_space<vmem>>)
        %dma_wait3A_159 = arith.constant 0 : i32
        %dma_wait3A_160 = tpu.memref_slice %arg3[%dma_wait3A_159] : memref<100000xi32, #tpu.memory_space<hbm>> -> memref<80xi32, #tpu.memory_space<hbm>>
        %dma_wait3A_161 = arith.constant 0 : i32
        %dma_wait3A_162 = tpu.memref_slice %arg3[%dma_wait3A_161] : memref<100000xi32, #tpu.memory_space<hbm>> -> memref<80xi32, #tpu.memory_space<hbm>>
        tpu.wait_dma2 semaphore(%arg16 : memref<!tpu.dma_semaphore, #tpu.memory_space<semaphore_mem>>) src(%dma_wait3A_162 : memref<80xi32, #tpu.memory_space<hbm>>) dst(%arg10 : memref<80xi32, #tpu.memory_space<vmem>>)
        %dma_wait3A_163 = arith.constant 0 : i32
        %dma_wait3A_164 = tpu.memref_slice %arg4[%dma_wait3A_163] : memref<100000xi32, #tpu.memory_space<hbm>> -> memref<80xi32, #tpu.memory_space<hbm>>
        %dma_wait3A_165 = arith.constant 0 : i32
        %dma_wait3A_166 = tpu.memref_slice %arg4[%dma_wait3A_165] : memref<100000xi32, #tpu.memory_space<hbm>> -> memref<80xi32, #tpu.memory_space<hbm>>
        tpu.wait_dma2 semaphore(%arg16 : memref<!tpu.dma_semaphore, #tpu.memory_space<semaphore_mem>>) src(%dma_wait3A_166 : memref<80xi32, #tpu.memory_space<hbm>>) dst(%arg11 : memref<80xi32, #tpu.memory_space<vmem>>)
        %dma_wait3A_167 = arith.constant 0 : i32
        %dma_wait3A_168 = tpu.memref_slice %arg5[%dma_wait3A_167] : memref<100000xf32, #tpu.memory_space<hbm>> -> memref<80xf32, #tpu.memory_space<hbm>>
        %dma_wait3A_169 = arith.constant 0 : i32
        %dma_wait3A_170 = tpu.memref_slice %arg5[%dma_wait3A_169] : memref<100000xf32, #tpu.memory_space<hbm>> -> memref<80xf32, #tpu.memory_space<hbm>>
        tpu.wait_dma2 semaphore(%arg16 : memref<!tpu.dma_semaphore, #tpu.memory_space<semaphore_mem>>) src(%dma_wait3A_170 : memref<80xf32, #tpu.memory_space<hbm>>) dst(%arg12 : memref<80xf32, #tpu.memory_space<vmem>>)
        %scan3A_171 = arith.constant 0 : i32
        %scan3A_172 = arith.constant 5 : i32
        %scan3A_173 = arith.addi %scan3A_171, %scan3A_172 : i32
        %scan3A_174 = arith.constant 1 : i32
        scf.for %scan3A_184 = %scan3A_171 to %scan3A_173 step %scan3A_174  : i32 {
          %mul3A_185 = arith.constant 1 : i32
          %mul3A_186 = arith.muli %scan3A_184, %mul3A_185 : i32
          %add3A_187 = arith.constant 0 : i32
          %add3A_188 = arith.addi %add3A_187, %mul3A_186 : i32
          %mul3A_189 = arith.constant 16 : i32
          %mul3A_190 = arith.muli %add3A_188, %mul3A_189 : i32
          %get3A = arith.index_cast %mul3A_190 : i32 to index
          %get3A_191 = tpu.vector_load %arg10[%get3A] {strides = array<i32>} : memref<80xi32, #tpu.memory_space<vmem>>, vector<16xi32>,
          %mul3A_192 = arith.constant 16 : i32
          %mul3A_193 = vector.broadcast %mul3A_192 : i32 to vector<16xi32>
          %mul3A_194 = arith.muli %get3A_191, %mul3A_193 : vector<16xi32>
          %get3A_195 = arith.index_cast %mul3A_190 : i32 to index
          %get3A_196 = tpu.vector_load %arg11[%get3A_195] {strides = array<i32>} : memref<80xi32, #tpu.memory_space<vmem>>, vector<16xi32>,
          %add3A_197 = arith.addi %mul3A_194, %get3A_196 : vector<16xi32>
          %swap3A = arith.index_cast %mul3A_190 : i32 to index
          %swap3A_198 = tpu.vector_load %arg11[%swap3A] {strides = array<i32>} : memref<80xi32, #tpu.memory_space<vmem>>, vector<16xi32>,
          tpu.vector_store %arg11[%swap3A], %add3A_197 {strides = array<i32>} : memref<80xi32, #tpu.memory_space<vmem>>, vector<16xi32>,
        }
        %scan3A_175 = arith.constant 5 : i32
        %dma_start3A_176 = arith.constant 0 : i32
        %dma_start3A_177 = arith.constant 0 : i32
        %dma_start3A_178 = tpu.memref_slice %arg7[%dma_start3A_176, %dma_start3A_177] : memref<16000x128xf32, #tpu.memory_space<hbm>> -> memref<16000x128xf32, #tpu.memory_space<hbm>>
        tpu.enqueue_indirect_dma source(%dma_start3A_178 : memref<16000x128xf32, #tpu.memory_space<hbm>>) target(%arg14 : memref<80x128xf32, #tpu.memory_space<vmem>>) offsets(%arg11 : memref<80xi32, #tpu.memory_space<vmem>>) semaphore(%arg17 : memref<!tpu.dma_semaphore, #tpu.memory_space<semaphore_mem>>)
        %scan3A_179 = arith.constant 0 : i32
        %scan3A_180 = arith.constant 5 : i32
        %scan3A_181 = arith.addi %scan3A_179, %scan3A_180 : i32
        %scan3A_182 = arith.constant 1 : i32
        scf.for %scan3A_184 = %scan3A_179 to %scan3A_181 step %scan3A_182  : i32 {
          %mul3A_185 = arith.constant 1 : i32
          %mul3A_186 = arith.muli %scan3A_184, %mul3A_185 : i32
          %add3A_187 = arith.constant 0 : i32
          %add3A_188 = arith.addi %add3A_187, %mul3A_186 : i32
          %mul3A_189 = arith.constant 16 : i32
          %mul3A_190 = arith.muli %add3A_188, %mul3A_189 : i32
          %get3A = arith.index_cast %mul3A_190 : i32 to index
          %get3A_191 = tpu.vector_load %arg9[%get3A] {strides = array<i32>} : memref<80xi32, #tpu.memory_space<vmem>>, vector<16xi32>,
          %slice3A = vector.extract_strided_slice %get3A_191 {offsets = [0], sizes = [1], strides = [1]} : vector<16xi32> to vector<1xi32>
          %squeeze3A = vector.extract %slice3A[0] : i32 from vector<1xi32>
          %mul3A_192 = arith.constant 16 : i32
          %mul3A_193 = arith.muli %add3A_188, %mul3A_192 : i32
          %add3A_194 = arith.constant 0 : i32
          %add3A_195 = arith.addi %mul3A_193, %add3A_194 : i32
          %dma_start3A_196 = arith.constant 0 : i32
          %dma_start3A_197 = tpu.memref_slice %arg13[%add3A_195, %dma_start3A_196] : memref<80x64xf32, #tpu.memory_space<vmem>> -> memref<1x64xf32, #tpu.memory_space<vmem>>
          %dma_start3A_198 = arith.constant 0 : i32
          %dma_start3A_199 = tpu.memref_slice %arg6[%squeeze3A, %dma_start3A_198] : memref<1000000x64xf32, #tpu.memory_space<hbm>> -> memref<1x64xf32, #tpu.memory_space<hbm>>
          %dma_start3A_200 = arith.constant 0 : i32
          %dma_start3A_201 = tpu.memref_slice %arg13[%add3A_195, %dma_start3A_200] : memref<80x64xf32, #tpu.memory_space<vmem>> -> memref<1x64xf32, #tpu.memory_space<vmem>>
          %dma_start3A_202 = arith.constant 0 : i32
          %dma_start3A_203 = tpu.memref_slice %arg6[%squeeze3A, %dma_start3A_202] : memref<1000000x64xf32, #tpu.memory_space<hbm>> -> memref<1x64xf32, #tpu.memory_space<hbm>>
          tpu.enqueue_dma source(%dma_start3A_203 : memref<1x64xf32, #tpu.memory_space<hbm>>) target(%dma_start3A_201 : memref<1x64xf32, #tpu.memory_space<vmem>>) target_semaphore(%arg17 : memref<!tpu.dma_semaphore, #tpu.memory_space<semaphore_mem>>)
          %slice3A_204 = vector.extract_strided_slice %get3A_191 {offsets = [1], sizes = [1], strides = [1]} : vector<16xi32> to vector<1xi32>
          %squeeze3A_205 = vector.extract %slice3A_204[0] : i32 from vector<1xi32>
          %mul3A_206 = arith.constant 16 : i32
          %mul3A_207 = arith.muli %add3A_188, %mul3A_206 : i32
          %add3A_208 = arith.constant 1 : i32
          %add3A_209 = arith.addi %mul3A_207, %add3A_208 : i32
          %dma_start3A_210 = arith.constant 0 : i32
          %dma_start3A_211 = tpu.memref_slice %arg13[%add3A_209, %dma_start3A_210] : memref<80x64xf32, #tpu.memory_space<vmem>> -> memref<1x64xf32, #tpu.memory_space<vmem>>
          %dma_start3A_212 = arith.constant 0 : i32
          %dma_start3A_213 = tpu.memref_slice %arg6[%squeeze3A_205, %dma_start3A_212] : memref<1000000x64xf32, #tpu.memory_space<hbm>> -> memref<1x64xf32, #tpu.memory_space<hbm>>
          %dma_start3A_214 = arith.constant 0 : i32
          %dma_start3A_215 = tpu.memref_slice %arg13[%add3A_209, %dma_start3A_214] : memref<80x64xf32, #tpu.memory_space<vmem>> -> memref<1x64xf32, #tpu.memory_space<vmem>>
          %dma_start3A_216 = arith.constant 0 : i32
          %dma_start3A_217 = tpu.memref_slice %arg6[%squeeze3A_205, %dma_start3A_216] : memref<1000000x64xf32, #tpu.memory_space<hbm>> -> memref<1x64xf32, #tpu.memory_space<hbm>>
          tpu.enqueue_dma source(%dma_start3A_217 : memref<1x64xf32, #tpu.memory_space<hbm>>) target(%dma_start3A_215 : memref<1x64xf32, #tpu.memory_space<vmem>>) target_semaphore(%arg17 : memref<!tpu.dma_semaphore, #tpu.memory_space<semaphore_mem>>)
          %slice3A_218 = vector.extract_strided_slice %get3A_191 {offsets = [2], sizes = [1], strides = [1]} : vector<16xi32> to vector<1xi32>
          %squeeze3A_219 = vector.extract %slice3A_218[0] : i32 from vector<1xi32>
          %mul3A_220 = arith.constant 16 : i32
          %mul3A_221 = arith.muli %add3A_188, %mul3A_220 : i32
          %add3A_222 = arith.constant 2 : i32
          %add3A_223 = arith.addi %mul3A_221, %add3A_222 : i32
          %dma_start3A_224 = arith.constant 0 : i32
          %dma_start3A_225 = tpu.memref_slice %arg13[%add3A_223, %dma_start3A_224] : memref<80x64xf32, #tpu.memory_space<vmem>> -> memref<1x64xf32, #tpu.memory_space<vmem>>
          %dma_start3A_226 = arith.constant 0 : i32
          %dma_start3A_227 = tpu.memref_slice %arg6[%squeeze3A_219, %dma_start3A_226] : memref<1000000x64xf32, #tpu.memory_space<hbm>> -> memref<1x64xf32, #tpu.memory_space<hbm>>
          %dma_start3A_228 = arith.constant 0 : i32
          %dma_start3A_229 = tpu.memref_slice %arg13[%add3A_223, %dma_start3A_228] : memref<80x64xf32, #tpu.memory_space<vmem>> -> memref<1x64xf32, #tpu.memory_space<vmem>>
          %dma_start3A_230 = arith.constant 0 : i32
          %dma_start3A_231 = tpu.memref_slice %arg6[%squeeze3A_219, %dma_start3A_230] : memref<1000000x64xf32, #tpu.memory_space<hbm>> -> memref<1x64xf32, #tpu.memory_space<hbm>>
          tpu.enqueue_dma source(%dma_start3A_231 : memref<1x64xf32, #tpu.memory_space<hbm>>) target(%dma_start3A_229 : memref<1x64xf32, #tpu.memory_space<vmem>>) target_semaphore(%arg17 : memref<!tpu.dma_semaphore, #tpu.memory_space<semaphore_mem>>)
          %slice3A_232 = vector.extract_strided_slice %get3A_191 {offsets = [3], sizes = [1], strides = [1]} : vector<16xi32> to vector<1xi32>
          %squeeze3A_233 = vector.extract %slice3A_232[0] : i32 from vector<1xi32>
          %mul3A_234 = arith.constant 16 : i32
          %mul3A_235 = arith.muli %add3A_188, %mul3A_234 : i32
          %add3A_236 = arith.constant 3 : i32
          %add3A_237 = arith.addi %mul3A_235, %add3A_236 : i32
          %dma_start3A_238 = arith.constant 0 : i32
          %dma_start3A_239 = tpu.memref_slice %arg13[%add3A_237, %dma_start3A_238] : memref<80x64xf32, #tpu.memory_space<vmem>> -> memref<1x64xf32, #tpu.memory_space<vmem>>
          %dma_start3A_240 = arith.constant 0 : i32
          %dma_start3A_241 = tpu.memref_slice %arg6[%squeeze3A_233, %dma_start3A_240] : memref<1000000x64xf32, #tpu.memory_space<hbm>> -> memref<1x64xf32, #tpu.memory_space<hbm>>
          %dma_start3A_242 = arith.constant 0 : i32
          %dma_start3A_243 = tpu.memref_slice %arg13[%add3A_237, %dma_start3A_242] : memref<80x64xf32, #tpu.memory_space<vmem>> -> memref<1x64xf32, #tpu.memory_space<vmem>>
          %dma_start3A_244 = arith.constant 0 : i32
          %dma_start3A_245 = tpu.memref_slice %arg6[%squeeze3A_233, %dma_start3A_244] : memref<1000000x64xf32, #tpu.memory_space<hbm>> -> memref<1x64xf32, #tpu.memory_space<hbm>>
          tpu.enqueue_dma source(%dma_start3A_245 : memref<1x64xf32, #tpu.memory_space<hbm>>) target(%dma_start3A_243 : memref<1x64xf32, #tpu.memory_space<vmem>>) target_semaphore(%arg17 : memref<!tpu.dma_semaphore, #tpu.memory_space<semaphore_mem>>)
          %slice3A_246 = vector.extract_strided_slice %get3A_191 {offsets = [4], sizes = [1], strides = [1]} : vector<16xi32> to vector<1xi32>
          %squeeze3A_247 = vector.extract %slice3A_246[0] : i32 from vector<1xi32>
          %mul3A_248 = arith.constant 16 : i32
          %mul3A_249 = arith.muli %add3A_188, %mul3A_248 : i32
          %add3A_250 = arith.constant 4 : i32
          %add3A_251 = arith.addi %mul3A_249, %add3A_250 : i32
          %dma_start3A_252 = arith.constant 0 : i32
          %dma_start3A_253 = tpu.memref_slice %arg13[%add3A_251, %dma_start3A_252] : memref<80x64xf32, #tpu.memory_space<vmem>> -> memref<1x64xf32, #tpu.memory_space<vmem>>
          %dma_start3A_254 = arith.constant 0 : i32
          %dma_start3A_255 = tpu.memref_slice %arg6[%squeeze3A_247, %dma_start3A_254] : memref<1000000x64xf32, #tpu.memory_space<hbm>> -> memref<1x64xf32, #tpu.memory_space<hbm>>
          %dma_start3A_256 = arith.constant 0 : i32
          %dma_start3A_257 = tpu.memref_slice %arg13[%add3A_251, %dma_start3A_256] : memref<80x64xf32, #tpu.memory_space<vmem>> -> memref<1x64xf32, #tpu.memory_space<vmem>>
          %dma_start3A_258 = arith.constant 0 : i32
          %dma_start3A_259 = tpu.memref_slice %arg6[%squeeze3A_247, %dma_start3A_258] : memref<1000000x64xf32, #tpu.memory_space<hbm>> -> memref<1x64xf32, #tpu.memory_space<hbm>>
          tpu.enqueue_dma source(%dma_start3A_259 : memref<1x64xf32, #tpu.memory_space<hbm>>) target(%dma_start3A_257 : memref<1x64xf32, #tpu.memory_space<vmem>>) target_semaphore(%arg17 : memref<!tpu.dma_semaphore, #tpu.memory_space<semaphore_mem>>)
          %slice3A_260 = vector.extract_strided_slice %get3A_191 {offsets = [5], sizes = [1], strides = [1]} : vector<16xi32> to vector<1xi32>
          %squeeze3A_261 = vector.extract %slice3A_260[0] : i32 from vector<1xi32>
          %mul3A_262 = arith.constant 16 : i32
          %mul3A_263 = arith.muli %add3A_188, %mul3A_262 : i32
          %add3A_264 = arith.constant 5 : i32
          %add3A_265 = arith.addi %mul3A_263, %add3A_264 : i32
          %dma_start3A_266 = arith.constant 0 : i32
          %dma_start3A_267 = tpu.memref_slice %arg13[%add3A_265, %dma_start3A_266] : memref<80x64xf32, #tpu.memory_space<vmem>> -> memref<1x64xf32, #tpu.memory_space<vmem>>
          %dma_start3A_268 = arith.constant 0 : i32
          %dma_start3A_269 = tpu.memref_slice %arg6[%squeeze3A_261, %dma_start3A_268] : memref<1000000x64xf32, #tpu.memory_space<hbm>> -> memref<1x64xf32, #tpu.memory_space<hbm>>
          %dma_start3A_270 = arith.constant 0 : i32
          %dma_start3A_271 = tpu.memref_slice %arg13[%add3A_265, %dma_start3A_270] : memref<80x64xf32, #tpu.memory_space<vmem>> -> memref<1x64xf32, #tpu.memory_space<vmem>>
          %dma_start3A_272 = arith.constant 0 : i32
          %dma_start3A_273 = tpu.memref_slice %arg6[%squeeze3A_261, %dma_start3A_272] : memref<1000000x64xf32, #tpu.memory_space<hbm>> -> memref<1x64xf32, #tpu.memory_space<hbm>>
          tpu.enqueue_dma source(%dma_start3A_273 : memref<1x64xf32, #tpu.memory_space<hbm>>) target(%dma_start3A_271 : memref<1x64xf32, #tpu.memory_space<vmem>>) target_semaphore(%arg17 : memref<!tpu.dma_semaphore, #tpu.memory_space<semaphore_mem>>)
          %slice3A_274 = vector.extract_strided_slice %get3A_191 {offsets = [6], sizes = [1], strides = [1]} : vector<16xi32> to vector<1xi32>
          %squeeze3A_275 = vector.extract %slice3A_274[0] : i32 from vector<1xi32>
          %mul3A_276 = arith.constant 16 : i32
          %mul3A_277 = arith.muli %add3A_188, %mul3A_276 : i32
          %add3A_278 = arith.constant 6 : i32
          %add3A_279 = arith.addi %mul3A_277, %add3A_278 : i32
          %dma_start3A_280 = arith.constant 0 : i32
          %dma_start3A_281 = tpu.memref_slice %arg13[%add3A_279, %dma_start3A_280] : memref<80x64xf32, #tpu.memory_space<vmem>> -> memref<1x64xf32, #tpu.memory_space<vmem>>
          %dma_start3A_282 = arith.constant 0 : i32
          %dma_start3A_283 = tpu.memref_slice %arg6[%squeeze3A_275, %dma_start3A_282] : memref<1000000x64xf32, #tpu.memory_space<hbm>> -> memref<1x64xf32, #tpu.memory_space<hbm>>
          %dma_start3A_284 = arith.constant 0 : i32
          %dma_start3A_285 = tpu.memref_slice %arg13[%add3A_279, %dma_start3A_284] : memref<80x64xf32, #tpu.memory_space<vmem>> -> memref<1x64xf32, #tpu.memory_space<vmem>>
          %dma_start3A_286 = arith.constant 0 : i32
          %dma_start3A_287 = tpu.memref_slice %arg6[%squeeze3A_275, %dma_start3A_286] : memref<1000000x64xf32, #tpu.memory_space<hbm>> -> memref<1x64xf32, #tpu.memory_space<hbm>>
          tpu.enqueue_dma source(%dma_start3A_287 : memref<1x64xf32, #tpu.memory_space<hbm>>) target(%dma_start3A_285 : memref<1x64xf32, #tpu.memory_space<vmem>>) target_semaphore(%arg17 : memref<!tpu.dma_semaphore, #tpu.memory_space<semaphore_mem>>)
          %slice3A_288 = vector.extract_strided_slice %get3A_191 {offsets = [7], sizes = [1], strides = [1]} : vector<16xi32> to vector<1xi32>
          %squeeze3A_289 = vector.extract %slice3A_288[0] : i32 from vector<1xi32>
          %mul3A_290 = arith.constant 16 : i32
          %mul3A_291 = arith.muli %add3A_188, %mul3A_290 : i32
          %add3A_292 = arith.constant 7 : i32
          %add3A_293 = arith.addi %mul3A_291, %add3A_292 : i32
          %dma_start3A_294 = arith.constant 0 : i32
          %dma_start3A_295 = tpu.memref_slice %arg13[%add3A_293, %dma_start3A_294] : memref<80x64xf32, #tpu.memory_space<vmem>> -> memref<1x64xf32, #tpu.memory_space<vmem>>
          %dma_start3A_296 = arith.constant 0 : i32
          %dma_start3A_297 = tpu.memref_slice %arg6[%squeeze3A_289, %dma_start3A_296] : memref<1000000x64xf32, #tpu.memory_space<hbm>> -> memref<1x64xf32, #tpu.memory_space<hbm>>
          %dma_start3A_298 = arith.constant 0 : i32
          %dma_start3A_299 = tpu.memref_slice %arg13[%add3A_293, %dma_start3A_298] : memref<80x64xf32, #tpu.memory_space<vmem>> -> memref<1x64xf32, #tpu.memory_space<vmem>>
          %dma_start3A_300 = arith.constant 0 : i32
          %dma_start3A_301 = tpu.memref_slice %arg6[%squeeze3A_289, %dma_start3A_300] : memref<1000000x64xf32, #tpu.memory_space<hbm>> -> memref<1x64xf32, #tpu.memory_space<hbm>>
          tpu.enqueue_dma source(%dma_start3A_301 : memref<1x64xf32, #tpu.memory_space<hbm>>) target(%dma_start3A_299 : memref<1x64xf32, #tpu.memory_space<vmem>>) target_semaphore(%arg17 : memref<!tpu.dma_semaphore, #tpu.memory_space<semaphore_mem>>)
          %slice3A_302 = vector.extract_strided_slice %get3A_191 {offsets = [8], sizes = [1], strides = [1]} : vector<16xi32> to vector<1xi32>
          %squeeze3A_303 = vector.extract %slice3A_302[0] : i32 from vector<1xi32>
          %mul3A_304 = arith.constant 16 : i32
          %mul3A_305 = arith.muli %add3A_188, %mul3A_304 : i32
          %add3A_306 = arith.constant 8 : i32
          %add3A_307 = arith.addi %mul3A_305, %add3A_306 : i32
          %dma_start3A_308 = arith.constant 0 : i32
          %dma_start3A_309 = tpu.memref_slice %arg13[%add3A_307, %dma_start3A_308] : memref<80x64xf32, #tpu.memory_space<vmem>> -> memref<1x64xf32, #tpu.memory_space<vmem>>
          %dma_start3A_310 = arith.constant 0 : i32
          %dma_start3A_311 = tpu.memref_slice %arg6[%squeeze3A_303, %dma_start3A_310] : memref<1000000x64xf32, #tpu.memory_space<hbm>> -> memref<1x64xf32, #tpu.memory_space<hbm>>
          %dma_start3A_312 = arith.constant 0 : i32
          %dma_start3A_313 = tpu.memref_slice %arg13[%add3A_307, %dma_start3A_312] : memref<80x64xf32, #tpu.memory_space<vmem>> -> memref<1x64xf32, #tpu.memory_space<vmem>>
          %dma_start3A_314 = arith.constant 0 : i32
          %dma_start3A_315 = tpu.memref_slice %arg6[%squeeze3A_303, %dma_start3A_314] : memref<1000000x64xf32, #tpu.memory_space<hbm>> -> memref<1x64xf32, #tpu.memory_space<hbm>>
          tpu.enqueue_dma source(%dma_start3A_315 : memref<1x64xf32, #tpu.memory_space<hbm>>) target(%dma_start3A_313 : memref<1x64xf32, #tpu.memory_space<vmem>>) target_semaphore(%arg17 : memref<!tpu.dma_semaphore, #tpu.memory_space<semaphore_mem>>)
          %slice3A_316 = vector.extract_strided_slice %get3A_191 {offsets = [9], sizes = [1], strides = [1]} : vector<16xi32> to vector<1xi32>
          %squeeze3A_317 = vector.extract %slice3A_316[0] : i32 from vector<1xi32>
          %mul3A_318 = arith.constant 16 : i32
          %mul3A_319 = arith.muli %add3A_188, %mul3A_318 : i32
          %add3A_320 = arith.constant 9 : i32
          %add3A_321 = arith.addi %mul3A_319, %add3A_320 : i32
          %dma_start3A_322 = arith.constant 0 : i32
          %dma_start3A_323 = tpu.memref_slice %arg13[%add3A_321, %dma_start3A_322] : memref<80x64xf32, #tpu.memory_space<vmem>> -> memref<1x64xf32, #tpu.memory_space<vmem>>
          %dma_start3A_324 = arith.constant 0 : i32
          %dma_start3A_325 = tpu.memref_slice %arg6[%squeeze3A_317, %dma_start3A_324] : memref<1000000x64xf32, #tpu.memory_space<hbm>> -> memref<1x64xf32, #tpu.memory_space<hbm>>
          %dma_start3A_326 = arith.constant 0 : i32
          %dma_start3A_327 = tpu.memref_slice %arg13[%add3A_321, %dma_start3A_326] : memref<80x64xf32, #tpu.memory_space<vmem>> -> memref<1x64xf32, #tpu.memory_space<vmem>>
          %dma_start3A_328 = arith.constant 0 : i32
          %dma_start3A_329 = tpu.memref_slice %arg6[%squeeze3A_317, %dma_start3A_328] : memref<1000000x64xf32, #tpu.memory_space<hbm>> -> memref<1x64xf32, #tpu.memory_space<hbm>>
          tpu.enqueue_dma source(%dma_start3A_329 : memref<1x64xf32, #tpu.memory_space<hbm>>) target(%dma_start3A_327 : memref<1x64xf32, #tpu.memory_space<vmem>>) target_semaphore(%arg17 : memref<!tpu.dma_semaphore, #tpu.memory_space<semaphore_mem>>)
          %slice3A_330 = vector.extract_strided_slice %get3A_191 {offsets = [10], sizes = [1], strides = [1]} : vector<16xi32> to vector<1xi32>
          %squeeze3A_331 = vector.extract %slice3A_330[0] : i32 from vector<1xi32>
          %mul3A_332 = arith.constant 16 : i32
          %mul3A_333 = arith.muli %add3A_188, %mul3A_332 : i32
          %add3A_334 = arith.constant 10 : i32
          %add3A_335 = arith.addi %mul3A_333, %add3A_334 : i32
          %dma_start3A_336 = arith.constant 0 : i32
          %dma_start3A_337 = tpu.memref_slice %arg13[%add3A_335, %dma_start3A_336] : memref<80x64xf32, #tpu.memory_space<vmem>> -> memref<1x64xf32, #tpu.memory_space<vmem>>
          %dma_start3A_338 = arith.constant 0 : i32
          %dma_start3A_339 = tpu.memref_slice %arg6[%squeeze3A_331, %dma_start3A_338] : memref<1000000x64xf32, #tpu.memory_space<hbm>> -> memref<1x64xf32, #tpu.memory_space<hbm>>
          %dma_start3A_340 = arith.constant 0 : i32
          %dma_start3A_341 = tpu.memref_slice %arg13[%add3A_335, %dma_start3A_340] : memref<80x64xf32, #tpu.memory_space<vmem>> -> memref<1x64xf32, #tpu.memory_space<vmem>>
          %dma_start3A_342 = arith.constant 0 : i32
          %dma_start3A_343 = tpu.memref_slice %arg6[%squeeze3A_331, %dma_start3A_342] : memref<1000000x64xf32, #tpu.memory_space<hbm>> -> memref<1x64xf32, #tpu.memory_space<hbm>>
          tpu.enqueue_dma source(%dma_start3A_343 : memref<1x64xf32, #tpu.memory_space<hbm>>) target(%dma_start3A_341 : memref<1x64xf32, #tpu.memory_space<vmem>>) target_semaphore(%arg17 : memref<!tpu.dma_semaphore, #tpu.memory_space<semaphore_mem>>)
          %slice3A_344 = vector.extract_strided_slice %get3A_191 {offsets = [11], sizes = [1], strides = [1]} : vector<16xi32> to vector<1xi32>
          %squeeze3A_345 = vector.extract %slice3A_344[0] : i32 from vector<1xi32>
          %mul3A_346 = arith.constant 16 : i32
          %mul3A_347 = arith.muli %add3A_188, %mul3A_346 : i32
          %add3A_348 = arith.constant 11 : i32
          %add3A_349 = arith.addi %mul3A_347, %add3A_348 : i32
          %dma_start3A_350 = arith.constant 0 : i32
          %dma_start3A_351 = tpu.memref_slice %arg13[%add3A_349, %dma_start3A_350] : memref<80x64xf32, #tpu.memory_space<vmem>> -> memref<1x64xf32, #tpu.memory_space<vmem>>
          %dma_start3A_352 = arith.constant 0 : i32
          %dma_start3A_353 = tpu.memref_slice %arg6[%squeeze3A_345, %dma_start3A_352] : memref<1000000x64xf32, #tpu.memory_space<hbm>> -> memref<1x64xf32, #tpu.memory_space<hbm>>
          %dma_start3A_354 = arith.constant 0 : i32
          %dma_start3A_355 = tpu.memref_slice %arg13[%add3A_349, %dma_start3A_354] : memref<80x64xf32, #tpu.memory_space<vmem>> -> memref<1x64xf32, #tpu.memory_space<vmem>>
          %dma_start3A_356 = arith.constant 0 : i32
          %dma_start3A_357 = tpu.memref_slice %arg6[%squeeze3A_345, %dma_start3A_356] : memref<1000000x64xf32, #tpu.memory_space<hbm>> -> memref<1x64xf32, #tpu.memory_space<hbm>>
          tpu.enqueue_dma source(%dma_start3A_357 : memref<1x64xf32, #tpu.memory_space<hbm>>) target(%dma_start3A_355 : memref<1x64xf32, #tpu.memory_space<vmem>>) target_semaphore(%arg17 : memref<!tpu.dma_semaphore, #tpu.memory_space<semaphore_mem>>)
          %slice3A_358 = vector.extract_strided_slice %get3A_191 {offsets = [12], sizes = [1], strides = [1]} : vector<16xi32> to vector<1xi32>
          %squeeze3A_359 = vector.extract %slice3A_358[0] : i32 from vector<1xi32>
          %mul3A_360 = arith.constant 16 : i32
          %mul3A_361 = arith.muli %add3A_188, %mul3A_360 : i32
          %add3A_362 = arith.constant 12 : i32
          %add3A_363 = arith.addi %mul3A_361, %add3A_362 : i32
          %dma_start3A_364 = arith.constant 0 : i32
          %dma_start3A_365 = tpu.memref_slice %arg13[%add3A_363, %dma_start3A_364] : memref<80x64xf32, #tpu.memory_space<vmem>> -> memref<1x64xf32, #tpu.memory_space<vmem>>
          %dma_start3A_366 = arith.constant 0 : i32
          %dma_start3A_367 = tpu.memref_slice %arg6[%squeeze3A_359, %dma_start3A_366] : memref<1000000x64xf32, #tpu.memory_space<hbm>> -> memref<1x64xf32, #tpu.memory_space<hbm>>
          %dma_start3A_368 = arith.constant 0 : i32
          %dma_start3A_369 = tpu.memref_slice %arg13[%add3A_363, %dma_start3A_368] : memref<80x64xf32, #tpu.memory_space<vmem>> -> memref<1x64xf32, #tpu.memory_space<vmem>>
          %dma_start3A_370 = arith.constant 0 : i32
          %dma_start3A_371 = tpu.memref_slice %arg6[%squeeze3A_359, %dma_start3A_370] : memref<1000000x64xf32, #tpu.memory_space<hbm>> -> memref<1x64xf32, #tpu.memory_space<hbm>>
          tpu.enqueue_dma source(%dma_start3A_371 : memref<1x64xf32, #tpu.memory_space<hbm>>) target(%dma_start3A_369 : memref<1x64xf32, #tpu.memory_space<vmem>>) target_semaphore(%arg17 : memref<!tpu.dma_semaphore, #tpu.memory_space<semaphore_mem>>)
          %slice3A_372 = vector.extract_strided_slice %get3A_191 {offsets = [13], sizes = [1], strides = [1]} : vector<16xi32> to vector<1xi32>
          %squeeze3A_373 = vector.extract %slice3A_372[0] : i32 from vector<1xi32>
          %mul3A_374 = arith.constant 16 : i32
          %mul3A_375 = arith.muli %add3A_188, %mul3A_374 : i32
          %add3A_376 = arith.constant 13 : i32
          %add3A_377 = arith.addi %mul3A_375, %add3A_376 : i32
          %dma_start3A_378 = arith.constant 0 : i32
          %dma_start3A_379 = tpu.memref_slice %arg13[%add3A_377, %dma_start3A_378] : memref<80x64xf32, #tpu.memory_space<vmem>> -> memref<1x64xf32, #tpu.memory_space<vmem>>
          %dma_start3A_380 = arith.constant 0 : i32
          %dma_start3A_381 = tpu.memref_slice %arg6[%squeeze3A_373, %dma_start3A_380] : memref<1000000x64xf32, #tpu.memory_space<hbm>> -> memref<1x64xf32, #tpu.memory_space<hbm>>
          %dma_start3A_382 = arith.constant 0 : i32
          %dma_start3A_383 = tpu.memref_slice %arg13[%add3A_377, %dma_start3A_382] : memref<80x64xf32, #tpu.memory_space<vmem>> -> memref<1x64xf32, #tpu.memory_space<vmem>>
          %dma_start3A_384 = arith.constant 0 : i32
          %dma_start3A_385 = tpu.memref_slice %arg6[%squeeze3A_373, %dma_start3A_384] : memref<1000000x64xf32, #tpu.memory_space<hbm>> -> memref<1x64xf32, #tpu.memory_space<hbm>>
          tpu.enqueue_dma source(%dma_start3A_385 : memref<1x64xf32, #tpu.memory_space<hbm>>) target(%dma_start3A_383 : memref<1x64xf32, #tpu.memory_space<vmem>>) target_semaphore(%arg17 : memref<!tpu.dma_semaphore, #tpu.memory_space<semaphore_mem>>)
          %slice3A_386 = vector.extract_strided_slice %get3A_191 {offsets = [14], sizes = [1], strides = [1]} : vector<16xi32> to vector<1xi32>
          %squeeze3A_387 = vector.extract %slice3A_386[0] : i32 from vector<1xi32>
          %mul3A_388 = arith.constant 16 : i32
          %mul3A_389 = arith.muli %add3A_188, %mul3A_388 : i32
          %add3A_390 = arith.constant 14 : i32
          %add3A_391 = arith.addi %mul3A_389, %add3A_390 : i32
          %dma_start3A_392 = arith.constant 0 : i32
          %dma_start3A_393 = tpu.memref_slice %arg13[%add3A_391, %dma_start3A_392] : memref<80x64xf32, #tpu.memory_space<vmem>> -> memref<1x64xf32, #tpu.memory_space<vmem>>
          %dma_start3A_394 = arith.constant 0 : i32
          %dma_start3A_395 = tpu.memref_slice %arg6[%squeeze3A_387, %dma_start3A_394] : memref<1000000x64xf32, #tpu.memory_space<hbm>> -> memref<1x64xf32, #tpu.memory_space<hbm>>
          %dma_start3A_396 = arith.constant 0 : i32
          %dma_start3A_397 = tpu.memref_slice %arg13[%add3A_391, %dma_start3A_396] : memref<80x64xf32, #tpu.memory_space<vmem>> -> memref<1x64xf32, #tpu.memory_space<vmem>>
          %dma_start3A_398 = arith.constant 0 : i32
          %dma_start3A_399 = tpu.memref_slice %arg6[%squeeze3A_387, %dma_start3A_398] : memref<1000000x64xf32, #tpu.memory_space<hbm>> -> memref<1x64xf32, #tpu.memory_space<hbm>>
          tpu.enqueue_dma source(%dma_start3A_399 : memref<1x64xf32, #tpu.memory_space<hbm>>) target(%dma_start3A_397 : memref<1x64xf32, #tpu.memory_space<vmem>>) target_semaphore(%arg17 : memref<!tpu.dma_semaphore, #tpu.memory_space<semaphore_mem>>)
          %slice3A_400 = vector.extract_strided_slice %get3A_191 {offsets = [15], sizes = [1], strides = [1]} : vector<16xi32> to vector<1xi32>
          %squeeze3A_401 = vector.extract %slice3A_400[0] : i32 from vector<1xi32>
          %mul3A_402 = arith.constant 16 : i32
          %mul3A_403 = arith.muli %add3A_188, %mul3A_402 : i32
          %add3A_404 = arith.constant 15 : i32
          %add3A_405 = arith.addi %mul3A_403, %add3A_404 : i32
          %dma_start3A_406 = arith.constant 0 : i32
          %dma_start3A_407 = tpu.memref_slice %arg13[%add3A_405, %dma_start3A_406] : memref<80x64xf32, #tpu.memory_space<vmem>> -> memref<1x64xf32, #tpu.memory_space<vmem>>
          %dma_start3A_408 = arith.constant 0 : i32
          %dma_start3A_409 = tpu.memref_slice %arg6[%squeeze3A_401, %dma_start3A_408] : memref<1000000x64xf32, #tpu.memory_space<hbm>> -> memref<1x64xf32, #tpu.memory_space<hbm>>
          %dma_start3A_410 = arith.constant 0 : i32
          %dma_start3A_411 = tpu.memref_slice %arg13[%add3A_405, %dma_start3A_410] : memref<80x64xf32, #tpu.memory_space<vmem>> -> memref<1x64xf32, #tpu.memory_space<vmem>>
          %dma_start3A_412 = arith.constant 0 : i32
          %dma_start3A_413 = tpu.memref_slice %arg6[%squeeze3A_401, %dma_start3A_412] : memref<1000000x64xf32, #tpu.memory_space<hbm>> -> memref<1x64xf32, #tpu.memory_space<hbm>>
          tpu.enqueue_dma source(%dma_start3A_413 : memref<1x64xf32, #tpu.memory_space<hbm>>) target(%dma_start3A_411 : memref<1x64xf32, #tpu.memory_space<vmem>>) target_semaphore(%arg17 : memref<!tpu.dma_semaphore, #tpu.memory_space<semaphore_mem>>)
        }
        %scan3A_183 = arith.constant 5 : i32
      } else {
      }
      %lt3A_150 = arith.constant 1250 : i32
      %lt3A_151 = arith.cmpi slt, %add3A_135, %lt3A_150 : i32
      %convert_element_type3A_152 = arith.extui %lt3A_151 : i1 to i32
      %cond3A_153 = arith.constant 0 : i32
      %cond3A_154 = arith.cmpi ne, %convert_element_type3A_152, %cond3A_153 : i32
      scf.if %cond3A_154 {
        %dma_wait3A_155 = arith.constant 0 : i32
        %dma_wait3A_156 = arith.constant 0 : i32
        %dma_wait3A_157 = tpu.memref_slice %arg7[%dma_wait3A_155, %dma_wait3A_156] : memref<16000x128xf32, #tpu.memory_space<hbm>> -> memref<80x128xf32, #tpu.memory_space<hbm>>
        %dma_wait3A_158 = arith.constant 0 : i32
        %dma_wait3A_159 = arith.constant 0 : i32
        %dma_wait3A_160 = tpu.memref_slice %arg7[%dma_wait3A_158, %dma_wait3A_159] : memref<16000x128xf32, #tpu.memory_space<hbm>> -> memref<80x128xf32, #tpu.memory_space<hbm>>
        tpu.wait_dma2 semaphore(%arg37 : memref<!tpu.dma_semaphore, #tpu.memory_space<semaphore_mem>>) src(%dma_wait3A_160 : memref<80x128xf32, #tpu.memory_space<hbm>>) dst(%arg34 : memref<80x128xf32, #tpu.memory_space<vmem>>)
        %dma_wait3A_161 = arith.constant 0 : i32
        %dma_wait3A_162 = arith.constant 0 : i32
        %dma_wait3A_163 = tpu.memref_slice %arg6[%dma_wait3A_161, %dma_wait3A_162] : memref<1000000x64xf32, #tpu.memory_space<hbm>> -> memref<80x64xf32, #tpu.memory_space<hbm>>
        %dma_wait3A_164 = arith.constant 0 : i32
        %dma_wait3A_165 = arith.constant 0 : i32
        %dma_wait3A_166 = tpu.memref_slice %arg6[%dma_wait3A_164, %dma_wait3A_165] : memref<1000000x64xf32, #tpu.memory_space<hbm>> -> memref<80x64xf32, #tpu.memory_space<hbm>>
        tpu.wait_dma2 semaphore(%arg37 : memref<!tpu.dma_semaphore, #tpu.memory_space<semaphore_mem>>) src(%dma_wait3A_166 : memref<80x64xf32, #tpu.memory_space<hbm>>) dst(%arg33 : memref<80x64xf32, #tpu.memory_space<vmem>>)
        %convert_element_type3A_167 = arith.extui %ge3A_132 : i1 to i32
        %cond3A_168 = arith.constant 0 : i32
        %cond3A_169 = arith.cmpi ne, %convert_element_type3A_167, %cond3A_168 : i32
        scf.if %cond3A_169 {
          %dma_wait3A_191 = arith.constant 0 : i32
          %dma_wait3A_192 = arith.constant 0 : i32
          %dma_wait3A_193 = tpu.memref_slice %arg8[%dma_wait3A_191, %dma_wait3A_192] : memref<100000x193xf32, #tpu.memory_space<hbm>> -> memref<80x193xf32, #tpu.memory_space<hbm>>
          %dma_wait3A_194 = arith.constant 0 : i32
          %dma_wait3A_195 = arith.constant 0 : i32
          %dma_wait3A_196 = tpu.memref_slice %arg8[%dma_wait3A_194, %dma_wait3A_195] : memref<100000x193xf32, #tpu.memory_space<hbm>> -> memref<80x193xf32, #tpu.memory_space<hbm>>
          tpu.wait_dma2 semaphore(%arg38 : memref<!tpu.dma_semaphore, #tpu.memory_space<semaphore_mem>>) src(%arg35 : memref<80x193xf32, #tpu.memory_space<vmem>>) dst(%dma_wait3A_196 : memref<80x193xf32, #tpu.memory_space<hbm>>)
        } else {
        }
        %scan3A_170 = arith.constant 0 : i32
        %scan3A_171 = arith.constant 5 : i32
        %scan3A_172 = arith.addi %scan3A_170, %scan3A_171 : i32
        %scan3A_173 = arith.constant 1 : i32
        scf.for %scan3A_191 = %scan3A_170 to %scan3A_172 step %scan3A_173  : i32 {
          %mul3A_192 = arith.constant 1 : i32
          %mul3A_193 = arith.muli %scan3A_191, %mul3A_192 : i32
          %add3A_194 = arith.constant 0 : i32
          %add3A_195 = arith.addi %add3A_194, %mul3A_193 : i32
          %mul3A_196 = arith.constant 16 : i32
          %mul3A_197 = arith.muli %add3A_195, %mul3A_196 : i32
          %get3A = arith.index_cast %mul3A_197 : i32 to index
          %get3A_198 = tpu.vector_load %arg32[%get3A] {strides = array<i32>} : memref<80xf32, #tpu.memory_space<vmem>>, vector<16xf32>,
          %max3A = arith.constant 0.000000e+00 : f32
          %max3A_199 = vector.broadcast %max3A : f32 to vector<16xf32>
          %max3A_200 = arith.maximumf %get3A_198, %max3A_199 : vector<16xf32>
          %add3A_201 = arith.constant 1.000000e+00 : f32
          %add3A_202 = vector.broadcast %add3A_201 : f32 to vector<16xf32>
          %add3A_203 = arith.addf %max3A_200, %add3A_202 : vector<16xf32>
          %bitcast_convert_type3A = tpu.bitcast %add3A_203 : vector<16xf32> -> vector<16xi32>
          %shift_right_logical3A = arith.constant 23 : i32
          %shift_right_logical3A_204 = vector.broadcast %shift_right_logical3A : i32 to vector<16xi32>
          %shift_right_logical3A_205 = arith.shrui %bitcast_convert_type3A, %shift_right_logical3A_204 : vector<16xi32>
          %sub3A = arith.constant 127 : i32
          %sub3A_206 = vector.broadcast %sub3A : i32 to vector<16xi32>
          %sub3A_207 = arith.subi %shift_right_logical3A_205, %sub3A_206 : vector<16xi32>
          %and3A = arith.constant 8388607 : i32
          %and3A_208 = vector.broadcast %and3A : i32 to vector<16xi32>
          %and3A_209 = arith.andi %bitcast_convert_type3A, %and3A_208 : vector<16xi32>
          %or3A = arith.constant 1065353216 : i32
          %or3A_210 = vector.broadcast %or3A : i32 to vector<16xi32>
          %or3A_211 = arith.ori %and3A_209, %or3A_210 : vector<16xi32>
          %bitcast_convert_type3A_212 = tpu.bitcast %or3A_211 : vector<16xi32> -> vector<16xf32>
          %gt3A = arith.constant 1.41421354 : f32
          %gt3A_213 = vector.broadcast %gt3A : f32 to vector<16xf32>
          %gt3A_214 = arith.cmpf ogt, %bitcast_convert_type3A_212, %gt3A_213 : vector<16xf32>
          %mul3A_215 = arith.constant 5.000000e-01 : f32
          %mul3A_216 = vector.broadcast %mul3A_215 : f32 to vector<16xf32>
          %mul3A_217 = arith.mulf %bitcast_convert_type3A_212, %mul3A_216 : vector<16xf32>
          %select_n3A = arith.select %gt3A_214, %mul3A_217, %bitcast_convert_type3A_212 : vector<16xi1>, vector<16xf32>
          %convert_element_type3A_218 = arith.extui %gt3A_214 : vector<16xi1> to vector<16xi32>
          %add3A_219 = arith.addi %sub3A_207, %convert_element_type3A_218 : vector<16xi32>
          %convert_element_type3A_220 = arith.sitofp %add3A_219 : vector<16xi32> to vector<16xf32>
          %sub3A_221 = arith.constant 1.000000e+00 : f32
          %sub3A_222 = vector.broadcast %sub3A_221 : f32 to vector<16xf32>
          %sub3A_223 = arith.subf %select_n3A, %sub3A_222 : vector<16xf32>
          %add3A_224 = arith.constant 1.000000e+00 : f32
          %add3A_225 = vector.broadcast %add3A_224 : f32 to vector<16xf32>
          %add3A_226 = arith.addf %select_n3A, %add3A_225 : vector<16xf32>
          %div3A = arith.divf %sub3A_223, %add3A_226 : vector<16xf32>
          %mul3A_227 = arith.mulf %div3A, %div3A : vector<16xf32>
          %mul3A_228 = arith.constant 2.000000e+00 : f32
          %mul3A_229 = vector.broadcast %mul3A_228 : f32 to vector<16xf32>
          %mul3A_230 = arith.mulf %mul3A_229, %div3A : vector<16xf32>
          %mul3A_231 = arith.constant 0.111111112 : f32
          %mul3A_232 = vector.broadcast %mul3A_231 : f32 to vector<16xf32>
          %mul3A_233 = arith.mulf %mul3A_227, %mul3A_232 : vector<16xf32>
          %add3A_234 = arith.constant 0.142857149 : f32
          %add3A_235 = vector.broadcast %add3A_234 : f32 to vector<16xf32>
          %add3A_236 = arith.addf %add3A_235, %mul3A_233 : vector<16xf32>
          %mul3A_237 = arith.mulf %mul3A_227, %add3A_236 : vector<16xf32>
          %add3A_238 = arith.constant 2.000000e-01 : f32
          %add3A_239 = vector.broadcast %add3A_238 : f32 to vector<16xf32>
          %add3A_240 = arith.addf %add3A_239, %mul3A_237 : vector<16xf32>
          %mul3A_241 = arith.mulf %mul3A_227, %add3A_240 : vector<16xf32>
          %add3A_242 = arith.constant 0.333333343 : f32
          %add3A_243 = vector.broadcast %add3A_242 : f32 to vector<16xf32>
          %add3A_244 = arith.addf %add3A_243, %mul3A_241 : vector<16xf32>
          %mul3A_245 = arith.mulf %mul3A_227, %add3A_244 : vector<16xf32>
          %add3A_246 = arith.constant 1.000000e+00 : f32
          %add3A_247 = vector.broadcast %add3A_246 : f32 to vector<16xf32>
          %add3A_248 = arith.addf %add3A_247, %mul3A_245 : vector<16xf32>
          %mul3A_249 = arith.mulf %mul3A_230, %add3A_248 : vector<16xf32>
          %mul3A_250 = arith.constant 0.693147182 : f32
          %mul3A_251 = vector.broadcast %mul3A_250 : f32 to vector<16xf32>
          %mul3A_252 = arith.mulf %convert_element_type3A_220, %mul3A_251 : vector<16xf32>
          %add3A_253 = arith.addf %mul3A_252, %mul3A_249 : vector<16xf32>
          %swap3A = arith.index_cast %mul3A_197 : i32 to index
          %swap3A_254 = tpu.vector_load %arg32[%swap3A] {strides = array<i32>} : memref<80xf32, #tpu.memory_space<vmem>>, vector<16xf32>,
          tpu.vector_store %arg32[%swap3A], %add3A_253 {strides = array<i32>} : memref<80xf32, #tpu.memory_space<vmem>>, vector<16xf32>,
        }
        %scan3A_174 = arith.constant 5 : i32
        %scan3A_175 = arith.constant 0 : i32
        %scan3A_176 = arith.constant 80 : i32
        %scan3A_177 = arith.addi %scan3A_175, %scan3A_176 : i32
        %scan3A_178 = arith.constant 1 : i32
        scf.for %scan3A_191 = %scan3A_175 to %scan3A_177 step %scan3A_178  : i32 {
          %mul3A_192 = arith.constant 1 : i32
          %mul3A_193 = arith.muli %scan3A_191, %mul3A_192 : i32
          %add3A_194 = arith.constant 0 : i32
          %add3A_195 = arith.addi %add3A_194, %mul3A_193 : i32
          %get3A = arith.index_cast %add3A_195 : i32 to index
          %get3A_196 = arith.constant 0 : index
          %get3A_197 = tpu.vector_load %arg33[%get3A, %get3A_196] {strides = array<i32>} : memref<80x64xf32, #tpu.memory_space<vmem>>, vector<16xf32>,
          %swap3A = arith.index_cast %add3A_195 : i32 to index
          %swap3A_198 = arith.constant 0 : index
          %swap3A_199 = tpu.vector_load %arg35[%swap3A, %swap3A_198] {strides = array<i32>} : memref<80x193xf32, #tpu.memory_space<vmem>>, vector<16xf32>,
          tpu.vector_store %arg35[%swap3A, %swap3A_198], %get3A_197 {strides = array<i32>} : memref<80x193xf32, #tpu.memory_space<vmem>>, vector<16xf32>,
          %get3A_200 = arith.index_cast %add3A_195 : i32 to index
          %get3A_201 = arith.constant 16 : index
          %get3A_202 = tpu.vector_load %arg33[%get3A_200, %get3A_201] {strides = array<i32>} : memref<80x64xf32, #tpu.memory_space<vmem>>, vector<16xf32>,
          %swap3A_203 = arith.index_cast %add3A_195 : i32 to index
          %swap3A_204 = arith.constant 16 : index
          %swap3A_205 = tpu.vector_load %arg35[%swap3A_203, %swap3A_204] {strides = array<i32>} : memref<80x193xf32, #tpu.memory_space<vmem>>, vector<16xf32>,
          tpu.vector_store %arg35[%swap3A_203, %swap3A_204], %get3A_202 {strides = array<i32>} : memref<80x193xf32, #tpu.memory_space<vmem>>, vector<16xf32>,
          %get3A_206 = arith.index_cast %add3A_195 : i32 to index
          %get3A_207 = arith.constant 32 : index
          %get3A_208 = tpu.vector_load %arg33[%get3A_206, %get3A_207] {strides = array<i32>} : memref<80x64xf32, #tpu.memory_space<vmem>>, vector<16xf32>,
          %swap3A_209 = arith.index_cast %add3A_195 : i32 to index
          %swap3A_210 = arith.constant 32 : index
          %swap3A_211 = tpu.vector_load %arg35[%swap3A_209, %swap3A_210] {strides = array<i32>} : memref<80x193xf32, #tpu.memory_space<vmem>>, vector<16xf32>,
          tpu.vector_store %arg35[%swap3A_209, %swap3A_210], %get3A_208 {strides = array<i32>} : memref<80x193xf32, #tpu.memory_space<vmem>>, vector<16xf32>,
          %get3A_212 = arith.index_cast %add3A_195 : i32 to index
          %get3A_213 = arith.constant 48 : index
          %get3A_214 = tpu.vector_load %arg33[%get3A_212, %get3A_213] {strides = array<i32>} : memref<80x64xf32, #tpu.memory_space<vmem>>, vector<16xf32>,
          %swap3A_215 = arith.index_cast %add3A_195 : i32 to index
          %swap3A_216 = arith.constant 48 : index
          %swap3A_217 = tpu.vector_load %arg35[%swap3A_215, %swap3A_216] {strides = array<i32>} : memref<80x193xf32, #tpu.memory_space<vmem>>, vector<16xf32>,
          tpu.vector_store %arg35[%swap3A_215, %swap3A_216], %get3A_214 {strides = array<i32>} : memref<80x193xf32, #tpu.memory_space<vmem>>, vector<16xf32>,
          %get3A_218 = arith.index_cast %add3A_195 : i32 to index
          %get3A_219 = arith.constant 0 : index
          %get3A_220 = tpu.vector_load %arg34[%get3A_218, %get3A_219] {strides = array<i32>} : memref<80x128xf32, #tpu.memory_space<vmem>>, vector<16xf32>,
          %swap3A_221 = arith.index_cast %add3A_195 : i32 to index
          %swap3A_222 = arith.constant 64 : index
          %swap3A_223 = tpu.vector_load %arg35[%swap3A_221, %swap3A_222] {strides = array<i32>} : memref<80x193xf32, #tpu.memory_space<vmem>>, vector<16xf32>,
          tpu.vector_store %arg35[%swap3A_221, %swap3A_222], %get3A_220 {strides = array<i32>} : memref<80x193xf32, #tpu.memory_space<vmem>>, vector<16xf32>,
          %get3A_224 = arith.index_cast %add3A_195 : i32 to index
          %get3A_225 = arith.constant 16 : index
          %get3A_226 = tpu.vector_load %arg34[%get3A_224, %get3A_225] {strides = array<i32>} : memref<80x128xf32, #tpu.memory_space<vmem>>, vector<16xf32>,
          %swap3A_227 = arith.index_cast %add3A_195 : i32 to index
          %swap3A_228 = arith.constant 80 : index
          %swap3A_229 = tpu.vector_load %arg35[%swap3A_227, %swap3A_228] {strides = array<i32>} : memref<80x193xf32, #tpu.memory_space<vmem>>, vector<16xf32>,
          tpu.vector_store %arg35[%swap3A_227, %swap3A_228], %get3A_226 {strides = array<i32>} : memref<80x193xf32, #tpu.memory_space<vmem>>, vector<16xf32>,
          %get3A_230 = arith.index_cast %add3A_195 : i32 to index
          %get3A_231 = arith.constant 32 : index
          %get3A_232 = tpu.vector_load %arg34[%get3A_230, %get3A_231] {strides = array<i32>} : memref<80x128xf32, #tpu.memory_space<vmem>>, vector<16xf32>,
          %swap3A_233 = arith.index_cast %add3A_195 : i32 to index
          %swap3A_234 = arith.constant 96 : index
          %swap3A_235 = tpu.vector_load %arg35[%swap3A_233, %swap3A_234] {strides = array<i32>} : memref<80x193xf32, #tpu.memory_space<vmem>>, vector<16xf32>,
          tpu.vector_store %arg35[%swap3A_233, %swap3A_234], %get3A_232 {strides = array<i32>} : memref<80x193xf32, #tpu.memory_space<vmem>>, vector<16xf32>,
          %get3A_236 = arith.index_cast %add3A_195 : i32 to index
          %get3A_237 = arith.constant 48 : index
          %get3A_238 = tpu.vector_load %arg34[%get3A_236, %get3A_237] {strides = array<i32>} : memref<80x128xf32, #tpu.memory_space<vmem>>, vector<16xf32>,
          %swap3A_239 = arith.index_cast %add3A_195 : i32 to index
          %swap3A_240 = arith.constant 112 : index
          %swap3A_241 = tpu.vector_load %arg35[%swap3A_239, %swap3A_240] {strides = array<i32>} : memref<80x193xf32, #tpu.memory_space<vmem>>, vector<16xf32>,
          tpu.vector_store %arg35[%swap3A_239, %swap3A_240], %get3A_238 {strides = array<i32>} : memref<80x193xf32, #tpu.memory_space<vmem>>, vector<16xf32>,
          %get3A_242 = arith.index_cast %add3A_195 : i32 to index
          %get3A_243 = arith.constant 64 : index
          %get3A_244 = tpu.vector_load %arg34[%get3A_242, %get3A_243] {strides = array<i32>} : memref<80x128xf32, #tpu.memory_space<vmem>>, vector<16xf32>,
          %swap3A_245 = arith.index_cast %add3A_195 : i32 to index
          %swap3A_246 = arith.constant 128 : index
          %swap3A_247 = tpu.vector_load %arg35[%swap3A_245, %swap3A_246] {strides = array<i32>} : memref<80x193xf32, #tpu.memory_space<vmem>>, vector<16xf32>,
          tpu.vector_store %arg35[%swap3A_245, %swap3A_246], %get3A_244 {strides = array<i32>} : memref<80x193xf32, #tpu.memory_space<vmem>>, vector<16xf32>,
          %get3A_248 = arith.index_cast %add3A_195 : i32 to index
          %get3A_249 = arith.constant 80 : index
          %get3A_250 = tpu.vector_load %arg34[%get3A_248, %get3A_249] {strides = array<i32>} : memref<80x128xf32, #tpu.memory_space<vmem>>, vector<16xf32>,
          %swap3A_251 = arith.index_cast %add3A_195 : i32 to index
          %swap3A_252 = arith.constant 144 : index
          %swap3A_253 = tpu.vector_load %arg35[%swap3A_251, %swap3A_252] {strides = array<i32>} : memref<80x193xf32, #tpu.memory_space<vmem>>, vector<16xf32>,
          tpu.vector_store %arg35[%swap3A_251, %swap3A_252], %get3A_250 {strides = array<i32>} : memref<80x193xf32, #tpu.memory_space<vmem>>, vector<16xf32>,
          %get3A_254 = arith.index_cast %add3A_195 : i32 to index
          %get3A_255 = arith.constant 96 : index
          %get3A_256 = tpu.vector_load %arg34[%get3A_254, %get3A_255] {strides = array<i32>} : memref<80x128xf32, #tpu.memory_space<vmem>>, vector<16xf32>,
          %swap3A_257 = arith.index_cast %add3A_195 : i32 to index
          %swap3A_258 = arith.constant 160 : index
          %swap3A_259 = tpu.vector_load %arg35[%swap3A_257, %swap3A_258] {strides = array<i32>} : memref<80x193xf32, #tpu.memory_space<vmem>>, vector<16xf32>,
          tpu.vector_store %arg35[%swap3A_257, %swap3A_258], %get3A_256 {strides = array<i32>} : memref<80x193xf32, #tpu.memory_space<vmem>>, vector<16xf32>,
          %get3A_260 = arith.index_cast %add3A_195 : i32 to index
          %get3A_261 = arith.constant 112 : index
          %get3A_262 = tpu.vector_load %arg34[%get3A_260, %get3A_261] {strides = array<i32>} : memref<80x128xf32, #tpu.memory_space<vmem>>, vector<16xf32>,
          %swap3A_263 = arith.index_cast %add3A_195 : i32 to index
          %swap3A_264 = arith.constant 176 : index
          %swap3A_265 = tpu.vector_load %arg35[%swap3A_263, %swap3A_264] {strides = array<i32>} : memref<80x193xf32, #tpu.memory_space<vmem>>, vector<16xf32>,
          tpu.vector_store %arg35[%swap3A_263, %swap3A_264], %get3A_262 {strides = array<i32>} : memref<80x193xf32, #tpu.memory_space<vmem>>, vector<16xf32>,
        }
        %scan3A_179 = arith.constant 80 : i32
        %scan3A_180 = arith.constant 0 : i32
        %scan3A_181 = arith.constant 5 : i32
        %scan3A_182 = arith.addi %scan3A_180, %scan3A_181 : i32
        %scan3A_183 = arith.constant 1 : i32
        scf.for %scan3A_191 = %scan3A_180 to %scan3A_182 step %scan3A_183  : i32 {
          %mul3A_192 = arith.constant 1 : i32
          %mul3A_193 = arith.muli %scan3A_191, %mul3A_192 : i32
          %add3A_194 = arith.constant 0 : i32
          %add3A_195 = arith.addi %add3A_194, %mul3A_193 : i32
          %mul3A_196 = arith.constant 16 : i32
          %mul3A_197 = arith.muli %add3A_195, %mul3A_196 : i32
          %get3A = arith.index_cast %mul3A_197 : i32 to index
          %get3A_198 = tpu.vector_load %arg32[%get3A] {strides = array<i32>} : memref<80xf32, #tpu.memory_space<vmem>>, vector<16xf32>,
          %iota3A = tpu.iota {dimensions = array<i32: 0>} : vector<16xi32>
          %mul3A_199 = arith.constant 16 : i32
          %mul3A_200 = arith.muli %add3A_195, %mul3A_199 : i32
          %add3A_201 = vector.broadcast %mul3A_200 : i32 to vector<16xi32>
          %add3A_202 = arith.addi %iota3A, %add3A_201 : vector<16xi32>
          %broadcast_in_dim3A = arith.constant 192 : i32
          %broadcast_in_dim3A_203 = vector.broadcast %broadcast_in_dim3A : i32 to vector<16xi32>
          tpu.vector_store_idx %arg35[%add3A_202, %broadcast_in_dim3A_203], %get3A_198 : memref<80x193xf32, #tpu.memory_space<vmem>>[vector<16xi32>, vector<16xi32>], vector<16xf32>,
        }
        %scan3A_184 = arith.constant 5 : i32
        %mul3A_185 = arith.constant 80 : i32
        %mul3A_186 = arith.muli %add3A_135, %mul3A_185 : i32
        %dma_start3A_187 = arith.constant 0 : i32
        %dma_start3A_188 = tpu.memref_slice %arg8[%mul3A_186, %dma_start3A_187] : memref<100000x193xf32, #tpu.memory_space<hbm>> -> memref<80x193xf32, #tpu.memory_space<hbm>>
        %dma_start3A_189 = arith.constant 0 : i32
        %dma_start3A_190 = tpu.memref_slice %arg8[%mul3A_186, %dma_start3A_189] : memref<100000x193xf32, #tpu.memory_space<hbm>> -> memref<80x193xf32, #tpu.memory_space<hbm>>
        tpu.enqueue_dma source(%arg35 : memref<80x193xf32, #tpu.memory_space<vmem>>) target(%dma_start3A_190 : memref<80x193xf32, #tpu.memory_space<hbm>>) target_semaphore(%arg38 : memref<!tpu.dma_semaphore, #tpu.memory_space<semaphore_mem>>)
      } else {
      }
    }
    %scan3A_53 = arith.constant 14 : i32
    %dma_wait3A_54 = arith.constant 0 : i32
    %dma_wait3A_55 = arith.constant 0 : i32
    %dma_wait3A_56 = tpu.memref_slice %arg8[%dma_wait3A_54, %dma_wait3A_55] : memref<100000x193xf32, #tpu.memory_space<hbm>> -> memref<80x193xf32, #tpu.memory_space<hbm>>
    %dma_wait3A_57 = arith.constant 0 : i32
    %dma_wait3A_58 = arith.constant 0 : i32
    %dma_wait3A_59 = tpu.memref_slice %arg8[%dma_wait3A_57, %dma_wait3A_58] : memref<100000x193xf32, #tpu.memory_space<hbm>> -> memref<80x193xf32, #tpu.memory_space<hbm>>
    tpu.wait_dma2 semaphore(%arg18 : memref<!tpu.dma_semaphore, #tpu.memory_space<semaphore_mem>>) src(%arg15 : memref<80x193xf32, #tpu.memory_space<vmem>>) dst(%dma_wait3A_59 : memref<80x193xf32, #tpu.memory_space<hbm>>)
    %dma_wait3A_60 = arith.constant 0 : i32
    %dma_wait3A_61 = arith.constant 0 : i32
    %dma_wait3A_62 = tpu.memref_slice %arg8[%dma_wait3A_60, %dma_wait3A_61] : memref<100000x193xf32, #tpu.memory_space<hbm>> -> memref<80x193xf32, #tpu.memory_space<hbm>>
    %dma_wait3A_63 = arith.constant 0 : i32
    %dma_wait3A_64 = arith.constant 0 : i32
    %dma_wait3A_65 = tpu.memref_slice %arg8[%dma_wait3A_63, %dma_wait3A_64] : memref<100000x193xf32, #tpu.memory_space<hbm>> -> memref<80x193xf32, #tpu.memory_space<hbm>>
    tpu.wait_dma2 semaphore(%arg28 : memref<!tpu.dma_semaphore, #tpu.memory_space<semaphore_mem>>) src(%arg25 : memref<80x193xf32, #tpu.memory_space<vmem>>) dst(%dma_wait3A_65 : memref<80x193xf32, #tpu.memory_space<hbm>>)
    %dma_wait3A_66 = arith.constant 0 : i32
    %dma_wait3A_67 = arith.constant 0 : i32
    %dma_wait3A_68 = tpu.memref_slice %arg8[%dma_wait3A_66, %dma_wait3A_67] : memref<100000x193xf32, #tpu.memory_space<hbm>> -> memref<80x193xf32, #tpu.memory_space<hbm>>
    %dma_wait3A_69 = arith.constant 0 : i32
    %dma_wait3A_70 = arith.constant 0 : i32
    %dma_wait3A_71 = tpu.memref_slice %arg8[%dma_wait3A_69, %dma_wait3A_70] : memref<100000x193xf32, #tpu.memory_space<hbm>> -> memref<80x193xf32, #tpu.memory_space<hbm>>
    tpu.wait_dma2 semaphore(%arg38 : memref<!tpu.dma_semaphore, #tpu.memory_space<semaphore_mem>>) src(%arg35 : memref<80x193xf32, #tpu.memory_space<vmem>>) dst(%dma_wait3A_71 : memref<80x193xf32, #tpu.memory_space<hbm>>)
    return
  }
}

</mosaic_0001>

<sc_bundles>
// kernel: kernel.3.cloned.1.call-start
scs
__scs_entry_jumppad:
0x0: {  	(pc) =	sbr.rel $0x88, $3  }
0x1: {  	(tag) =	ssettag $0x0;
	lr =	simm.s32 $0x1  }
0x2: {  	[smem:$0x3F9A] =	sst lr;
	_ =	strace $0xD0000000  }
0x3: {  	_ = 	snop  }
0x4: {  	_ = 	snop  }
0x5: {  	_ = 	snop  }
0x6: {  	_ = 	snop  }
0x7: {  	_ = 	snop  }
__scs_overlays_trampoline_lowered:
0x8: {  	[smem:$0x3FA9] =	sst s0  }
0x9: {  	[smem:$0x3FAA] =	sst s1  }
0xa: {  	[smem:$0x3FAB] =	sst s2  }
0xb: {  	[smem:$0x3FAC] =	sst s3  }
0xc: {  	[smem:$0x3FAD] =	sst s4  }
0xd: {  	[smem:$0x3FAE] =	sst s5  }
0xe: {  	[smem:$0x3FAF] =	sst s6  }
0xf: {  	[smem:$0x3FB0] =	sst s7  }
0x10: {  	[smem:$0x3FB1] =	sst s8  }
0x11: {  	[smem:$0x3FB2] =	sst s9;
	s0 =	simm.s32 @!p0 $0x0  }
0x12: {  	s1 =	sld [smem:$0x3F98];
	s0 =	simm.s32 @p0 $0x1  }
0x13: {  	[smem:$0x3FB3] =	sst s0;
	s0 =	simm.s32 @!p1 $0x0  }
0x14: {  	s2 =	sld [smem:$0x3F97];
	s0 =	simm.s32 @p1 $0x1  }
0x15: {  	[smem:$0x3FB4] =	sst s0;
	s0 =	simm.s32 @!p2 $0x0  }
0x16: {  	s3 =	sld [smem:$0x3FDB];
	s0 =	simm.s32 @p2 $0x1  }
0x17: {  	s4 =	simm.s32 $0x1BF5;
	[smem:$0x3FB6] =	sst s0  }
0x18: {  	s0 =	sld [smem:$0x3F99];
	_ =	swait.ge [sflag:s4], $0x0  }
0x19: {  	s7 =	sld [smem:$0x3F9A]  }
0x1a: {  	s8 =	sadd.s32 $0xFFFFE003, lr  }
0x1b: {  	s9 =	sadd.s32 $0xFFFFFEF7, lr;
	s5 =	simm.s32 $0xFFFFFFFF;
	p2 =	slt.u32 s8, $0xFFFFF086  }
0x1c: {  	p1 =	slt.u32 s9, $0xF7A;
	s5 =	simm.s32 @!p2 $0x0  }
0x1d: {  	s5 =	simm.s32 @p1 $0x1;
	p0 =	seq.s32 s7, s2  }
0x1e: {  	s7 =	smul.u32 @!p0 $0xF7A, s2;
	p2 =	seq.s32 @!p0 s5, $0x0  }
0x1f: {  	s9 =	smul.u32 $0xF7A, s1;
	s8 =	simm.s32 @!p0 $0x1BF5;
	p2 =	por !p2, p0  }
0x20: {  	[sflag:s8] =	ssyncset.s32 @!p0 $0xFFFFF086;
	s6 =	sadd.s32 @!p0 s3, s7;
	s7 =	simm.s32 @!p0 $0x108  }
0x21: {  	s3 =	sadd.s32 s3, s9;
	s6 =	sadd.s32 @!p0 $0x88, s6;
	s7 =	simm.s32 @p2 $0x1082  }
0x22: {  	[simem:s7], [sflag:s8] =	dma.local @!p0 [hbm:s6], $0xF7A  }
0x23: {  	s9 =	sor.u32 $0xD0000000, s2;
	s6 =	simm.s32 $0x108;
	_ =	swait.ge @!p0 [sflag:s8], $0x0  }
0x24: {  	s3 =	sadd.s32 $0x88, s3;
	s6 =	simm.s32 @!p1 $0x1082;
	[sflag:s4] =	ssyncset.s32 $0xFFFFF086  }
0x25: {  	[simem:s6], [sflag:s4] =	dma.local [hbm:s3], $0xF7A  }
0x26: {  	[smem:$0x3F9A] =	sst s1;
	(tag) =	ssettag s2;
	_ =	strace s9  }
0x27: {  	s1 =	sld [smem:$0x3FAA]  }
0x28: {  	s2 =	sld [smem:$0x3FAB]  }
0x29: {  	s4 =	sld [smem:$0x3FAD]  }
0x2a: {  	p0 =	seq.s32 s5, $0x0;
	s5 =	sld [smem:$0x3FAE]  }
0x2b: {  	s6 =	sld [smem:$0x3FAF]  }
0x2c: {  	s7 =	sld [smem:$0x3FB0]  }
0x2d: {  	s3 =	simm.s32 $0x108;
	s8 =	sld [smem:$0x3FB1]  }
0x2e: {  	s3 =	simm.s32 @!p0 $0x1082;
	s9 =	sld [smem:$0x3FB2]  }
0x2f: {  	lr =	sadd.s32 s0, s3;
	s0 =	sld [smem:$0x3FA9]  }
0x30: {  	s3 =	sld [smem:$0x3FAC]  }
0x31: {  	[smem:$0x3FB5] =	sst s10  }
0x32: {  	s10 =	sld [smem:$0x3FB3];
	_ =	sdelay $0x3  }
0x33: {  	p0 =	seq.s32 s10, $0x1;
	s10 =	sld [smem:$0x3FB5];
	_ =	sdelay $0x3  }
0x34: {  	[smem:$0x3FB5] =	sst s10  }
0x35: {  	s10 =	sld [smem:$0x3FB4];
	_ =	sdelay $0x3  }
0x36: {  	p1 =	seq.s32 s10, $0x1;
	s10 =	sld [smem:$0x3FB5];
	_ =	sdelay $0x3  }
0x37: {  	[smem:$0x3FB5] =	sst s10  }
0x38: {  	s10 =	sld [smem:$0x3FB6]  }
0x39: {  	_ = 	snop;
	(pc) =	sbr.ind lr, $3  }
0x3a: {  	_ = 	snop  }
0x3b: {  	_ = 	snop  }
0x3c: {  	p2 =	seq.s32 s10, $0x1;
	s10 =	sld [smem:$0x3FB5]  }
0x3d: {  	_ =	shalt  }
0x3e: {  	_ =	shalt  }
0x3f: {  	_ =	shalt  }
0x40: {  	_ =	shalt  }
0x41: {  	_ =	shalt  }
0x42: {  	_ =	shalt  }
0x43: {  	_ =	shalt  }
0x44: {  	_ =	shalt  }
0x45: {  	_ =	shalt  }
0x46: {  	_ =	shalt  }
0x47: {  	_ =	shalt  }
0x48: {  	_ =	shalt  }
0x49: {  	_ =	shalt  }
0x4a: {  	_ =	shalt  }
0x4b: {  	_ =	shalt  }
0x4c: {  	_ =	shalt  }
0x4d: {  	_ =	shalt  }
0x4e: {  	_ =	shalt  }
0x4f: {  	_ =	shalt  }
0x50: {  	_ =	shalt  }
0x51: {  	_ =	shalt  }
0x52: {  	_ =	shalt  }
0x53: {  	_ =	shalt  }
0x54: {  	_ =	shalt  }
0x55: {  	_ =	shalt  }
0x56: {  	_ =	shalt  }
0x57: {  	_ =	shalt  }
0x58: {  	_ =	shalt  }
0x59: {  	_ =	shalt  }
0x5a: {  	_ =	shalt  }
0x5b: {  	_ =	shalt  }
0x5c: {  	_ =	shalt  }
0x5d: {  	_ =	shalt  }
0x5e: {  	_ =	shalt  }
0x5f: {  	_ =	shalt  }
0x60: {  	_ =	shalt  }
0x61: {  	_ =	shalt  }
0x62: {  	_ =	shalt  }
0x63: {  	_ =	shalt  }
0x64: {  	_ =	shalt  }
0x65: {  	_ =	shalt  }
0x66: {  	_ =	shalt  }
0x67: {  	_ =	shalt  }
0x68: {  	_ =	shalt  }
0x69: {  	_ =	shalt  }
0x6a: {  	_ =	shalt  }
0x6b: {  	_ =	shalt  }
0x6c: {  	_ =	shalt  }
0x6d: {  	_ =	shalt  }
0x6e: {  	_ =	shalt  }
0x6f: {  	_ =	shalt  }
0x70: {  	_ =	shalt  }
0x71: {  	_ =	shalt  }
0x72: {  	_ =	shalt  }
0x73: {  	_ =	shalt  }
0x74: {  	_ =	shalt  }
0x75: {  	_ =	shalt  }
0x76: {  	_ =	shalt  }
0x77: {  	_ =	shalt  }
0x78: {  	_ =	shalt  }
0x79: {  	_ =	shalt  }
0x7a: {  	_ =	shalt  }
0x7b: {  	_ =	shalt  }
0x7c: {  	_ =	shalt  }
0x7d: {  	_ =	shalt  }
0x7e: {  	_ =	shalt  }
0x7f: {  	_ =	shalt  }
0x80: {  	_ =	shalt  }
0x81: {  	_ =	shalt  }
0x82: {  	_ =	shalt  }
0x83: {  	_ =	shalt  }
0x84: {  	_ =	shalt  }
0x85: {  	_ =	shalt  }
0x86: {  	_ =	shalt  }
0x87: {  	_ =	shalt  }
.Lfunc_end0:
.L_simem_size_0:
called_computation.1_lowered:
.L_overlay_start_0:
0x88: {  	s2 =	sld [smem:$0x3FD9]  }
0x89: {  	s3 =	sld [smem:$0x3FFE];
	_ =	sdelay $0x1  }
0x8a: {  	s1 =	srdreg.scid  }
0x8b: {  	s0 =	sand.u32 $0x1, s1  }
0x8c: {  	s17 =	sshll.u32 s0, $0xA;
	s2 =	sadd.s32 s3, s2  }
0x8d: {  	s2 =	sadd.s32 s2, s17  }
0x8e: {  	[smem:$0x3FC1] =	sst s2  }
0x8f: {  	_ = 	snop  }
0x90: {  	s2 =	sld [smem:$0x3FC9]  }
0x91: {  	s18 =	sld [smem:$0x3FC8]  }
0x92: {  	s4 =	sld [smem:$0x3FC7]  }
0x93: {  	s5 =	sld [smem:$0x3FC6]  }
0x94: {  	s6 =	sld [smem:$0x3FD0];
	(tm) =	ssettm $0x1  }
0x95: {  	s7 =	sld [smem:$0x3FFB];
	_ =	sdelay $0x3  }
0x96: {  	_ =	strace s7  }
0x97: {  	s7 =	sld [smem:$0x3FFC];
	_ =	sdelay $0x3  }
0x98: {  	_ =	strace s7  }
0x99: {  	s7 =	sld [smem:$0x3FFD];
	_ =	sdelay $0x3  }
0x9a: {  	_ =	strace s7  }
0x9b: {  	_ =	strace $0x8FFFFFFF  }
0x9c: {  	s19 =	sld [smem:$0x3FDB];
	_ =	sdelay $0x1  }
0x9d: {  	s8 =	simm.s32 $_scs_section_size  }
0x9e: {  	s9 =	simm.s32 $_size__tile_overlayer_lowered;
	s10 =	simm.s32 $_tile_overlayer_lowered  }
0x9f: {  	s22 =	simm.s32 $0x1BFF;
	s21 =	sshll.u32 s10, $0x1;
	s7 =	sadd.s32 s8, s19  }
0xa0: {  	s11 =	simm.s32 $0x0;
	s20 =	sshll.u32 s9, $0x1;
	s9 =	sadd.s32 s21, s7  }
0xa1: {  	[timem:s11], [sflag:s22] =	dma.local [hbm:s9], s20  }
0xa2: {  	_ =	swait.ge [sflag:s22], s20  }
0xa3: {  	s8 =	ssub.s32 $0x0, s20;
	[sflag:s22] =	ssyncset.done $0x0  }
0xa4: {  	[sflag:s22] =	ssyncadd.s32 s8;
	_ =	sdelay $0x1  }
0xa5: {  	s23 =	simm.s32 $0x1B8B  }
0xa6: {  	_ =	swait.ge [sflag:s23], $0x1  }
0xa7: {  	[sflag:s23] =	ssyncset.done $0x0  }
0xa8: {  	s25 =	simm.s32 $0x1B8E;
	s24 =	sld [smem:$0x3FFE];
	[sflag:s23] =	ssyncadd.s32 $0xFFFFFFFF  }
0xa9: {  	s26 =	simm.s32 $execute0_lowered;
	[smem:$0x3FD2] =	sst s25  }
0xaa: {  	s9 =	sshll.u32 s26, $0x1;
	_ =	strace $0x80000046;
	[dreg:$0x1] =	wrdreg $0xFFFFFFFF  }
0xab: {  	s28 =	simm.s32 $_size_execute0_lowered;
	s7 =	sadd.s32 s7, s9;
	[dreg:$0x0] =	wrdreg $0x0  }
0xac: {  	s9 =	sshll.u32 s28, $0x1;
	[dreg:$0x2] =	wrdreg s7  }
0xad: {  	[dreg:$0x3] =	wrdreg s9  }
0xae: {  	[dreg:$0x4] =	wrdreg $0xC0  }
0xaf: {  	_ =	task [dreg:s11], $0x5FFFF  }
0xb0: {  	[dreg:$0x1] =	wrdreg $0xFFFFFFFF  }
0xb1: {  	[dreg:$0x0] =	wrdreg $0x60  }
0xb2: {  	[dreg:$0x2] =	wrdreg s2  }
0xb3: {  	[dreg:$0x3] =	wrdreg s18  }
0xb4: {  	[dreg:$0x4] =	wrdreg s4  }
0xb5: {  	[dreg:$0x5] =	wrdreg s5  }
0xb6: {  	[dreg:$0x6] =	wrdreg s24  }
0xb7: {  	[dreg:$0x7] =	wrdreg s6  }
0xb8: {  	[dreg:$0x8] =	wrdreg $0x9  }
0xb9: {  	_ =	task.clear_ibuf [dreg:s11], $0x9FFFF;
	_ =	strace $0x90000046  }
0xba: {  	s29 =	simm.s32 $0x9;
	_ =	strace $0x80000048  }
0xbb: {  	_ =	swait.ge [sflag:s29], $0x1  }
0xbc: {  	[sflag:s29] =	ssyncadd.s32 $0xFFFFFFFF  }
0xbd: {  	_ =	strace $0x90000048  }
0xbe: {  	_ =	sfence  }
0xbf: {  	s30 =	sld [smem:$0x0];
	_ =	sdelay $0x2  }
0xc0: {  	s31 =	sshll.u32 s1, $0xD;
	s1 =	sshrl.u32 s1, $0x2  }
0xc1: {  	s3 =	sand.u32 $0x4000, s31;
	s1 =	sadd.s32 s1, s30  }
0xc2: {  	s0 =	sor.u32 s3, s0;
	s1 =	sshll.u32 s1, $0x11  }
0xc3: {  	s0 =	sor.u32 s1, s0  }
0xc4: {  	s0 =	sadd.s32 $0x8F2B, s0  }
0xc5: {  	[sflag:s0] =	ssyncadd.remote.s32 $0x1  }
0xc6: {  	_ =	sfence.sel $0xFFFF  }
0xc7: {  	[dreg:$0x0] =	wrdreg $0xFFFFFFFF;
	(pc) =	sbr.abs _section_cstart, $3  }
0xc8: {  	[dreg:$0x1] =	wrdreg $0xFFFFFFFF  }
0xc9: {  	_ =	task.clear_ibuf [dreg:s11], $0x2FFFF;
	_ =	strace $0x9FFFFFFF  }
0xca: {  	(tm) =	ssettm $0x7FFFFFFF  }
0xcb: {  	_ =	shalt  }
tec
execute0_lowered:
.L_overlay_start_1:
0x0: {  	(tag) =	ssettag $0x1  }
0x1: {  	v0 =	vimm.s32 $0xFC0;
	vm14 =	vcmask $0x300;
	v1 =	vimm.s32 $0x1FC0  }
0x2: {  	vm13 =	vcmask $0x704;
	vm12 =	vcmask $0xB08;
	vm11 =	vcmask $0xF0C  }
0x3: {  	vm10 =	vcmask $0x1310;
	v0 =	vsel vm14, $0x440, v0;
	v1 =	vsel vm14, $0x1440, v1  }
0x4: {  	vm9 =	vcmask $0x1714;
	v0 =	vsel vm13, $0x4C0, v0;
	v1 =	vsel vm13, $0x14C0, v1  }
0x5: {  	vm7 =	vcmask $0x1B18;
	v0 =	vsel vm12, $0x540, v0;
	v1 =	vsel vm12, $0x1540, v1  }
0x6: {  	vm8 =	vcmask $0x1F1C;
	v0 =	vsel vm11, $0x5C0, v0;
	v1 =	vsel vm11, $0x15C0, v1  }
0x7: {  	vm6 =	vcmask $0x2320;
	v0 =	vsel vm10, $0x640, v0;
	v1 =	vsel vm10, $0x1640, v1  }
0x8: {  	vm5 =	vcmask $0x2724;
	v0 =	vsel vm9, $0x6C0, v0;
	v1 =	vsel vm9, $0x16C0, v1  }
0x9: {  	vm4 =	vcmask $0x2B28;
	v0 =	vsel vm7, $0x740, v0;
	v1 =	vsel vm7, $0x1740, v1  }
0xa: {  	vm3 =	vcmask $0x2F2C;
	v0 =	vsel vm8, $0x7C0, v0;
	v1 =	vsel vm8, $0x17C0, v1  }
0xb: {  	vm0 =	vcmask $0x3330;
	v0 =	vsel vm6, $0xC40, v0;
	v1 =	vsel vm6, $0x1C40, v1  }
0xc: {  	s4 =	rddreg [dreg:$0x0];
	vm1 =	vcmask $0x3734;
	v0 =	vsel vm5, $0xCC0, v0;
	v1 =	vsel vm5, $0x1CC0, v1  }
0xd: {  	s5 =	rddreg [dreg:$0x1];
	vm2 =	vcmask $0x3B38;
	v0 =	vsel vm4, $0xD40, v0;
	v1 =	vsel vm4, $0x1D40, v1  }
0xe: {  	s6 =	rddreg [dreg:$0x2];
	v4 =	vimm.s32 $0x3FC0;
	v0 =	vsel vm3, $0xDC0, v0;
	v1 =	vsel vm3, $0x1DC0, v1  }
0xf: {  	s8 =	rddreg [dreg:$0x3];
	v5 =	vimm.s32 $0x4FC0;
	v0 =	vsel vm0, $0xE40, v0;
	v1 =	vsel vm0, $0x1E40, v1  }
0x10: {  	s0 =	rddreg [dreg:$0x4];
	s1 =	srdreg.scid;
	v4 =	vsel vm14, $0x3440, v4;
	v2 =	vsel vm1, $0xEC0, v0;
	v3 =	vsel vm1, $0x1EC0, v1  }
0x11: {  	s2 =	stileid.u32;
	s7 =	simm.s32 $0x0;
	s30 =	simm.s32 $0x1;
	v1 =	vsel vm2, $0xF40, v2;
	v2 =	vsel vm2, $0x1F40, v3;
	v3 =	vimm.s32 $0x2FC0  }
0x12: {  	s14 =	simm.s32 $0x4;
	s1 =	sand.u32 $0x1, s1;
	s2 =	sshll.u32 s2, $0x1;
	v5 =	vsel vm14, $0x4440, v5;
	v4 =	vsel vm13, $0x34C0, v4;
	v3 =	vsel vm14, $0x2440, v3  }
0x13: {  	[smem:$0x7FF] =	sst s7;
	s9 =	sadd.s32 $0xC00, s0;
	s0 =	sadd.s32 $0xF43000, s0;
	v5 =	vsel vm13, $0x44C0, v5;
	v4 =	vsel vm12, $0x3540, v4;
	v3 =	vsel vm13, $0x24C0, v3  }
0x14: {  	s10 =	sor.u32 s1, s2;
	_ =	strace $0x80000047;
	[dreg:$0x8] =	wrdreg s0;
	v5 =	vsel vm12, $0x4540, v5;
	v4 =	vsel vm11, $0x35C0, v4;
	v3 =	vsel vm12, $0x2540, v3  }
0x15: {  	s2 =	smul.u32 $0xA, s10;
	s29 =	sor.u32 $0x20, s10;
	[dreg:$0x7] =	wrdreg s10;
	v5 =	vsel vm11, $0x45C0, v5;
	v4 =	vsel vm10, $0x3640, v4;
	v3 =	vsel vm11, $0x25C0, v3  }
0x16: {  	s1 =	ssub.s32 $0x2, s1;
	s31 =	sor.u32 $0x40, s10;
	[dreg:$0x11] =	wrdreg s29;
	v5 =	vsel vm10, $0x4640, v5;
	v4 =	vsel vm9, $0x36C0, v4;
	v3 =	vsel vm10, $0x2640, v3  }
0x17: {  	s3 =	smul.u32 $0x50, s10;
	[dreg:$0x12] =	wrdreg s31;
	s21 =	sadd.s32 s4, s2;
	v5 =	vsel vm9, $0x46C0, v5;
	v4 =	vsel vm7, $0x3740, v4;
	v3 =	vsel vm9, $0x26C0, v3  }
0x18: {  	s20 =	sshrl.u32 s1, $0x1;
	s23 =	sadd.s32 s5, s2;
	[dreg:$0x9] =	wrdreg s21;
	v5 =	vsel vm7, $0x4740, v5;
	v4 =	vsel vm8, $0x37C0, v4;
	v3 =	vsel vm7, $0x2740, v3  }
0x19: {  	s0 =	ssub.s32 s1, s20;
	s24 =	sadd.s32 s6, s2;
	[dreg:$0xa] =	wrdreg s23;
	v5 =	vsel vm8, $0x47C0, v5;
	v4 =	vsel vm6, $0x3C40, v4;
	v3 =	vsel vm8, $0x27C0, v3  }
0x1a: {  	s22 =	sshrl.u32 s3, $0x3;
	s2 =	sadd.s32 s8, s2;
	[dreg:$0xb] =	wrdreg s24;
	v5 =	vsel vm6, $0x4C40, v5;
	v4 =	vsel vm5, $0x3CC0, v4;
	v3 =	vsel vm6, $0x2C40, v3  }
0x1b: {  	s0 =	smax.u32 s0, $0x1;
	s1 =	sadd.s32 $0x140, s22;
	[dreg:$0xc] =	wrdreg s2;
	v5 =	vsel vm5, $0x4CC0, v5;
	v4 =	vsel vm4, $0x3D40, v4;
	v3 =	vsel vm5, $0x2CC0, v3  }
.Ltmp0:
0x1c: {  	[dreg:$0x13] =	wrdreg s0;
	s25 =	sadd.s32 s4, s1;
	v5 =	vsel vm4, $0x4D40, v5;
	v4 =	vsel vm3, $0x3DC0, v4;
	v3 =	vsel vm4, $0x2D40, v3;
	(pc) =	sbr.rel .LBB2_1-.Ltmp0, $4  }
0x1d: {  	s18 =	simm.s32 $0x7;
	s26 =	sadd.s32 s5, s1;
	[dreg:$0xd] =	wrdreg s25;
	v5 =	vsel vm3, $0x4DC0, v5;
	v4 =	vsel vm0, $0x3E40, v4;
	v3 =	vsel vm3, $0x2DC0, v3  }
0x1e: {  	s11 =	simm.s32 $0xF400;
	s28 =	sadd.s32 s6, s1;
	[dreg:$0xe] =	wrdreg s26;
	v5 =	vsel vm0, $0x4E40, v5;
	v0 =	vimm.s32 $0x0;
	v3 =	vsel vm0, $0x2E40, v3  }
0x1f: {  	s13 =	simm.s32 $0x8;
	s1 =	sadd.s32 s8, s1;
	[dreg:$0xf] =	wrdreg s28;
	v4 =	vsel vm1, $0x3EC0, v4;
	v5 =	vsel vm1, $0x4EC0, v5;
	v3 =	vsel vm1, $0x2EC0, v3  }
0x20: {  	s22 =	simm.s32 $0x19600;
	s2 =	simm.s32 $0x0;
	[dreg:$0x10] =	wrdreg s1;
	v4 =	vsel vm2, $0x3F40, v4;
	v5 =	vsel vm2, $0x4F40, v5;
	v3 =	vsel vm2, $0x2F40, v3  }
.LBB2_35:
0x21: {  	s0 =	simm.s32 $0x3  }
0x22: {  	_ =	swait.ge [sflag:s0], $0x5000  }
0x23: {  	[sflag:s0] =	ssyncset.done $0x0  }
0x24: {  	s29 =	simm.s32 $0x6;
	[sflag:s0] =	ssyncadd.s32 $0xFFFFB000  }
0x25: {  	_ =	swait.ge [sflag:s29], $0x5000  }
0x26: {  	[sflag:s29] =	ssyncset.done $0x0  }
0x27: {  	s1 =	simm.s32 $0x9;
	[sflag:s29] =	ssyncadd.s32 $0xFFFFB000  }
0x28: {  	_ =	swait.ge [sflag:s1], $0x5000  }
0x29: {  	s2 =	rddreg [dreg:$0x14]  }
0x2a: {  	s31 =	rddreg [dreg:$0x13];
	s2 =	sadd.s32 $0x1, s2  }
0x2b: {  	p0 =	sne.s32 s2, s31  }
.Ltmp1:
0x2c: {  	_ = 	snop;
	(pc) =	sbr.rel @!p0 .LBB2_36-.Ltmp1, $3  }
0x2d: {  	_ =	sdelay $0x1  }
0x2e: {  	[sflag:s1] =	ssyncset.done $0x0  }
0x2f: {  	[sflag:s1] =	ssyncadd.s32 $0xFFFFB000  }
.LBB2_1:
0x30: {  	[dreg:$0x14] =	wrdreg s2  }
0x31: {  	s0 =	rddreg [dreg:$0x9]  }
0x32: {  	[tilespmem:s7], [sflag:$0x1] =	stream.linear.gather [hbm4b:s0+s7], $0x50, $0x38;
	[tilespmem:$0x1E600] =	vst v63  }
0x33: {  	s10 =	rddreg [dreg:$0xa];
	s1 =	simm.s32 $0x80  }
0x34: {  	[tilespmem:s1], [sflag:$0x1] =	stream.linear.gather [hbm4b:s10+s7], $0x50, $0x38;
	[tilespmem:$0x1E600] =	vst v63  }
0x35: {  	s12 =	rddreg [dreg:$0xb];
	s15 =	simm.s32 $0x100  }
0x36: {  	[tilespmem:s15], [sflag:$0x1] =	stream.linear.gather [hbm4b:s12+s7], $0x50, $0x38;
	[tilespmem:$0x1E600] =	vst v63  }
0x37: {  	s16 =	rddreg [dreg:$0xc];
	s17 =	simm.s32 $0x180  }
0x38: {  	[tilespmem:s17], [sflag:$0x1] =	stream.linear.gather [hbm4b:s16+s7], $0x50, $0x38;
	[tilespmem:$0x1E600] =	vst v63  }
0x39: {  	s19 =	rddreg [dreg:$0xd];
	s20 =	simm.s32 $0xA200  }
0x3a: {  	[tilespmem:s20], [sflag:$0x4] =	stream.linear.gather [hbm4b:s19+s7], $0x50, $0x38;
	[tilespmem:$0x1E600] =	vst v63  }
0x3b: {  	s21 =	rddreg [dreg:$0xe];
	s23 =	simm.s32 $0xA280  }
0x3c: {  	[tilespmem:s23], [sflag:$0x4] =	stream.linear.gather [hbm4b:s21+s7], $0x50, $0x38;
	[tilespmem:$0x1E600] =	vst v63  }
0x3d: {  	s24 =	rddreg [dreg:$0xf];
	s25 =	simm.s32 $0xA300  }
0x3e: {  	[tilespmem:s25], [sflag:$0x4] =	stream.linear.gather [hbm4b:s24+s7], $0x50, $0x38;
	[tilespmem:$0x1E600] =	vst v63  }
0x3f: {  	s26 =	rddreg [dreg:$0x10];
	s28 =	simm.s32 $0xA380  }
0x40: {  	[tilespmem:s28], [sflag:$0x4] =	stream.linear.gather [hbm4b:s26+s7], $0x50, $0x38;
	[tilespmem:$0x1E600] =	vst v63  }
0x41: {  	_ =	swait.ge [sflag:s30], $0x50  }
0x42: {  	[sflag:s30] =	ssyncset.done $0x0  }
0x43: {  	[sflag:s30] =	ssyncadd.s32 $0xFFFFFFB0  }
0x44: {  	_ =	swait.ge [sflag:s30], $0x50  }
0x45: {  	[sflag:s30] =	ssyncset.done $0x0  }
0x46: {  	[sflag:s30] =	ssyncadd.s32 $0xFFFFFFB0  }
0x47: {  	_ =	swait.ge [sflag:s30], $0x50  }
0x48: {  	[sflag:s30] =	ssyncset.done $0x0  }
0x49: {  	[sflag:s30] =	ssyncadd.s32 $0xFFFFFFB0  }
0x4a: {  	_ =	swait.ge [sflag:s30], $0x50  }
0x4b: {  	[sflag:s30] =	ssyncset.done $0x0  }
0x4c: {  	[sflag:s30] =	ssyncadd.s32 $0xFFFFFFB0  }
0x4d: {  	v6 =	vld [tilespmem:$0x80]  }
0x4e: {  	v7 =	vld [tilespmem:$0x100]  }
0x4f: {  	v8 =	vld [tilespmem:$0x90]  }
0x50: {  	v9 =	vld [tilespmem:$0x110]  }
0x51: {  	v10 =	vld [tilespmem:$0xA0]  }
0x52: {  	v11 =	vld [tilespmem:$0x120]  }
0x53: {  	v12 =	vld [tilespmem:$0xB0]  }
0x54: {  	v13 =	vld [tilespmem:$0x130]  }
0x55: {  	v14 =	vld [tilespmem:$0xC0]  }
0x56: {  	v15 =	vld [tilespmem:$0x140];
	v6 =	vshll.u32 v6, $0x4  }
0x57: {  	v6 =	vadd.s32 v7, v6;
	v7 =	vshll.u32 v8, $0x4  }
0x58: {  	[tilespmem:$0x100] =	vst v6;
	v6 =	vadd.s32 v9, v7;
	v7 =	vshll.u32 v10, $0x4  }
0x59: {  	[tilespmem:$0x110] =	vst v6;
	v6 =	vadd.s32 v11, v7;
	v7 =	vshll.u32 v12, $0x4  }
0x5a: {  	[tilespmem:$0x120] =	vst v6;
	v6 =	vadd.s32 v13, v7;
	v7 =	vshll.u32 v14, $0x4  }
0x5b: {  	[tilespmem:$0x130] =	vst v6;
	v6 =	vadd.s32 v15, v7  }
0x5c: {  	s31 =	simm.s32 $0x50;
	s3 =	simm.s32 $0x2A00;
	s29 =	rddreg [dreg:$0x5];
	[tilespmem:$0x140] =	vst v6  }
0x5d: {  	[tilespmem:s3], [sflag:$0x2] =	stream.indirect.gather [hbm4b:s29+s31], $0x80, s15, s31, $0xb8;
	[tilespmem:$0x1E600] =	vst v63  }
0x5e: {  	v6 =	vld [tilespmem:s7+$0x0];
	_ =	sdelay $0x4  }
0x5f: {  	v6 =	vshll.u32 v6, $0x4  }
0x60: {  	(v2sf) =	vpush v6, $0x0  }
0x61: {  	(v2sf) =	vpush v6, $0x1  }
0x62: {  	(v2sf) =	vpush v6, $0x2;
	_ =	sdelay $0x1  }
0x63: {  	(v2sf) =	vpush v6, $0x4;
	_ =	sdelay $0x1  }
0x64: {  	(v2sf) =	vpush v6, $0x3  }
0x65: {  	(v2sf) =	vpush v6, $0x5  }
0x66: {  	s21 =	simm.s32 $0x0;
	s25 =	simm.s32 $0x0;
	s15 =	simm.s32 $0x2000;
	(v2sf) =	vpush v6, $0x6  }
.LBB2_2:
0x67: {  	p0 =	sne.s32 s15, $0x8000  }
0x68: {  	s3 =	sadd.s32 $0x280, s25;
	s12 =	sadd.s32 $0x780, s25;
	s26 =	smov.u32 s15  }
0x69: {  	s15 =	sadd.s32 $0x2000, s15;
	s0 =	sadd.s32 $0x580, s25;
	s5 =	sadd.s32 $0x800, s25;
	(v2sf) =	vpush v6, $0x7  }
0x6a: {  	s2 =	sadd.s32 $0x480, s25;
	s23 =	sadd.s32 $0x600, s25;
	s29 =	sadd.s32 $0x880, s25  }
0x6b: {  	s8 =	sadd.s32 $0x200, s25;
	s19 =	sadd.s32 $0x400, s25;
	(v2sf) =	vpush v6, $0x8  }
0x6c: {  	s24 =	simm.s32 $0x0;
	s20 =	sadd.s32 $0x500, s25;
	s21 =	sadd.s32 $0x10, s21  }
0x6d: {  	s6 =	sadd.s32 $0x300, s25;
	s28 =	sadd.s32 $0x700, s25;
	s1 =	spop (v2sf);
	(v2sf) =	vpush v6, $0x9  }
0x6e: {  	s31 =	sand.u32 $0x1FFFFFF0, s1;
	s1 =	sadd.s32 $0x680, s25;
	s10 =	spop (v2sf)  }
0x6f: {  	s31 =	sadd.s32 s9, s31;
	s10 =	sand.u32 $0x1FFFFFF0, s10;
	s16 =	spop (v2sf);
	(v2sf) =	vpush v6, $0xA  }
0x70: {  	[tilespmem:s8], [sflag:$0x2] =	stream.linear.gather [hbm4b:s31+s24], $0x80, $0x38;
	[tilespmem:$0x1E600] =	vst v63  }
0x71: {  	s8 =	sadd.s32 s9, s10;
	s10 =	sadd.s32 $0x380, s25;
	s31 =	spop (v2sf);
	(v2sf) =	vpush v6, $0xB  }
0x72: {  	[tilespmem:s3], [sflag:$0x2] =	stream.linear.gather [hbm4b:s8+s24], $0x80, $0x38;
	[tilespmem:$0x1E600] =	vst v63  }
0x73: {  	s3 =	sand.u32 $0x1FFFFFF0, s16;
	s8 =	sand.u32 $0x1FFFFFF0, s31;
	s16 =	spop (v2sf);
	(v2sf) =	vpush v6, $0xC  }
0x74: {  	s3 =	sadd.s32 s9, s3;
	s16 =	sand.u32 $0x1FFFFFF0, s16;
	s31 =	spop (v2sf)  }
0x75: {  	[tilespmem:s6], [sflag:$0x2] =	stream.linear.gather [hbm4b:s3+s24], $0x80, $0x38;
	(v2sf) =	vpush v6, $0xD;
	[tilespmem:$0x1E600] =	vst v63  }
0x76: {  	s3 =	sadd.s32 s9, s16;
	s6 =	sand.u32 $0x1FFFFFF0, s31;
	s16 =	spop (v2sf)  }
0x77: {  	[tilespmem:s10], [sflag:$0x2] =	stream.linear.gather [hbm4b:s3+s24], $0x80, $0x38;
	(v2sf) =	vpush v6, $0xE;
	[tilespmem:$0x1E600] =	vst v63  }
0x78: {  	s3 =	sadd.s32 s9, s8;
	s8 =	sand.u32 $0x1FFFFFF0, s16;
	s10 =	spop (v2sf)  }
0x79: {  	[tilespmem:s19], [sflag:$0x2] =	stream.linear.gather [hbm4b:s3+s24], $0x80, $0x38;
	(v2sf) =	vpush v6, $0xF;
	[tilespmem:$0x1E600] =	vst v63  }
0x7a: {  	s3 =	sadd.s32 s9, s6;
	s6 =	sand.u32 $0x1FFFFFF0, s10;
	s10 =	spop (v2sf)  }
0x7b: {  	[tilespmem:s2], [sflag:$0x2] =	stream.linear.gather [hbm4b:s3+s24], $0x80, $0x38;
	[tilespmem:$0x1E600] =	vst v63  }
0x7c: {  	s2 =	sadd.s32 s9, s8;
	s3 =	sand.u32 $0x1FFFFFF0, s10;
	s8 =	spop (v2sf)  }
0x7d: {  	[tilespmem:s20], [sflag:$0x2] =	stream.linear.gather [hbm4b:s2+s24], $0x80, $0x38;
	[tilespmem:$0x1E600] =	vst v63  }
0x7e: {  	s2 =	sadd.s32 s9, s6;
	s6 =	sand.u32 $0x1FFFFFF0, s8;
	s8 =	spop (v2sf)  }
0x7f: {  	[tilespmem:s0], [sflag:$0x2] =	stream.linear.gather [hbm4b:s2+s24], $0x80, $0x38;
	[tilespmem:$0x1E600] =	vst v63  }
0x80: {  	s0 =	sadd.s32 s9, s3;
	s2 =	sand.u32 $0x1FFFFFF0, s8;
	s3 =	spop (v2sf)  }
0x81: {  	[tilespmem:s23], [sflag:$0x2] =	stream.linear.gather [hbm4b:s0+s24], $0x80, $0x38;
	[tilespmem:$0x1E600] =	vst v63  }
0x82: {  	s0 =	sadd.s32 s9, s6;
	s3 =	sand.u32 $0x1FFFFFF0, s3;
	s6 =	spop (v2sf)  }
0x83: {  	[tilespmem:s1], [sflag:$0x2] =	stream.linear.gather [hbm4b:s0+s24], $0x80, $0x38;
	[tilespmem:$0x1E600] =	vst v63  }
0x84: {  	s0 =	sadd.s32 s9, s2;
	s1 =	sand.u32 $0x1FFFFFF0, s6;
	s2 =	spop (v2sf)  }
0x85: {  	[tilespmem:s28], [sflag:$0x2] =	stream.linear.gather [hbm4b:s0+s24], $0x80, $0x38;
	[tilespmem:$0x1E600] =	vst v63  }
0x86: {  	s0 =	sadd.s32 s9, s3;
	s2 =	sand.u32 $0x1FFFFFF0, s2;
	s3 =	spop (v2sf)  }
0x87: {  	[tilespmem:s12], [sflag:$0x2] =	stream.linear.gather [hbm4b:s0+s24], $0x80, $0x38;
	[tilespmem:$0x1E600] =	vst v63  }
0x88: {  	s0 =	sadd.s32 s9, s1;
	s1 =	sand.u32 $0x1FFFFFF0, s3;
	s3 =	spop (v2sf)  }
0x89: {  	[tilespmem:s5], [sflag:$0x2] =	stream.linear.gather [hbm4b:s0+s24], $0x80, $0x38;
	[tilespmem:$0x1E600] =	vst v63  }
0x8a: {  	s0 =	sadd.s32 s9, s2;
	s2 =	sand.u32 $0x1FFFFFF0, s3  }
0x8b: {  	[tilespmem:s29], [sflag:$0x2] =	stream.linear.gather [hbm4b:s0+s24], $0x80, $0x38;
	[tilespmem:$0x1E600] =	vst v63  }
0x8c: {  	s1 =	sadd.s32 s9, s1;
	s0 =	sadd.s32 $0x900, s25  }
0x8d: {  	[tilespmem:s0], [sflag:$0x2] =	stream.linear.gather [hbm4b:s1+s24], $0x80, $0x38;
	[tilespmem:$0x1E600] =	vst v63  }
0x8e: {  	s0 =	sadd.s32 $0x980, s25;
	s1 =	sadd.s32 s9, s2  }
0x8f: {  	[tilespmem:s0], [sflag:$0x2] =	stream.linear.gather [hbm4b:s1+s24], $0x80, $0x38;
	[tilespmem:$0x1E600] =	vst v63  }
0x90: {  	v6 =	vld [tilespmem:s21+$0x0];
	_ =	sdelay $0x4  }
0x91: {  	v6 =	vshll.u32 v6, $0x4  }
0x92: {  	(v2sf) =	vpush v6, $0x0  }
0x93: {  	(v2sf) =	vpush v6, $0x1  }
0x94: {  	(v2sf) =	vpush v6, $0x2;
	_ =	sdelay $0x1  }
0x95: {  	(v2sf) =	vpush v6, $0x4  }
.Ltmp2:
0x96: {  	(pc) =	sbr.rel @p0 .LBB2_2-.Ltmp2, $3  }
0x97: {  	(v2sf) =	vpush v6, $0x3  }
0x98: {  	(v2sf) =	vpush v6, $0x5;
	_ =	sdelay $0x1  }
0x99: {  	s25 =	sshra.s32 s26, $0x2;
	(v2sf) =	vpush v6, $0x6  }
0x9a: {  	_ =	sdelay $0x2  }
0x9b: {  	s3 =	sadd.s32 $0x280, s25;
	s2 =	sadd.s32 $0x780, s25;
	s5 =	sadd.s32 $0x580, s25;
	(v2sf) =	vpush v6, $0x7  }
0x9c: {  	s6 =	sadd.s32 $0x480, s25;
	s8 =	sadd.s32 $0x600, s25;
	s10 =	sadd.s32 $0x200, s25  }
0x9d: {  	s12 =	sadd.s32 $0x400, s25;
	s15 =	sadd.s32 $0x500, s25;
	(v2sf) =	vpush v6, $0x8;
	s16 =	spop (v2sf)  }
0x9e: {  	s19 =	sadd.s32 $0x300, s25;
	s16 =	sand.u32 $0x1FFFFFF0, s16;
	s20 =	spop (v2sf)  }
0x9f: {  	(v2sf) =	vpush v6, $0x9;
	s16 =	sadd.s32 s9, s16;
	s20 =	sand.u32 $0x1FFFFFF0, s20;
	s21 =	spop (v2sf)  }
0xa0: {  	[tilespmem:s10], [sflag:$0x2] =	stream.linear.gather [hbm4b:s16+s24], $0x80, $0x38;
	[tilespmem:$0x1E600] =	vst v63  }
0xa1: {  	s23 =	sadd.s32 $0x380, s25;
	(v2sf) =	vpush v6, $0xA;
	s4 =	sadd.s32 s9, s20;
	s17 =	spop (v2sf)  }
0xa2: {  	[tilespmem:s3], [sflag:$0x2] =	stream.linear.gather [hbm4b:s4+s24], $0x80, $0x38;
	[tilespmem:$0x1E600] =	vst v63  }
0xa3: {  	s10 =	sadd.s32 $0x700, s25;
	s26 =	sand.u32 $0x1FFFFFF0, s21;
	(v2sf) =	vpush v6, $0xB;
	s28 =	spop (v2sf)  }
0xa4: {  	s16 =	sadd.s32 s9, s26;
	s3 =	sadd.s32 $0x680, s25;
	s21 =	sand.u32 $0x1FFFFFF0, s28  }
0xa5: {  	(v2sf) =	vpush v6, $0xC;
	[tilespmem:s19], [sflag:$0x2] =	stream.linear.gather [hbm4b:s16+s24], $0x80, $0x38;
	[tilespmem:$0x1E600] =	vst v63  }
0xa6: {  	s29 =	sand.u32 $0x1FFFFFF0, s17;
	s31 =	spop (v2sf);
	s4 =	sadd.s32 s9, s21  }
0xa7: {  	(v2sf) =	vpush v6, $0xD;
	[tilespmem:s23], [sflag:$0x2] =	stream.linear.gather [hbm4b:s4+s24], $0x80, $0x38;
	[tilespmem:$0x1E600] =	vst v63  }
0xa8: {  	s16 =	sadd.s32 s9, s29;
	s19 =	sand.u32 $0x1FFFFFF0, s31;
	s17 =	spop (v2sf)  }
0xa9: {  	[tilespmem:s12], [sflag:$0x2] =	stream.linear.gather [hbm4b:s16+s24], $0x80, $0x38;
	[tilespmem:$0x1E600] =	vst v63  }
0xaa: {  	s19 =	sadd.s32 s9, s19;
	s20 =	sand.u32 $0x1FFFFFF0, s17;
	s21 =	spop (v2sf)  }
0xab: {  	(v2sf) =	vpush v6, $0xE;
	[tilespmem:s6], [sflag:$0x2] =	stream.linear.gather [hbm4b:s19+s24], $0x80, $0x38;
	[tilespmem:$0x1E600] =	vst v63  }
0xac: {  	s23 =	sand.u32 $0x1FFFFFF0, s21;
	s26 =	spop (v2sf);
	s12 =	sadd.s32 s9, s20  }
0xad: {  	(v2sf) =	vpush v6, $0xF;
	[tilespmem:s15], [sflag:$0x2] =	stream.linear.gather [hbm4b:s12+s24], $0x80, $0x38;
	[tilespmem:$0x1E600] =	vst v63  }
0xae: {  	s28 =	sand.u32 $0x1FFFFFF0, s26;
	s6 =	sadd.s32 s9, s23;
	s29 =	spop (v2sf)  }
0xaf: {  	[tilespmem:s5], [sflag:$0x2] =	stream.linear.gather [hbm4b:s6+s24], $0x80, $0x38;
	[tilespmem:$0x1E600] =	vst v63  }
0xb0: {  	s12 =	sadd.s32 s9, s28;
	s31 =	sand.u32 $0x1FFFFFF0, s29;
	s4 =	spop (v2sf)  }
0xb1: {  	[tilespmem:s8], [sflag:$0x2] =	stream.linear.gather [hbm4b:s12+s24], $0x80, $0x38;
	[tilespmem:$0x1E600] =	vst v63  }
0xb2: {  	s6 =	sand.u32 $0x1FFFFFF0, s4;
	s5 =	sadd.s32 s9, s31;
	s15 =	spop (v2sf)  }
0xb3: {  	[tilespmem:s3], [sflag:$0x2] =	stream.linear.gather [hbm4b:s5+s24], $0x80, $0x38;
	[tilespmem:$0x1E600] =	vst v63  }
0xb4: {  	s6 =	sadd.s32 s9, s6;
	s16 =	sand.u32 $0x1FFFFFF0, s15;
	s17 =	spop (v2sf)  }
0xb5: {  	[tilespmem:s10], [sflag:$0x2] =	stream.linear.gather [hbm4b:s6+s24], $0x80, $0x38;
	[tilespmem:$0x1E600] =	vst v63  }
0xb6: {  	s3 =	sadd.s32 s9, s16;
	s5 =	sand.u32 $0x1FFFFFF0, s17;
	s19 =	spop (v2sf)  }
0xb7: {  	[tilespmem:s2], [sflag:$0x2] =	stream.linear.gather [hbm4b:s3+s24], $0x80, $0x38;
	[tilespmem:$0x1E600] =	vst v63  }
0xb8: {  	s0 =	sadd.s32 $0x800, s25;
	s20 =	sand.u32 $0x1FFFFFF0, s19;
	s5 =	sadd.s32 s9, s5  }
0xb9: {  	[tilespmem:s0], [sflag:$0x2] =	stream.linear.gather [hbm4b:s5+s24], $0x80, $0x38;
	[tilespmem:$0x1E600] =	vst v63  }
0xba: {  	s1 =	sadd.s32 $0x880, s25;
	s21 =	spop (v2sf);
	s2 =	sadd.s32 s9, s20  }
0xbb: {  	[tilespmem:s1], [sflag:$0x2] =	stream.linear.gather [hbm4b:s2+s24], $0x80, $0x38;
	[tilespmem:$0x1E600] =	vst v63  }
.Ltmp3:
0xbc: {  	s23 =	sand.u32 $0x1FFFFFF0, s21;
	s26 =	spop (v2sf);
	(pc) =	sbr.rel .LBB2_4-.Ltmp3, $4  }
0xbd: {  	s29 =	sadd.s32 $0x900, s25;
	s28 =	sand.u32 $0x1FFFFFF0, s26;
	s0 =	sadd.s32 s9, s23  }
0xbe: {  	[tilespmem:s29], [sflag:$0x2] =	stream.linear.gather [hbm4b:s0+s24], $0x80, $0x38;
	[tilespmem:$0x1E600] =	vst v63  }
0xbf: {  	s31 =	sadd.s32 $0x980, s25;
	s1 =	sadd.s32 s9, s28  }
0xc0: {  	[tilespmem:s31], [sflag:$0x2] =	stream.linear.gather [hbm4b:s1+s24], $0x80, $0x38;
	[tilespmem:$0x1E600] =	vst v63  }
.LBB2_34:
0xc1: {  	s24 =	sadd.s32 $0x1, s24  }
0xc2: {  	p0 =	sne.s32 s24, $0xE  }
.Ltmp4:
0xc3: {  	_ = 	snop;
	(pc) =	sbr.rel @!p0 .LBB2_35-.Ltmp4, $1  }
0xc4: {  	_ =	sdelay $0x3  }
.LBB2_4:
0xc5: {  	s25 =	smul.u32 $0x60, s24  }
0xc6: {  	s0 =	rddreg [dreg:$0x7]  }
0xc7: {  	s26 =	sor.u32 s0, s25  }
0xc8: {  	p0 =	sgt.u32 s26, $0x4A1  }
.Ltmp5:
0xc9: {  	_ = 	snop;
	(pc) =	sbr.rel @p0 .LBB2_6-.Ltmp5, $1  }
0xca: {  	_ =	sdelay $0x3  }
0xcb: {  	s0 =	smul.u32 $0x50, s26;
	_ =	sdelay $0x1  }
0xcc: {  	s0 =	sshrl.u32 s0, $0x3  }
0xcd: {  	s1 =	rddreg [dreg:$0x0];
	s0 =	sadd.s32 $0x280, s0  }
0xce: {  	s2 =	simm.s32 $0x14400;
	s20 =	rddreg [dreg:$0x1];
	s1 =	sadd.s32 s1, s0  }
0xcf: {  	[tilespmem:s2], [sflag:$0x7] =	stream.linear.gather [hbm4b:s1+s7], $0x50, $0x38;
	[tilespmem:$0x1E600] =	vst v63  }
0xd0: {  	s21 =	simm.s32 $0x14480;
	s1 =	sadd.s32 s20, s0  }
0xd1: {  	[tilespmem:s21], [sflag:$0x7] =	stream.linear.gather [hbm4b:s1+s7], $0x50, $0x38;
	[tilespmem:$0x1E600] =	vst v63  }
.Ltmp6:
0xd2: {  	s23 =	rddreg [dreg:$0x2];
	(pc) =	sbr.rel .LBB2_7-.Ltmp6, $4  }
0xd3: {  	s28 =	simm.s32 $0x14500;
	s29 =	rddreg [dreg:$0x3];
	s1 =	sadd.s32 s23, s0  }
0xd4: {  	[tilespmem:s28], [sflag:$0x7] =	stream.linear.gather [hbm4b:s1+s7], $0x50, $0x38;
	[tilespmem:$0x1E600] =	vst v63  }
0xd5: {  	s31 =	simm.s32 $0x14580;
	s0 =	sadd.s32 s29, s0  }
0xd6: {  	[tilespmem:s31], [sflag:$0x7] =	stream.linear.gather [hbm4b:s0+s7], $0x50, $0x38;
	[tilespmem:$0x1E600] =	vst v63  }
.LBB2_6:
0xd7: {  	p0 =	sgt.u32 s26, $0x4C1  }
.Ltmp7:
0xd8: {  	_ = 	snop;
	(pc) =	sbr.rel @p0 .LBB2_10-.Ltmp7, $1  }
0xd9: {  	_ =	sdelay $0x3  }
.LBB2_7:
0xda: {  	_ =	swait.ge [sflag:s14], $0x50  }
0xdb: {  	[sflag:s14] =	ssyncset.done $0x0  }
0xdc: {  	[sflag:s14] =	ssyncadd.s32 $0xFFFFFFB0  }
0xdd: {  	_ =	swait.ge [sflag:s14], $0x50  }
0xde: {  	[sflag:s14] =	ssyncset.done $0x0  }
0xdf: {  	[sflag:s14] =	ssyncadd.s32 $0xFFFFFFB0  }
0xe0: {  	_ =	swait.ge [sflag:s14], $0x50  }
0xe1: {  	[sflag:s14] =	ssyncset.done $0x0  }
0xe2: {  	[sflag:s14] =	ssyncadd.s32 $0xFFFFFFB0  }
0xe3: {  	_ =	swait.ge [sflag:s14], $0x50  }
0xe4: {  	[sflag:s14] =	ssyncset.done $0x0  }
0xe5: {  	[sflag:s14] =	ssyncadd.s32 $0xFFFFFFB0  }
0xe6: {  	v6 =	vld [tilespmem:$0xA280]  }
0xe7: {  	v7 =	vld [tilespmem:$0xA300]  }
0xe8: {  	v8 =	vld [tilespmem:$0xA290]  }
0xe9: {  	v9 =	vld [tilespmem:$0xA310]  }
0xea: {  	v10 =	vld [tilespmem:$0xA2A0]  }
0xeb: {  	v11 =	vld [tilespmem:$0xA320]  }
0xec: {  	v12 =	vld [tilespmem:$0xA2B0]  }
0xed: {  	v13 =	vld [tilespmem:$0xA330]  }
0xee: {  	v14 =	vld [tilespmem:$0xA2C0]  }
0xef: {  	v15 =	vld [tilespmem:$0xA340];
	v6 =	vshll.u32 v6, $0x4  }
0xf0: {  	v6 =	vadd.s32 v7, v6;
	v7 =	vshll.u32 v8, $0x4  }
0xf1: {  	[tilespmem:$0xA300] =	vst v6;
	v6 =	vadd.s32 v9, v7;
	v7 =	vshll.u32 v10, $0x4  }
0xf2: {  	[tilespmem:$0xA310] =	vst v6;
	v6 =	vadd.s32 v11, v7;
	v7 =	vshll.u32 v12, $0x4  }
0xf3: {  	[tilespmem:$0xA320] =	vst v6;
	v6 =	vadd.s32 v13, v7;
	v7 =	vshll.u32 v14, $0x4  }
0xf4: {  	s1 =	simm.s32 $0xA300;
	s2 =	simm.s32 $0x50;
	[tilespmem:$0xA330] =	vst v6;
	v6 =	vadd.s32 v15, v7  }
0xf5: {  	s3 =	simm.s32 $0xCC00;
	s15 =	simm.s32 $0xA200;
	s0 =	rddreg [dreg:$0x5];
	[tilespmem:$0xA340] =	vst v6  }
0xf6: {  	[tilespmem:s3], [sflag:$0x5] =	stream.indirect.gather [hbm4b:s0+s2], $0x80, s1, s2, $0xb8;
	[tilespmem:$0x1E600] =	vst v63  }
0xf7: {  	v6 =	vld [tilespmem:s15+$0x0];
	_ =	sdelay $0x4  }
0xf8: {  	v6 =	vshll.u32 v6, $0x4  }
0xf9: {  	(v2sf) =	vpush v6, $0x0  }
0xfa: {  	(v2sf) =	vpush v6, $0x1  }
0xfb: {  	(v2sf) =	vpush v6, $0x2;
	_ =	sdelay $0x1  }
0xfc: {  	(v2sf) =	vpush v6, $0x4;
	_ =	sdelay $0x1  }
0xfd: {  	(v2sf) =	vpush v6, $0x3  }
0xfe: {  	(v2sf) =	vpush v6, $0x5  }
0xff: {  	s21 =	simm.s32 $0x2000;
	s29 =	simm.s32 $0x0;
	(v2sf) =	vpush v6, $0x6  }
.LBB2_8:
0x100: {  	p0 =	seq.s32 s21, $0x8000  }
0x101: {  	s6 =	sadd.s32 $0xA480, s29;
	s23 =	sadd.s32 $0xA980, s29;
	s5 =	smov.u32 s21  }
0x102: {  	s21 =	sadd.s32 $0x2000, s21;
	s2 =	sadd.s32 $0xA780, s29;
	s12 =	sadd.s32 $0xAA00, s29;
	(v2sf) =	vpush v6, $0x7  }
0x103: {  	s8 =	sadd.s32 $0xA680, s29;
	s1 =	sadd.s32 $0xA800, s29;
	s28 =	sadd.s32 $0xAA80, s29  }
0x104: {  	s10 =	sadd.s32 $0xA400, s29;
	s16 =	sadd.s32 $0xA600, s29;
	(v2sf) =	vpush v6, $0x8  }
0x105: {  	s19 =	sadd.s32 $0xA700, s29;
	s15 =	sadd.s32 $0x10, s15  }
0x106: {  	s20 =	sadd.s32 $0xA500, s29;
	s0 =	sadd.s32 $0xA900, s29;
	s3 =	spop (v2sf);
	(v2sf) =	vpush v6, $0x9  }
0x107: {  	s31 =	sand.u32 $0x1FFFFFF0, s3;
	s3 =	sadd.s32 $0xA880, s29;
	s17 =	spop (v2sf)  }
0x108: {  	s31 =	sadd.s32 s9, s31;
	s17 =	sand.u32 $0x1FFFFFF0, s17;
	s4 =	spop (v2sf);
	(v2sf) =	vpush v6, $0xA  }
0x109: {  	[tilespmem:s10], [sflag:$0x5] =	stream.linear.gather [hbm4b:s31+s7], $0x80, $0x38;
	[tilespmem:$0x1E600] =	vst v63  }
0x10a: {  	s10 =	sadd.s32 s9, s17;
	s17 =	sadd.s32 $0xA580, s29;
	s31 =	spop (v2sf);
	(v2sf) =	vpush v6, $0xB  }
0x10b: {  	[tilespmem:s6], [sflag:$0x5] =	stream.linear.gather [hbm4b:s10+s7], $0x80, $0x38;
	[tilespmem:$0x1E600] =	vst v63  }
0x10c: {  	s4 =	sand.u32 $0x1FFFFFF0, s4;
	s6 =	sand.u32 $0x1FFFFFF0, s31;
	s10 =	spop (v2sf);
	(v2sf) =	vpush v6, $0xC  }
0x10d: {  	s4 =	sadd.s32 s9, s4;
	s10 =	sand.u32 $0x1FFFFFF0, s10;
	s31 =	spop (v2sf)  }
0x10e: {  	[tilespmem:s20], [sflag:$0x5] =	stream.linear.gather [hbm4b:s4+s7], $0x80, $0x38;
	(v2sf) =	vpush v6, $0xD;
	[tilespmem:$0x1E600] =	vst v63  }
0x10f: {  	s4 =	sadd.s32 s9, s10;
	s10 =	sand.u32 $0x1FFFFFF0, s31;
	s20 =	spop (v2sf)  }
0x110: {  	[tilespmem:s17], [sflag:$0x5] =	stream.linear.gather [hbm4b:s4+s7], $0x80, $0x38;
	(v2sf) =	vpush v6, $0xE;
	[tilespmem:$0x1E600] =	vst v63  }
0x111: {  	s4 =	sadd.s32 s9, s6;
	s6 =	sand.u32 $0x1FFFFFF0, s20;
	s17 =	spop (v2sf)  }
0x112: {  	[tilespmem:s16], [sflag:$0x5] =	stream.linear.gather [hbm4b:s4+s7], $0x80, $0x38;
	(v2sf) =	vpush v6, $0xF;
	[tilespmem:$0x1E600] =	vst v63  }
0x113: {  	s4 =	sadd.s32 s9, s10;
	s10 =	sand.u32 $0x1FFFFFF0, s17;
	s16 =	spop (v2sf)  }
0x114: {  	[tilespmem:s8], [sflag:$0x5] =	stream.linear.gather [hbm4b:s4+s7], $0x80, $0x38;
	[tilespmem:$0x1E600] =	vst v63  }
0x115: {  	s4 =	sadd.s32 s9, s6;
	s6 =	sand.u32 $0x1FFFFFF0, s16;
	s8 =	spop (v2sf)  }
0x116: {  	[tilespmem:s19], [sflag:$0x5] =	stream.linear.gather [hbm4b:s4+s7], $0x80, $0x38;
	[tilespmem:$0x1E600] =	vst v63  }
0x117: {  	s4 =	sadd.s32 s9, s10;
	s8 =	sand.u32 $0x1FFFFFF0, s8;
	s10 =	spop (v2sf)  }
0x118: {  	[tilespmem:s2], [sflag:$0x5] =	stream.linear.gather [hbm4b:s4+s7], $0x80, $0x38;
	[tilespmem:$0x1E600] =	vst v63  }
0x119: {  	s2 =	sadd.s32 s9, s6;
	s4 =	sand.u32 $0x1FFFFFF0, s10;
	s6 =	spop (v2sf)  }
0x11a: {  	[tilespmem:s1], [sflag:$0x5] =	stream.linear.gather [hbm4b:s2+s7], $0x80, $0x38;
	[tilespmem:$0x1E600] =	vst v63  }
0x11b: {  	s1 =	sadd.s32 s9, s8;
	s2 =	sand.u32 $0x1FFFFFF0, s6;
	s6 =	spop (v2sf)  }
0x11c: {  	[tilespmem:s3], [sflag:$0x5] =	stream.linear.gather [hbm4b:s1+s7], $0x80, $0x38;
	[tilespmem:$0x1E600] =	vst v63  }
0x11d: {  	s1 =	sadd.s32 s9, s4;
	s3 =	sand.u32 $0x1FFFFFF0, s6;
	s4 =	spop (v2sf)  }
0x11e: {  	[tilespmem:s0], [sflag:$0x5] =	stream.linear.gather [hbm4b:s1+s7], $0x80, $0x38;
	[tilespmem:$0x1E600] =	vst v63  }
0x11f: {  	s0 =	sadd.s32 s9, s2;
	s1 =	sand.u32 $0x1FFFFFF0, s4;
	s2 =	spop (v2sf)  }
0x120: {  	[tilespmem:s23], [sflag:$0x5] =	stream.linear.gather [hbm4b:s0+s7], $0x80, $0x38;
	[tilespmem:$0x1E600] =	vst v63  }
0x121: {  	s0 =	sadd.s32 s9, s3;
	s2 =	sand.u32 $0x1FFFFFF0, s2;
	s3 =	spop (v2sf)  }
0x122: {  	[tilespmem:s12], [sflag:$0x5] =	stream.linear.gather [hbm4b:s0+s7], $0x80, $0x38;
	[tilespmem:$0x1E600] =	vst v63  }
0x123: {  	s0 =	sadd.s32 s9, s1;
	s1 =	sand.u32 $0x1FFFFFF0, s3  }
0x124: {  	[tilespmem:s28], [sflag:$0x5] =	stream.linear.gather [hbm4b:s0+s7], $0x80, $0x38;
	[tilespmem:$0x1E600] =	vst v63  }
0x125: {  	s2 =	sadd.s32 s9, s2;
	s0 =	sadd.s32 $0xAB00, s29  }
0x126: {  	[tilespmem:s0], [sflag:$0x5] =	stream.linear.gather [hbm4b:s2+s7], $0x80, $0x38;
	[tilespmem:$0x1E600] =	vst v63  }
0x127: {  	s1 =	sadd.s32 s9, s1;
	s0 =	sadd.s32 $0xAB80, s29  }
0x128: {  	[tilespmem:s0], [sflag:$0x5] =	stream.linear.gather [hbm4b:s1+s7], $0x80, $0x38;
	[tilespmem:$0x1E600] =	vst v63  }
0x129: {  	v6 =	vld [tilespmem:s15+$0x0];
	_ =	sdelay $0x4  }
0x12a: {  	v6 =	vshll.u32 v6, $0x4  }
0x12b: {  	(v2sf) =	vpush v6, $0x0  }
0x12c: {  	(v2sf) =	vpush v6, $0x1  }
0x12d: {  	(v2sf) =	vpush v6, $0x2;
	_ =	sdelay $0x1  }
0x12e: {  	(v2sf) =	vpush v6, $0x4  }
.Ltmp8:
0x12f: {  	(pc) =	sbr.rel @!p0 .LBB2_8-.Ltmp8, $3  }
0x130: {  	(v2sf) =	vpush v6, $0x3  }
0x131: {  	(v2sf) =	vpush v6, $0x5;
	_ =	sdelay $0x1  }
0x132: {  	s29 =	sshra.s32 s5, $0x2;
	(v2sf) =	vpush v6, $0x6  }
0x133: {  	_ =	sdelay $0x1  }
0x134: {  	s3 =	sadd.s32 $0xA480, s29;
	s2 =	sadd.s32 $0xA980, s29  }
0x135: {  	s4 =	sadd.s32 $0xA780, s29;
	s0 =	sadd.s32 $0xAA00, s29;
	(v2sf) =	vpush v6, $0x7;
	s5 =	sadd.s32 $0xA680, s29  }
0x136: {  	s6 =	sadd.s32 $0xA800, s29;
	s1 =	sadd.s32 $0xAA80, s29;
	s8 =	sadd.s32 $0xA400, s29  }
0x137: {  	s10 =	sadd.s32 $0xA600, s29;
	s12 =	sadd.s32 $0xA700, s29;
	(v2sf) =	vpush v6, $0x8;
	s15 =	spop (v2sf)  }
0x138: {  	s16 =	sadd.s32 $0xA500, s29;
	s15 =	sand.u32 $0x1FFFFFF0, s15;
	s17 =	spop (v2sf)  }
0x139: {  	(v2sf) =	vpush v6, $0x9;
	s15 =	sadd.s32 s9, s15;
	s17 =	sand.u32 $0x1FFFFFF0, s17;
	s19 =	spop (v2sf)  }
0x13a: {  	[tilespmem:s8], [sflag:$0x5] =	stream.linear.gather [hbm4b:s15+s7], $0x80, $0x38;
	[tilespmem:$0x1E600] =	vst v63  }
0x13b: {  	(v2sf) =	vpush v6, $0xA;
	s20 =	sadd.s32 s9, s17;
	s23 =	sand.u32 $0x1FFFFFF0, s19;
	s21 =	spop (v2sf)  }
0x13c: {  	[tilespmem:s3], [sflag:$0x5] =	stream.linear.gather [hbm4b:s20+s7], $0x80, $0x38;
	[tilespmem:$0x1E600] =	vst v63  }
0x13d: {  	s8 =	sadd.s32 $0xA900, s29;
	(v2sf) =	vpush v6, $0xB;
	s15 =	sadd.s32 s9, s23;
	s28 =	spop (v2sf)  }
0x13e: {  	s3 =	sadd.s32 $0xA880, s29;
	s20 =	sadd.s32 $0xA580, s29;
	s19 =	sand.u32 $0x1FFFFFF0, s28  }
0x13f: {  	(v2sf) =	vpush v6, $0xC;
	[tilespmem:s16], [sflag:$0x5] =	stream.linear.gather [hbm4b:s15+s7], $0x80, $0x38;
	[tilespmem:$0x1E600] =	vst v63  }
0x140: {  	s31 =	sand.u32 $0x1FFFFFF0, s21;
	s21 =	spop (v2sf);
	s23 =	sadd.s32 s9, s19  }
0x141: {  	(v2sf) =	vpush v6, $0xD;
	[tilespmem:s20], [sflag:$0x5] =	stream.linear.gather [hbm4b:s23+s7], $0x80, $0x38;
	[tilespmem:$0x1E600] =	vst v63  }
0x142: {  	s15 =	sadd.s32 s9, s31;
	s16 =	sand.u32 $0x1FFFFFF0, s21;
	s28 =	spop (v2sf)  }
0x143: {  	(v2sf) =	vpush v6, $0xE;
	[tilespmem:s10], [sflag:$0x5] =	stream.linear.gather [hbm4b:s15+s7], $0x80, $0x38;
	[tilespmem:$0x1E600] =	vst v63  }
0x144: {  	s16 =	sadd.s32 s9, s16;
	s31 =	sand.u32 $0x1FFFFFF0, s28;
	s17 =	spop (v2sf)  }
0x145: {  	(v2sf) =	vpush v6, $0xF;
	[tilespmem:s5], [sflag:$0x5] =	stream.linear.gather [hbm4b:s16+s7], $0x80, $0x38;
	[tilespmem:$0x1E600] =	vst v63  }
0x146: {  	s19 =	sand.u32 $0x1FFFFFF0, s17;
	s20 =	spop (v2sf);
	s10 =	sadd.s32 s9, s31  }
0x147: {  	[tilespmem:s12], [sflag:$0x5] =	stream.linear.gather [hbm4b:s10+s7], $0x80, $0x38;
	[tilespmem:$0x1E600] =	vst v63  }
0x148: {  	s21 =	sand.u32 $0x1FFFFFF0, s20;
	s5 =	sadd.s32 s9, s19;
	s23 =	spop (v2sf)  }
0x149: {  	[tilespmem:s4], [sflag:$0x5] =	stream.linear.gather [hbm4b:s5+s7], $0x80, $0x38;
	[tilespmem:$0x1E600] =	vst v63  }
0x14a: {  	s10 =	sadd.s32 s9, s21;
	s28 =	sand.u32 $0x1FFFFFF0, s23;
	s31 =	spop (v2sf)  }
0x14b: {  	[tilespmem:s6], [sflag:$0x5] =	stream.linear.gather [hbm4b:s10+s7], $0x80, $0x38;
	[tilespmem:$0x1E600] =	vst v63  }
0x14c: {  	s5 =	sand.u32 $0x1FFFFFF0, s31;
	s4 =	sadd.s32 s9, s28;
	s10 =	spop (v2sf)  }
0x14d: {  	[tilespmem:s3], [sflag:$0x5] =	stream.linear.gather [hbm4b:s4+s7], $0x80, $0x38;
	[tilespmem:$0x1E600] =	vst v63  }
0x14e: {  	s5 =	sadd.s32 s9, s5;
	s12 =	sand.u32 $0x1FFFFFF0, s10;
	s15 =	spop (v2sf)  }
0x14f: {  	[tilespmem:s8], [sflag:$0x5] =	stream.linear.gather [hbm4b:s5+s7], $0x80, $0x38;
	[tilespmem:$0x1E600] =	vst v63  }
0x150: {  	s3 =	sadd.s32 s9, s12;
	s4 =	sand.u32 $0x1FFFFFF0, s15;
	s16 =	spop (v2sf)  }
0x151: {  	[tilespmem:s2], [sflag:$0x5] =	stream.linear.gather [hbm4b:s3+s7], $0x80, $0x38;
	[tilespmem:$0x1E600] =	vst v63  }
0x152: {  	s17 =	sand.u32 $0x1FFFFFF0, s16;
	s4 =	sadd.s32 s9, s4;
	s19 =	spop (v2sf)  }
0x153: {  	[tilespmem:s0], [sflag:$0x5] =	stream.linear.gather [hbm4b:s4+s7], $0x80, $0x38;
	[tilespmem:$0x1E600] =	vst v63  }
0x154: {  	s20 =	sand.u32 $0x1FFFFFF0, s19;
	s21 =	spop (v2sf);
	s2 =	sadd.s32 s9, s17  }
0x155: {  	[tilespmem:s1], [sflag:$0x5] =	stream.linear.gather [hbm4b:s2+s7], $0x80, $0x38;
	[tilespmem:$0x1E600] =	vst v63  }
0x156: {  	s28 =	sadd.s32 $0xAB00, s29;
	s23 =	sand.u32 $0x1FFFFFF0, s21;
	s0 =	sadd.s32 s9, s20  }
0x157: {  	[tilespmem:s28], [sflag:$0x5] =	stream.linear.gather [hbm4b:s0+s7], $0x80, $0x38;
	[tilespmem:$0x1E600] =	vst v63  }
0x158: {  	s31 =	sadd.s32 $0xAB80, s29;
	s1 =	sadd.s32 s9, s23  }
0x159: {  	[tilespmem:s31], [sflag:$0x5] =	stream.linear.gather [hbm4b:s1+s7], $0x80, $0x38;
	[tilespmem:$0x1E600] =	vst v63  }
.LBB2_11:
0x15a: {  	s0 =	simm.s32 $0x2  }
0x15b: {  	_ =	swait.ge [sflag:s0], $0x2800  }
0x15c: {  	[sflag:s0] =	ssyncset.done $0x0  }
0x15d: {  	[sflag:s0] =	ssyncadd.s32 $0xFFFFD800  }
0x15e: {  	_ =	swait.ge [sflag:s0], $0x2800  }
0x15f: {  	p0 =	seq.s32 s24, $0x0;
	[sflag:s0] =	ssyncset.done $0x0  }
0x160: {  	[sflag:s0] =	ssyncadd.s32 $0xFFFFD800;
	s0 =	simm.s32 @!p0 $0x3  }
0x161: {  	_ =	swait.ge @!p0 [sflag:s0], $0x5000  }
0x162: {  	[sflag:s0] =	ssyncset.done @!p0 $0x0  }
0x163: {  	[sflag:s0] =	ssyncadd.s32 @!p0 $0xFFFFB000  }
0x164: {  	v6 =	vld [tilespmem:$0x180];
	_ =	sdelay $0x4  }
0x165: {  	v6 =	vmax.f32 v6, $0.0e+00  }
0x166: {  	v7 =	vld [tilespmem:$0x190];
	v6 =	vadd.f32 $1.000000000e+00, v6;
	_ =	sdelay $0x1  }
0x167: {  	v8 =	vand.u32 $0x7FFFFF, v6  }
0x168: {  	v8 =	vor.u32 $0x3F800000, v8  }
0x169: {  	v9 =	vmul.f32 $5.000000000e-01, v8  }
0x16a: {  	v7 =	vmax.f32 v7, $0.0e+00;
	vm2 =	vgt.f32 v8, $1.414213540e+00  }
0x16b: {  	v10 =	vld [tilespmem:$0x1A0];
	v7 =	vadd.f32 $1.000000000e+00, v7;
	v8 =	vsel vm2, v9, v8  }
0x16c: {  	v9 =	vadd.f32 $1.000000000e+00, v8  }
0x16d: {  	v12 =	vld [tilespmem:$0x1B0];
	v34 =	vand.u32 $0x7FFFFF, v7  }
0x16e: {  	v14 =	vld [tilespmem:$0x1C0];
	(erf) = vrcp.f32 v9;
	v9 =	vor.u32 $0x3F800000, v34  }
0x16f: {  	v11 =	vmul.f32 $5.000000000e-01, v9  }
0x170: {  	v10 =	vmax.f32 v10, $0.0e+00;
	vm3 =	vgt.f32 v9, $1.414213540e+00  }
0x171: {  	v10 =	vadd.f32 $1.000000000e+00, v10;
	v9 =	vsel vm3, v11, v9  }
0x172: {  	v12 =	vmax.f32 v12, $0.0e+00;
	v36 =	vadd.f32 $1.000000000e+00, v9  }
0x173: {  	v14 =	vmax.f32 v14, $0.0e+00;
	v12 =	vadd.f32 $1.000000000e+00, v12;
	v13 =	vand.u32 $0x7FFFFF, v10  }
0x174: {  	v14 =	vadd.f32 $1.000000000e+00, v14;
	v35 =	vor.u32 $0x3F800000, v13;
	(erf) = vrcp.f32 v36  }
0x175: {  	v39 =	vand.u32 $0x7FFFFF, v12;
	v15 =	vmul.f32 $5.000000000e-01, v35  }
0x176: {  	v40 =	vand.u32 $0x7FFFFF, v14;
	v13 =	vor.u32 $0x3F800000, v39;
	vm1 =	vgt.f32 v35, $1.414213540e+00  }
0x177: {  	v17 =	vmul.f32 $5.000000000e-01, v13;
	vm4 =	vgt.f32 v13, $1.414213540e+00;
	v11 =	vsel vm1, v15, v35  }
0x178: {  	v8 =	vadd.f32 $-1.000000000e+00, v8;
	v15 =	vor.u32 $0x3F800000, v40;
	v37 =	vadd.f32 $1.000000000e+00, v11  }
0x179: {  	v13 =	vsel vm4, v17, v13;
	v18 =	vmul.f32 $5.000000000e-01, v15;
	v38 =	vpop (erf)  }
0x17a: {  	vm0 =	vgt.f32 v15, $1.414213540e+00;
	(erf) = vrcp.f32 v37;
	v8 =	vmul.f32 v38, v8  }
0x17b: {  	v6 =	vshrl.u32 v6, $0x17;
	v17 =	vadd.f32 $1.000000000e+00, v13;
	v15 =	vsel vm0, v18, v15  }
0x17c: {  	v10 =	vshrl.u32 v10, $0x17;
	v20 =	vadd.f32 $1.000000000e+00, v15;
	v16 =	vmul.f32 v8, v8  }
0x17d: {  	v12 =	vshrl.u32 v12, $0x17;
	v9 =	vadd.f32 $-1.000000000e+00, v9;
	v41 =	vpop (erf);
	(erf) = vrcp.f32 v17  }
0x17e: {  	v22 =	vsel vm2, $0x1, v0;
	v19 =	vmul.f32 $1.111111120e-01, v16;
	(erf) = vrcp.f32 v20  }
0x17f: {  	v57 =	vsel vm1, $0x1, v0;
	v58 =	vsel vm4, $0x1, v0;
	v9 =	vmul.f32 v41, v9  }
0x180: {  	v6 =	vadd.s32 v22, v6;
	v10 =	vadd.s32 v57, v10;
	v19 =	vadd.f32 $1.428571490e-01, v19  }
0x181: {  	v12 =	vadd.s32 v58, v12;
	v13 =	vadd.f32 $-1.000000000e+00, v13;
	v44 =	vmul.f32 v9, v9  }
0x182: {  	v6 =	vadd.s32 $0xFFFFFF81, v6;
	v11 =	vadd.f32 $-1.000000000e+00, v11;
	v43 =	vmul.f32 v19, v16  }
0x183: {  	v10 =	vadd.s32 $0xFFFFFF81, v10;
	v12 =	vadd.s32 $0xFFFFFF81, v12;
	v42 =	vpop (erf);
	v46 =	vmul.f32 $1.111111120e-01, v44  }
0x184: {  	v6 =	vcvt.s32.f32 v6;
	v11 =	vmul.f32 v42, v11;
	v45 =	vadd.f32 $2.000000030e-01, v43  }
0x185: {  	v10 =	vcvt.s32.f32 v10;
	v12 =	vcvt.s32.f32 v12;
	v18 =	vadd.f32 $1.428571490e-01, v46  }
0x186: {  	v15 =	vadd.f32 $-1.000000000e+00, v15;
	v47 =	vmul.f32 v11, v11;
	v17 =	vmul.f32 v45, v16;
	v23 =	vpop (erf)  }
0x187: {  	v18 =	vmul.f32 v18, v44;
	v13 =	vmul.f32 v23, v13;
	v49 =	vpop (erf)  }
0x188: {  	v6 =	vmul.f32 $6.931471820e-01, v6;
	v17 =	vadd.f32 $3.333333430e-01, v17;
	v15 =	vmul.f32 v49, v15  }
0x189: {  	v21 =	vmul.f32 $1.111111120e-01, v47;
	v48 =	vadd.f32 $2.000000030e-01, v18;
	v51 =	vmul.f32 v13, v13  }
0x18a: {  	v7 =	vshrl.u32 v7, $0x17;
	v16 =	vmul.f32 v17, v16;
	v24 =	vmul.f32 v15, v15  }
0x18b: {  	v14 =	vshrl.u32 v14, $0x17;
	v17 =	vmul.f32 v48, v44;
	v25 =	vmul.f32 $1.111111120e-01, v51  }
0x18c: {  	v50 =	vsel vm3, $0x1, v0;
	v21 =	vadd.f32 $1.428571490e-01, v21;
	v52 =	vmul.f32 $1.111111120e-01, v24  }
0x18d: {  	v7 =	vadd.s32 v50, v7;
	v17 =	vadd.f32 $3.333333430e-01, v17;
	v54 =	vadd.f32 $1.428571490e-01, v25  }
0x18e: {  	v7 =	vadd.s32 $0xFFFFFF81, v7;
	v21 =	vmul.f32 v21, v47;
	v56 =	vadd.f32 $1.428571490e-01, v52  }
0x18f: {  	v8 =	vadd.f32 v8, v8;
	v53 =	vmul.f32 v17, v44;
	v17 =	vmul.f32 v54, v51  }
0x190: {  	v16 =	vadd.f32 $1.000000000e+00, v16;
	v21 =	vadd.f32 $2.000000030e-01, v21;
	v59 =	vmul.f32 v56, v24  }
0x191: {  	v10 =	vmul.f32 $6.931471820e-01, v10;
	v7 =	vcvt.s32.f32 v7;
	v17 =	vadd.f32 $2.000000030e-01, v17  }
0x192: {  	v8 =	vmul.f32 v16, v8;
	v21 =	vmul.f32 v21, v47;
	v20 =	vadd.f32 $2.000000030e-01, v59  }
0x193: {  	v61 =	vsel vm0, $0x1, v0;
	v9 =	vadd.f32 v9, v9;
	v17 =	vmul.f32 v17, v51  }
0x194: {  	v6 =	vadd.f32 v8, v6;
	v55 =	vadd.f32 $3.333333430e-01, v21;
	v8 =	vmul.f32 v20, v24  }
0x195: {  	v14 =	vadd.s32 v61, v14;
	v16 =	vadd.f32 $1.000000000e+00, v53;
	v60 =	vadd.f32 $3.333333430e-01, v17  }
0x196: {  	v7 =	vmul.f32 $6.931471820e-01, v7;
	v19 =	vmul.f32 v55, v47;
	v8 =	vadd.f32 $3.333333430e-01, v8  }
0x197: {  	v14 =	vadd.s32 $0xFFFFFF81, v14;
	v9 =	vmul.f32 v16, v9;
	v16 =	vmul.f32 v60, v51  }
0x198: {  	v11 =	vadd.f32 v11, v11;
	v19 =	vadd.f32 $1.000000000e+00, v19;
	v8 =	vmul.f32 v8, v24  }
0x199: {  	v14 =	vcvt.s32.f32 v14;
	v13 =	vadd.f32 v13, v13;
	v16 =	vadd.f32 $1.000000000e+00, v16  }
0x19a: {  	v15 =	vadd.f32 v15, v15;
	v11 =	vmul.f32 v19, v11;
	v8 =	vadd.f32 $1.000000000e+00, v8  }
0x19b: {  	v12 =	vmul.f32 $6.931471820e-01, v12;
	v7 =	vadd.f32 v9, v7;
	v62 =	vmul.f32 v16, v13  }
0x19c: {  	v63 =	vmul.f32 $6.931471820e-01, v14;
	[tilespmem:$0x180] =	vst v6;
	v6 =	vadd.f32 v11, v10;
	v8 =	vmul.f32 v8, v15  }
0x19d: {  	[tilespmem:$0x190] =	vst v7;
	v7 =	vadd.f32 v62, v12  }
0x19e: {  	[tilespmem:$0x1A0] =	vst v6;
	v6 =	vadd.f32 v8, v63  }
0x19f: {  	[tilespmem:$0x1B0] =	vst v7  }
0x1a0: {  	s31 =	simm.s32 $0x220;
	[tilespmem:$0x1C0] =	vst v6  }
0x1a1: {  	v6 =	vld [tilespmem:s31+$0xFFFFFFE0];
	_ =	sdelay $0x1  }
0x1a2: {  	s15 =	simm.s32 $0x0  }
0x1a3: {  	s1 =	sand.u32 $0x7800, s15;
	s2 =	sand.u32 $0x380, s15  }
0x1a4: {  	s1 =	sor.u32 s2, s1  }
0x1a5: {  	[tilespmem:s1+$0x5200] =	vst v6  }
0x1a6: {  	v6 =	vld [tilespmem:s31+$0xFFFFFFF0];
	_ =	sdelay $0x4  }
0x1a7: {  	[tilespmem:s1+$0x5210] =	vst v6  }
0x1a8: {  	v6 =	vld [tilespmem:s31+$0x0];
	_ =	sdelay $0x4  }
0x1a9: {  	[tilespmem:s1+$0x5220] =	vst v6  }
0x1aa: {  	v6 =	vld [tilespmem:s31+$0x10];
	_ =	sdelay $0x4  }
0x1ab: {  	s5 =	simm.s32 $0x2A40;
	[tilespmem:s1+$0x5230] =	vst v6  }
0x1ac: {  	v6 =	vld [tilespmem:s5+$0xFFFFFFC0];
	_ =	sdelay $0x4  }
0x1ad: {  	[tilespmem:s1+$0x5240] =	vst v6  }
0x1ae: {  	v6 =	vld [tilespmem:s5+$0xFFFFFFD0];
	_ =	sdelay $0x4  }
0x1af: {  	[tilespmem:s1+$0x5250] =	vst v6  }
0x1b0: {  	v6 =	vld [tilespmem:s5+$0xFFFFFFE0];
	_ =	sdelay $0x4  }
0x1b1: {  	[tilespmem:s1+$0x5260] =	vst v6  }
0x1b2: {  	v6 =	vld [tilespmem:s5+$0xFFFFFFF0];
	_ =	sdelay $0x4  }
0x1b3: {  	[tilespmem:s1+$0x5270] =	vst v6  }
0x1b4: {  	v6 =	vld [tilespmem:s5+$0x0];
	_ =	sdelay $0x4  }
0x1b5: {  	[tilespmem:s1+$0x5600] =	vst v6  }
0x1b6: {  	v6 =	vld [tilespmem:s5+$0x10];
	_ =	sdelay $0x4  }
0x1b7: {  	[tilespmem:s1+$0x5610] =	vst v6  }
0x1b8: {  	v6 =	vld [tilespmem:s5+$0x20];
	_ =	sdelay $0x4  }
0x1b9: {  	[tilespmem:s1+$0x5620] =	vst v6  }
0x1ba: {  	v6 =	vld [tilespmem:s5+$0x30];
	_ =	sdelay $0x4  }
0x1bb: {  	s21 =	simm.s32 $0x2A0;
	[tilespmem:s1+$0x5630] =	vst v6  }
0x1bc: {  	s29 =	simm.s32 $0x80;
	s12 =	simm.s32 $0x100;
	v6 =	vld [tilespmem:s21+$0xFFFFFFE0]  }
.LBB2_12:
0x1bd: {  	p0 =	sne.s32 s12, $0x2780  }
0x1be: {  	s15 =	sadd.s32 $0x100, s15  }
0x1bf: {  	s1 =	sand.u32 $0x380, s29;
	s29 =	smov.u32 s12;
	s0 =	sand.u32 $0x7800, s15  }
0x1c0: {  	s23 =	sor.u32 s1, s0  }
0x1c1: {  	[tilespmem:s23+$0x5200] =	vst v6  }
0x1c2: {  	v6 =	vld [tilespmem:s21+$0xFFFFFFF0];
	_ =	sdelay $0x4  }
0x1c3: {  	[tilespmem:s23+$0x5210] =	vst v6  }
0x1c4: {  	v6 =	vld [tilespmem:s21+$0x0];
	_ =	sdelay $0x4  }
0x1c5: {  	[tilespmem:s23+$0x5220] =	vst v6  }
0x1c6: {  	v6 =	vld [tilespmem:s21+$0x10];
	_ =	sdelay $0x4  }
0x1c7: {  	s5 =	sadd.s32 $0x80, s5;
	[tilespmem:s23+$0x5230] =	vst v6  }
0x1c8: {  	v6 =	vld [tilespmem:s5+$0xFFFFFFC0];
	_ =	sdelay $0x4  }
0x1c9: {  	[tilespmem:s23+$0x5240] =	vst v6  }
0x1ca: {  	v6 =	vld [tilespmem:s5+$0xFFFFFFD0];
	_ =	sdelay $0x4  }
0x1cb: {  	[tilespmem:s23+$0x5250] =	vst v6  }
0x1cc: {  	v6 =	vld [tilespmem:s5+$0xFFFFFFE0];
	_ =	sdelay $0x4  }
0x1cd: {  	[tilespmem:s23+$0x5260] =	vst v6  }
0x1ce: {  	v6 =	vld [tilespmem:s5+$0xFFFFFFF0];
	_ =	sdelay $0x4  }
0x1cf: {  	[tilespmem:s23+$0x5270] =	vst v6  }
0x1d0: {  	v6 =	vld [tilespmem:s5+$0x0];
	_ =	sdelay $0x4  }
0x1d1: {  	[tilespmem:s23+$0x5600] =	vst v6  }
0x1d2: {  	v6 =	vld [tilespmem:s5+$0x10];
	_ =	sdelay $0x4  }
0x1d3: {  	[tilespmem:s23+$0x5610] =	vst v6  }
0x1d4: {  	v6 =	vld [tilespmem:s5+$0x20];
	_ =	sdelay $0x4  }
0x1d5: {  	[tilespmem:s23+$0x5620] =	vst v6  }
0x1d6: {  	v6 =	vld [tilespmem:s5+$0x30];
	_ =	sdelay $0x1  }
.Ltmp9:
0x1d7: {  	(pc) =	sbr.rel @p0 .LBB2_12-.Ltmp9, $3  }
0x1d8: {  	_ =	sdelay $0x1  }
0x1d9: {  	s21 =	sadd.s32 $0x80, s21;
	[tilespmem:s23+$0x5630] =	vst v6  }
0x1da: {  	s12 =	sadd.s32 $0x80, s12;
	v6 =	vld [tilespmem:s21+$0xFFFFFFE0]  }
0x1db: {  	_ = 	snop  }
0x1dc: {  	s0 =	sadd.s32 $0x100, s15  }
0x1dd: {  	s1 =	sand.u32 $0x380, s29;
	s0 =	sand.u32 $0x7800, s0  }
0x1de: {  	s0 =	sor.u32 s1, s0  }
0x1df: {  	[tilespmem:s0+$0x5200] =	vst v6  }
0x1e0: {  	v6 =	vld [tilespmem:s21+$0xFFFFFFF0];
	_ =	sdelay $0x4  }
0x1e1: {  	[tilespmem:s0+$0x5210] =	vst v6  }
0x1e2: {  	v6 =	vld [tilespmem:s21+$0x0];
	_ =	sdelay $0x4  }
0x1e3: {  	[tilespmem:s0+$0x5220] =	vst v6  }
0x1e4: {  	v6 =	vld [tilespmem:s21+$0x10];
	_ =	sdelay $0x4  }
0x1e5: {  	s28 =	sadd.s32 $0x80, s5;
	[tilespmem:s0+$0x5230] =	vst v6  }
0x1e6: {  	v6 =	vld [tilespmem:s28+$0xFFFFFFC0];
	_ =	sdelay $0x4  }
0x1e7: {  	[tilespmem:s0+$0x5240] =	vst v6  }
0x1e8: {  	v6 =	vld [tilespmem:s28+$0xFFFFFFD0];
	_ =	sdelay $0x4  }
0x1e9: {  	[tilespmem:s0+$0x5250] =	vst v6  }
0x1ea: {  	v6 =	vld [tilespmem:s28+$0xFFFFFFE0];
	_ =	sdelay $0x4  }
0x1eb: {  	[tilespmem:s0+$0x5260] =	vst v6  }
0x1ec: {  	v6 =	vld [tilespmem:s28+$0xFFFFFFF0];
	_ =	sdelay $0x4  }
0x1ed: {  	[tilespmem:s0+$0x5270] =	vst v6  }
0x1ee: {  	v6 =	vld [tilespmem:s28+$0x0];
	_ =	sdelay $0x4  }
0x1ef: {  	[tilespmem:s0+$0x5600] =	vst v6  }
0x1f0: {  	v6 =	vld [tilespmem:s28+$0x10];
	_ =	sdelay $0x4  }
0x1f1: {  	[tilespmem:s0+$0x5610] =	vst v6  }
0x1f2: {  	v6 =	vld [tilespmem:s28+$0x20];
	_ =	sdelay $0x4  }
0x1f3: {  	[tilespmem:s0+$0x5620] =	vst v6  }
0x1f4: {  	v6 =	vld [tilespmem:s28+$0x30];
	_ =	sdelay $0x4  }
0x1f5: {  	[tilespmem:s0+$0x5630] =	vst v6  }
0x1f6: {  	v6 =	vld [tilespmem:$0x180];
	_ =	sdelay $0x3  }
0x1f7: {  	s2 =	simm.s32 $0x5200  }
0x1f8: {  	[tilespmem:v1+s2+$0x0] =	vst.idx.msk $0xffff, v6  }
0x1f9: {  	v6 =	vld [tilespmem:$0x190];
	_ =	sdelay $0x4  }
0x1fa: {  	[tilespmem:v2+s2+$0x0] =	vst.idx.msk $0xffff, v6  }
0x1fb: {  	v6 =	vld [tilespmem:$0x1A0];
	_ =	sdelay $0x4  }
0x1fc: {  	[tilespmem:v3+s2+$0x0] =	vst.idx.msk $0xffff, v6  }
0x1fd: {  	v6 =	vld [tilespmem:$0x1B0];
	_ =	sdelay $0x4  }
0x1fe: {  	[tilespmem:v4+s2+$0x0] =	vst.idx.msk $0xffff, v6  }
0x1ff: {  	v6 =	vld [tilespmem:$0x1C0];
	_ =	sdelay $0x2  }
0x200: {  	s29 =	smul.u32 $0xA00, s26  }
0x201: {  	s31 =	rddreg [dreg:$0x8]  }
0x202: {  	s0 =	sadd.s32 s31, s29;
	[tilespmem:v5+s2+$0x0] =	vst.idx.msk $0xffff, v6  }
0x203: {  	[hbm4b:s0+s7] =	stream.linear.scatter [tilespmem:s2], [sflag:$0x3], $0x5000, $0x38;
	[tilespmem:$0x1E600] =	vst v63  }
.LBB2_14:
0x204: {  	s0 =	rddreg [dreg:$0x11]  }
0x205: {  	s26 =	sadd.s32 s0, s25  }
0x206: {  	p0 =	sgt.u32 s26, $0x4A1  }
.Ltmp10:
0x207: {  	_ = 	snop;
	(pc) =	sbr.rel @p0 .LBB2_16-.Ltmp10, $1  }
0x208: {  	_ =	sdelay $0x3  }
0x209: {  	s0 =	smul.u32 $0x50, s26;
	_ =	sdelay $0x1  }
0x20a: {  	s0 =	sshrl.u32 s0, $0x3  }
0x20b: {  	s1 =	rddreg [dreg:$0x0];
	s0 =	sadd.s32 $0x280, s0  }
0x20c: {  	s21 =	rddreg [dreg:$0x1];
	s1 =	sadd.s32 s1, s0  }
0x20d: {  	[tilespmem:s7], [sflag:$0x1] =	stream.linear.gather [hbm4b:s1+s7], $0x50, $0x38;
	[tilespmem:$0x1E600] =	vst v63  }
0x20e: {  	s2 =	simm.s32 $0x80;
	s1 =	sadd.s32 s21, s0  }
0x20f: {  	[tilespmem:s2], [sflag:$0x1] =	stream.linear.gather [hbm4b:s1+s7], $0x50, $0x38;
	[tilespmem:$0x1E600] =	vst v63  }
.Ltmp11:
0x210: {  	s23 =	rddreg [dreg:$0x2];
	(pc) =	sbr.rel .LBB2_17-.Ltmp11, $4  }
0x211: {  	s28 =	simm.s32 $0x100;
	s29 =	rddreg [dreg:$0x3];
	s1 =	sadd.s32 s23, s0  }
0x212: {  	[tilespmem:s28], [sflag:$0x1] =	stream.linear.gather [hbm4b:s1+s7], $0x50, $0x38;
	[tilespmem:$0x1E600] =	vst v63  }
0x213: {  	s31 =	simm.s32 $0x180;
	s0 =	sadd.s32 s29, s0  }
0x214: {  	[tilespmem:s31], [sflag:$0x1] =	stream.linear.gather [hbm4b:s0+s7], $0x50, $0x38;
	[tilespmem:$0x1E600] =	vst v63  }
.LBB2_16:
0x215: {  	p0 =	sgt.u32 s26, $0x4C1  }
.Ltmp12:
0x216: {  	_ = 	snop;
	(pc) =	sbr.rel @p0 .LBB2_20-.Ltmp12, $1  }
0x217: {  	_ =	sdelay $0x3  }
.LBB2_17:
0x218: {  	_ =	swait.ge [sflag:s18], $0x50  }
0x219: {  	[sflag:s18] =	ssyncset.done $0x0  }
0x21a: {  	[sflag:s18] =	ssyncadd.s32 $0xFFFFFFB0  }
0x21b: {  	_ =	swait.ge [sflag:s18], $0x50  }
0x21c: {  	[sflag:s18] =	ssyncset.done $0x0  }
0x21d: {  	[sflag:s18] =	ssyncadd.s32 $0xFFFFFFB0  }
0x21e: {  	_ =	swait.ge [sflag:s18], $0x50  }
0x21f: {  	[sflag:s18] =	ssyncset.done $0x0  }
0x220: {  	[sflag:s18] =	ssyncadd.s32 $0xFFFFFFB0  }
0x221: {  	_ =	swait.ge [sflag:s18], $0x50  }
0x222: {  	[sflag:s18] =	ssyncset.done $0x0  }
0x223: {  	[sflag:s18] =	ssyncadd.s32 $0xFFFFFFB0  }
0x224: {  	v6 =	vld [tilespmem:$0x14480]  }
0x225: {  	v7 =	vld [tilespmem:$0x14500]  }
0x226: {  	v8 =	vld [tilespmem:$0x14490]  }
0x227: {  	v9 =	vld [tilespmem:$0x14510]  }
0x228: {  	v10 =	vld [tilespmem:$0x144A0]  }
0x229: {  	v11 =	vld [tilespmem:$0x14520]  }
0x22a: {  	v12 =	vld [tilespmem:$0x144B0]  }
0x22b: {  	v13 =	vld [tilespmem:$0x14530]  }
0x22c: {  	v14 =	vld [tilespmem:$0x144C0]  }
0x22d: {  	v15 =	vld [tilespmem:$0x14540];
	v6 =	vshll.u32 v6, $0x4  }
0x22e: {  	v6 =	vadd.s32 v7, v6;
	v7 =	vshll.u32 v8, $0x4  }
0x22f: {  	[tilespmem:$0x14500] =	vst v6;
	v6 =	vadd.s32 v9, v7;
	v7 =	vshll.u32 v10, $0x4  }
0x230: {  	[tilespmem:$0x14510] =	vst v6;
	v6 =	vadd.s32 v11, v7;
	v7 =	vshll.u32 v12, $0x4  }
0x231: {  	[tilespmem:$0x14520] =	vst v6;
	v6 =	vadd.s32 v13, v7;
	v7 =	vshll.u32 v14, $0x4  }
0x232: {  	s1 =	simm.s32 $0x50;
	s2 =	simm.s32 $0x14500;
	[tilespmem:$0x14530] =	vst v6;
	v6 =	vadd.s32 v15, v7  }
0x233: {  	s3 =	simm.s32 $0x16E00;
	s15 =	simm.s32 $0x14400;
	s0 =	rddreg [dreg:$0x5];
	[tilespmem:$0x14540] =	vst v6  }
0x234: {  	[tilespmem:s3], [sflag:$0x8] =	stream.indirect.gather [hbm4b:s0+s1], $0x80, s2, s1, $0xb8;
	[tilespmem:$0x1E600] =	vst v63  }
0x235: {  	v6 =	vld [tilespmem:s15+$0x0];
	_ =	sdelay $0x4  }
0x236: {  	v6 =	vshll.u32 v6, $0x4  }
0x237: {  	(v2sf) =	vpush v6, $0x0  }
0x238: {  	(v2sf) =	vpush v6, $0x1  }
0x239: {  	(v2sf) =	vpush v6, $0x2;
	_ =	sdelay $0x1  }
0x23a: {  	(v2sf) =	vpush v6, $0x4;
	_ =	sdelay $0x1  }
0x23b: {  	(v2sf) =	vpush v6, $0x3  }
0x23c: {  	(v2sf) =	vpush v6, $0x5  }
0x23d: {  	s21 =	simm.s32 $0x2000;
	s29 =	simm.s32 $0x0;
	(v2sf) =	vpush v6, $0x6  }
.LBB2_18:
0x23e: {  	p0 =	seq.s32 s21, $0x8000  }
0x23f: {  	s4 =	sadd.s32 $0x14680, s29;
	s23 =	sadd.s32 $0x14B80, s29;
	s5 =	smov.u32 s21  }
0x240: {  	s21 =	sadd.s32 $0x2000, s21;
	s2 =	sadd.s32 $0x14980, s29;
	s12 =	sadd.s32 $0x14C00, s29;
	(v2sf) =	vpush v6, $0x7  }
0x241: {  	s8 =	sadd.s32 $0x14880, s29;
	s1 =	sadd.s32 $0x14A00, s29;
	s28 =	sadd.s32 $0x14C80, s29  }
0x242: {  	s6 =	sadd.s32 $0x14600, s29;
	s10 =	sadd.s32 $0x14800, s29;
	(v2sf) =	vpush v6, $0x8  }
0x243: {  	s16 =	sadd.s32 $0x14900, s29;
	s15 =	sadd.s32 $0x10, s15  }
0x244: {  	s17 =	sadd.s32 $0x14700, s29;
	s0 =	sadd.s32 $0x14B00, s29;
	s3 =	spop (v2sf);
	(v2sf) =	vpush v6, $0x9  }
0x245: {  	s19 =	sand.u32 $0x1FFFFFF0, s3;
	s3 =	sadd.s32 $0x14A80, s29;
	s20 =	spop (v2sf)  }
0x246: {  	s19 =	sadd.s32 s9, s19;
	s20 =	sand.u32 $0x1FFFFFF0, s20;
	s31 =	spop (v2sf);
	(v2sf) =	vpush v6, $0xA  }
0x247: {  	[tilespmem:s6], [sflag:$0x8] =	stream.linear.gather [hbm4b:s19+s7], $0x80, $0x38;
	[tilespmem:$0x1E600] =	vst v63  }
0x248: {  	s6 =	sadd.s32 s9, s20;
	s19 =	sadd.s32 $0x14780, s29;
	s20 =	spop (v2sf);
	(v2sf) =	vpush v6, $0xB  }
0x249: {  	[tilespmem:s4], [sflag:$0x8] =	stream.linear.gather [hbm4b:s6+s7], $0x80, $0x38;
	[tilespmem:$0x1E600] =	vst v63  }
0x24a: {  	s4 =	sand.u32 $0x1FFFFFF0, s31;
	s6 =	sand.u32 $0x1FFFFFF0, s20;
	s20 =	spop (v2sf);
	(v2sf) =	vpush v6, $0xC  }
0x24b: {  	s4 =	sadd.s32 s9, s4;
	s20 =	sand.u32 $0x1FFFFFF0, s20;
	s31 =	spop (v2sf)  }
0x24c: {  	[tilespmem:s17], [sflag:$0x8] =	stream.linear.gather [hbm4b:s4+s7], $0x80, $0x38;
	(v2sf) =	vpush v6, $0xD;
	[tilespmem:$0x1E600] =	vst v63  }
0x24d: {  	s4 =	sadd.s32 s9, s20;
	s17 =	sand.u32 $0x1FFFFFF0, s31;
	s20 =	spop (v2sf)  }
0x24e: {  	[tilespmem:s19], [sflag:$0x8] =	stream.linear.gather [hbm4b:s4+s7], $0x80, $0x38;
	(v2sf) =	vpush v6, $0xE;
	[tilespmem:$0x1E600] =	vst v63  }
0x24f: {  	s4 =	sadd.s32 s9, s6;
	s6 =	sand.u32 $0x1FFFFFF0, s20;
	s19 =	spop (v2sf)  }
0x250: {  	[tilespmem:s10], [sflag:$0x8] =	stream.linear.gather [hbm4b:s4+s7], $0x80, $0x38;
	(v2sf) =	vpush v6, $0xF;
	[tilespmem:$0x1E600] =	vst v63  }
0x251: {  	s4 =	sadd.s32 s9, s17;
	s10 =	sand.u32 $0x1FFFFFF0, s19;
	s17 =	spop (v2sf)  }
0x252: {  	[tilespmem:s8], [sflag:$0x8] =	stream.linear.gather [hbm4b:s4+s7], $0x80, $0x38;
	[tilespmem:$0x1E600] =	vst v63  }
0x253: {  	s4 =	sadd.s32 s9, s6;
	s6 =	sand.u32 $0x1FFFFFF0, s17;
	s8 =	spop (v2sf)  }
0x254: {  	[tilespmem:s16], [sflag:$0x8] =	stream.linear.gather [hbm4b:s4+s7], $0x80, $0x38;
	[tilespmem:$0x1E600] =	vst v63  }
0x255: {  	s4 =	sadd.s32 s9, s10;
	s8 =	sand.u32 $0x1FFFFFF0, s8;
	s10 =	spop (v2sf)  }
0x256: {  	[tilespmem:s2], [sflag:$0x8] =	stream.linear.gather [hbm4b:s4+s7], $0x80, $0x38;
	[tilespmem:$0x1E600] =	vst v63  }
0x257: {  	s2 =	sadd.s32 s9, s6;
	s4 =	sand.u32 $0x1FFFFFF0, s10;
	s6 =	spop (v2sf)  }
0x258: {  	[tilespmem:s1], [sflag:$0x8] =	stream.linear.gather [hbm4b:s2+s7], $0x80, $0x38;
	[tilespmem:$0x1E600] =	vst v63  }
0x259: {  	s1 =	sadd.s32 s9, s8;
	s2 =	sand.u32 $0x1FFFFFF0, s6;
	s6 =	spop (v2sf)  }
0x25a: {  	[tilespmem:s3], [sflag:$0x8] =	stream.linear.gather [hbm4b:s1+s7], $0x80, $0x38;
	[tilespmem:$0x1E600] =	vst v63  }
0x25b: {  	s1 =	sadd.s32 s9, s4;
	s3 =	sand.u32 $0x1FFFFFF0, s6;
	s4 =	spop (v2sf)  }
0x25c: {  	[tilespmem:s0], [sflag:$0x8] =	stream.linear.gather [hbm4b:s1+s7], $0x80, $0x38;
	[tilespmem:$0x1E600] =	vst v63  }
0x25d: {  	s0 =	sadd.s32 s9, s2;
	s1 =	sand.u32 $0x1FFFFFF0, s4;
	s2 =	spop (v2sf)  }
0x25e: {  	[tilespmem:s23], [sflag:$0x8] =	stream.linear.gather [hbm4b:s0+s7], $0x80, $0x38;
	[tilespmem:$0x1E600] =	vst v63  }
0x25f: {  	s0 =	sadd.s32 s9, s3;
	s2 =	sand.u32 $0x1FFFFFF0, s2;
	s3 =	spop (v2sf)  }
0x260: {  	[tilespmem:s12], [sflag:$0x8] =	stream.linear.gather [hbm4b:s0+s7], $0x80, $0x38;
	[tilespmem:$0x1E600] =	vst v63  }
0x261: {  	s0 =	sadd.s32 s9, s1;
	s1 =	sand.u32 $0x1FFFFFF0, s3  }
0x262: {  	[tilespmem:s28], [sflag:$0x8] =	stream.linear.gather [hbm4b:s0+s7], $0x80, $0x38;
	[tilespmem:$0x1E600] =	vst v63  }
0x263: {  	s2 =	sadd.s32 s9, s2;
	s0 =	sadd.s32 $0x14D00, s29  }
0x264: {  	[tilespmem:s0], [sflag:$0x8] =	stream.linear.gather [hbm4b:s2+s7], $0x80, $0x38;
	[tilespmem:$0x1E600] =	vst v63  }
0x265: {  	s1 =	sadd.s32 s9, s1;
	s0 =	sadd.s32 $0x14D80, s29  }
0x266: {  	[tilespmem:s0], [sflag:$0x8] =	stream.linear.gather [hbm4b:s1+s7], $0x80, $0x38;
	[tilespmem:$0x1E600] =	vst v63  }
0x267: {  	v6 =	vld [tilespmem:s15+$0x0];
	_ =	sdelay $0x4  }
0x268: {  	v6 =	vshll.u32 v6, $0x4  }
0x269: {  	(v2sf) =	vpush v6, $0x0  }
0x26a: {  	(v2sf) =	vpush v6, $0x1  }
0x26b: {  	(v2sf) =	vpush v6, $0x2;
	_ =	sdelay $0x1  }
0x26c: {  	(v2sf) =	vpush v6, $0x4  }
.Ltmp13:
0x26d: {  	(pc) =	sbr.rel @!p0 .LBB2_18-.Ltmp13, $3  }
0x26e: {  	(v2sf) =	vpush v6, $0x3  }
0x26f: {  	(v2sf) =	vpush v6, $0x5;
	_ =	sdelay $0x1  }
0x270: {  	s29 =	sshra.s32 s5, $0x2;
	(v2sf) =	vpush v6, $0x6  }
0x271: {  	_ =	sdelay $0x1  }
0x272: {  	s3 =	sadd.s32 $0x14680, s29;
	s2 =	sadd.s32 $0x14B80, s29  }
0x273: {  	s4 =	sadd.s32 $0x14980, s29;
	s0 =	sadd.s32 $0x14C00, s29;
	(v2sf) =	vpush v6, $0x7;
	s5 =	sadd.s32 $0x14880, s29  }
0x274: {  	s6 =	sadd.s32 $0x14A00, s29;
	s1 =	sadd.s32 $0x14C80, s29;
	s8 =	sadd.s32 $0x14600, s29  }
0x275: {  	s10 =	sadd.s32 $0x14800, s29;
	s12 =	sadd.s32 $0x14900, s29;
	(v2sf) =	vpush v6, $0x8;
	s15 =	spop (v2sf)  }
0x276: {  	s16 =	sadd.s32 $0x14700, s29;
	s15 =	sand.u32 $0x1FFFFFF0, s15;
	s17 =	spop (v2sf)  }
0x277: {  	(v2sf) =	vpush v6, $0x9;
	s15 =	sadd.s32 s9, s15;
	s17 =	sand.u32 $0x1FFFFFF0, s17;
	s19 =	spop (v2sf)  }
0x278: {  	[tilespmem:s8], [sflag:$0x8] =	stream.linear.gather [hbm4b:s15+s7], $0x80, $0x38;
	[tilespmem:$0x1E600] =	vst v63  }
0x279: {  	(v2sf) =	vpush v6, $0xA;
	s20 =	sadd.s32 s9, s17;
	s23 =	sand.u32 $0x1FFFFFF0, s19;
	s21 =	spop (v2sf)  }
0x27a: {  	[tilespmem:s3], [sflag:$0x8] =	stream.linear.gather [hbm4b:s20+s7], $0x80, $0x38;
	[tilespmem:$0x1E600] =	vst v63  }
0x27b: {  	s8 =	sadd.s32 $0x14B00, s29;
	(v2sf) =	vpush v6, $0xB;
	s15 =	sadd.s32 s9, s23;
	s28 =	spop (v2sf)  }
0x27c: {  	s3 =	sadd.s32 $0x14A80, s29;
	s20 =	sadd.s32 $0x14780, s29;
	s19 =	sand.u32 $0x1FFFFFF0, s28  }
0x27d: {  	(v2sf) =	vpush v6, $0xC;
	[tilespmem:s16], [sflag:$0x8] =	stream.linear.gather [hbm4b:s15+s7], $0x80, $0x38;
	[tilespmem:$0x1E600] =	vst v63  }
0x27e: {  	s31 =	sand.u32 $0x1FFFFFF0, s21;
	s21 =	spop (v2sf);
	s23 =	sadd.s32 s9, s19  }
0x27f: {  	(v2sf) =	vpush v6, $0xD;
	[tilespmem:s20], [sflag:$0x8] =	stream.linear.gather [hbm4b:s23+s7], $0x80, $0x38;
	[tilespmem:$0x1E600] =	vst v63  }
0x280: {  	s15 =	sadd.s32 s9, s31;
	s16 =	sand.u32 $0x1FFFFFF0, s21;
	s28 =	spop (v2sf)  }
0x281: {  	(v2sf) =	vpush v6, $0xE;
	[tilespmem:s10], [sflag:$0x8] =	stream.linear.gather [hbm4b:s15+s7], $0x80, $0x38;
	[tilespmem:$0x1E600] =	vst v63  }
0x282: {  	s16 =	sadd.s32 s9, s16;
	s31 =	sand.u32 $0x1FFFFFF0, s28;
	s17 =	spop (v2sf)  }
0x283: {  	(v2sf) =	vpush v6, $0xF;
	[tilespmem:s5], [sflag:$0x8] =	stream.linear.gather [hbm4b:s16+s7], $0x80, $0x38;
	[tilespmem:$0x1E600] =	vst v63  }
0x284: {  	s19 =	sand.u32 $0x1FFFFFF0, s17;
	s20 =	spop (v2sf);
	s10 =	sadd.s32 s9, s31  }
0x285: {  	[tilespmem:s12], [sflag:$0x8] =	stream.linear.gather [hbm4b:s10+s7], $0x80, $0x38;
	[tilespmem:$0x1E600] =	vst v63  }
0x286: {  	s21 =	sand.u32 $0x1FFFFFF0, s20;
	s5 =	sadd.s32 s9, s19;
	s23 =	spop (v2sf)  }
0x287: {  	[tilespmem:s4], [sflag:$0x8] =	stream.linear.gather [hbm4b:s5+s7], $0x80, $0x38;
	[tilespmem:$0x1E600] =	vst v63  }
0x288: {  	s10 =	sadd.s32 s9, s21;
	s28 =	sand.u32 $0x1FFFFFF0, s23;
	s31 =	spop (v2sf)  }
0x289: {  	[tilespmem:s6], [sflag:$0x8] =	stream.linear.gather [hbm4b:s10+s7], $0x80, $0x38;
	[tilespmem:$0x1E600] =	vst v63  }
0x28a: {  	s5 =	sand.u32 $0x1FFFFFF0, s31;
	s4 =	sadd.s32 s9, s28;
	s10 =	spop (v2sf)  }
0x28b: {  	[tilespmem:s3], [sflag:$0x8] =	stream.linear.gather [hbm4b:s4+s7], $0x80, $0x38;
	[tilespmem:$0x1E600] =	vst v63  }
0x28c: {  	s5 =	sadd.s32 s9, s5;
	s12 =	sand.u32 $0x1FFFFFF0, s10;
	s15 =	spop (v2sf)  }
0x28d: {  	[tilespmem:s8], [sflag:$0x8] =	stream.linear.gather [hbm4b:s5+s7], $0x80, $0x38;
	[tilespmem:$0x1E600] =	vst v63  }
0x28e: {  	s3 =	sadd.s32 s9, s12;
	s4 =	sand.u32 $0x1FFFFFF0, s15;
	s16 =	spop (v2sf)  }
0x28f: {  	[tilespmem:s2], [sflag:$0x8] =	stream.linear.gather [hbm4b:s3+s7], $0x80, $0x38;
	[tilespmem:$0x1E600] =	vst v63  }
0x290: {  	s17 =	sand.u32 $0x1FFFFFF0, s16;
	s4 =	sadd.s32 s9, s4;
	s19 =	spop (v2sf)  }
0x291: {  	[tilespmem:s0], [sflag:$0x8] =	stream.linear.gather [hbm4b:s4+s7], $0x80, $0x38;
	[tilespmem:$0x1E600] =	vst v63  }
0x292: {  	s20 =	sand.u32 $0x1FFFFFF0, s19;
	s21 =	spop (v2sf);
	s2 =	sadd.s32 s9, s17  }
0x293: {  	[tilespmem:s1], [sflag:$0x8] =	stream.linear.gather [hbm4b:s2+s7], $0x80, $0x38;
	[tilespmem:$0x1E600] =	vst v63  }
0x294: {  	s28 =	sadd.s32 $0x14D00, s29;
	s23 =	sand.u32 $0x1FFFFFF0, s21;
	s0 =	sadd.s32 s9, s20  }
0x295: {  	[tilespmem:s28], [sflag:$0x8] =	stream.linear.gather [hbm4b:s0+s7], $0x80, $0x38;
	[tilespmem:$0x1E600] =	vst v63  }
0x296: {  	s31 =	sadd.s32 $0x14D80, s29;
	s1 =	sadd.s32 s9, s23  }
0x297: {  	[tilespmem:s31], [sflag:$0x8] =	stream.linear.gather [hbm4b:s1+s7], $0x80, $0x38;
	[tilespmem:$0x1E600] =	vst v63  }
.LBB2_21:
0x298: {  	s0 =	simm.s32 $0x5  }
0x299: {  	_ =	swait.ge [sflag:s0], $0x2800  }
0x29a: {  	[sflag:s0] =	ssyncset.done $0x0  }
0x29b: {  	[sflag:s0] =	ssyncadd.s32 $0xFFFFD800  }
0x29c: {  	_ =	swait.ge [sflag:s0], $0x2800  }
0x29d: {  	p0 =	seq.s32 s24, $0x0;
	[sflag:s0] =	ssyncset.done $0x0  }
0x29e: {  	[sflag:s0] =	ssyncadd.s32 $0xFFFFD800;
	s0 =	simm.s32 @!p0 $0x6  }
0x29f: {  	_ =	swait.ge @!p0 [sflag:s0], $0x5000  }
0x2a0: {  	[sflag:s0] =	ssyncset.done @!p0 $0x0  }
0x2a1: {  	[sflag:s0] =	ssyncadd.s32 @!p0 $0xFFFFB000  }
0x2a2: {  	v6 =	vld [tilespmem:$0xA380];
	_ =	sdelay $0x4  }
0x2a3: {  	v6 =	vmax.f32 v6, $0.0e+00  }
0x2a4: {  	v7 =	vld [tilespmem:$0xA390];
	v6 =	vadd.f32 $1.000000000e+00, v6;
	_ =	sdelay $0x1  }
0x2a5: {  	v8 =	vand.u32 $0x7FFFFF, v6  }
0x2a6: {  	v8 =	vor.u32 $0x3F800000, v8  }
0x2a7: {  	v9 =	vmul.f32 $5.000000000e-01, v8  }
0x2a8: {  	v7 =	vmax.f32 v7, $0.0e+00;
	vm2 =	vgt.f32 v8, $1.414213540e+00  }
0x2a9: {  	v10 =	vld [tilespmem:$0xA3A0];
	v7 =	vadd.f32 $1.000000000e+00, v7;
	v8 =	vsel vm2, v9, v8  }
0x2aa: {  	v9 =	vadd.f32 $1.000000000e+00, v8  }
0x2ab: {  	v12 =	vld [tilespmem:$0xA3B0];
	v34 =	vand.u32 $0x7FFFFF, v7  }
0x2ac: {  	v14 =	vld [tilespmem:$0xA3C0];
	(erf) = vrcp.f32 v9;
	v9 =	vor.u32 $0x3F800000, v34  }
0x2ad: {  	v11 =	vmul.f32 $5.000000000e-01, v9  }
0x2ae: {  	v10 =	vmax.f32 v10, $0.0e+00;
	vm3 =	vgt.f32 v9, $1.414213540e+00  }
0x2af: {  	v10 =	vadd.f32 $1.000000000e+00, v10;
	v9 =	vsel vm3, v11, v9  }
0x2b0: {  	v12 =	vmax.f32 v12, $0.0e+00;
	v36 =	vadd.f32 $1.000000000e+00, v9  }
0x2b1: {  	v14 =	vmax.f32 v14, $0.0e+00;
	v12 =	vadd.f32 $1.000000000e+00, v12;
	v13 =	vand.u32 $0x7FFFFF, v10  }
0x2b2: {  	v14 =	vadd.f32 $1.000000000e+00, v14;
	v35 =	vor.u32 $0x3F800000, v13;
	(erf) = vrcp.f32 v36  }
0x2b3: {  	v39 =	vand.u32 $0x7FFFFF, v12;
	v15 =	vmul.f32 $5.000000000e-01, v35  }
0x2b4: {  	v40 =	vand.u32 $0x7FFFFF, v14;
	v13 =	vor.u32 $0x3F800000, v39;
	vm1 =	vgt.f32 v35, $1.414213540e+00  }
0x2b5: {  	v17 =	vmul.f32 $5.000000000e-01, v13;
	vm4 =	vgt.f32 v13, $1.414213540e+00;
	v11 =	vsel vm1, v15, v35  }
0x2b6: {  	v8 =	vadd.f32 $-1.000000000e+00, v8;
	v15 =	vor.u32 $0x3F800000, v40;
	v37 =	vadd.f32 $1.000000000e+00, v11  }
0x2b7: {  	v13 =	vsel vm4, v17, v13;
	v18 =	vmul.f32 $5.000000000e-01, v15;
	v38 =	vpop (erf)  }
0x2b8: {  	vm0 =	vgt.f32 v15, $1.414213540e+00;
	(erf) = vrcp.f32 v37;
	v8 =	vmul.f32 v38, v8  }
0x2b9: {  	v6 =	vshrl.u32 v6, $0x17;
	v17 =	vadd.f32 $1.000000000e+00, v13;
	v15 =	vsel vm0, v18, v15  }
0x2ba: {  	v10 =	vshrl.u32 v10, $0x17;
	v20 =	vadd.f32 $1.000000000e+00, v15;
	v16 =	vmul.f32 v8, v8  }
0x2bb: {  	v12 =	vshrl.u32 v12, $0x17;
	v9 =	vadd.f32 $-1.000000000e+00, v9;
	v41 =	vpop (erf);
	(erf) = vrcp.f32 v17  }
0x2bc: {  	v22 =	vsel vm2, $0x1, v0;
	v19 =	vmul.f32 $1.111111120e-01, v16;
	(erf) = vrcp.f32 v20  }
0x2bd: {  	v57 =	vsel vm1, $0x1, v0;
	v58 =	vsel vm4, $0x1, v0;
	v9 =	vmul.f32 v41, v9  }
0x2be: {  	v6 =	vadd.s32 v22, v6;
	v10 =	vadd.s32 v57, v10;
	v19 =	vadd.f32 $1.428571490e-01, v19  }
0x2bf: {  	v12 =	vadd.s32 v58, v12;
	v13 =	vadd.f32 $-1.000000000e+00, v13;
	v44 =	vmul.f32 v9, v9  }
0x2c0: {  	v6 =	vadd.s32 $0xFFFFFF81, v6;
	v11 =	vadd.f32 $-1.000000000e+00, v11;
	v43 =	vmul.f32 v19, v16  }
0x2c1: {  	v10 =	vadd.s32 $0xFFFFFF81, v10;
	v12 =	vadd.s32 $0xFFFFFF81, v12;
	v42 =	vpop (erf);
	v46 =	vmul.f32 $1.111111120e-01, v44  }
0x2c2: {  	v6 =	vcvt.s32.f32 v6;
	v11 =	vmul.f32 v42, v11;
	v45 =	vadd.f32 $2.000000030e-01, v43  }
0x2c3: {  	v10 =	vcvt.s32.f32 v10;
	v12 =	vcvt.s32.f32 v12;
	v18 =	vadd.f32 $1.428571490e-01, v46  }
0x2c4: {  	v15 =	vadd.f32 $-1.000000000e+00, v15;
	v47 =	vmul.f32 v11, v11;
	v17 =	vmul.f32 v45, v16;
	v23 =	vpop (erf)  }
0x2c5: {  	v18 =	vmul.f32 v18, v44;
	v13 =	vmul.f32 v23, v13;
	v49 =	vpop (erf)  }
0x2c6: {  	v6 =	vmul.f32 $6.931471820e-01, v6;
	v17 =	vadd.f32 $3.333333430e-01, v17;
	v15 =	vmul.f32 v49, v15  }
0x2c7: {  	v21 =	vmul.f32 $1.111111120e-01, v47;
	v48 =	vadd.f32 $2.000000030e-01, v18;
	v51 =	vmul.f32 v13, v13  }
0x2c8: {  	v7 =	vshrl.u32 v7, $0x17;
	v16 =	vmul.f32 v17, v16;
	v24 =	vmul.f32 v15, v15  }
0x2c9: {  	v14 =	vshrl.u32 v14, $0x17;
	v17 =	vmul.f32 v48, v44;
	v25 =	vmul.f32 $1.111111120e-01, v51  }
0x2ca: {  	v50 =	vsel vm3, $0x1, v0;
	v21 =	vadd.f32 $1.428571490e-01, v21;
	v52 =	vmul.f32 $1.111111120e-01, v24  }
0x2cb: {  	v7 =	vadd.s32 v50, v7;
	v17 =	vadd.f32 $3.333333430e-01, v17;
	v54 =	vadd.f32 $1.428571490e-01, v25  }
0x2cc: {  	v7 =	vadd.s32 $0xFFFFFF81, v7;
	v21 =	vmul.f32 v21, v47;
	v56 =	vadd.f32 $1.428571490e-01, v52  }
0x2cd: {  	v8 =	vadd.f32 v8, v8;
	v53 =	vmul.f32 v17, v44;
	v17 =	vmul.f32 v54, v51  }
0x2ce: {  	v16 =	vadd.f32 $1.000000000e+00, v16;
	v21 =	vadd.f32 $2.000000030e-01, v21;
	v59 =	vmul.f32 v56, v24  }
0x2cf: {  	v10 =	vmul.f32 $6.931471820e-01, v10;
	v7 =	vcvt.s32.f32 v7;
	v17 =	vadd.f32 $2.000000030e-01, v17  }
0x2d0: {  	v8 =	vmul.f32 v16, v8;
	v21 =	vmul.f32 v21, v47;
	v20 =	vadd.f32 $2.000000030e-01, v59  }
0x2d1: {  	v61 =	vsel vm0, $0x1, v0;
	v9 =	vadd.f32 v9, v9;
	v17 =	vmul.f32 v17, v51  }
0x2d2: {  	v6 =	vadd.f32 v8, v6;
	v55 =	vadd.f32 $3.333333430e-01, v21;
	v8 =	vmul.f32 v20, v24  }
0x2d3: {  	v14 =	vadd.s32 v61, v14;
	v16 =	vadd.f32 $1.000000000e+00, v53;
	v60 =	vadd.f32 $3.333333430e-01, v17  }
0x2d4: {  	v7 =	vmul.f32 $6.931471820e-01, v7;
	v19 =	vmul.f32 v55, v47;
	v8 =	vadd.f32 $3.333333430e-01, v8  }
0x2d5: {  	v14 =	vadd.s32 $0xFFFFFF81, v14;
	v9 =	vmul.f32 v16, v9;
	v16 =	vmul.f32 v60, v51  }
0x2d6: {  	v11 =	vadd.f32 v11, v11;
	v19 =	vadd.f32 $1.000000000e+00, v19;
	v8 =	vmul.f32 v8, v24  }
0x2d7: {  	v14 =	vcvt.s32.f32 v14;
	v13 =	vadd.f32 v13, v13;
	v16 =	vadd.f32 $1.000000000e+00, v16  }
0x2d8: {  	v15 =	vadd.f32 v15, v15;
	v11 =	vmul.f32 v19, v11;
	v8 =	vadd.f32 $1.000000000e+00, v8  }
0x2d9: {  	v12 =	vmul.f32 $6.931471820e-01, v12;
	v7 =	vadd.f32 v9, v7;
	v62 =	vmul.f32 v16, v13  }
0x2da: {  	v63 =	vmul.f32 $6.931471820e-01, v14;
	[tilespmem:$0xA380] =	vst v6;
	v6 =	vadd.f32 v11, v10;
	v8 =	vmul.f32 v8, v15  }
0x2db: {  	[tilespmem:$0xA390] =	vst v7;
	v7 =	vadd.f32 v62, v12  }
0x2dc: {  	[tilespmem:$0xA3A0] =	vst v6;
	v6 =	vadd.f32 v8, v63  }
0x2dd: {  	[tilespmem:$0xA3B0] =	vst v7  }
0x2de: {  	s31 =	simm.s32 $0xA420;
	[tilespmem:$0xA3C0] =	vst v6  }
0x2df: {  	v6 =	vld [tilespmem:s31+$0xFFFFFFE0];
	_ =	sdelay $0x1  }
0x2e0: {  	s15 =	simm.s32 $0x0  }
0x2e1: {  	s1 =	sand.u32 $0x7800, s15;
	s2 =	sand.u32 $0x380, s15  }
0x2e2: {  	s1 =	sor.u32 s2, s1  }
0x2e3: {  	[tilespmem:s1+$0xF400] =	vst v6  }
0x2e4: {  	v6 =	vld [tilespmem:s31+$0xFFFFFFF0];
	_ =	sdelay $0x4  }
0x2e5: {  	[tilespmem:s1+$0xF410] =	vst v6  }
0x2e6: {  	v6 =	vld [tilespmem:s31+$0x0];
	_ =	sdelay $0x4  }
0x2e7: {  	[tilespmem:s1+$0xF420] =	vst v6  }
0x2e8: {  	v6 =	vld [tilespmem:s31+$0x10];
	_ =	sdelay $0x4  }
0x2e9: {  	s5 =	simm.s32 $0xCC40;
	[tilespmem:s1+$0xF430] =	vst v6  }
0x2ea: {  	v6 =	vld [tilespmem:s5+$0xFFFFFFC0];
	_ =	sdelay $0x4  }
0x2eb: {  	[tilespmem:s1+$0xF440] =	vst v6  }
0x2ec: {  	v6 =	vld [tilespmem:s5+$0xFFFFFFD0];
	_ =	sdelay $0x4  }
0x2ed: {  	[tilespmem:s1+$0xF450] =	vst v6  }
0x2ee: {  	v6 =	vld [tilespmem:s5+$0xFFFFFFE0];
	_ =	sdelay $0x4  }
0x2ef: {  	[tilespmem:s1+$0xF460] =	vst v6  }
0x2f0: {  	v6 =	vld [tilespmem:s5+$0xFFFFFFF0];
	_ =	sdelay $0x4  }
0x2f1: {  	[tilespmem:s1+$0xF470] =	vst v6  }
0x2f2: {  	v6 =	vld [tilespmem:s5+$0x0];
	_ =	sdelay $0x4  }
0x2f3: {  	[tilespmem:s1+$0xF800] =	vst v6  }
0x2f4: {  	v6 =	vld [tilespmem:s5+$0x10];
	_ =	sdelay $0x4  }
0x2f5: {  	[tilespmem:s1+$0xF810] =	vst v6  }
0x2f6: {  	v6 =	vld [tilespmem:s5+$0x20];
	_ =	sdelay $0x4  }
0x2f7: {  	[tilespmem:s1+$0xF820] =	vst v6  }
0x2f8: {  	v6 =	vld [tilespmem:s5+$0x30];
	_ =	sdelay $0x4  }
0x2f9: {  	s21 =	simm.s32 $0xA4A0;
	[tilespmem:s1+$0xF830] =	vst v6  }
0x2fa: {  	s29 =	simm.s32 $0x80;
	s12 =	simm.s32 $0x100;
	v6 =	vld [tilespmem:s21+$0xFFFFFFE0]  }
.LBB2_22:
0x2fb: {  	p0 =	sne.s32 s12, $0x2780  }
0x2fc: {  	s15 =	sadd.s32 $0x100, s15  }
0x2fd: {  	s1 =	sand.u32 $0x380, s29;
	s29 =	smov.u32 s12;
	s0 =	sand.u32 $0x7800, s15  }
0x2fe: {  	s23 =	sor.u32 s1, s0  }
0x2ff: {  	[tilespmem:s23+$0xF400] =	vst v6  }
0x300: {  	v6 =	vld [tilespmem:s21+$0xFFFFFFF0];
	_ =	sdelay $0x4  }
0x301: {  	[tilespmem:s23+$0xF410] =	vst v6  }
0x302: {  	v6 =	vld [tilespmem:s21+$0x0];
	_ =	sdelay $0x4  }
0x303: {  	[tilespmem:s23+$0xF420] =	vst v6  }
0x304: {  	v6 =	vld [tilespmem:s21+$0x10];
	_ =	sdelay $0x4  }
0x305: {  	s5 =	sadd.s32 $0x80, s5;
	[tilespmem:s23+$0xF430] =	vst v6  }
0x306: {  	v6 =	vld [tilespmem:s5+$0xFFFFFFC0];
	_ =	sdelay $0x4  }
0x307: {  	[tilespmem:s23+$0xF440] =	vst v6  }
0x308: {  	v6 =	vld [tilespmem:s5+$0xFFFFFFD0];
	_ =	sdelay $0x4  }
0x309: {  	[tilespmem:s23+$0xF450] =	vst v6  }
0x30a: {  	v6 =	vld [tilespmem:s5+$0xFFFFFFE0];
	_ =	sdelay $0x4  }
0x30b: {  	[tilespmem:s23+$0xF460] =	vst v6  }
0x30c: {  	v6 =	vld [tilespmem:s5+$0xFFFFFFF0];
	_ =	sdelay $0x4  }
0x30d: {  	[tilespmem:s23+$0xF470] =	vst v6  }
0x30e: {  	v6 =	vld [tilespmem:s5+$0x0];
	_ =	sdelay $0x4  }
0x30f: {  	[tilespmem:s23+$0xF800] =	vst v6  }
0x310: {  	v6 =	vld [tilespmem:s5+$0x10];
	_ =	sdelay $0x4  }
0x311: {  	[tilespmem:s23+$0xF810] =	vst v6  }
0x312: {  	v6 =	vld [tilespmem:s5+$0x20];
	_ =	sdelay $0x4  }
0x313: {  	[tilespmem:s23+$0xF820] =	vst v6  }
0x314: {  	v6 =	vld [tilespmem:s5+$0x30];
	_ =	sdelay $0x1  }
.Ltmp14:
0x315: {  	(pc) =	sbr.rel @p0 .LBB2_22-.Ltmp14, $3  }
0x316: {  	_ =	sdelay $0x1  }
0x317: {  	s21 =	sadd.s32 $0x80, s21;
	[tilespmem:s23+$0xF830] =	vst v6  }
0x318: {  	s12 =	sadd.s32 $0x80, s12;
	v6 =	vld [tilespmem:s21+$0xFFFFFFE0]  }
0x319: {  	_ = 	snop  }
0x31a: {  	s0 =	sadd.s32 $0x100, s15  }
0x31b: {  	s1 =	sand.u32 $0x380, s29;
	s0 =	sand.u32 $0x7800, s0  }
0x31c: {  	s0 =	sor.u32 s1, s0  }
0x31d: {  	[tilespmem:s0+$0xF400] =	vst v6  }
0x31e: {  	v6 =	vld [tilespmem:s21+$0xFFFFFFF0];
	_ =	sdelay $0x4  }
0x31f: {  	[tilespmem:s0+$0xF410] =	vst v6  }
0x320: {  	v6 =	vld [tilespmem:s21+$0x0];
	_ =	sdelay $0x4  }
0x321: {  	[tilespmem:s0+$0xF420] =	vst v6  }
0x322: {  	v6 =	vld [tilespmem:s21+$0x10];
	_ =	sdelay $0x4  }
0x323: {  	s28 =	sadd.s32 $0x80, s5;
	[tilespmem:s0+$0xF430] =	vst v6  }
0x324: {  	v6 =	vld [tilespmem:s28+$0xFFFFFFC0];
	_ =	sdelay $0x4  }
0x325: {  	[tilespmem:s0+$0xF440] =	vst v6  }
0x326: {  	v6 =	vld [tilespmem:s28+$0xFFFFFFD0];
	_ =	sdelay $0x4  }
0x327: {  	[tilespmem:s0+$0xF450] =	vst v6  }
0x328: {  	v6 =	vld [tilespmem:s28+$0xFFFFFFE0];
	_ =	sdelay $0x4  }
0x329: {  	[tilespmem:s0+$0xF460] =	vst v6  }
0x32a: {  	v6 =	vld [tilespmem:s28+$0xFFFFFFF0];
	_ =	sdelay $0x4  }
0x32b: {  	[tilespmem:s0+$0xF470] =	vst v6  }
0x32c: {  	v6 =	vld [tilespmem:s28+$0x0];
	_ =	sdelay $0x4  }
0x32d: {  	[tilespmem:s0+$0xF800] =	vst v6  }
0x32e: {  	v6 =	vld [tilespmem:s28+$0x10];
	_ =	sdelay $0x4  }
0x32f: {  	[tilespmem:s0+$0xF810] =	vst v6  }
0x330: {  	v6 =	vld [tilespmem:s28+$0x20];
	_ =	sdelay $0x4  }
0x331: {  	[tilespmem:s0+$0xF820] =	vst v6  }
0x332: {  	v6 =	vld [tilespmem:s28+$0x30];
	_ =	sdelay $0x4  }
0x333: {  	[tilespmem:s0+$0xF830] =	vst v6  }
0x334: {  	v6 =	vld [tilespmem:$0xA380];
	_ =	sdelay $0x4  }
0x335: {  	[tilespmem:v1+s11+$0x0] =	vst.idx.msk $0xffff, v6  }
0x336: {  	v6 =	vld [tilespmem:$0xA390];
	_ =	sdelay $0x4  }
0x337: {  	[tilespmem:v2+s11+$0x0] =	vst.idx.msk $0xffff, v6  }
0x338: {  	v6 =	vld [tilespmem:$0xA3A0];
	_ =	sdelay $0x4  }
0x339: {  	[tilespmem:v3+s11+$0x0] =	vst.idx.msk $0xffff, v6  }
0x33a: {  	v6 =	vld [tilespmem:$0xA3B0];
	_ =	sdelay $0x4  }
0x33b: {  	[tilespmem:v4+s11+$0x0] =	vst.idx.msk $0xffff, v6  }
0x33c: {  	v6 =	vld [tilespmem:$0xA3C0];
	_ =	sdelay $0x2  }
0x33d: {  	s29 =	smul.u32 $0xA00, s26  }
0x33e: {  	s31 =	rddreg [dreg:$0x8]  }
0x33f: {  	s0 =	sadd.s32 s31, s29;
	[tilespmem:v5+s11+$0x0] =	vst.idx.msk $0xffff, v6  }
0x340: {  	[hbm4b:s0+s7] =	stream.linear.scatter [tilespmem:s11], [sflag:$0x6], $0x5000, $0x38;
	[tilespmem:$0x1E600] =	vst v63  }
.LBB2_24:
0x341: {  	s0 =	rddreg [dreg:$0x12]  }
0x342: {  	s25 =	sadd.s32 s0, s25  }
0x343: {  	p0 =	sgt.u32 s25, $0x4A1  }
.Ltmp15:
0x344: {  	_ = 	snop;
	(pc) =	sbr.rel @p0 .LBB2_26-.Ltmp15, $1  }
0x345: {  	_ =	sdelay $0x3  }
0x346: {  	s0 =	smul.u32 $0x50, s25;
	_ =	sdelay $0x1  }
0x347: {  	s0 =	sshrl.u32 s0, $0x3  }
0x348: {  	s1 =	rddreg [dreg:$0x0];
	s0 =	sadd.s32 $0x280, s0  }
0x349: {  	s2 =	simm.s32 $0xA200;
	s21 =	rddreg [dreg:$0x1];
	s1 =	sadd.s32 s1, s0  }
0x34a: {  	[tilespmem:s2], [sflag:$0x4] =	stream.linear.gather [hbm4b:s1+s7], $0x50, $0x38;
	[tilespmem:$0x1E600] =	vst v63  }
0x34b: {  	s23 =	simm.s32 $0xA280;
	s1 =	sadd.s32 s21, s0  }
0x34c: {  	[tilespmem:s23], [sflag:$0x4] =	stream.linear.gather [hbm4b:s1+s7], $0x50, $0x38;
	[tilespmem:$0x1E600] =	vst v63  }
.Ltmp16:
0x34d: {  	s26 =	rddreg [dreg:$0x2];
	(pc) =	sbr.rel .LBB2_27-.Ltmp16, $4  }
0x34e: {  	s28 =	simm.s32 $0xA300;
	s29 =	rddreg [dreg:$0x3];
	s1 =	sadd.s32 s26, s0  }
0x34f: {  	[tilespmem:s28], [sflag:$0x4] =	stream.linear.gather [hbm4b:s1+s7], $0x50, $0x38;
	[tilespmem:$0x1E600] =	vst v63  }
0x350: {  	s31 =	simm.s32 $0xA380;
	s0 =	sadd.s32 s29, s0  }
0x351: {  	[tilespmem:s31], [sflag:$0x4] =	stream.linear.gather [hbm4b:s0+s7], $0x50, $0x38;
	[tilespmem:$0x1E600] =	vst v63  }
.LBB2_26:
0x352: {  	p0 =	sgt.u32 s25, $0x4C1  }
.Ltmp17:
0x353: {  	_ = 	snop;
	(pc) =	sbr.rel @p0 .LBB2_30-.Ltmp17, $1  }
0x354: {  	_ =	sdelay $0x3  }
.LBB2_27:
0x355: {  	_ =	swait.ge [sflag:s30], $0x50  }
0x356: {  	[sflag:s30] =	ssyncset.done $0x0  }
0x357: {  	[sflag:s30] =	ssyncadd.s32 $0xFFFFFFB0  }
0x358: {  	_ =	swait.ge [sflag:s30], $0x50  }
0x359: {  	[sflag:s30] =	ssyncset.done $0x0  }
0x35a: {  	[sflag:s30] =	ssyncadd.s32 $0xFFFFFFB0  }
0x35b: {  	_ =	swait.ge [sflag:s30], $0x50  }
0x35c: {  	[sflag:s30] =	ssyncset.done $0x0  }
0x35d: {  	[sflag:s30] =	ssyncadd.s32 $0xFFFFFFB0  }
0x35e: {  	_ =	swait.ge [sflag:s30], $0x50  }
0x35f: {  	[sflag:s30] =	ssyncset.done $0x0  }
0x360: {  	[sflag:s30] =	ssyncadd.s32 $0xFFFFFFB0  }
0x361: {  	v6 =	vld [tilespmem:$0x80]  }
0x362: {  	v7 =	vld [tilespmem:$0x100]  }
0x363: {  	v8 =	vld [tilespmem:$0x90]  }
0x364: {  	v9 =	vld [tilespmem:$0x110]  }
0x365: {  	v10 =	vld [tilespmem:$0xA0]  }
0x366: {  	v11 =	vld [tilespmem:$0x120]  }
0x367: {  	v12 =	vld [tilespmem:$0xB0]  }
0x368: {  	v13 =	vld [tilespmem:$0x130]  }
0x369: {  	v14 =	vld [tilespmem:$0xC0]  }
0x36a: {  	v15 =	vld [tilespmem:$0x140];
	v6 =	vshll.u32 v6, $0x4  }
0x36b: {  	v6 =	vadd.s32 v7, v6;
	v7 =	vshll.u32 v8, $0x4  }
0x36c: {  	[tilespmem:$0x100] =	vst v6;
	v6 =	vadd.s32 v9, v7;
	v7 =	vshll.u32 v10, $0x4  }
0x36d: {  	[tilespmem:$0x110] =	vst v6;
	v6 =	vadd.s32 v11, v7;
	v7 =	vshll.u32 v12, $0x4  }
0x36e: {  	[tilespmem:$0x120] =	vst v6;
	v6 =	vadd.s32 v13, v7;
	v7 =	vshll.u32 v14, $0x4  }
0x36f: {  	s1 =	simm.s32 $0x100;
	s2 =	simm.s32 $0x50;
	[tilespmem:$0x130] =	vst v6;
	v6 =	vadd.s32 v15, v7  }
0x370: {  	s3 =	simm.s32 $0x2A00;
	s15 =	simm.s32 $0x0;
	s0 =	rddreg [dreg:$0x5];
	[tilespmem:$0x140] =	vst v6  }
0x371: {  	[tilespmem:s3], [sflag:$0x2] =	stream.indirect.gather [hbm4b:s0+s2], $0x80, s1, s2, $0xb8;
	[tilespmem:$0x1E600] =	vst v63  }
0x372: {  	v6 =	vld [tilespmem:s15+$0x0];
	_ =	sdelay $0x4  }
0x373: {  	v6 =	vshll.u32 v6, $0x4  }
0x374: {  	(v2sf) =	vpush v6, $0x0  }
0x375: {  	(v2sf) =	vpush v6, $0x1  }
0x376: {  	(v2sf) =	vpush v6, $0x2;
	_ =	sdelay $0x1  }
0x377: {  	(v2sf) =	vpush v6, $0x4;
	_ =	sdelay $0x1  }
0x378: {  	(v2sf) =	vpush v6, $0x3  }
0x379: {  	(v2sf) =	vpush v6, $0x5  }
0x37a: {  	s21 =	simm.s32 $0x2000;
	s26 =	simm.s32 $0x0;
	(v2sf) =	vpush v6, $0x6  }
.LBB2_28:
0x37b: {  	p0 =	seq.s32 s21, $0x8000  }
0x37c: {  	s4 =	sadd.s32 $0x280, s26;
	s23 =	sadd.s32 $0x780, s26;
	s5 =	smov.u32 s21  }
0x37d: {  	s21 =	sadd.s32 $0x2000, s21;
	s2 =	sadd.s32 $0x580, s26;
	s12 =	sadd.s32 $0x800, s26;
	(v2sf) =	vpush v6, $0x7  }
0x37e: {  	s8 =	sadd.s32 $0x480, s26;
	s1 =	sadd.s32 $0x600, s26;
	s28 =	sadd.s32 $0x880, s26  }
0x37f: {  	s6 =	sadd.s32 $0x200, s26;
	s10 =	sadd.s32 $0x400, s26;
	(v2sf) =	vpush v6, $0x8  }
0x380: {  	s16 =	sadd.s32 $0x500, s26;
	s15 =	sadd.s32 $0x10, s15  }
0x381: {  	s17 =	sadd.s32 $0x300, s26;
	s0 =	sadd.s32 $0x700, s26;
	s3 =	spop (v2sf);
	(v2sf) =	vpush v6, $0x9  }
0x382: {  	s19 =	sand.u32 $0x1FFFFFF0, s3;
	s3 =	sadd.s32 $0x680, s26;
	s20 =	spop (v2sf)  }
0x383: {  	s19 =	sadd.s32 s9, s19;
	s20 =	sand.u32 $0x1FFFFFF0, s20;
	s29 =	spop (v2sf);
	(v2sf) =	vpush v6, $0xA  }
0x384: {  	[tilespmem:s6], [sflag:$0x2] =	stream.linear.gather [hbm4b:s19+s7], $0x80, $0x38;
	[tilespmem:$0x1E600] =	vst v63  }
0x385: {  	s6 =	sadd.s32 s9, s20;
	s19 =	sadd.s32 $0x380, s26;
	s20 =	spop (v2sf);
	(v2sf) =	vpush v6, $0xB  }
0x386: {  	[tilespmem:s4], [sflag:$0x2] =	stream.linear.gather [hbm4b:s6+s7], $0x80, $0x38;
	[tilespmem:$0x1E600] =	vst v63  }
0x387: {  	s4 =	sand.u32 $0x1FFFFFF0, s29;
	s6 =	sand.u32 $0x1FFFFFF0, s20;
	s20 =	spop (v2sf);
	(v2sf) =	vpush v6, $0xC  }
0x388: {  	s4 =	sadd.s32 s9, s4;
	s20 =	sand.u32 $0x1FFFFFF0, s20;
	s29 =	spop (v2sf)  }
0x389: {  	[tilespmem:s17], [sflag:$0x2] =	stream.linear.gather [hbm4b:s4+s7], $0x80, $0x38;
	(v2sf) =	vpush v6, $0xD;
	[tilespmem:$0x1E600] =	vst v63  }
0x38a: {  	s4 =	sadd.s32 s9, s20;
	s17 =	sand.u32 $0x1FFFFFF0, s29;
	s20 =	spop (v2sf)  }
0x38b: {  	[tilespmem:s19], [sflag:$0x2] =	stream.linear.gather [hbm4b:s4+s7], $0x80, $0x38;
	(v2sf) =	vpush v6, $0xE;
	[tilespmem:$0x1E600] =	vst v63  }
0x38c: {  	s4 =	sadd.s32 s9, s6;
	s6 =	sand.u32 $0x1FFFFFF0, s20;
	s19 =	spop (v2sf)  }
0x38d: {  	[tilespmem:s10], [sflag:$0x2] =	stream.linear.gather [hbm4b:s4+s7], $0x80, $0x38;
	(v2sf) =	vpush v6, $0xF;
	[tilespmem:$0x1E600] =	vst v63  }
0x38e: {  	s4 =	sadd.s32 s9, s17;
	s10 =	sand.u32 $0x1FFFFFF0, s19;
	s17 =	spop (v2sf)  }
0x38f: {  	[tilespmem:s8], [sflag:$0x2] =	stream.linear.gather [hbm4b:s4+s7], $0x80, $0x38;
	[tilespmem:$0x1E600] =	vst v63  }
0x390: {  	s4 =	sadd.s32 s9, s6;
	s6 =	sand.u32 $0x1FFFFFF0, s17;
	s8 =	spop (v2sf)  }
0x391: {  	[tilespmem:s16], [sflag:$0x2] =	stream.linear.gather [hbm4b:s4+s7], $0x80, $0x38;
	[tilespmem:$0x1E600] =	vst v63  }
0x392: {  	s4 =	sadd.s32 s9, s10;
	s8 =	sand.u32 $0x1FFFFFF0, s8;
	s10 =	spop (v2sf)  }
0x393: {  	[tilespmem:s2], [sflag:$0x2] =	stream.linear.gather [hbm4b:s4+s7], $0x80, $0x38;
	[tilespmem:$0x1E600] =	vst v63  }
0x394: {  	s2 =	sadd.s32 s9, s6;
	s4 =	sand.u32 $0x1FFFFFF0, s10;
	s6 =	spop (v2sf)  }
0x395: {  	[tilespmem:s1], [sflag:$0x2] =	stream.linear.gather [hbm4b:s2+s7], $0x80, $0x38;
	[tilespmem:$0x1E600] =	vst v63  }
0x396: {  	s1 =	sadd.s32 s9, s8;
	s2 =	sand.u32 $0x1FFFFFF0, s6;
	s6 =	spop (v2sf)  }
0x397: {  	[tilespmem:s3], [sflag:$0x2] =	stream.linear.gather [hbm4b:s1+s7], $0x80, $0x38;
	[tilespmem:$0x1E600] =	vst v63  }
0x398: {  	s1 =	sadd.s32 s9, s4;
	s3 =	sand.u32 $0x1FFFFFF0, s6;
	s4 =	spop (v2sf)  }
0x399: {  	[tilespmem:s0], [sflag:$0x2] =	stream.linear.gather [hbm4b:s1+s7], $0x80, $0x38;
	[tilespmem:$0x1E600] =	vst v63  }
0x39a: {  	s0 =	sadd.s32 s9, s2;
	s1 =	sand.u32 $0x1FFFFFF0, s4;
	s2 =	spop (v2sf)  }
0x39b: {  	[tilespmem:s23], [sflag:$0x2] =	stream.linear.gather [hbm4b:s0+s7], $0x80, $0x38;
	[tilespmem:$0x1E600] =	vst v63  }
0x39c: {  	s0 =	sadd.s32 s9, s3;
	s2 =	sand.u32 $0x1FFFFFF0, s2;
	s3 =	spop (v2sf)  }
0x39d: {  	[tilespmem:s12], [sflag:$0x2] =	stream.linear.gather [hbm4b:s0+s7], $0x80, $0x38;
	[tilespmem:$0x1E600] =	vst v63  }
0x39e: {  	s0 =	sadd.s32 s9, s1;
	s1 =	sand.u32 $0x1FFFFFF0, s3  }
0x39f: {  	[tilespmem:s28], [sflag:$0x2] =	stream.linear.gather [hbm4b:s0+s7], $0x80, $0x38;
	[tilespmem:$0x1E600] =	vst v63  }
0x3a0: {  	s2 =	sadd.s32 s9, s2;
	s0 =	sadd.s32 $0x900, s26  }
0x3a1: {  	[tilespmem:s0], [sflag:$0x2] =	stream.linear.gather [hbm4b:s2+s7], $0x80, $0x38;
	[tilespmem:$0x1E600] =	vst v63  }
0x3a2: {  	s1 =	sadd.s32 s9, s1;
	s0 =	sadd.s32 $0x980, s26  }
0x3a3: {  	[tilespmem:s0], [sflag:$0x2] =	stream.linear.gather [hbm4b:s1+s7], $0x80, $0x38;
	[tilespmem:$0x1E600] =	vst v63  }
0x3a4: {  	v6 =	vld [tilespmem:s15+$0x0];
	_ =	sdelay $0x4  }
0x3a5: {  	v6 =	vshll.u32 v6, $0x4  }
0x3a6: {  	(v2sf) =	vpush v6, $0x0  }
0x3a7: {  	(v2sf) =	vpush v6, $0x1  }
0x3a8: {  	(v2sf) =	vpush v6, $0x2;
	_ =	sdelay $0x1  }
0x3a9: {  	(v2sf) =	vpush v6, $0x4  }
.Ltmp18:
0x3aa: {  	(pc) =	sbr.rel @!p0 .LBB2_28-.Ltmp18, $3  }
0x3ab: {  	(v2sf) =	vpush v6, $0x3  }
0x3ac: {  	(v2sf) =	vpush v6, $0x5;
	_ =	sdelay $0x1  }
0x3ad: {  	s26 =	sshra.s32 s5, $0x2;
	(v2sf) =	vpush v6, $0x6  }
0x3ae: {  	_ =	sdelay $0x1  }
0x3af: {  	s3 =	sadd.s32 $0x280, s26;
	s2 =	sadd.s32 $0x780, s26  }
0x3b0: {  	s4 =	sadd.s32 $0x580, s26;
	s0 =	sadd.s32 $0x800, s26;
	(v2sf) =	vpush v6, $0x7;
	s5 =	sadd.s32 $0x480, s26  }
0x3b1: {  	s6 =	sadd.s32 $0x600, s26;
	s1 =	sadd.s32 $0x880, s26;
	s8 =	sadd.s32 $0x200, s26  }
0x3b2: {  	s10 =	sadd.s32 $0x400, s26;
	s12 =	sadd.s32 $0x500, s26;
	(v2sf) =	vpush v6, $0x8;
	s15 =	spop (v2sf)  }
0x3b3: {  	s16 =	sadd.s32 $0x300, s26;
	s15 =	sand.u32 $0x1FFFFFF0, s15;
	s17 =	spop (v2sf)  }
0x3b4: {  	(v2sf) =	vpush v6, $0x9;
	s15 =	sadd.s32 s9, s15;
	s17 =	sand.u32 $0x1FFFFFF0, s17;
	s19 =	spop (v2sf)  }
0x3b5: {  	[tilespmem:s8], [sflag:$0x2] =	stream.linear.gather [hbm4b:s15+s7], $0x80, $0x38;
	[tilespmem:$0x1E600] =	vst v63  }
0x3b6: {  	s20 =	sadd.s32 $0x380, s26;
	(v2sf) =	vpush v6, $0xA;
	s29 =	sadd.s32 s9, s17;
	s31 =	spop (v2sf)  }
0x3b7: {  	[tilespmem:s3], [sflag:$0x2] =	stream.linear.gather [hbm4b:s29+s7], $0x80, $0x38;
	[tilespmem:$0x1E600] =	vst v63  }
0x3b8: {  	s8 =	sadd.s32 $0x700, s26;
	s19 =	sand.u32 $0x1FFFFFF0, s19;
	(v2sf) =	vpush v6, $0xB;
	s21 =	spop (v2sf)  }
0x3b9: {  	s15 =	sadd.s32 s9, s19;
	s3 =	sadd.s32 $0x680, s26;
	s19 =	sand.u32 $0x1FFFFFF0, s21  }
0x3ba: {  	(v2sf) =	vpush v6, $0xC;
	[tilespmem:s16], [sflag:$0x2] =	stream.linear.gather [hbm4b:s15+s7], $0x80, $0x38;
	[tilespmem:$0x1E600] =	vst v63  }
0x3bb: {  	s23 =	sand.u32 $0x1FFFFFF0, s31;
	s28 =	spop (v2sf);
	s29 =	sadd.s32 s9, s19  }
0x3bc: {  	(v2sf) =	vpush v6, $0xD;
	[tilespmem:s20], [sflag:$0x2] =	stream.linear.gather [hbm4b:s29+s7], $0x80, $0x38;
	[tilespmem:$0x1E600] =	vst v63  }
0x3bd: {  	s15 =	sadd.s32 s9, s23;
	s16 =	sand.u32 $0x1FFFFFF0, s28;
	s31 =	spop (v2sf)  }
0x3be: {  	(v2sf) =	vpush v6, $0xE;
	[tilespmem:s10], [sflag:$0x2] =	stream.linear.gather [hbm4b:s15+s7], $0x80, $0x38;
	[tilespmem:$0x1E600] =	vst v63  }
0x3bf: {  	s16 =	sadd.s32 s9, s16;
	s17 =	sand.u32 $0x1FFFFFF0, s31;
	s19 =	spop (v2sf)  }
0x3c0: {  	(v2sf) =	vpush v6, $0xF;
	[tilespmem:s5], [sflag:$0x2] =	stream.linear.gather [hbm4b:s16+s7], $0x80, $0x38;
	[tilespmem:$0x1E600] =	vst v63  }
0x3c1: {  	s20 =	sand.u32 $0x1FFFFFF0, s19;
	s21 =	spop (v2sf);
	s10 =	sadd.s32 s9, s17  }
0x3c2: {  	[tilespmem:s12], [sflag:$0x2] =	stream.linear.gather [hbm4b:s10+s7], $0x80, $0x38;
	[tilespmem:$0x1E600] =	vst v63  }
0x3c3: {  	s23 =	sand.u32 $0x1FFFFFF0, s21;
	s5 =	sadd.s32 s9, s20;
	s28 =	spop (v2sf)  }
0x3c4: {  	[tilespmem:s4], [sflag:$0x2] =	stream.linear.gather [hbm4b:s5+s7], $0x80, $0x38;
	[tilespmem:$0x1E600] =	vst v63  }
0x3c5: {  	s10 =	sadd.s32 s9, s23;
	s29 =	sand.u32 $0x1FFFFFF0, s28;
	s31 =	spop (v2sf)  }
0x3c6: {  	[tilespmem:s6], [sflag:$0x2] =	stream.linear.gather [hbm4b:s10+s7], $0x80, $0x38;
	[tilespmem:$0x1E600] =	vst v63  }
0x3c7: {  	s5 =	sand.u32 $0x1FFFFFF0, s31;
	s4 =	sadd.s32 s9, s29;
	s12 =	spop (v2sf)  }
0x3c8: {  	[tilespmem:s3], [sflag:$0x2] =	stream.linear.gather [hbm4b:s4+s7], $0x80, $0x38;
	[tilespmem:$0x1E600] =	vst v63  }
0x3c9: {  	s5 =	sadd.s32 s9, s5;
	s15 =	sand.u32 $0x1FFFFFF0, s12;
	s16 =	spop (v2sf)  }
0x3ca: {  	[tilespmem:s8], [sflag:$0x2] =	stream.linear.gather [hbm4b:s5+s7], $0x80, $0x38;
	[tilespmem:$0x1E600] =	vst v63  }
0x3cb: {  	s3 =	sadd.s32 s9, s15;
	s4 =	sand.u32 $0x1FFFFFF0, s16;
	s17 =	spop (v2sf)  }
0x3cc: {  	[tilespmem:s2], [sflag:$0x2] =	stream.linear.gather [hbm4b:s3+s7], $0x80, $0x38;
	[tilespmem:$0x1E600] =	vst v63  }
0x3cd: {  	s19 =	sand.u32 $0x1FFFFFF0, s17;
	s4 =	sadd.s32 s9, s4;
	s20 =	spop (v2sf)  }
0x3ce: {  	[tilespmem:s0], [sflag:$0x2] =	stream.linear.gather [hbm4b:s4+s7], $0x80, $0x38;
	[tilespmem:$0x1E600] =	vst v63  }
0x3cf: {  	s21 =	sand.u32 $0x1FFFFFF0, s20;
	s23 =	spop (v2sf);
	s2 =	sadd.s32 s9, s19  }
0x3d0: {  	[tilespmem:s1], [sflag:$0x2] =	stream.linear.gather [hbm4b:s2+s7], $0x80, $0x38;
	[tilespmem:$0x1E600] =	vst v63  }
0x3d1: {  	s29 =	sadd.s32 $0x900, s26;
	s28 =	sand.u32 $0x1FFFFFF0, s23;
	s0 =	sadd.s32 s9, s21  }
0x3d2: {  	[tilespmem:s29], [sflag:$0x2] =	stream.linear.gather [hbm4b:s0+s7], $0x80, $0x38;
	[tilespmem:$0x1E600] =	vst v63  }
0x3d3: {  	s31 =	sadd.s32 $0x980, s26;
	s1 =	sadd.s32 s9, s28  }
0x3d4: {  	[tilespmem:s31], [sflag:$0x2] =	stream.linear.gather [hbm4b:s1+s7], $0x80, $0x38;
	[tilespmem:$0x1E600] =	vst v63  }
.LBB2_31:
0x3d5: {  	_ =	swait.ge [sflag:s13], $0x2800  }
0x3d6: {  	[sflag:s13] =	ssyncset.done $0x0  }
0x3d7: {  	[sflag:s13] =	ssyncadd.s32 $0xFFFFD800  }
0x3d8: {  	_ =	swait.ge [sflag:s13], $0x2800  }
0x3d9: {  	p0 =	seq.s32 s24, $0x0;
	[sflag:s13] =	ssyncset.done $0x0  }
0x3da: {  	s0 =	simm.s32 @!p0 $0x9;
	[sflag:s13] =	ssyncadd.s32 $0xFFFFD800  }
0x3db: {  	_ =	swait.ge @!p0 [sflag:s0], $0x5000  }
0x3dc: {  	[sflag:s0] =	ssyncset.done @!p0 $0x0  }
0x3dd: {  	[sflag:s0] =	ssyncadd.s32 @!p0 $0xFFFFB000  }
0x3de: {  	v6 =	vld [tilespmem:$0x14580];
	_ =	sdelay $0x4  }
0x3df: {  	v6 =	vmax.f32 v6, $0.0e+00  }
0x3e0: {  	v7 =	vld [tilespmem:$0x14590];
	v6 =	vadd.f32 $1.000000000e+00, v6;
	_ =	sdelay $0x1  }
0x3e1: {  	v8 =	vand.u32 $0x7FFFFF, v6  }
0x3e2: {  	v8 =	vor.u32 $0x3F800000, v8  }
0x3e3: {  	v9 =	vmul.f32 $5.000000000e-01, v8  }
0x3e4: {  	v7 =	vmax.f32 v7, $0.0e+00;
	vm2 =	vgt.f32 v8, $1.414213540e+00  }
0x3e5: {  	v10 =	vld [tilespmem:$0x145A0];
	v7 =	vadd.f32 $1.000000000e+00, v7;
	v8 =	vsel vm2, v9, v8  }
0x3e6: {  	v9 =	vadd.f32 $1.000000000e+00, v8  }
0x3e7: {  	v12 =	vld [tilespmem:$0x145B0];
	v34 =	vand.u32 $0x7FFFFF, v7  }
0x3e8: {  	v14 =	vld [tilespmem:$0x145C0];
	(erf) = vrcp.f32 v9;
	v9 =	vor.u32 $0x3F800000, v34  }
0x3e9: {  	v11 =	vmul.f32 $5.000000000e-01, v9  }
0x3ea: {  	v10 =	vmax.f32 v10, $0.0e+00;
	vm3 =	vgt.f32 v9, $1.414213540e+00  }
0x3eb: {  	v10 =	vadd.f32 $1.000000000e+00, v10;
	v9 =	vsel vm3, v11, v9  }
0x3ec: {  	v12 =	vmax.f32 v12, $0.0e+00;
	v36 =	vadd.f32 $1.000000000e+00, v9  }
0x3ed: {  	v14 =	vmax.f32 v14, $0.0e+00;
	v12 =	vadd.f32 $1.000000000e+00, v12;
	v13 =	vand.u32 $0x7FFFFF, v10  }
0x3ee: {  	v14 =	vadd.f32 $1.000000000e+00, v14;
	v35 =	vor.u32 $0x3F800000, v13;
	(erf) = vrcp.f32 v36  }
0x3ef: {  	v39 =	vand.u32 $0x7FFFFF, v12;
	v15 =	vmul.f32 $5.000000000e-01, v35  }
0x3f0: {  	v40 =	vand.u32 $0x7FFFFF, v14;
	v13 =	vor.u32 $0x3F800000, v39;
	vm1 =	vgt.f32 v35, $1.414213540e+00  }
0x3f1: {  	v17 =	vmul.f32 $5.000000000e-01, v13;
	vm4 =	vgt.f32 v13, $1.414213540e+00;
	v11 =	vsel vm1, v15, v35  }
0x3f2: {  	v8 =	vadd.f32 $-1.000000000e+00, v8;
	v15 =	vor.u32 $0x3F800000, v40;
	v37 =	vadd.f32 $1.000000000e+00, v11  }
0x3f3: {  	v13 =	vsel vm4, v17, v13;
	v18 =	vmul.f32 $5.000000000e-01, v15;
	v38 =	vpop (erf)  }
0x3f4: {  	vm0 =	vgt.f32 v15, $1.414213540e+00;
	(erf) = vrcp.f32 v37;
	v8 =	vmul.f32 v38, v8  }
0x3f5: {  	v6 =	vshrl.u32 v6, $0x17;
	v17 =	vadd.f32 $1.000000000e+00, v13;
	v15 =	vsel vm0, v18, v15  }
0x3f6: {  	v10 =	vshrl.u32 v10, $0x17;
	v20 =	vadd.f32 $1.000000000e+00, v15;
	v16 =	vmul.f32 v8, v8  }
0x3f7: {  	v12 =	vshrl.u32 v12, $0x17;
	v9 =	vadd.f32 $-1.000000000e+00, v9;
	v41 =	vpop (erf);
	(erf) = vrcp.f32 v17  }
0x3f8: {  	v22 =	vsel vm2, $0x1, v0;
	v19 =	vmul.f32 $1.111111120e-01, v16;
	(erf) = vrcp.f32 v20  }
0x3f9: {  	v57 =	vsel vm1, $0x1, v0;
	v58 =	vsel vm4, $0x1, v0;
	v9 =	vmul.f32 v41, v9  }
0x3fa: {  	v6 =	vadd.s32 v22, v6;
	v10 =	vadd.s32 v57, v10;
	v19 =	vadd.f32 $1.428571490e-01, v19  }
0x3fb: {  	v12 =	vadd.s32 v58, v12;
	v13 =	vadd.f32 $-1.000000000e+00, v13;
	v44 =	vmul.f32 v9, v9  }
0x3fc: {  	v6 =	vadd.s32 $0xFFFFFF81, v6;
	v11 =	vadd.f32 $-1.000000000e+00, v11;
	v43 =	vmul.f32 v19, v16  }
0x3fd: {  	v10 =	vadd.s32 $0xFFFFFF81, v10;
	v12 =	vadd.s32 $0xFFFFFF81, v12;
	v42 =	vpop (erf);
	v46 =	vmul.f32 $1.111111120e-01, v44  }
0x3fe: {  	v6 =	vcvt.s32.f32 v6;
	v11 =	vmul.f32 v42, v11;
	v45 =	vadd.f32 $2.000000030e-01, v43  }
0x3ff: {  	v10 =	vcvt.s32.f32 v10;
	v12 =	vcvt.s32.f32 v12;
	v18 =	vadd.f32 $1.428571490e-01, v46  }
0x400: {  	v15 =	vadd.f32 $-1.000000000e+00, v15;
	v47 =	vmul.f32 v11, v11;
	v17 =	vmul.f32 v45, v16;
	v23 =	vpop (erf)  }
0x401: {  	v18 =	vmul.f32 v18, v44;
	v13 =	vmul.f32 v23, v13;
	v49 =	vpop (erf)  }
0x402: {  	v6 =	vmul.f32 $6.931471820e-01, v6;
	v17 =	vadd.f32 $3.333333430e-01, v17;
	v15 =	vmul.f32 v49, v15  }
0x403: {  	v21 =	vmul.f32 $1.111111120e-01, v47;
	v48 =	vadd.f32 $2.000000030e-01, v18;
	v51 =	vmul.f32 v13, v13  }
0x404: {  	v7 =	vshrl.u32 v7, $0x17;
	v16 =	vmul.f32 v17, v16;
	v24 =	vmul.f32 v15, v15  }
0x405: {  	v14 =	vshrl.u32 v14, $0x17;
	v17 =	vmul.f32 v48, v44;
	v25 =	vmul.f32 $1.111111120e-01, v51  }
0x406: {  	v50 =	vsel vm3, $0x1, v0;
	v21 =	vadd.f32 $1.428571490e-01, v21;
	v52 =	vmul.f32 $1.111111120e-01, v24  }
0x407: {  	v7 =	vadd.s32 v50, v7;
	v17 =	vadd.f32 $3.333333430e-01, v17;
	v54 =	vadd.f32 $1.428571490e-01, v25  }
0x408: {  	v7 =	vadd.s32 $0xFFFFFF81, v7;
	v21 =	vmul.f32 v21, v47;
	v56 =	vadd.f32 $1.428571490e-01, v52  }
0x409: {  	v8 =	vadd.f32 v8, v8;
	v53 =	vmul.f32 v17, v44;
	v17 =	vmul.f32 v54, v51  }
0x40a: {  	v16 =	vadd.f32 $1.000000000e+00, v16;
	v21 =	vadd.f32 $2.000000030e-01, v21;
	v59 =	vmul.f32 v56, v24  }
0x40b: {  	v10 =	vmul.f32 $6.931471820e-01, v10;
	v7 =	vcvt.s32.f32 v7;
	v17 =	vadd.f32 $2.000000030e-01, v17  }
0x40c: {  	v8 =	vmul.f32 v16, v8;
	v21 =	vmul.f32 v21, v47;
	v20 =	vadd.f32 $2.000000030e-01, v59  }
0x40d: {  	v61 =	vsel vm0, $0x1, v0;
	v9 =	vadd.f32 v9, v9;
	v17 =	vmul.f32 v17, v51  }
0x40e: {  	v6 =	vadd.f32 v8, v6;
	v55 =	vadd.f32 $3.333333430e-01, v21;
	v8 =	vmul.f32 v20, v24  }
0x40f: {  	v14 =	vadd.s32 v61, v14;
	v16 =	vadd.f32 $1.000000000e+00, v53;
	v60 =	vadd.f32 $3.333333430e-01, v17  }
0x410: {  	v7 =	vmul.f32 $6.931471820e-01, v7;
	v19 =	vmul.f32 v55, v47;
	v8 =	vadd.f32 $3.333333430e-01, v8  }
0x411: {  	v14 =	vadd.s32 $0xFFFFFF81, v14;
	v9 =	vmul.f32 v16, v9;
	v16 =	vmul.f32 v60, v51  }
0x412: {  	v11 =	vadd.f32 v11, v11;
	v19 =	vadd.f32 $1.000000000e+00, v19;
	v8 =	vmul.f32 v8, v24  }
0x413: {  	v14 =	vcvt.s32.f32 v14;
	v13 =	vadd.f32 v13, v13;
	v16 =	vadd.f32 $1.000000000e+00, v16  }
0x414: {  	v15 =	vadd.f32 v15, v15;
	v11 =	vmul.f32 v19, v11;
	v8 =	vadd.f32 $1.000000000e+00, v8  }
0x415: {  	v12 =	vmul.f32 $6.931471820e-01, v12;
	v7 =	vadd.f32 v9, v7;
	v62 =	vmul.f32 v16, v13  }
0x416: {  	v63 =	vmul.f32 $6.931471820e-01, v14;
	[tilespmem:$0x14580] =	vst v6;
	v6 =	vadd.f32 v11, v10;
	v8 =	vmul.f32 v8, v15  }
0x417: {  	[tilespmem:$0x14590] =	vst v7;
	v7 =	vadd.f32 v62, v12  }
0x418: {  	[tilespmem:$0x145A0] =	vst v6;
	v6 =	vadd.f32 v8, v63  }
0x419: {  	[tilespmem:$0x145B0] =	vst v7  }
0x41a: {  	s31 =	simm.s32 $0x14620;
	[tilespmem:$0x145C0] =	vst v6  }
0x41b: {  	v6 =	vld [tilespmem:s31+$0xFFFFFFE0];
	_ =	sdelay $0x1  }
0x41c: {  	s15 =	simm.s32 $0x0  }
0x41d: {  	s1 =	sand.u32 $0x7800, s15;
	s2 =	sand.u32 $0x380, s15  }
0x41e: {  	s1 =	sor.u32 s2, s1  }
0x41f: {  	[tilespmem:s1+$0x19600] =	vst v6  }
0x420: {  	v6 =	vld [tilespmem:s31+$0xFFFFFFF0];
	_ =	sdelay $0x3  }
0x421: {  	s1 =	sadd.s32 $0x19600, s1  }
0x422: {  	[tilespmem:s1+$0x10] =	vst v6  }
0x423: {  	v6 =	vld [tilespmem:s31+$0x0];
	_ =	sdelay $0x4  }
0x424: {  	[tilespmem:s1+$0x20] =	vst v6  }
0x425: {  	v6 =	vld [tilespmem:s31+$0x10];
	_ =	sdelay $0x4  }
0x426: {  	s5 =	simm.s32 $0x16E40;
	[tilespmem:s1+$0x30] =	vst v6  }
0x427: {  	v6 =	vld [tilespmem:s5+$0xFFFFFFC0];
	_ =	sdelay $0x4  }
0x428: {  	[tilespmem:s1+$0x40] =	vst v6  }
0x429: {  	v6 =	vld [tilespmem:s5+$0xFFFFFFD0];
	_ =	sdelay $0x4  }
0x42a: {  	[tilespmem:s1+$0x50] =	vst v6  }
0x42b: {  	v6 =	vld [tilespmem:s5+$0xFFFFFFE0];
	_ =	sdelay $0x4  }
0x42c: {  	[tilespmem:s1+$0x60] =	vst v6  }
0x42d: {  	v6 =	vld [tilespmem:s5+$0xFFFFFFF0];
	_ =	sdelay $0x4  }
0x42e: {  	[tilespmem:s1+$0x70] =	vst v6  }
0x42f: {  	v6 =	vld [tilespmem:s5+$0x0];
	_ =	sdelay $0x4  }
0x430: {  	[tilespmem:s1+$0x400] =	vst v6  }
0x431: {  	v6 =	vld [tilespmem:s5+$0x10];
	_ =	sdelay $0x4  }
0x432: {  	[tilespmem:s1+$0x410] =	vst v6  }
0x433: {  	v6 =	vld [tilespmem:s5+$0x20];
	_ =	sdelay $0x4  }
0x434: {  	[tilespmem:s1+$0x420] =	vst v6  }
0x435: {  	v6 =	vld [tilespmem:s5+$0x30];
	_ =	sdelay $0x4  }
0x436: {  	s21 =	simm.s32 $0x146A0;
	[tilespmem:s1+$0x430] =	vst v6  }
0x437: {  	s26 =	simm.s32 $0x80;
	s29 =	simm.s32 $0x100;
	v6 =	vld [tilespmem:s21+$0xFFFFFFE0]  }
.LBB2_32:
0x438: {  	p0 =	sne.s32 s29, $0x2780  }
0x439: {  	s15 =	sadd.s32 $0x100, s15  }
0x43a: {  	s1 =	sand.u32 $0x380, s26;
	s26 =	smov.u32 s29;
	s0 =	sand.u32 $0x7800, s15  }
0x43b: {  	s0 =	sor.u32 s1, s0  }
0x43c: {  	[tilespmem:s0+$0x19600] =	vst v6  }
0x43d: {  	v6 =	vld [tilespmem:s21+$0xFFFFFFF0];
	_ =	sdelay $0x3  }
0x43e: {  	s12 =	sadd.s32 $0x19600, s0  }
0x43f: {  	[tilespmem:s12+$0x10] =	vst v6  }
0x440: {  	v6 =	vld [tilespmem:s21+$0x0];
	_ =	sdelay $0x4  }
0x441: {  	[tilespmem:s12+$0x20] =	vst v6  }
0x442: {  	v6 =	vld [tilespmem:s21+$0x10];
	_ =	sdelay $0x4  }
0x443: {  	s5 =	sadd.s32 $0x80, s5;
	[tilespmem:s12+$0x30] =	vst v6  }
0x444: {  	v6 =	vld [tilespmem:s5+$0xFFFFFFC0];
	_ =	sdelay $0x4  }
0x445: {  	[tilespmem:s12+$0x40] =	vst v6  }
0x446: {  	v6 =	vld [tilespmem:s5+$0xFFFFFFD0];
	_ =	sdelay $0x4  }
0x447: {  	[tilespmem:s12+$0x50] =	vst v6  }
0x448: {  	v6 =	vld [tilespmem:s5+$0xFFFFFFE0];
	_ =	sdelay $0x4  }
0x449: {  	[tilespmem:s12+$0x60] =	vst v6  }
0x44a: {  	v6 =	vld [tilespmem:s5+$0xFFFFFFF0];
	_ =	sdelay $0x4  }
0x44b: {  	[tilespmem:s12+$0x70] =	vst v6  }
0x44c: {  	v6 =	vld [tilespmem:s5+$0x0];
	_ =	sdelay $0x4  }
0x44d: {  	[tilespmem:s12+$0x400] =	vst v6  }
0x44e: {  	v6 =	vld [tilespmem:s5+$0x10];
	_ =	sdelay $0x4  }
0x44f: {  	[tilespmem:s12+$0x410] =	vst v6  }
0x450: {  	v6 =	vld [tilespmem:s5+$0x20];
	_ =	sdelay $0x4  }
0x451: {  	[tilespmem:s12+$0x420] =	vst v6  }
0x452: {  	v6 =	vld [tilespmem:s5+$0x30];
	_ =	sdelay $0x1  }
.Ltmp19:
0x453: {  	(pc) =	sbr.rel @p0 .LBB2_32-.Ltmp19, $3  }
0x454: {  	_ =	sdelay $0x1  }
0x455: {  	s21 =	sadd.s32 $0x80, s21;
	[tilespmem:s12+$0x430] =	vst v6  }
0x456: {  	s29 =	sadd.s32 $0x80, s29;
	v6 =	vld [tilespmem:s21+$0xFFFFFFE0]  }
0x457: {  	_ = 	snop  }
0x458: {  	s0 =	sadd.s32 $0x100, s15  }
0x459: {  	s1 =	sand.u32 $0x380, s26;
	s0 =	sand.u32 $0x7800, s0  }
0x45a: {  	s0 =	sor.u32 s1, s0  }
0x45b: {  	[tilespmem:s0+$0x19600] =	vst v6  }
0x45c: {  	v6 =	vld [tilespmem:s21+$0xFFFFFFF0];
	_ =	sdelay $0x3  }
0x45d: {  	s0 =	sadd.s32 $0x19600, s0  }
0x45e: {  	[tilespmem:s0+$0x10] =	vst v6  }
0x45f: {  	v6 =	vld [tilespmem:s21+$0x0];
	_ =	sdelay $0x4  }
0x460: {  	[tilespmem:s0+$0x20] =	vst v6  }
0x461: {  	v6 =	vld [tilespmem:s21+$0x10];
	_ =	sdelay $0x4  }
0x462: {  	s28 =	sadd.s32 $0x80, s5;
	[tilespmem:s0+$0x30] =	vst v6  }
0x463: {  	v6 =	vld [tilespmem:s28+$0xFFFFFFC0];
	_ =	sdelay $0x4  }
0x464: {  	[tilespmem:s0+$0x40] =	vst v6  }
0x465: {  	v6 =	vld [tilespmem:s28+$0xFFFFFFD0];
	_ =	sdelay $0x4  }
0x466: {  	[tilespmem:s0+$0x50] =	vst v6  }
0x467: {  	v6 =	vld [tilespmem:s28+$0xFFFFFFE0];
	_ =	sdelay $0x4  }
0x468: {  	[tilespmem:s0+$0x60] =	vst v6  }
0x469: {  	v6 =	vld [tilespmem:s28+$0xFFFFFFF0];
	_ =	sdelay $0x4  }
0x46a: {  	[tilespmem:s0+$0x70] =	vst v6  }
0x46b: {  	v6 =	vld [tilespmem:s28+$0x0];
	_ =	sdelay $0x4  }
0x46c: {  	[tilespmem:s0+$0x400] =	vst v6  }
0x46d: {  	v6 =	vld [tilespmem:s28+$0x10];
	_ =	sdelay $0x4  }
0x46e: {  	[tilespmem:s0+$0x410] =	vst v6  }
0x46f: {  	v6 =	vld [tilespmem:s28+$0x20];
	_ =	sdelay $0x4  }
0x470: {  	[tilespmem:s0+$0x420] =	vst v6  }
0x471: {  	v6 =	vld [tilespmem:s28+$0x30];
	_ =	sdelay $0x4  }
0x472: {  	[tilespmem:s0+$0x430] =	vst v6  }
0x473: {  	v6 =	vld [tilespmem:$0x14580];
	_ =	sdelay $0x4  }
0x474: {  	[tilespmem:v1+s22+$0x0] =	vst.idx.msk $0xffff, v6  }
0x475: {  	v6 =	vld [tilespmem:$0x14590];
	_ =	sdelay $0x4  }
0x476: {  	[tilespmem:v2+s22+$0x0] =	vst.idx.msk $0xffff, v6  }
0x477: {  	v6 =	vld [tilespmem:$0x145A0];
	_ =	sdelay $0x4  }
0x478: {  	[tilespmem:v3+s22+$0x0] =	vst.idx.msk $0xffff, v6  }
0x479: {  	v6 =	vld [tilespmem:$0x145B0];
	_ =	sdelay $0x4  }
0x47a: {  	[tilespmem:v4+s22+$0x0] =	vst.idx.msk $0xffff, v6  }
0x47b: {  	v6 =	vld [tilespmem:$0x145C0];
	_ =	sdelay $0x1  }
.Ltmp20:
0x47c: {  	_ = 	snop;
	(pc) =	sbr.rel .LBB2_34-.Ltmp20, $4  }
0x47d: {  	s29 =	smul.u32 $0xA00, s25  }
0x47e: {  	s31 =	rddreg [dreg:$0x8]  }
0x47f: {  	s0 =	sadd.s32 s31, s29;
	[tilespmem:v5+s22+$0x0] =	vst.idx.msk $0xffff, v6  }
0x480: {  	[hbm4b:s0+s7] =	stream.linear.scatter [tilespmem:s22], [sflag:$0x9], $0x5000, $0x38;
	[tilespmem:$0x1E600] =	vst v63  }
.LBB2_10:
0x481: {  	p0 =	sgt.u32 s26, $0x4E1  }
.Ltmp21:
0x482: {  	_ = 	snop;
	(pc) =	sbr.rel @p0 .LBB2_14-.Ltmp21, $4  }
.Ltmp22:
0x483: {  	_ = 	snop;
	(pc) =	sbr.rel @!p0 .LBB2_11-.Ltmp22, $4  }
0x484: {  	_ = 	snop  }
0x485: {  	_ = 	snop  }
0x486: {  	_ = 	snop  }
0x487: {  	_ = 	snop  }
.LBB2_20:
0x488: {  	p0 =	sgt.u32 s26, $0x4E1  }
.Ltmp23:
0x489: {  	_ = 	snop;
	(pc) =	sbr.rel @p0 .LBB2_24-.Ltmp23, $4  }
.Ltmp24:
0x48a: {  	_ = 	snop;
	(pc) =	sbr.rel @!p0 .LBB2_21-.Ltmp24, $4  }
0x48b: {  	_ = 	snop  }
0x48c: {  	_ = 	snop  }
0x48d: {  	_ = 	snop  }
0x48e: {  	_ = 	snop  }
.LBB2_30:
0x48f: {  	p0 =	sgt.u32 s25, $0x4E1  }
.Ltmp25:
0x490: {  	_ = 	snop;
	(pc) =	sbr.rel @p0 .LBB2_34-.Ltmp25, $4  }
.Ltmp26:
0x491: {  	_ = 	snop;
	(pc) =	sbr.rel @!p0 .LBB2_31-.Ltmp26, $4  }
0x492: {  	_ = 	snop  }
0x493: {  	_ = 	snop  }
0x494: {  	_ = 	snop  }
0x495: {  	_ = 	snop  }
.LBB2_36:
0x496: {  	_ =	sfence.sel $0x180000  }
0x497: {  	[bflag:$0x0] =	sbarrier.arrive $0xFFFF  }
0x498: {  	_ =	strace $0x90000047  }
0x499: {  	s0 =	stileid.u32;
	[bflag:$0x2] =	sbarrier.arrive $0xFFFF  }
0x49a: {  	p0 =	sne.s32 s0, $0x0;
	s0 =	rddreg [dreg:$0x6]  }
0x49b: {  	s0 =	sadd.s32 @!p0 $0x100000, s0  }
0x49c: {  	[sflag:s0] =	ssyncadd.tile.s32 @!p0 $0x1;
	_ =	shalt  }
.Lfunc_end2:
_tile_overlayer_lowered:
.L_overlay_start_2:
0x49d: {  	(tag) =	ssettag $0x2  }
0x49e: {  	s0 =	rddreg [dreg:$0x0];
	s2 =	stileid.u32  }
0x49f: {  	s1 =	rddreg [dreg:$0x1];
	p0 =	sne.s32 s2, $0x0  }
0x4a0: {  	s3 =	rddreg [dreg:$0x2];
	[bflag:$0x3] =	sbarrier.arrive $0xFFFF;
	s2 =	simm.s32 @!p0 $0x1C0A  }
0x4a1: {  	[timem:s3], [sflag:s2] =	dma.local @!p0 [hbm:s0], s1  }
0x4a2: {  	s0 =	simm.s32 @!p0 $0xA  }
0x4a3: {  	_ =	swait.ge @!p0 [sflag:s0], s1  }
0x4a4: {  	s1 =	ssub.s32 @!p0 $0x0, s1;
	[sflag:s0] =	ssyncset.done @!p0 $0x0  }
0x4a5: {  	[sflag:s0] =	ssyncadd.s32 @!p0 s1  }
0x4a6: {  	[bflag:$0x3] =	sbarrier.arrive $0xFFFF  }
0x4a7: {  	_ =	shalt  }

// kernel: sparse-core-data-format-call.cloned.1.call-start
scs
called_computation_lowered:
.L_overlay_start_0:
0x0: {  	s2 =	sld [smem:$0x3FD9]  }
0x1: {  	s3 =	sld [smem:$0x3FFE];
	_ =	sdelay $0x1  }
0x2: {  	s1 =	srdreg.scid  }
0x3: {  	s0 =	sand.u32 $0x1, s1  }
0x4: {  	s18 =	sshll.u32 s0, $0xA;
	s2 =	sadd.s32 s3, s2  }
0x5: {  	s2 =	sadd.s32 s2, s18  }
0x6: {  	[smem:$0x3FC1] =	sst s2  }
0x7: {  	_ = 	snop  }
0x8: {  	s2 =	sld [smem:$0x3FD0];
	(tm) =	ssettm $0x1  }
0x9: {  	s19 =	sld [smem:$0x3FFB];
	_ =	sdelay $0x3  }
0xa: {  	_ =	strace s19  }
0xb: {  	s3 =	sld [smem:$0x3FFC];
	_ =	sdelay $0x3  }
0xc: {  	_ =	strace s3  }
0xd: {  	s3 =	sld [smem:$0x3FFD];
	_ =	sdelay $0x3  }
0xe: {  	_ =	strace s3  }
0xf: {  	_ =	strace $0x8FFFFFFF  }
0x10: {  	s20 =	sld [smem:$0x3FDB];
	_ =	sdelay $0x1  }
0x11: {  	s4 =	simm.s32 $_scs_section_size  }
0x12: {  	s5 =	simm.s32 $_size__tile_overlayer_lowered;
	s6 =	simm.s32 $_tile_overlayer_lowered  }
0x13: {  	s23 =	simm.s32 $0x1BFF;
	s22 =	sshll.u32 s6, $0x1;
	s3 =	sadd.s32 s4, s20  }
0x14: {  	s7 =	simm.s32 $0x0;
	s21 =	sshll.u32 s5, $0x1;
	s5 =	sadd.s32 s22, s3  }
0x15: {  	[timem:s7], [sflag:s23] =	dma.local [hbm:s5], s21  }
0x16: {  	_ =	swait.ge [sflag:s23], s21  }
0x17: {  	s4 =	ssub.s32 $0x0, s21;
	[sflag:s23] =	ssyncset.done $0x0  }
0x18: {  	[sflag:s23] =	ssyncadd.s32 s4;
	_ =	sdelay $0x1  }
0x19: {  	s24 =	simm.s32 $0x1B8B  }
0x1a: {  	_ =	swait.ge [sflag:s24], $0x1  }
0x1b: {  	[sflag:s24] =	ssyncset.done $0x0  }
0x1c: {  	s26 =	simm.s32 $0x1B8E;
	s25 =	sld [smem:$0x3FFE];
	[sflag:s24] =	ssyncadd.s32 $0xFFFFFFFF  }
0x1d: {  	s27 =	simm.s32 $execute0_lowered;
	[smem:$0x3FD2] =	sst s26  }
0x1e: {  	s5 =	sshll.u32 s27, $0x1;
	_ =	strace $0x80000049;
	[dreg:$0x1] =	wrdreg $0xFFFFFFFF  }
0x1f: {  	s28 =	simm.s32 $_size_execute0_lowered;
	s3 =	sadd.s32 s3, s5;
	[dreg:$0x0] =	wrdreg $0x0  }
0x20: {  	s5 =	sshll.u32 s28, $0x1;
	[dreg:$0x2] =	wrdreg s3  }
0x21: {  	[dreg:$0x3] =	wrdreg s5  }
0x22: {  	[dreg:$0x4] =	wrdreg $0xC0  }
0x23: {  	_ =	task [dreg:s7], $0x5FFFF  }
0x24: {  	[dreg:$0x1] =	wrdreg $0xFFFFFFFF  }
0x25: {  	[dreg:$0x0] =	wrdreg $0x60  }
0x26: {  	[dreg:$0x2] =	wrdreg s25  }
0x27: {  	[dreg:$0x3] =	wrdreg s2  }
0x28: {  	[dreg:$0x4] =	wrdreg $0x9  }
0x29: {  	_ =	task.clear_ibuf [dreg:s7], $0x5FFFF;
	_ =	strace $0x90000049  }
0x2a: {  	s29 =	simm.s32 $0x9;
	_ =	strace $0x8000004B  }
0x2b: {  	_ =	swait.ge [sflag:s29], $0x1  }
0x2c: {  	[sflag:s29] =	ssyncadd.s32 $0xFFFFFFFF  }
0x2d: {  	_ =	strace $0x9000004B  }
0x2e: {  	_ =	sfence  }
0x2f: {  	s30 =	sld [smem:$0x0];
	_ =	sdelay $0x2  }
0x30: {  	s31 =	sshll.u32 s1, $0xD;
	s1 =	sshrl.u32 s1, $0x2  }
0x31: {  	s3 =	sand.u32 $0x4000, s31;
	s1 =	sadd.s32 s1, s30  }
0x32: {  	s0 =	sor.u32 s3, s0;
	s1 =	sshll.u32 s1, $0x11  }
0x33: {  	s0 =	sor.u32 s1, s0  }
0x34: {  	s0 =	sadd.s32 $0x8F2B, s0  }
0x35: {  	[sflag:s0] =	ssyncadd.remote.s32 $0x1  }
0x36: {  	_ =	sfence.sel $0xFFFF  }
0x37: {  	[dreg:$0x0] =	wrdreg $0xFFFFFFFF;
	(pc) =	sbr.abs _section_cstart, $3  }
0x38: {  	[dreg:$0x1] =	wrdreg $0xFFFFFFFF  }
0x39: {  	_ =	task.clear_ibuf [dreg:s7], $0x2FFFF;
	_ =	strace $0x9FFFFFFF  }
0x3a: {  	(tm) =	ssettm $0x7FFFFFFF  }
0x3b: {  	_ =	shalt  }
tec
execute0_lowered:
.L_overlay_start_1:
0x0: {  	(tag) =	ssettag $0x1  }
0x1: {  	s3 =	rddreg [dreg:$0x0]  }
0x2: {  	s2 =	rddreg [dreg:$0x1]  }
0x3: {  	s0 =	rddreg [dreg:$0x2];
	_ =	strace $0x8000004A;
	s1 =	stileid.u32  }
0x4: {  	s5 =	srdreg.scid;
	s6 =	simm.s32 $0x1;
	s8 =	simm.s32 $0x2  }
0x5: {  	s15 =	simm.s32 $0x0;
	s10 =	simm.s32 $0xC3800;
	s16 =	simm.s32 $0x0  }
.Ltmp0:
0x6: {  	s11 =	simm.s32 $0x0;
	s13 =	simm.s32 $0x0;
	(pc) =	sbr.rel .LBB1_1-.Ltmp0, $4  }
0x7: {  	s14 =	simm.s32 $0x0;
	s3 =	sadd.s32 $0xF43000, s3;
	s4 =	sshll.u32 s1, $0x7  }
0x8: {  	s5 =	sshll.u32 s5, $0x7;
	[sflag:s6] =	ssyncpa.u1 $0x0;
	s7 =	ssub.s32 $0x18680, s4  }
0x9: {  	s5 =	sand.u32 $0x80, s5;
	[sflag:s8] =	ssyncpa.u1 $0x0;
	s7 =	sshrl.u32 s7, $0xB  }
0xa: {  	s12 =	smov.u32 s4;
	s8 =	sshll.u32 s5, $0x3;
	s9 =	sadd.s32 $0x2, s7  }
.LBB1_7:
0xb: {  	s19 =	sshrl.u32 s11, $0x3  }
0xc: {  	s20 =	sshll.u32 s13, $0x3;
	s19 =	smul.u32 $0xC3800, s19  }
0xd: {  	s20 =	sand.u32 $0xFFFFFC00, s20  }
0xe: {  	s19 =	sadd.s32 s20, s19  }
0xf: {  	s20 =	smulhi.u32 $0xA79C7B17, s19  }
0x10: {  	p0 =	sgt.s32 s13, $0x18680;
	s21 =	smov.u32 s13  }
0x11: {  	s22 =	sand.u32 $0x7F, s13;
	s21 =	simm.s32 @!p0 $0x18680;
	s23 =	sshrl.u32 s20, $0x13  }
0x12: {  	s17 =	sadd.s32 s17, s21;
	s19 =	sor.u32 s22, s19;
	s28 =	smul.u32 $0x147B, s23  }
0x13: {  	p0 =	sgt.s32 s11, $0x48;
	s30 =	sadd.s32 $0xFFFE7980, s17;
	s29 =	smulhi.u32 $0xA79C7B17, s19  }
0x14: {  	s17 =	ssub.s32 $0x18700, s17;
	p1 =	sgt.s32 s30, $0x7F;
	s22 =	sshrl.u32 s28, $0x11  }
0x15: {  	s23 =	smov.u32 s11;
	s21 =	sshrl.u32 s29, $0x10;
	s22 =	smul.u32 $0xC8, s22  }
0x16: {  	s20 =	sshrl.u32 s20, $0x10;
	s23 =	simm.s32 @!p0 $0x48;
	s21 =	smul.u32 $0x18700, s21  }
0x17: {  	s17 =	simm.s32 @p1 $0x0;
	s31 =	ssub.s32 $0xC8, s23;
	s20 =	ssub.s32 s20, s22  }
0x18: {  	s19 =	ssub.s32 s19, s21;
	s17 =	smul.u32 s31, s17;
	s20 =	sand.u32 $0xFFFF, s20  }
0x19: {  	s21 =	sshrl.u32 s19, $0x3;
	s19 =	sand.u32 $0x7, s19;
	s20 =	smul.u32 $0x30E0, s20  }
0x1a: {  	s18 =	sor.u32 $0x8000, s18;
	s21 =	sadd.s32 s2, s21;
	s19 =	sshll.u32 s19, $0x12  }
0x1b: {  	s17 =	sand.u32 $0x3FFFFFF8, s17;
	s19 =	sor.u32 $0x400, s19;
	s20 =	sadd.s32 s20, s21  }
0x1c: {  	[hbm4b:s20+s19] =	stream.strided.scatter [tilespmem:s18], [sflag:$0x2], s17, s10, s19, $0x20;
	[tilespmem:$0x10100] =	vst v63  }
.LBB1_8:
0x1d: {  	p0 =	slt.u32 s14, $0x2  }
0x1e: {  	p1 =	sgt.s32 @!p0 s16, $0x18680  }
0x1f: {  	s17 =	smov.u32 s16;
	s18 =	sshra.s32 @!p0 s16, $0x1F;
	p1 =	por !p1, p0  }
0x20: {  	s16 =	sand.u32 @!p0 s18, s16;
	s17 =	simm.s32 @p1 $0x18680  }
0x21: {  	s16 =	ssub.s32 @!p0 s17, s16  }
0x22: {  	p1 =	sgt.s32 @!p0 s15, $0x48;
	s17 =	sadd.s32 @!p0 $0xFFFE7980, s16  }
0x23: {  	s18 =	sadd.s32 $0x800, s12;
	p1 =	por !p1, p0;
	p2 =	sgt.s32 @!p0 s17, $0x7F  }
0x24: {  	s15 =	simm.s32 @p1 $0x48;
	s16 =	ssub.s32 @!p0 $0x18700, s16;
	p1 =	por !p2, p0  }
0x25: {  	s15 =	ssub.s32 @!p0 $0xC8, s15;
	s16 =	simm.s32 @!p1 $0x0;
	p1 =	sgt.s32 s18, $0x1869F  }
0x26: {  	s15 =	smul.u32 @!p0 s15, s16;
	s18 =	smov.u32 @p1 s4;
	p1 =	sne.s32 s14, s9  }
.Ltmp1:
0x27: {  	s20 =	sadd.s32 $0x1, s14;
	(pc) =	sbr.rel @!p1 .LBB1_9-.Ltmp1, $4  }
0x28: {  	s17 =	simm.s32 @!p0 $0x2;
	s16 =	smov.u32 s13;
	s15 =	sand.u32 @!p0 $0x3FFFFFFF, s15  }
0x29: {  	s13 =	smov.u32 s12;
	s14 =	smov.u32 s20;
	_ =	swait.ge @!p0 [sflag:s17], s15  }
0x2a: {  	s12 =	smov.u32 s18;
	s19 =	ssub.s32 @!p0 $0x0, s15;
	[sflag:s17] =	ssyncset.done @!p0 $0x0  }
0x2b: {  	s15 =	smov.u32 s11;
	s11 =	smov.u32 s5;
	[sflag:s17] =	ssyncadd.s32 @!p0 s19  }
.LBB1_1:
0x2c: {  	p0 =	sgt.u32 s14, s7  }
0x2d: {  	s17 =	sshll.u32 @!p0 s12, $0x8  }
0x2e: {  	s18 =	sshll.u32 @!p0 s12, $0x7;
	s17 =	sand.u32 @!p0 $0xFFFFF800, s17  }
0x2f: {  	s18 =	sand.u32 @!p0 $0x300, s18;
	s17 =	sor.u32 @!p0 s8, s17  }
0x30: {  	s17 =	sor.u32 @!p0 s18, s17  }
0x31: {  	s19 =	smov.u32 s12;
	p1 =	sgt.s32 @!p0 s12, $0x18620;
	s17 =	sshrl.u32 @!p0 s17, $0x8  }
0x32: {  	s20 =	sshra.s32 @!p0 s12, $0x1F;
	p1 =	por !p1, p0;
	s18 =	smulhi.u32 @!p0 $0x14F8B59, s17  }
0x33: {  	s20 =	sand.u32 @!p0 s20, s12;
	s19 =	simm.s32 @p1 $0x18620  }
0x34: {  	s21 =	sxor.u32 @!p0 $0xFFFFFFFF, s14;
	s19 =	ssub.s32 @!p0 s19, s20;
	s18 =	sshrl.u32 @!p0 s18, $0x9  }
0x35: {  	s20 =	sshll.u32 @!p0 s21, $0xE;
	s19 =	sadd.s32 @!p0 $0xFFFE79E0, s19;
	s18 =	smul.u32 @!p0 $0x186A0, s18  }
0x36: {  	s21 =	simm.s32 @!p0 $0x800;
	s20 =	sand.u32 @!p0 $0x4000, s20;
	p1 =	sgt.s32 @!p0 s19, $0x7F  }
0x37: {  	s17 =	ssub.s32 @!p0 s17, s18;
	s18 =	sshll.u32 @!p0 s19, $0x7;
	s19 =	sshll.u32 @!p0 s12, $0x4  }
0x38: {  	p1 =	por !p1, p0;
	s18 =	ssub.s32 @!p0 $0x4000, s18;
	s19 =	sand.u32 @!p0 $0x10, s19  }
0x39: {  	s17 =	sshll.u32 @!p0 s17, $0x5;
	s18 =	sand.u32 @!p0 $0x3FFFFF80, s18;
	s19 =	sadd.s32 @!p0 s3, s19  }
0x3a: {  	s18 =	simm.s32 @!p1 $0x0;
	s17 =	sadd.s32 @!p0 s17, s19;
	s19 =	simm.s32 @!p0 $0x400  }
0x3b: {  	[tilespmem:s20], [sflag:$0x1] =	stream.strided.gather @!p0 [hbm4b:s17+s19], s18, s21, s19, $0x38;
	[tilespmem:$0x10100] =	vst v63  }
0x3c: {  	p0 =	seq.s32 s14, $0x0  }
0x3d: {  	p1 =	sge.u32 @!p0 s14, s9  }
0x3e: {  	p0 =	por p0, p1  }
.Ltmp2:
0x3f: {  	_ = 	snop;
	(pc) =	sbr.rel @p0 .LBB1_8-.Ltmp2, $1  }
0x40: {  	_ =	sdelay $0x3  }
0x41: {  	s17 =	ssub.s32 $0x0, s13  }
0x42: {  	s18 =	sshra.s32 s13, $0x1F;
	p0 =	sgt.s32 s13, $0x18620;
	s19 =	smov.u32 s13  }
0x43: {  	s17 =	sand.u32 s17, s18;
	s19 =	simm.s32 @!p0 $0x18620  }
0x44: {  	p1 =	slt.s32 s11, $0x41;
	s20 =	smov.u32 s11;
	s18 =	sadd.s32 s17, s19  }
0x45: {  	s20 =	simm.s32 @!p1 $0x41;
	s19 =	sadd.s32 $0x80, s13;
	s18 =	sadd.s32 $0xFFFE79E0, s18  }
0x46: {  	p1 =	slt.s32 s19, $0x186A0;
	p0 =	sgt.s32 s18, $0x7F;
	s18 =	sshll.u32 s18, $0x7  }
0x47: {  	s20 =	ssub.s32 s20, s11;
	s19 =	simm.s32 @!p1 $0x186A0;
	s18 =	ssub.s32 $0x4000, s18  }
0x48: {  	s20 =	sadd.s32 $0x8F, s20;
	s19 =	ssub.s32 s19, s13;
	s18 =	sand.u32 $0x3FFFFF80, s18  }
0x49: {  	s20 =	sand.u32 $0xFFFFFFD0, s20;
	s18 =	simm.s32 @p0 $0x0;
	p0 =	slt.s32 s19, $0x1  }
0x4a: {  	p1 =	slt.s32 @!p0 s20, $0x1  }
0x4b: {  	p1 =	por p0, p1  }
.Ltmp3:
0x4c: {  	_ = 	snop;
	(pc) =	sbr.rel @p1 .LBB1_7-.Ltmp3, $4  }
0x4d: {  	_ = 	snop  }
0x4e: {  	_ =	swait.ge [sflag:s6], s18  }
0x4f: {  	s21 =	sand.u32 $0x1, s14;
	s18 =	ssub.s32 $0x0, s18;
	[sflag:s6] =	ssyncset.done $0x0  }
0x50: {  	[sflag:s6] =	ssyncadd.s32 s18;
	s18 =	smul.u32 $0x4080, s21  }
0x51: {  	_ = 	snop  }
0x52: {  	s21 =	sshll.u32 @!p0 s21, $0xE;
	s23 =	simm.s32 $0x0;
	s22 =	sor.u32 @!p0 $0x8000, s18  }
.LBB1_4:
0x53: {  	s24 =	sshll.u32 s23, $0x7;
	s25 =	sshrl.u32 s23, $0x4  }
0x54: {  	s27 =	sand.u32 $0x7F, s23;
	s28 =	simm.s32 $0x0;
	s26 =	sand.u32 $0x380, s24  }
0x55: {  	s29 =	simm.s32 $0x0;
	s27 =	sadd.s32 s27, s22;
	s26 =	sadd.s32 s26, s21  }
.LBB1_5:
0x56: {  	s30 =	sand.u32 $0x3C00, s28  }
0x57: {  	s30 =	sadd.s32 s24, s30  }
0x58: {  	s30 =	sand.u32 $0x3C00, s30  }
0x59: {  	s31 =	sand.u32 $0x70, s29;
	s30 =	sadd.s32 s30, s26  }
0x5a: {  	s30 =	sadd.s32 s31, s30;
	s31 =	sadd.s32 s29, s25  }
0x5b: {  	s29 =	sadd.s32 $0x10, s29;
	s31 =	sand.u32 $0x78, s31  }
0x5c: {  	v0 =	vld [tilespmem:s30+$0x0];
	p0 =	slt.u32 s29, s20;
	s30 =	smul.u32 $0x204, s31  }
.Ltmp4:
0x5d: {  	_ = 	snop;
	(pc) =	sbr.rel @p0 .LBB1_5-.Ltmp4, $4  }
0x5e: {  	_ = 	snop  }
0x5f: {  	s30 =	sshrl.u32 s30, $0x2  }
0x60: {  	s30 =	sadd.s32 s30, s27  }
0x61: {  	s28 =	sadd.s32 $0x80, s28;
	[tilespmem:s30+$0x0 ss:$0x81] =	vst.msk $0xffff, v0  }
0x62: {  	s23 =	sadd.s32 $0x1, s23  }
0x63: {  	p0 =	sne.s32 s23, s19  }
.Ltmp5:
0x64: {  	_ = 	snop;
	(pc) =	sbr.rel @p0 .LBB1_4-.Ltmp5, $4  }
.Ltmp6:
0x65: {  	_ = 	snop;
	(pc) =	sbr.rel @!p0 .LBB1_7-.Ltmp6, $4  }
0x66: {  	_ = 	snop  }
0x67: {  	_ = 	snop  }
0x68: {  	_ = 	snop  }
0x69: {  	_ = 	snop  }
.LBB1_9:
0x6a: {  	_ =	sfence.sel $0x180000  }
0x6b: {  	s2 =	simm.s32 $0x1;
	[bflag:$0x0] =	sbarrier.arrive $0xFFFF  }
0x6c: {  	s31 =	simm.s32 $0x2;
	[sflag:s2] =	ssyncpa.u1 $0x1  }
0x6d: {  	[sflag:s31] =	ssyncpa.u1 $0x1  }
0x6e: {  	p0 =	sne.s32 s1, $0x0;
	_ =	strace $0x9000004A  }
0x6f: {  	s0 =	sadd.s32 @!p0 $0x100000, s0;
	[bflag:$0x2] =	sbarrier.arrive $0xFFFF  }
0x70: {  	[sflag:s0] =	ssyncadd.tile.s32 @!p0 $0x1;
	_ =	shalt  }
.Lfunc_end1:
_tile_overlayer_lowered:
.L_overlay_start_2:
0x71: {  	(tag) =	ssettag $0x2  }
0x72: {  	s0 =	rddreg [dreg:$0x0];
	s2 =	stileid.u32  }
0x73: {  	s1 =	rddreg [dreg:$0x1];
	p0 =	sne.s32 s2, $0x0  }
0x74: {  	s3 =	rddreg [dreg:$0x2];
	[bflag:$0x3] =	sbarrier.arrive $0xFFFF;
	s2 =	simm.s32 @!p0 $0x1C01  }
0x75: {  	[timem:s3], [sflag:s2] =	dma.local @!p0 [hbm:s0], s1  }
0x76: {  	s0 =	simm.s32 @!p0 $0x1  }
0x77: {  	_ =	swait.ge @!p0 [sflag:s0], s1  }
0x78: {  	s1 =	ssub.s32 @!p0 $0x0, s1;
	[sflag:s0] =	ssyncset.done @!p0 $0x0  }
0x79: {  	[sflag:s0] =	ssyncadd.s32 @!p0 s1  }
0x7a: {  	[bflag:$0x3] =	sbarrier.arrive $0xFFFF  }
0x7b: {  	_ =	shalt  }

</sc_bundles>
